<compile_context>
chip_gen: v7x
topology: tpu7x:2x2x1
jax: 0.10.2.dev20260603
libtpu: 0.0.44.dev20260713+nightly
codegen_flags: <defaults>
</compile_context>

<pallas_src>
import functools

import jax
import jax.numpy as jnp
from jax import lax
from jax.experimental import pallas as pl
from jax.experimental.pallas import tpu as pltpu
from jax.experimental.pallas import tpu_sc as plsc

NC = 2
NS = 16
NW = NC * NS
L = 16
D = 128
DV = D // L
K = 32
KB = 160
NEG_SLOPE = 0.01


def _leaky(v):
    return jnp.maximum(v, v * NEG_SLOPE)


def _hsum_bcast(v):
    total = plsc.cumsum(v)[L - 1]
    return jnp.full((L,), total, jnp.float32)


def _edge_body(x_hbm, sd_hbm, wf_hbm, wb_hbm, part_hbm, zpart_hbm,
               acc, zacc, idx2_0, idx2_1, idx2_2, idx2_3,
               xs0, xs1, xd0, xd1, rows0, rows1,
               wbuf_f, wbuf_r, zloc, zzero, idxrow, wfb, wbb,
               sem_i0, sem_i1, sem_i2, sem_i3,
               sem_s0, sem_s1, sem_d0, sem_d1, sem_c0, sem_c1,
               np_pad, e_pad, ch):
    c = lax.axis_index("c")
    s = lax.axis_index("s")
    wid = c * NS + s
    rows_per_tile = np_pad // NS
    zrows = np_pad // D
    zrows_per_tile = 8
    zero = jnp.zeros((L,), jnp.float32)
    lanes = lax.iota(jnp.int32, L)
    idx2 = [idx2_0, idx2_1, idx2_2, idx2_3]
    xs = [xs0, xs1]
    xd = [xd0, xd1]
    rows = [rows0, rows1]
    sem_i = [sem_i0, sem_i1, sem_i2, sem_i3]
    sem_s = [sem_s0, sem_s1]
    sem_d = [sem_d0, sem_d1]
    sem_c = [sem_c0, sem_c1]

    def zero_row(r, carry):
        for j in range(DV):
            rows0[r, pl.ds(j * L, L)] = zero
        return carry

    lax.fori_loop(0, 2 * K, zero_row, 0)

    def zero_zz(r, carry):
        for j in range(DV):
            zzero[r, pl.ds(j * L, L)] = zero
        return carry

    lax.fori_loop(0, zrows_per_tile, zero_zz, 0)

    tile_base = s * rows_per_tile
    for b in range(rows_per_tile // (2 * K)):
        pltpu.sync_copy(rows0, acc.at[pl.ds(tile_base + b * 2 * K, 2 * K)])

    @pl.when(s < zrows // zrows_per_tile)
    def _():
        pltpu.sync_copy(zzero,
                        zacc.at[pl.ds(s * zrows_per_tile, zrows_per_tile)])

    def zero_z(r, carry):
        for j in range(DV):
            zloc[r, pl.ds(j * L, L)] = zero
        return carry

    lax.fori_loop(0, zrows, zero_z, 0)
    plsc.subcore_barrier()

    pltpu.sync_copy(wf_hbm, wfb)
    pltpu.sync_copy(wb_hbm, wbb)
    wfv = [wfb[pl.ds(j * L, L)] for j in range(DV)]
    wbv = [wbb[pl.ds(j * L, L)] for j in range(DV)]

    epw = ch * K
    base = wid * epw

    def issue_idx(ci, bi):
        off = base + ci * K
        pltpu.async_copy(sd_hbm.at[pl.ds(e_pad + off, K)],
                         idx2[bi].at[pl.ds(0, K)], sem_i[bi])
        pltpu.async_copy(sd_hbm.at[pl.ds(off, K)],
                         idx2[bi].at[pl.ds(K, K)], sem_i[bi])

    def wait_idx(bi):
        pltpu.make_async_copy(sd_hbm.at[pl.ds(0, K)],
                              idx2[bi].at[pl.ds(0, K)], sem_i[bi]).wait()
        pltpu.make_async_copy(sd_hbm.at[pl.ds(0, K)],
                              idx2[bi].at[pl.ds(K, K)], sem_i[bi]).wait()

    def start_gathers(b, bi):
        pltpu.async_copy(x_hbm.at[idx2[bi].at[pl.ds(0, K)]], xd[b], sem_d[b])
        pltpu.async_copy(x_hbm.at[idx2[bi].at[pl.ds(K, K)]], xs[b], sem_s[b])

    def wait_gathers(b, bi):
        pltpu.make_async_copy(x_hbm.at[idx2[bi].at[pl.ds(0, K)]], xd[b],
                              sem_d[b]).wait()
        pltpu.make_async_copy(x_hbm.at[idx2[bi].at[pl.ds(K, K)]], xs[b],
                              sem_s[b]).wait()

    def wait_scatter(b, bi):
        pltpu.make_async_copy(rows[b], acc.at[idx2[bi]], sem_c[b]).wait()

    issue_idx(0, 0)
    wait_idx(0)
    start_gathers(0, 0)
    issue_idx(1, 1)

    def process(ci, b, bi):
        nb = 1 - b
        nbi = (bi + 1) % 4

        @pl.when(ci + 1 < ch)
        def _():
            wait_idx(nbi)
            start_gathers(nb, nbi)

        wait_gathers(b, bi)

        @plsc.parallel_loop(0, K, 1, unroll=1)
        def edge_body(e):
            vs = [xs[b][e, pl.ds(j * L, L)] for j in range(DV)]
            vd = [xd[b][e, pl.ds(j * L, L)] for j in range(DV)]
            accf = vs[0] * vd[0] * wfv[0]
            accb = vs[0] * vd[0] * wbv[0]
            for j in range(1, DV):
                p = vs[j] * vd[j]
                accf = accf + p * wfv[j]
                accb = accb + p * wbv[j]
            wfe = jnp.exp(_leaky(_hsum_bcast(accf)))
            wbe = jnp.exp(_leaky(_hsum_bcast(accb)))
            for j in range(DV):
                rows[b][e, pl.ds(j * L, L)] = vs[j] * wfe
                rows[b][K + e, pl.ds(j * L, L)] = vd[j] * wbe
            wbuf_f[pl.ds(e * L, L)] = wfe
            wbuf_r[pl.ds(e * L, L)] = wbe

        for g in range(K // L):
            ivd = idx2[bi][pl.ds(g * L, L)]
            ivs = idx2[bi][pl.ds(K + g * L, L)]
            iw = lanes * L + (g * L * L)
            wvf = plsc.load_gather(wbuf_f, [iw])
            wvr = plsc.load_gather(wbuf_r, [iw])
            plsc.addupdate_scatter(zloc, [ivd >> 7, ivd & 127], wvf)
            plsc.addupdate_scatter(zloc, [ivs >> 7, ivs & 127], wvr)

        @pl.when(ci >= 1)
        def _():
            wait_scatter(1 - b, (bi + 3) % 4)

        pltpu.async_copy(rows[b], acc.at[idx2[bi]], sem_c[b], add=True)

        @pl.when(ci + 2 < ch)
        def _():
            issue_idx(ci + 2, (bi + 2) % 4)

    def quad_body(t, carry):
        for q in range(4):
            process(4 * t + q, q % 2, q)
        return carry

    nquad = ch // 4
    lax.fori_loop(0, nquad, quad_body, 0)
    for r in range(ch % 4):
        process(nquad * 4 + r, r % 2, r)
    wait_scatter((ch - 1) % 2, (ch - 1) % 4)

    for gg in range(zrows // L):
        idxrow[pl.ds(gg * L, L)] = lanes + gg * L
    pltpu.sync_copy(zloc, zacc.at[idxrow], add=True)

    plsc.subcore_barrier()

    pltpu.sync_copy(acc.at[pl.ds(tile_base, rows_per_tile)],
                    part_hbm.at[pl.ds(c * np_pad + tile_base, rows_per_tile)])

    @pl.when(s < zrows // zrows_per_tile)
    def _():
        pltpu.sync_copy(
            zacc.at[pl.ds(s * zrows_per_tile, zrows_per_tile)],
            zpart_hbm.at[pl.ds(c * zrows + s * zrows_per_tile,
                               zrows_per_tile)])


def _combine_body(part_hbm, zpart_hbm, x_hbm, wf_hbm, mask_hbm, out_hbm,
                  a0, a1, xb, mb, ob, zb0, zb1, zt, wfb, np_pad):
    c = lax.axis_index("c")
    s = lax.axis_index("s")
    wid = c * NS + s
    rows_per_w = np_pad // NW
    base = wid * rows_per_w

    pltpu.sync_copy(wf_hbm, wfb)
    wfv = [wfb[pl.ds(j * L, L)] for j in range(DV)]

    def chunk_body(cb, carry):
        off = base + cb * KB
        pltpu.sync_copy(part_hbm.at[pl.ds(off, KB)], a0)
        pltpu.sync_copy(part_hbm.at[pl.ds(np_pad + off, KB)], a1)
        pltpu.sync_copy(x_hbm.at[pl.ds(off, KB)], xb)
        pltpu.sync_copy(mask_hbm.at[pl.ds(off, KB)], mb.at[pl.ds(0, KB)])
        pltpu.sync_copy(zpart_hbm.at[pl.ds(off, KB)], zb0)
        pltpu.sync_copy(zpart_hbm.at[pl.ds(np_pad + off, KB)], zb1)

        for g in range(KB // L):
            zt[pl.ds(g * L, L)] = (zb0[pl.ds(g * L, L)]
                                   + zb1[pl.ds(g * L, L)])

        def row_body(r, carry2):
            xv = [xb[r, pl.ds(j * L, L)] for j in range(DV)]
            accw = xv[0] * xv[0] * wfv[0]
            for j in range(1, DV):
                accw = accw + xv[j] * xv[j] * wfv[j]
            wsv = jnp.exp(_leaky(_hsum_bcast(accw)))
            z0 = zt[pl.ds(r, L)][0]
            zv = jnp.full((L,), z0, jnp.float32) + wsv
            m0 = mb[pl.ds(r, L)][0]
            pred = jnp.full((L,), m0, jnp.int32) == 1
            for j in range(DV):
                num = a0[r, pl.ds(j * L, L)] + a1[r, pl.ds(j * L, L)] + wsv * xv[j]
                ob[r, pl.ds(j * L, L)] = jnp.where(pred, num / zv + xv[j],
                                                   xv[j] + xv[j])
            return carry2

        lax.fori_loop(0, KB, row_body, 0)
        pltpu.sync_copy(ob, out_hbm.at[pl.ds(off, KB)])
        return carry

    lax.fori_loop(0, rows_per_w // KB, chunk_body, 0)


def kernel(x, edge_index, batch, local_sess_avg, mt_sess_masks,
           W_forward, W_backward, W_alpha):
    n, d = x.shape
    assert d == D
    e = edge_index.shape[1]
    step = NW * KB
    np_pad = ((n + step - 1) // step) * step
    ch = (e + NW * K - 1) // (NW * K)
    e_pad = ch * K * NW
    zrows = np_pad // D

    src = edge_index[0].astype(jnp.int32)
    dst = edge_index[1].astype(jnp.int32)
    pad_idx = jnp.full((e_pad - e,), n, jnp.int32)
    sd = jnp.concatenate([src, pad_idx, dst, pad_idx], axis=0)
    x_pad = jnp.pad(x, ((0, np_pad - n), (0, 0)))
    mask_pad = jnp.pad(mt_sess_masks.astype(jnp.int32), (0, np_pad - n))
    wf = W_forward[:, 0]
    wb = W_backward[:, 0]

    mesh = plsc.VectorSubcoreMesh(core_axis_name="c", subcore_axis_name="s")

    edge_call = pl.kernel(
        functools.partial(_edge_body, np_pad=np_pad, e_pad=e_pad, ch=ch),
        out_type=(jax.ShapeDtypeStruct((NC * np_pad, D), jnp.float32),
                  jax.ShapeDtypeStruct((NC * zrows, D), jnp.float32)),
        mesh=mesh,
        compiler_params=pltpu.CompilerParams(needs_layout_passes=False),
        scratch_types=[
            pltpu.VMEM_SHARED((np_pad, D), jnp.float32),
            pltpu.VMEM_SHARED((zrows, D), jnp.float32),
            pltpu.VMEM((2 * K,), jnp.int32),
            pltpu.VMEM((2 * K,), jnp.int32),
            pltpu.VMEM((2 * K,), jnp.int32),
            pltpu.VMEM((2 * K,), jnp.int32),
            pltpu.VMEM((K, D), jnp.float32),
            pltpu.VMEM((K, D), jnp.float32),
            pltpu.VMEM((K, D), jnp.float32),
            pltpu.VMEM((K, D), jnp.float32),
            pltpu.VMEM((2 * K, D), jnp.float32),
            pltpu.VMEM((2 * K, D), jnp.float32),
            pltpu.VMEM((K * L,), jnp.float32),
            pltpu.VMEM((K * L,), jnp.float32),
            pltpu.VMEM((zrows, D), jnp.float32),
            pltpu.VMEM((8, D), jnp.float32),
            pltpu.VMEM((zrows,), jnp.int32),
            pltpu.VMEM((D,), jnp.float32),
            pltpu.VMEM((D,), jnp.float32),
            pltpu.SemaphoreType.DMA,
            pltpu.SemaphoreType.DMA,
            pltpu.SemaphoreType.DMA,
            pltpu.SemaphoreType.DMA,
            pltpu.SemaphoreType.DMA,
            pltpu.SemaphoreType.DMA,
            pltpu.SemaphoreType.DMA,
            pltpu.SemaphoreType.DMA,
            pltpu.SemaphoreType.DMA,
            pltpu.SemaphoreType.DMA,
        ],
    )
    part, zpart = edge_call(x_pad, sd, wf, wb)
    zflat = zpart.reshape(NC * np_pad)

    combine_call = pl.kernel(
        functools.partial(_combine_body, np_pad=np_pad),
        out_type=jax.ShapeDtypeStruct((np_pad, D), jnp.float32),
        mesh=mesh,
        compiler_params=pltpu.CompilerParams(needs_layout_passes=False),
        scratch_types=[
            pltpu.VMEM((KB, D), jnp.float32),
            pltpu.VMEM((KB, D), jnp.float32),
            pltpu.VMEM((KB, D), jnp.float32),
            pltpu.VMEM((KB + L,), jnp.int32),
            pltpu.VMEM((KB, D), jnp.float32),
            pltpu.VMEM((KB,), jnp.float32),
            pltpu.VMEM((KB,), jnp.float32),
            pltpu.VMEM((KB + L,), jnp.float32),
            pltpu.VMEM((D,), jnp.float32),
        ],
    )
    out_pad = combine_call(part, zflat, x_pad, wf, mask_pad)
    return out_pad[:n]

# --- scband reference (transcript-rebuilt; emitter-appended) ---
"""Pipeline reference for scband-srgnn-25692494365145 (READ-ONLY COPY).

The authoritative reference and input builder live on the scoring server;
editing this copy changes nothing except your own understanding.
"""

import jax, jax.numpy as jnp
import numpy as np

N = 10000
D = 128
E = 320000
B = 512


def _segment_softmax(logits, seg, num_segments):
    m = jax.ops.segment_max(logits, seg, num_segments=num_segments)
    m = jnp.where(jnp.isfinite(m), m, 0.0)
    e = jnp.exp(logits - m[seg])
    s = jax.ops.segment_sum(e, seg, num_segments=num_segments)
    return e / (s[seg] + 1e-16)


def setup_inputs(seed: int = 0) -> dict:
    key = jax.random.key(seed)
    ks = jax.random.split(key, 9)
    x = jax.random.normal(ks[0], (N, D), dtype=jnp.float32)
    src = jax.random.randint(ks[1], (E,), 0, N)
    dst = jax.random.randint(ks[2], (E,), 0, N)
    # guarantee no self-loops among the raw edges (original code treats them specially;
    # explicit self-loops are appended inside reference, matching SRGNN.forward)
    dst = jnp.where(src == dst, (dst + 1) % N, dst)
    edge_index = jnp.stack([src, dst], axis=0)
    batch = jnp.sort(jax.random.randint(ks[3], (N,), 0, B))
    local_sess_avg = jax.random.normal(ks[4], (B, D), dtype=jnp.float32)
    mt_sess_masks = jax.random.randint(ks[5], (N,), 0, 2)
    stdv = 1.0 / np.sqrt(D)
    W_forward = jax.random.uniform(ks[6], (D, 1), minval=-stdv, maxval=stdv, dtype=jnp.float32)
    W_backward = jax.random.uniform(ks[7], (D, 1), minval=-stdv, maxval=stdv, dtype=jnp.float32)
    W_alpha = jax.random.uniform(ks[8], (D, 1), minval=-stdv, maxval=stdv, dtype=jnp.float32)
    return {"x": x, "edge_index": edge_index, "batch": batch,
            "local_sess_avg": local_sess_avg, "mt_sess_masks": mt_sess_masks,
            "W_forward": W_forward, "W_backward": W_backward, "W_alpha": W_alpha}


def reference(x, edge_index, batch, local_sess_avg, mt_sess_masks, W_forward, W_backward, W_alpha):
    n = x.shape[0]
    src = edge_index[0]
    dst = edge_index[1]
    # SRGNN.forward: add self loops on all nodes (use_self_loops=True)
    loops = jnp.arange(n, dtype=src.dtype)
    src_full = jnp.concatenate([src, loops], axis=0)
    dst_full = jnp.concatenate([dst, loops], axis=0)
    # LocalAggregator.message: symmetric (reversed) edges for non-self-loop edges
    rev_src = dst
    rev_dst = src
    exp_src = jnp.concatenate([src_full, rev_src], axis=0)
    exp_dst = jnp.concatenate([dst_full, rev_dst], axis=0)
    expanded_x_j = x[exp_src]
    expanded_x_i = x[exp_dst]
    # alpha attention: query = per-session mean of the destination node's session
    session_mean_i = local_sess_avg[batch[exp_dst]]
    alpha = jax.nn.leaky_relu((expanded_x_i * session_mean_i) @ W_alpha)
    # beta on forward edges (incl. self loops), reversed beta on symmetric edges
    beta = jax.nn.leaky_relu((x[dst_full] * x[src_full]) @ W_forward)
    reversed_beta = jax.nn.leaky_relu((x[rev_src] * x[rev_dst]) @ W_backward)
    new_beta = jnp.concatenate([beta, reversed_beta], axis=0)
    final_E = new_beta + alpha
    aij = _segment_softmax(final_E, exp_dst, n)
    pairwise = aij * expanded_x_j
    # aggregate: scatter-add by destination node
    aggr_out = jax.ops.segment_sum(pairwise, exp_dst, num_segments=n)
    # update: masked overwrite + residual
    new_x = jnp.where((mt_sess_masks == 1)[:, None], aggr_out, x) + x
    return new_x

if __name__ == "__main__":
    import jax
    _d = setup_inputs()
    print(jax.jit(kernel)(*tuple(_d.values())))

</pallas_src>

<mosaic_0001>
#map = affine_map<(d0, d1) -> (0, 0)>
#map1 = affine_map<(d0, d1) -> (0)>
module attributes {stable_mosaic.version = 14 : i64} {
  func.func @_edge_body(%arg0: i32, %arg1: i32, %arg2: memref<10240x128xf32, #tpu.memory_space<hbm>>, %arg3: memref<641024xi32, #tpu.memory_space<hbm>>, %arg4: memref<128xf32, #tpu.memory_space<hbm>>, %arg5: memref<128xf32, #tpu.memory_space<hbm>>, %arg6: memref<20480x128xf32, #tpu.memory_space<hbm>>, %arg7: memref<160x128xf32, #tpu.memory_space<hbm>>, %arg8: memref<10240x128xf32, #tpu.memory_space<vmem_shared>>, %arg9: memref<80x128xf32, #tpu.memory_space<vmem_shared>>, %arg10: memref<64xi32, #tpu.memory_space<vmem>>, %arg11: memref<64xi32, #tpu.memory_space<vmem>>, %arg12: memref<64xi32, #tpu.memory_space<vmem>>, %arg13: memref<64xi32, #tpu.memory_space<vmem>>, %arg14: memref<32x128xf32, #tpu.memory_space<vmem>>, %arg15: memref<32x128xf32, #tpu.memory_space<vmem>>, %arg16: memref<32x128xf32, #tpu.memory_space<vmem>>, %arg17: memref<32x128xf32, #tpu.memory_space<vmem>>, %arg18: memref<64x128xf32, #tpu.memory_space<vmem>>, %arg19: memref<64x128xf32, #tpu.memory_space<vmem>>, %arg20: memref<512xf32, #tpu.memory_space<vmem>>, %arg21: memref<512xf32, #tpu.memory_space<vmem>>, %arg22: memref<80x128xf32, #tpu.memory_space<vmem>>, %arg23: memref<8x128xf32, #tpu.memory_space<vmem>>, %arg24: memref<80xi32, #tpu.memory_space<vmem>>, %arg25: memref<128xf32, #tpu.memory_space<vmem>>, %arg26: memref<128xf32, #tpu.memory_space<vmem>>, %arg27: memref<!tpu.dma_semaphore, #tpu.memory_space<semaphore_mem>>, %arg28: memref<!tpu.dma_semaphore, #tpu.memory_space<semaphore_mem>>, %arg29: memref<!tpu.dma_semaphore, #tpu.memory_space<semaphore_mem>>, %arg30: memref<!tpu.dma_semaphore, #tpu.memory_space<semaphore_mem>>, %arg31: memref<!tpu.dma_semaphore, #tpu.memory_space<semaphore_mem>>, %arg32: memref<!tpu.dma_semaphore, #tpu.memory_space<semaphore_mem>>, %arg33: memref<!tpu.dma_semaphore, #tpu.memory_space<semaphore_mem>>, %arg34: memref<!tpu.dma_semaphore, #tpu.memory_space<semaphore_mem>>, %arg35: memref<!tpu.dma_semaphore, #tpu.memory_space<semaphore_mem>>, %arg36: memref<!tpu.dma_semaphore, #tpu.memory_space<semaphore_mem>>) attributes {dimension_semantics = [#tpu.dimension_semantics<core_parallel>, #tpu.dimension_semantics<subcore_parallel>], iteration_bounds = array<i64: 2, 16>, scalar_prefetch = 0 : i64, scratch_operands = 29 : i64, tpu.core_type = #tpu.core_type<sc_vector_subcore>, window_params = [{transform_indices = #map}, {transform_indices = #map1}, {transform_indices = #map1}, {transform_indices = #map1}, {transform_indices = #map}, {transform_indices = #map}]} {
    %mul3A = arith.constant 16 : i32
    %mul3A_0 = arith.muli %arg0, %mul3A : i32
    %add3A = arith.addi %mul3A_0, %arg1 : i32
    %broadcast_in_dim3A = arith.constant 0.000000e+00 : f32
    %broadcast_in_dim3A_1 = vector.broadcast %broadcast_in_dim3A : f32 to vector<16xf32>
    %iota3A = tpu.iota {dimensions = array<i32: 0>} : vector<16xi32>
    %scan3A = arith.constant 0 : i32
    %scan3A_2 = arith.constant 0 : i32
    %scan3A_3 = arith.constant 64 : i32
    %scan3A_4 = arith.addi %scan3A_2, %scan3A_3 : i32
    %scan3A_5 = arith.constant 1 : i32
    scf.for %scan3A_237 = %scan3A_2 to %scan3A_4 step %scan3A_5  : i32 {
      %swap3A_238 = arith.index_cast %scan3A_237 : i32 to index
      %swap3A_239 = arith.constant 0 : index
      %swap3A_240 = tpu.vector_load %arg18[%swap3A_238, %swap3A_239] {strides = array<i32>} : memref<64x128xf32, #tpu.memory_space<vmem>>, vector<16xf32>,
      tpu.vector_store %arg18[%swap3A_238, %swap3A_239], %broadcast_in_dim3A_1 {strides = array<i32>} : memref<64x128xf32, #tpu.memory_space<vmem>>, vector<16xf32>,
      %swap3A_241 = arith.index_cast %scan3A_237 : i32 to index
      %swap3A_242 = arith.constant 16 : index
      %swap3A_243 = tpu.vector_load %arg18[%swap3A_241, %swap3A_242] {strides = array<i32>} : memref<64x128xf32, #tpu.memory_space<vmem>>, vector<16xf32>,
      tpu.vector_store %arg18[%swap3A_241, %swap3A_242], %broadcast_in_dim3A_1 {strides = array<i32>} : memref<64x128xf32, #tpu.memory_space<vmem>>, vector<16xf32>,
      %swap3A_244 = arith.index_cast %scan3A_237 : i32 to index
      %swap3A_245 = arith.constant 32 : index
      %swap3A_246 = tpu.vector_load %arg18[%swap3A_244, %swap3A_245] {strides = array<i32>} : memref<64x128xf32, #tpu.memory_space<vmem>>, vector<16xf32>,
      tpu.vector_store %arg18[%swap3A_244, %swap3A_245], %broadcast_in_dim3A_1 {strides = array<i32>} : memref<64x128xf32, #tpu.memory_space<vmem>>, vector<16xf32>,
      %swap3A_247 = arith.index_cast %scan3A_237 : i32 to index
      %swap3A_248 = arith.constant 48 : index
      %swap3A_249 = tpu.vector_load %arg18[%swap3A_247, %swap3A_248] {strides = array<i32>} : memref<64x128xf32, #tpu.memory_space<vmem>>, vector<16xf32>,
      tpu.vector_store %arg18[%swap3A_247, %swap3A_248], %broadcast_in_dim3A_1 {strides = array<i32>} : memref<64x128xf32, #tpu.memory_space<vmem>>, vector<16xf32>,
      %swap3A_250 = arith.index_cast %scan3A_237 : i32 to index
      %swap3A_251 = arith.constant 64 : index
      %swap3A_252 = tpu.vector_load %arg18[%swap3A_250, %swap3A_251] {strides = array<i32>} : memref<64x128xf32, #tpu.memory_space<vmem>>, vector<16xf32>,
      tpu.vector_store %arg18[%swap3A_250, %swap3A_251], %broadcast_in_dim3A_1 {strides = array<i32>} : memref<64x128xf32, #tpu.memory_space<vmem>>, vector<16xf32>,
      %swap3A_253 = arith.index_cast %scan3A_237 : i32 to index
      %swap3A_254 = arith.constant 80 : index
      %swap3A_255 = tpu.vector_load %arg18[%swap3A_253, %swap3A_254] {strides = array<i32>} : memref<64x128xf32, #tpu.memory_space<vmem>>, vector<16xf32>,
      tpu.vector_store %arg18[%swap3A_253, %swap3A_254], %broadcast_in_dim3A_1 {strides = array<i32>} : memref<64x128xf32, #tpu.memory_space<vmem>>, vector<16xf32>,
      %swap3A_256 = arith.index_cast %scan3A_237 : i32 to index
      %swap3A_257 = arith.constant 96 : index
      %swap3A_258 = tpu.vector_load %arg18[%swap3A_256, %swap3A_257] {strides = array<i32>} : memref<64x128xf32, #tpu.memory_space<vmem>>, vector<16xf32>,
      tpu.vector_store %arg18[%swap3A_256, %swap3A_257], %broadcast_in_dim3A_1 {strides = array<i32>} : memref<64x128xf32, #tpu.memory_space<vmem>>, vector<16xf32>,
      %swap3A_259 = arith.index_cast %scan3A_237 : i32 to index
      %swap3A_260 = arith.constant 112 : index
      %swap3A_261 = tpu.vector_load %arg18[%swap3A_259, %swap3A_260] {strides = array<i32>} : memref<64x128xf32, #tpu.memory_space<vmem>>, vector<16xf32>,
      tpu.vector_store %arg18[%swap3A_259, %swap3A_260], %broadcast_in_dim3A_1 {strides = array<i32>} : memref<64x128xf32, #tpu.memory_space<vmem>>, vector<16xf32>,
    }
    %scan3A_6 = arith.constant 64 : i32
    %scan3A_7 = arith.constant 0 : i32
    %scan3A_8 = arith.constant 0 : i32
    %scan3A_9 = arith.constant 8 : i32
    %scan3A_10 = arith.addi %scan3A_8, %scan3A_9 : i32
    %scan3A_11 = arith.constant 1 : i32
    scf.for %scan3A_237 = %scan3A_8 to %scan3A_10 step %scan3A_11  : i32 {
      %swap3A_238 = arith.index_cast %scan3A_237 : i32 to index
      %swap3A_239 = arith.constant 0 : index
      %swap3A_240 = tpu.vector_load %arg23[%swap3A_238, %swap3A_239] {strides = array<i32>} : memref<8x128xf32, #tpu.memory_space<vmem>>, vector<16xf32>,
      tpu.vector_store %arg23[%swap3A_238, %swap3A_239], %broadcast_in_dim3A_1 {strides = array<i32>} : memref<8x128xf32, #tpu.memory_space<vmem>>, vector<16xf32>,
      %swap3A_241 = arith.index_cast %scan3A_237 : i32 to index
      %swap3A_242 = arith.constant 16 : index
      %swap3A_243 = tpu.vector_load %arg23[%swap3A_241, %swap3A_242] {strides = array<i32>} : memref<8x128xf32, #tpu.memory_space<vmem>>, vector<16xf32>,
      tpu.vector_store %arg23[%swap3A_241, %swap3A_242], %broadcast_in_dim3A_1 {strides = array<i32>} : memref<8x128xf32, #tpu.memory_space<vmem>>, vector<16xf32>,
      %swap3A_244 = arith.index_cast %scan3A_237 : i32 to index
      %swap3A_245 = arith.constant 32 : index
      %swap3A_246 = tpu.vector_load %arg23[%swap3A_244, %swap3A_245] {strides = array<i32>} : memref<8x128xf32, #tpu.memory_space<vmem>>, vector<16xf32>,
      tpu.vector_store %arg23[%swap3A_244, %swap3A_245], %broadcast_in_dim3A_1 {strides = array<i32>} : memref<8x128xf32, #tpu.memory_space<vmem>>, vector<16xf32>,
      %swap3A_247 = arith.index_cast %scan3A_237 : i32 to index
      %swap3A_248 = arith.constant 48 : index
      %swap3A_249 = tpu.vector_load %arg23[%swap3A_247, %swap3A_248] {strides = array<i32>} : memref<8x128xf32, #tpu.memory_space<vmem>>, vector<16xf32>,
      tpu.vector_store %arg23[%swap3A_247, %swap3A_248], %broadcast_in_dim3A_1 {strides = array<i32>} : memref<8x128xf32, #tpu.memory_space<vmem>>, vector<16xf32>,
      %swap3A_250 = arith.index_cast %scan3A_237 : i32 to index
      %swap3A_251 = arith.constant 64 : index
      %swap3A_252 = tpu.vector_load %arg23[%swap3A_250, %swap3A_251] {strides = array<i32>} : memref<8x128xf32, #tpu.memory_space<vmem>>, vector<16xf32>,
      tpu.vector_store %arg23[%swap3A_250, %swap3A_251], %broadcast_in_dim3A_1 {strides = array<i32>} : memref<8x128xf32, #tpu.memory_space<vmem>>, vector<16xf32>,
      %swap3A_253 = arith.index_cast %scan3A_237 : i32 to index
      %swap3A_254 = arith.constant 80 : index
      %swap3A_255 = tpu.vector_load %arg23[%swap3A_253, %swap3A_254] {strides = array<i32>} : memref<8x128xf32, #tpu.memory_space<vmem>>, vector<16xf32>,
      tpu.vector_store %arg23[%swap3A_253, %swap3A_254], %broadcast_in_dim3A_1 {strides = array<i32>} : memref<8x128xf32, #tpu.memory_space<vmem>>, vector<16xf32>,
      %swap3A_256 = arith.index_cast %scan3A_237 : i32 to index
      %swap3A_257 = arith.constant 96 : index
      %swap3A_258 = tpu.vector_load %arg23[%swap3A_256, %swap3A_257] {strides = array<i32>} : memref<8x128xf32, #tpu.memory_space<vmem>>, vector<16xf32>,
      tpu.vector_store %arg23[%swap3A_256, %swap3A_257], %broadcast_in_dim3A_1 {strides = array<i32>} : memref<8x128xf32, #tpu.memory_space<vmem>>, vector<16xf32>,
      %swap3A_259 = arith.index_cast %scan3A_237 : i32 to index
      %swap3A_260 = arith.constant 112 : index
      %swap3A_261 = tpu.vector_load %arg23[%swap3A_259, %swap3A_260] {strides = array<i32>} : memref<8x128xf32, #tpu.memory_space<vmem>>, vector<16xf32>,
      tpu.vector_store %arg23[%swap3A_259, %swap3A_260], %broadcast_in_dim3A_1 {strides = array<i32>} : memref<8x128xf32, #tpu.memory_space<vmem>>, vector<16xf32>,
    }
    %scan3A_12 = arith.constant 8 : i32
    %mul3A_13 = arith.constant 640 : i32
    %mul3A_14 = arith.muli %arg1, %mul3A_13 : i32
    %add3A_15 = arith.constant 0 : i32
    %add3A_16 = arith.addi %mul3A_14, %add3A_15 : i32
    "tpu.region"() ({
      %run_scoped3A = tpu.sem_alloc : memref<!tpu.dma_semaphore, #tpu.memory_space<semaphore_mem>>
      %dma_start3A_237 = arith.constant 0 : i32
      %dma_start3A_238 = tpu.memref_slice %arg8[%add3A_16, %dma_start3A_237] : memref<10240x128xf32, #tpu.memory_space<vmem_shared>> -> memref<64x128xf32, #tpu.memory_space<vmem_shared>>
      %dma_start3A_239 = arith.constant 0 : i32
      %dma_start3A_240 = tpu.memref_slice %arg8[%add3A_16, %dma_start3A_239] : memref<10240x128xf32, #tpu.memory_space<vmem_shared>> -> memref<64x128xf32, #tpu.memory_space<vmem_shared>>
      tpu.enqueue_dma source(%arg18 : memref<64x128xf32, #tpu.memory_space<vmem>>) target(%dma_start3A_240 : memref<64x128xf32, #tpu.memory_space<vmem_shared>>) target_semaphore(%run_scoped3A : memref<!tpu.dma_semaphore, #tpu.memory_space<semaphore_mem>>)
      %dma_wait3A_241 = arith.constant 0 : i32
      %dma_wait3A_242 = tpu.memref_slice %arg8[%add3A_16, %dma_wait3A_241] : memref<10240x128xf32, #tpu.memory_space<vmem_shared>> -> memref<64x128xf32, #tpu.memory_space<vmem_shared>>
      %dma_wait3A_243 = arith.constant 0 : i32
      %dma_wait3A_244 = tpu.memref_slice %arg8[%add3A_16, %dma_wait3A_243] : memref<10240x128xf32, #tpu.memory_space<vmem_shared>> -> memref<64x128xf32, #tpu.memory_space<vmem_shared>>
      tpu.wait_dma2 semaphore(%run_scoped3A : memref<!tpu.dma_semaphore, #tpu.memory_space<semaphore_mem>>) src(%arg18 : memref<64x128xf32, #tpu.memory_space<vmem>>) dst(%dma_wait3A_244 : memref<64x128xf32, #tpu.memory_space<vmem_shared>>)
      tpu.yield
    }) : () -> ()
    %add3A_17 = arith.constant 64 : i32
    %add3A_18 = arith.addi %mul3A_14, %add3A_17 : i32
    "tpu.region"() ({
      %run_scoped3A = tpu.sem_alloc : memref<!tpu.dma_semaphore, #tpu.memory_space<semaphore_mem>>
      %dma_start3A_237 = arith.constant 0 : i32
      %dma_start3A_238 = tpu.memref_slice %arg8[%add3A_18, %dma_start3A_237] : memref<10240x128xf32, #tpu.memory_space<vmem_shared>> -> memref<64x128xf32, #tpu.memory_space<vmem_shared>>
      %dma_start3A_239 = arith.constant 0 : i32
      %dma_start3A_240 = tpu.memref_slice %arg8[%add3A_18, %dma_start3A_239] : memref<10240x128xf32, #tpu.memory_space<vmem_shared>> -> memref<64x128xf32, #tpu.memory_space<vmem_shared>>
      tpu.enqueue_dma source(%arg18 : memref<64x128xf32, #tpu.memory_space<vmem>>) target(%dma_start3A_240 : memref<64x128xf32, #tpu.memory_space<vmem_shared>>) target_semaphore(%run_scoped3A : memref<!tpu.dma_semaphore, #tpu.memory_space<semaphore_mem>>)
      %dma_wait3A_241 = arith.constant 0 : i32
      %dma_wait3A_242 = tpu.memref_slice %arg8[%add3A_18, %dma_wait3A_241] : memref<10240x128xf32, #tpu.memory_space<vmem_shared>> -> memref<64x128xf32, #tpu.memory_space<vmem_shared>>
      %dma_wait3A_243 = arith.constant 0 : i32
      %dma_wait3A_244 = tpu.memref_slice %arg8[%add3A_18, %dma_wait3A_243] : memref<10240x128xf32, #tpu.memory_space<vmem_shared>> -> memref<64x128xf32, #tpu.memory_space<vmem_shared>>
      tpu.wait_dma2 semaphore(%run_scoped3A : memref<!tpu.dma_semaphore, #tpu.memory_space<semaphore_mem>>) src(%arg18 : memref<64x128xf32, #tpu.memory_space<vmem>>) dst(%dma_wait3A_244 : memref<64x128xf32, #tpu.memory_space<vmem_shared>>)
      tpu.yield
    }) : () -> ()
    %add3A_19 = arith.constant 128 : i32
    %add3A_20 = arith.addi %mul3A_14, %add3A_19 : i32
    "tpu.region"() ({
      %run_scoped3A = tpu.sem_alloc : memref<!tpu.dma_semaphore, #tpu.memory_space<semaphore_mem>>
      %dma_start3A_237 = arith.constant 0 : i32
      %dma_start3A_238 = tpu.memref_slice %arg8[%add3A_20, %dma_start3A_237] : memref<10240x128xf32, #tpu.memory_space<vmem_shared>> -> memref<64x128xf32, #tpu.memory_space<vmem_shared>>
      %dma_start3A_239 = arith.constant 0 : i32
      %dma_start3A_240 = tpu.memref_slice %arg8[%add3A_20, %dma_start3A_239] : memref<10240x128xf32, #tpu.memory_space<vmem_shared>> -> memref<64x128xf32, #tpu.memory_space<vmem_shared>>
      tpu.enqueue_dma source(%arg18 : memref<64x128xf32, #tpu.memory_space<vmem>>) target(%dma_start3A_240 : memref<64x128xf32, #tpu.memory_space<vmem_shared>>) target_semaphore(%run_scoped3A : memref<!tpu.dma_semaphore, #tpu.memory_space<semaphore_mem>>)
      %dma_wait3A_241 = arith.constant 0 : i32
      %dma_wait3A_242 = tpu.memref_slice %arg8[%add3A_20, %dma_wait3A_241] : memref<10240x128xf32, #tpu.memory_space<vmem_shared>> -> memref<64x128xf32, #tpu.memory_space<vmem_shared>>
      %dma_wait3A_243 = arith.constant 0 : i32
      %dma_wait3A_244 = tpu.memref_slice %arg8[%add3A_20, %dma_wait3A_243] : memref<10240x128xf32, #tpu.memory_space<vmem_shared>> -> memref<64x128xf32, #tpu.memory_space<vmem_shared>>
      tpu.wait_dma2 semaphore(%run_scoped3A : memref<!tpu.dma_semaphore, #tpu.memory_space<semaphore_mem>>) src(%arg18 : memref<64x128xf32, #tpu.memory_space<vmem>>) dst(%dma_wait3A_244 : memref<64x128xf32, #tpu.memory_space<vmem_shared>>)
      tpu.yield
    }) : () -> ()
    %add3A_21 = arith.constant 192 : i32
    %add3A_22 = arith.addi %mul3A_14, %add3A_21 : i32
    "tpu.region"() ({
      %run_scoped3A = tpu.sem_alloc : memref<!tpu.dma_semaphore, #tpu.memory_space<semaphore_mem>>
      %dma_start3A_237 = arith.constant 0 : i32
      %dma_start3A_238 = tpu.memref_slice %arg8[%add3A_22, %dma_start3A_237] : memref<10240x128xf32, #tpu.memory_space<vmem_shared>> -> memref<64x128xf32, #tpu.memory_space<vmem_shared>>
      %dma_start3A_239 = arith.constant 0 : i32
      %dma_start3A_240 = tpu.memref_slice %arg8[%add3A_22, %dma_start3A_239] : memref<10240x128xf32, #tpu.memory_space<vmem_shared>> -> memref<64x128xf32, #tpu.memory_space<vmem_shared>>
      tpu.enqueue_dma source(%arg18 : memref<64x128xf32, #tpu.memory_space<vmem>>) target(%dma_start3A_240 : memref<64x128xf32, #tpu.memory_space<vmem_shared>>) target_semaphore(%run_scoped3A : memref<!tpu.dma_semaphore, #tpu.memory_space<semaphore_mem>>)
      %dma_wait3A_241 = arith.constant 0 : i32
      %dma_wait3A_242 = tpu.memref_slice %arg8[%add3A_22, %dma_wait3A_241] : memref<10240x128xf32, #tpu.memory_space<vmem_shared>> -> memref<64x128xf32, #tpu.memory_space<vmem_shared>>
      %dma_wait3A_243 = arith.constant 0 : i32
      %dma_wait3A_244 = tpu.memref_slice %arg8[%add3A_22, %dma_wait3A_243] : memref<10240x128xf32, #tpu.memory_space<vmem_shared>> -> memref<64x128xf32, #tpu.memory_space<vmem_shared>>
      tpu.wait_dma2 semaphore(%run_scoped3A : memref<!tpu.dma_semaphore, #tpu.memory_space<semaphore_mem>>) src(%arg18 : memref<64x128xf32, #tpu.memory_space<vmem>>) dst(%dma_wait3A_244 : memref<64x128xf32, #tpu.memory_space<vmem_shared>>)
      tpu.yield
    }) : () -> ()
    %add3A_23 = arith.constant 256 : i32
    %add3A_24 = arith.addi %mul3A_14, %add3A_23 : i32
    "tpu.region"() ({
      %run_scoped3A = tpu.sem_alloc : memref<!tpu.dma_semaphore, #tpu.memory_space<semaphore_mem>>
      %dma_start3A_237 = arith.constant 0 : i32
      %dma_start3A_238 = tpu.memref_slice %arg8[%add3A_24, %dma_start3A_237] : memref<10240x128xf32, #tpu.memory_space<vmem_shared>> -> memref<64x128xf32, #tpu.memory_space<vmem_shared>>
      %dma_start3A_239 = arith.constant 0 : i32
      %dma_start3A_240 = tpu.memref_slice %arg8[%add3A_24, %dma_start3A_239] : memref<10240x128xf32, #tpu.memory_space<vmem_shared>> -> memref<64x128xf32, #tpu.memory_space<vmem_shared>>
      tpu.enqueue_dma source(%arg18 : memref<64x128xf32, #tpu.memory_space<vmem>>) target(%dma_start3A_240 : memref<64x128xf32, #tpu.memory_space<vmem_shared>>) target_semaphore(%run_scoped3A : memref<!tpu.dma_semaphore, #tpu.memory_space<semaphore_mem>>)
      %dma_wait3A_241 = arith.constant 0 : i32
      %dma_wait3A_242 = tpu.memref_slice %arg8[%add3A_24, %dma_wait3A_241] : memref<10240x128xf32, #tpu.memory_space<vmem_shared>> -> memref<64x128xf32, #tpu.memory_space<vmem_shared>>
      %dma_wait3A_243 = arith.constant 0 : i32
      %dma_wait3A_244 = tpu.memref_slice %arg8[%add3A_24, %dma_wait3A_243] : memref<10240x128xf32, #tpu.memory_space<vmem_shared>> -> memref<64x128xf32, #tpu.memory_space<vmem_shared>>
      tpu.wait_dma2 semaphore(%run_scoped3A : memref<!tpu.dma_semaphore, #tpu.memory_space<semaphore_mem>>) src(%arg18 : memref<64x128xf32, #tpu.memory_space<vmem>>) dst(%dma_wait3A_244 : memref<64x128xf32, #tpu.memory_space<vmem_shared>>)
      tpu.yield
    }) : () -> ()
    %add3A_25 = arith.constant 320 : i32
    %add3A_26 = arith.addi %mul3A_14, %add3A_25 : i32
    "tpu.region"() ({
      %run_scoped3A = tpu.sem_alloc : memref<!tpu.dma_semaphore, #tpu.memory_space<semaphore_mem>>
      %dma_start3A_237 = arith.constant 0 : i32
      %dma_start3A_238 = tpu.memref_slice %arg8[%add3A_26, %dma_start3A_237] : memref<10240x128xf32, #tpu.memory_space<vmem_shared>> -> memref<64x128xf32, #tpu.memory_space<vmem_shared>>
      %dma_start3A_239 = arith.constant 0 : i32
      %dma_start3A_240 = tpu.memref_slice %arg8[%add3A_26, %dma_start3A_239] : memref<10240x128xf32, #tpu.memory_space<vmem_shared>> -> memref<64x128xf32, #tpu.memory_space<vmem_shared>>
      tpu.enqueue_dma source(%arg18 : memref<64x128xf32, #tpu.memory_space<vmem>>) target(%dma_start3A_240 : memref<64x128xf32, #tpu.memory_space<vmem_shared>>) target_semaphore(%run_scoped3A : memref<!tpu.dma_semaphore, #tpu.memory_space<semaphore_mem>>)
      %dma_wait3A_241 = arith.constant 0 : i32
      %dma_wait3A_242 = tpu.memref_slice %arg8[%add3A_26, %dma_wait3A_241] : memref<10240x128xf32, #tpu.memory_space<vmem_shared>> -> memref<64x128xf32, #tpu.memory_space<vmem_shared>>
      %dma_wait3A_243 = arith.constant 0 : i32
      %dma_wait3A_244 = tpu.memref_slice %arg8[%add3A_26, %dma_wait3A_243] : memref<10240x128xf32, #tpu.memory_space<vmem_shared>> -> memref<64x128xf32, #tpu.memory_space<vmem_shared>>
      tpu.wait_dma2 semaphore(%run_scoped3A : memref<!tpu.dma_semaphore, #tpu.memory_space<semaphore_mem>>) src(%arg18 : memref<64x128xf32, #tpu.memory_space<vmem>>) dst(%dma_wait3A_244 : memref<64x128xf32, #tpu.memory_space<vmem_shared>>)
      tpu.yield
    }) : () -> ()
    %add3A_27 = arith.constant 384 : i32
    %add3A_28 = arith.addi %mul3A_14, %add3A_27 : i32
    "tpu.region"() ({
      %run_scoped3A = tpu.sem_alloc : memref<!tpu.dma_semaphore, #tpu.memory_space<semaphore_mem>>
      %dma_start3A_237 = arith.constant 0 : i32
      %dma_start3A_238 = tpu.memref_slice %arg8[%add3A_28, %dma_start3A_237] : memref<10240x128xf32, #tpu.memory_space<vmem_shared>> -> memref<64x128xf32, #tpu.memory_space<vmem_shared>>
      %dma_start3A_239 = arith.constant 0 : i32
      %dma_start3A_240 = tpu.memref_slice %arg8[%add3A_28, %dma_start3A_239] : memref<10240x128xf32, #tpu.memory_space<vmem_shared>> -> memref<64x128xf32, #tpu.memory_space<vmem_shared>>
      tpu.enqueue_dma source(%arg18 : memref<64x128xf32, #tpu.memory_space<vmem>>) target(%dma_start3A_240 : memref<64x128xf32, #tpu.memory_space<vmem_shared>>) target_semaphore(%run_scoped3A : memref<!tpu.dma_semaphore, #tpu.memory_space<semaphore_mem>>)
      %dma_wait3A_241 = arith.constant 0 : i32
      %dma_wait3A_242 = tpu.memref_slice %arg8[%add3A_28, %dma_wait3A_241] : memref<10240x128xf32, #tpu.memory_space<vmem_shared>> -> memref<64x128xf32, #tpu.memory_space<vmem_shared>>
      %dma_wait3A_243 = arith.constant 0 : i32
      %dma_wait3A_244 = tpu.memref_slice %arg8[%add3A_28, %dma_wait3A_243] : memref<10240x128xf32, #tpu.memory_space<vmem_shared>> -> memref<64x128xf32, #tpu.memory_space<vmem_shared>>
      tpu.wait_dma2 semaphore(%run_scoped3A : memref<!tpu.dma_semaphore, #tpu.memory_space<semaphore_mem>>) src(%arg18 : memref<64x128xf32, #tpu.memory_space<vmem>>) dst(%dma_wait3A_244 : memref<64x128xf32, #tpu.memory_space<vmem_shared>>)
      tpu.yield
    }) : () -> ()
    %add3A_29 = arith.constant 448 : i32
    %add3A_30 = arith.addi %mul3A_14, %add3A_29 : i32
    "tpu.region"() ({
      %run_scoped3A = tpu.sem_alloc : memref<!tpu.dma_semaphore, #tpu.memory_space<semaphore_mem>>
      %dma_start3A_237 = arith.constant 0 : i32
      %dma_start3A_238 = tpu.memref_slice %arg8[%add3A_30, %dma_start3A_237] : memref<10240x128xf32, #tpu.memory_space<vmem_shared>> -> memref<64x128xf32, #tpu.memory_space<vmem_shared>>
      %dma_start3A_239 = arith.constant 0 : i32
      %dma_start3A_240 = tpu.memref_slice %arg8[%add3A_30, %dma_start3A_239] : memref<10240x128xf32, #tpu.memory_space<vmem_shared>> -> memref<64x128xf32, #tpu.memory_space<vmem_shared>>
      tpu.enqueue_dma source(%arg18 : memref<64x128xf32, #tpu.memory_space<vmem>>) target(%dma_start3A_240 : memref<64x128xf32, #tpu.memory_space<vmem_shared>>) target_semaphore(%run_scoped3A : memref<!tpu.dma_semaphore, #tpu.memory_space<semaphore_mem>>)
      %dma_wait3A_241 = arith.constant 0 : i32
      %dma_wait3A_242 = tpu.memref_slice %arg8[%add3A_30, %dma_wait3A_241] : memref<10240x128xf32, #tpu.memory_space<vmem_shared>> -> memref<64x128xf32, #tpu.memory_space<vmem_shared>>
      %dma_wait3A_243 = arith.constant 0 : i32
      %dma_wait3A_244 = tpu.memref_slice %arg8[%add3A_30, %dma_wait3A_243] : memref<10240x128xf32, #tpu.memory_space<vmem_shared>> -> memref<64x128xf32, #tpu.memory_space<vmem_shared>>
      tpu.wait_dma2 semaphore(%run_scoped3A : memref<!tpu.dma_semaphore, #tpu.memory_space<semaphore_mem>>) src(%arg18 : memref<64x128xf32, #tpu.memory_space<vmem>>) dst(%dma_wait3A_244 : memref<64x128xf32, #tpu.memory_space<vmem_shared>>)
      tpu.yield
    }) : () -> ()
    %add3A_31 = arith.constant 512 : i32
    %add3A_32 = arith.addi %mul3A_14, %add3A_31 : i32
    "tpu.region"() ({
      %run_scoped3A = tpu.sem_alloc : memref<!tpu.dma_semaphore, #tpu.memory_space<semaphore_mem>>
      %dma_start3A_237 = arith.constant 0 : i32
      %dma_start3A_238 = tpu.memref_slice %arg8[%add3A_32, %dma_start3A_237] : memref<10240x128xf32, #tpu.memory_space<vmem_shared>> -> memref<64x128xf32, #tpu.memory_space<vmem_shared>>
      %dma_start3A_239 = arith.constant 0 : i32
      %dma_start3A_240 = tpu.memref_slice %arg8[%add3A_32, %dma_start3A_239] : memref<10240x128xf32, #tpu.memory_space<vmem_shared>> -> memref<64x128xf32, #tpu.memory_space<vmem_shared>>
      tpu.enqueue_dma source(%arg18 : memref<64x128xf32, #tpu.memory_space<vmem>>) target(%dma_start3A_240 : memref<64x128xf32, #tpu.memory_space<vmem_shared>>) target_semaphore(%run_scoped3A : memref<!tpu.dma_semaphore, #tpu.memory_space<semaphore_mem>>)
      %dma_wait3A_241 = arith.constant 0 : i32
      %dma_wait3A_242 = tpu.memref_slice %arg8[%add3A_32, %dma_wait3A_241] : memref<10240x128xf32, #tpu.memory_space<vmem_shared>> -> memref<64x128xf32, #tpu.memory_space<vmem_shared>>
      %dma_wait3A_243 = arith.constant 0 : i32
      %dma_wait3A_244 = tpu.memref_slice %arg8[%add3A_32, %dma_wait3A_243] : memref<10240x128xf32, #tpu.memory_space<vmem_shared>> -> memref<64x128xf32, #tpu.memory_space<vmem_shared>>
      tpu.wait_dma2 semaphore(%run_scoped3A : memref<!tpu.dma_semaphore, #tpu.memory_space<semaphore_mem>>) src(%arg18 : memref<64x128xf32, #tpu.memory_space<vmem>>) dst(%dma_wait3A_244 : memref<64x128xf32, #tpu.memory_space<vmem_shared>>)
      tpu.yield
    }) : () -> ()
    %add3A_33 = arith.constant 576 : i32
    %add3A_34 = arith.addi %mul3A_14, %add3A_33 : i32
    "tpu.region"() ({
      %run_scoped3A = tpu.sem_alloc : memref<!tpu.dma_semaphore, #tpu.memory_space<semaphore_mem>>
      %dma_start3A_237 = arith.constant 0 : i32
      %dma_start3A_238 = tpu.memref_slice %arg8[%add3A_34, %dma_start3A_237] : memref<10240x128xf32, #tpu.memory_space<vmem_shared>> -> memref<64x128xf32, #tpu.memory_space<vmem_shared>>
      %dma_start3A_239 = arith.constant 0 : i32
      %dma_start3A_240 = tpu.memref_slice %arg8[%add3A_34, %dma_start3A_239] : memref<10240x128xf32, #tpu.memory_space<vmem_shared>> -> memref<64x128xf32, #tpu.memory_space<vmem_shared>>
      tpu.enqueue_dma source(%arg18 : memref<64x128xf32, #tpu.memory_space<vmem>>) target(%dma_start3A_240 : memref<64x128xf32, #tpu.memory_space<vmem_shared>>) target_semaphore(%run_scoped3A : memref<!tpu.dma_semaphore, #tpu.memory_space<semaphore_mem>>)
      %dma_wait3A_241 = arith.constant 0 : i32
      %dma_wait3A_242 = tpu.memref_slice %arg8[%add3A_34, %dma_wait3A_241] : memref<10240x128xf32, #tpu.memory_space<vmem_shared>> -> memref<64x128xf32, #tpu.memory_space<vmem_shared>>
      %dma_wait3A_243 = arith.constant 0 : i32
      %dma_wait3A_244 = tpu.memref_slice %arg8[%add3A_34, %dma_wait3A_243] : memref<10240x128xf32, #tpu.memory_space<vmem_shared>> -> memref<64x128xf32, #tpu.memory_space<vmem_shared>>
      tpu.wait_dma2 semaphore(%run_scoped3A : memref<!tpu.dma_semaphore, #tpu.memory_space<semaphore_mem>>) src(%arg18 : memref<64x128xf32, #tpu.memory_space<vmem>>) dst(%dma_wait3A_244 : memref<64x128xf32, #tpu.memory_space<vmem_shared>>)
      tpu.yield
    }) : () -> ()
    %lt3A = arith.constant 10 : i32
    %lt3A_35 = arith.cmpi slt, %arg1, %lt3A : i32
    %convert_element_type3A = arith.extui %lt3A_35 : i1 to i32
    %cond3A = arith.constant 0 : i32
    %cond3A_36 = arith.cmpi ne, %convert_element_type3A, %cond3A : i32
    scf.if %cond3A_36 {
      %mul3A_237 = arith.constant 8 : i32
      %mul3A_238 = arith.muli %arg1, %mul3A_237 : i32
      "tpu.region"() ({
        %run_scoped3A = tpu.sem_alloc : memref<!tpu.dma_semaphore, #tpu.memory_space<semaphore_mem>>
        %dma_start3A_239 = arith.constant 0 : i32
        %dma_start3A_240 = tpu.memref_slice %arg9[%mul3A_238, %dma_start3A_239] : memref<80x128xf32, #tpu.memory_space<vmem_shared>> -> memref<8x128xf32, #tpu.memory_space<vmem_shared>>
        %dma_start3A_241 = arith.constant 0 : i32
        %dma_start3A_242 = tpu.memref_slice %arg9[%mul3A_238, %dma_start3A_241] : memref<80x128xf32, #tpu.memory_space<vmem_shared>> -> memref<8x128xf32, #tpu.memory_space<vmem_shared>>
        tpu.enqueue_dma source(%arg23 : memref<8x128xf32, #tpu.memory_space<vmem>>) target(%dma_start3A_242 : memref<8x128xf32, #tpu.memory_space<vmem_shared>>) target_semaphore(%run_scoped3A : memref<!tpu.dma_semaphore, #tpu.memory_space<semaphore_mem>>)
        %dma_wait3A_243 = arith.constant 0 : i32
        %dma_wait3A_244 = tpu.memref_slice %arg9[%mul3A_238, %dma_wait3A_243] : memref<80x128xf32, #tpu.memory_space<vmem_shared>> -> memref<8x128xf32, #tpu.memory_space<vmem_shared>>
        %dma_wait3A_245 = arith.constant 0 : i32
        %dma_wait3A_246 = tpu.memref_slice %arg9[%mul3A_238, %dma_wait3A_245] : memref<80x128xf32, #tpu.memory_space<vmem_shared>> -> memref<8x128xf32, #tpu.memory_space<vmem_shared>>
        tpu.wait_dma2 semaphore(%run_scoped3A : memref<!tpu.dma_semaphore, #tpu.memory_space<semaphore_mem>>) src(%arg23 : memref<8x128xf32, #tpu.memory_space<vmem>>) dst(%dma_wait3A_246 : memref<8x128xf32, #tpu.memory_space<vmem_shared>>)
        tpu.yield
      }) : () -> ()
    } else {
    }
    %scan3A_37 = arith.constant 0 : i32
    %scan3A_38 = arith.constant 0 : i32
    %scan3A_39 = arith.constant 80 : i32
    %scan3A_40 = arith.addi %scan3A_38, %scan3A_39 : i32
    %scan3A_41 = arith.constant 1 : i32
    scf.for %scan3A_237 = %scan3A_38 to %scan3A_40 step %scan3A_41  : i32 {
      %swap3A_238 = arith.index_cast %scan3A_237 : i32 to index
      %swap3A_239 = arith.constant 0 : index
      %swap3A_240 = tpu.vector_load %arg22[%swap3A_238, %swap3A_239] {strides = array<i32>} : memref<80x128xf32, #tpu.memory_space<vmem>>, vector<16xf32>,
      tpu.vector_store %arg22[%swap3A_238, %swap3A_239], %broadcast_in_dim3A_1 {strides = array<i32>} : memref<80x128xf32, #tpu.memory_space<vmem>>, vector<16xf32>,
      %swap3A_241 = arith.index_cast %scan3A_237 : i32 to index
      %swap3A_242 = arith.constant 16 : index
      %swap3A_243 = tpu.vector_load %arg22[%swap3A_241, %swap3A_242] {strides = array<i32>} : memref<80x128xf32, #tpu.memory_space<vmem>>, vector<16xf32>,
      tpu.vector_store %arg22[%swap3A_241, %swap3A_242], %broadcast_in_dim3A_1 {strides = array<i32>} : memref<80x128xf32, #tpu.memory_space<vmem>>, vector<16xf32>,
      %swap3A_244 = arith.index_cast %scan3A_237 : i32 to index
      %swap3A_245 = arith.constant 32 : index
      %swap3A_246 = tpu.vector_load %arg22[%swap3A_244, %swap3A_245] {strides = array<i32>} : memref<80x128xf32, #tpu.memory_space<vmem>>, vector<16xf32>,
      tpu.vector_store %arg22[%swap3A_244, %swap3A_245], %broadcast_in_dim3A_1 {strides = array<i32>} : memref<80x128xf32, #tpu.memory_space<vmem>>, vector<16xf32>,
      %swap3A_247 = arith.index_cast %scan3A_237 : i32 to index
      %swap3A_248 = arith.constant 48 : index
      %swap3A_249 = tpu.vector_load %arg22[%swap3A_247, %swap3A_248] {strides = array<i32>} : memref<80x128xf32, #tpu.memory_space<vmem>>, vector<16xf32>,
      tpu.vector_store %arg22[%swap3A_247, %swap3A_248], %broadcast_in_dim3A_1 {strides = array<i32>} : memref<80x128xf32, #tpu.memory_space<vmem>>, vector<16xf32>,
      %swap3A_250 = arith.index_cast %scan3A_237 : i32 to index
      %swap3A_251 = arith.constant 64 : index
      %swap3A_252 = tpu.vector_load %arg22[%swap3A_250, %swap3A_251] {strides = array<i32>} : memref<80x128xf32, #tpu.memory_space<vmem>>, vector<16xf32>,
      tpu.vector_store %arg22[%swap3A_250, %swap3A_251], %broadcast_in_dim3A_1 {strides = array<i32>} : memref<80x128xf32, #tpu.memory_space<vmem>>, vector<16xf32>,
      %swap3A_253 = arith.index_cast %scan3A_237 : i32 to index
      %swap3A_254 = arith.constant 80 : index
      %swap3A_255 = tpu.vector_load %arg22[%swap3A_253, %swap3A_254] {strides = array<i32>} : memref<80x128xf32, #tpu.memory_space<vmem>>, vector<16xf32>,
      tpu.vector_store %arg22[%swap3A_253, %swap3A_254], %broadcast_in_dim3A_1 {strides = array<i32>} : memref<80x128xf32, #tpu.memory_space<vmem>>, vector<16xf32>,
      %swap3A_256 = arith.index_cast %scan3A_237 : i32 to index
      %swap3A_257 = arith.constant 96 : index
      %swap3A_258 = tpu.vector_load %arg22[%swap3A_256, %swap3A_257] {strides = array<i32>} : memref<80x128xf32, #tpu.memory_space<vmem>>, vector<16xf32>,
      tpu.vector_store %arg22[%swap3A_256, %swap3A_257], %broadcast_in_dim3A_1 {strides = array<i32>} : memref<80x128xf32, #tpu.memory_space<vmem>>, vector<16xf32>,
      %swap3A_259 = arith.index_cast %scan3A_237 : i32 to index
      %swap3A_260 = arith.constant 112 : index
      %swap3A_261 = tpu.vector_load %arg22[%swap3A_259, %swap3A_260] {strides = array<i32>} : memref<80x128xf32, #tpu.memory_space<vmem>>, vector<16xf32>,
      tpu.vector_store %arg22[%swap3A_259, %swap3A_260], %broadcast_in_dim3A_1 {strides = array<i32>} : memref<80x128xf32, #tpu.memory_space<vmem>>, vector<16xf32>,
    }
    %scan3A_42 = arith.constant 80 : i32
    %barrier3A = arith.constant 0 : index
    tpu.barrier barrier_id(%barrier3A)
    "tpu.region"() ({
      %run_scoped3A = tpu.sem_alloc : memref<!tpu.dma_semaphore, #tpu.memory_space<semaphore_mem>>
      tpu.enqueue_dma source(%arg4 : memref<128xf32, #tpu.memory_space<hbm>>) target(%arg25 : memref<128xf32, #tpu.memory_space<vmem>>) target_semaphore(%run_scoped3A : memref<!tpu.dma_semaphore, #tpu.memory_space<semaphore_mem>>)
      tpu.wait_dma2 semaphore(%run_scoped3A : memref<!tpu.dma_semaphore, #tpu.memory_space<semaphore_mem>>) src(%arg4 : memref<128xf32, #tpu.memory_space<hbm>>) dst(%arg25 : memref<128xf32, #tpu.memory_space<vmem>>)
      tpu.yield
    }) : () -> ()
    "tpu.region"() ({
      %run_scoped3A = tpu.sem_alloc : memref<!tpu.dma_semaphore, #tpu.memory_space<semaphore_mem>>
      tpu.enqueue_dma source(%arg5 : memref<128xf32, #tpu.memory_space<hbm>>) target(%arg26 : memref<128xf32, #tpu.memory_space<vmem>>) target_semaphore(%run_scoped3A : memref<!tpu.dma_semaphore, #tpu.memory_space<semaphore_mem>>)
      tpu.wait_dma2 semaphore(%run_scoped3A : memref<!tpu.dma_semaphore, #tpu.memory_space<semaphore_mem>>) src(%arg5 : memref<128xf32, #tpu.memory_space<hbm>>) dst(%arg26 : memref<128xf32, #tpu.memory_space<vmem>>)
      tpu.yield
    }) : () -> ()
    %get3A = arith.constant 0 : index
    %get3A_43 = tpu.vector_load %arg25[%get3A] {strides = array<i32>} : memref<128xf32, #tpu.memory_space<vmem>>, vector<16xf32>,
    %get3A_44 = arith.constant 16 : index
    %get3A_45 = tpu.vector_load %arg25[%get3A_44] {strides = array<i32>} : memref<128xf32, #tpu.memory_space<vmem>>, vector<16xf32>,
    %get3A_46 = arith.constant 32 : index
    %get3A_47 = tpu.vector_load %arg25[%get3A_46] {strides = array<i32>} : memref<128xf32, #tpu.memory_space<vmem>>, vector<16xf32>,
    %get3A_48 = arith.constant 48 : index
    %get3A_49 = tpu.vector_load %arg25[%get3A_48] {strides = array<i32>} : memref<128xf32, #tpu.memory_space<vmem>>, vector<16xf32>,
    %get3A_50 = arith.constant 64 : index
    %get3A_51 = tpu.vector_load %arg25[%get3A_50] {strides = array<i32>} : memref<128xf32, #tpu.memory_space<vmem>>, vector<16xf32>,
    %get3A_52 = arith.constant 80 : index
    %get3A_53 = tpu.vector_load %arg25[%get3A_52] {strides = array<i32>} : memref<128xf32, #tpu.memory_space<vmem>>, vector<16xf32>,
    %get3A_54 = arith.constant 96 : index
    %get3A_55 = tpu.vector_load %arg25[%get3A_54] {strides = array<i32>} : memref<128xf32, #tpu.memory_space<vmem>>, vector<16xf32>,
    %get3A_56 = arith.constant 112 : index
    %get3A_57 = tpu.vector_load %arg25[%get3A_56] {strides = array<i32>} : memref<128xf32, #tpu.memory_space<vmem>>, vector<16xf32>,
    %get3A_58 = arith.constant 0 : index
    %get3A_59 = tpu.vector_load %arg26[%get3A_58] {strides = array<i32>} : memref<128xf32, #tpu.memory_space<vmem>>, vector<16xf32>,
    %get3A_60 = arith.constant 16 : index
    %get3A_61 = tpu.vector_load %arg26[%get3A_60] {strides = array<i32>} : memref<128xf32, #tpu.memory_space<vmem>>, vector<16xf32>,
    %get3A_62 = arith.constant 32 : index
    %get3A_63 = tpu.vector_load %arg26[%get3A_62] {strides = array<i32>} : memref<128xf32, #tpu.memory_space<vmem>>, vector<16xf32>,
    %get3A_64 = arith.constant 48 : index
    %get3A_65 = tpu.vector_load %arg26[%get3A_64] {strides = array<i32>} : memref<128xf32, #tpu.memory_space<vmem>>, vector<16xf32>,
    %get3A_66 = arith.constant 64 : index
    %get3A_67 = tpu.vector_load %arg26[%get3A_66] {strides = array<i32>} : memref<128xf32, #tpu.memory_space<vmem>>, vector<16xf32>,
    %get3A_68 = arith.constant 80 : index
    %get3A_69 = tpu.vector_load %arg26[%get3A_68] {strides = array<i32>} : memref<128xf32, #tpu.memory_space<vmem>>, vector<16xf32>,
    %get3A_70 = arith.constant 96 : index
    %get3A_71 = tpu.vector_load %arg26[%get3A_70] {strides = array<i32>} : memref<128xf32, #tpu.memory_space<vmem>>, vector<16xf32>,
    %get3A_72 = arith.constant 112 : index
    %get3A_73 = tpu.vector_load %arg26[%get3A_72] {strides = array<i32>} : memref<128xf32, #tpu.memory_space<vmem>>, vector<16xf32>,
    %mul3A_74 = arith.constant 10016 : i32
    %mul3A_75 = arith.muli %add3A, %mul3A_74 : i32
    %add3A_76 = arith.constant 0 : i32
    %add3A_77 = arith.addi %mul3A_75, %add3A_76 : i32
    %add3A_78 = arith.constant 320512 : i32
    %add3A_79 = arith.addi %add3A_78, %add3A_77 : i32
    %dma_start3A = arith.constant 0 : i32
    %dma_start3A_80 = tpu.memref_slice %arg10[%dma_start3A] : memref<64xi32, #tpu.memory_space<vmem>> -> memref<32xi32, #tpu.memory_space<vmem>>
    %dma_start3A_81 = tpu.memref_slice %arg3[%add3A_79] : memref<641024xi32, #tpu.memory_space<hbm>> -> memref<32xi32, #tpu.memory_space<hbm>>
    %dma_start3A_82 = arith.constant 0 : i32
    %dma_start3A_83 = tpu.memref_slice %arg10[%dma_start3A_82] : memref<64xi32, #tpu.memory_space<vmem>> -> memref<32xi32, #tpu.memory_space<vmem>>
    %dma_start3A_84 = tpu.memref_slice %arg3[%add3A_79] : memref<641024xi32, #tpu.memory_space<hbm>> -> memref<32xi32, #tpu.memory_space<hbm>>
    tpu.enqueue_dma source(%dma_start3A_84 : memref<32xi32, #tpu.memory_space<hbm>>) target(%dma_start3A_83 : memref<32xi32, #tpu.memory_space<vmem>>) target_semaphore(%arg27 : memref<!tpu.dma_semaphore, #tpu.memory_space<semaphore_mem>>)
    %dma_start3A_85 = arith.constant 32 : i32
    %dma_start3A_86 = tpu.memref_slice %arg10[%dma_start3A_85] : memref<64xi32, #tpu.memory_space<vmem>> -> memref<32xi32, #tpu.memory_space<vmem>>
    %dma_start3A_87 = tpu.memref_slice %arg3[%add3A_77] : memref<641024xi32, #tpu.memory_space<hbm>> -> memref<32xi32, #tpu.memory_space<hbm>>
    %dma_start3A_88 = arith.constant 32 : i32
    %dma_start3A_89 = tpu.memref_slice %arg10[%dma_start3A_88] : memref<64xi32, #tpu.memory_space<vmem>> -> memref<32xi32, #tpu.memory_space<vmem>>
    %dma_start3A_90 = tpu.memref_slice %arg3[%add3A_77] : memref<641024xi32, #tpu.memory_space<hbm>> -> memref<32xi32, #tpu.memory_space<hbm>>
    tpu.enqueue_dma source(%dma_start3A_90 : memref<32xi32, #tpu.memory_space<hbm>>) target(%dma_start3A_89 : memref<32xi32, #tpu.memory_space<vmem>>) target_semaphore(%arg27 : memref<!tpu.dma_semaphore, #tpu.memory_space<semaphore_mem>>)
    %dma_wait3A = arith.constant 0 : i32
    %dma_wait3A_91 = tpu.memref_slice %arg10[%dma_wait3A] : memref<64xi32, #tpu.memory_space<vmem>> -> memref<32xi32, #tpu.memory_space<vmem>>
    %dma_wait3A_92 = arith.constant 0 : i32
    %dma_wait3A_93 = tpu.memref_slice %arg3[%dma_wait3A_92] : memref<641024xi32, #tpu.memory_space<hbm>> -> memref<32xi32, #tpu.memory_space<hbm>>
    %dma_wait3A_94 = arith.constant 0 : i32
    %dma_wait3A_95 = tpu.memref_slice %arg10[%dma_wait3A_94] : memref<64xi32, #tpu.memory_space<vmem>> -> memref<32xi32, #tpu.memory_space<vmem>>
    %dma_wait3A_96 = arith.constant 0 : i32
    %dma_wait3A_97 = tpu.memref_slice %arg3[%dma_wait3A_96] : memref<641024xi32, #tpu.memory_space<hbm>> -> memref<32xi32, #tpu.memory_space<hbm>>
    tpu.wait_dma2 semaphore(%arg27 : memref<!tpu.dma_semaphore, #tpu.memory_space<semaphore_mem>>) src(%dma_wait3A_97 : memref<32xi32, #tpu.memory_space<hbm>>) dst(%dma_wait3A_95 : memref<32xi32, #tpu.memory_space<vmem>>)
    %dma_wait3A_98 = arith.constant 32 : i32
    %dma_wait3A_99 = tpu.memref_slice %arg10[%dma_wait3A_98] : memref<64xi32, #tpu.memory_space<vmem>> -> memref<32xi32, #tpu.memory_space<vmem>>
    %dma_wait3A_100 = arith.constant 0 : i32
    %dma_wait3A_101 = tpu.memref_slice %arg3[%dma_wait3A_100] : memref<641024xi32, #tpu.memory_space<hbm>> -> memref<32xi32, #tpu.memory_space<hbm>>
    %dma_wait3A_102 = arith.constant 32 : i32
    %dma_wait3A_103 = tpu.memref_slice %arg10[%dma_wait3A_102] : memref<64xi32, #tpu.memory_space<vmem>> -> memref<32xi32, #tpu.memory_space<vmem>>
    %dma_wait3A_104 = arith.constant 0 : i32
    %dma_wait3A_105 = tpu.memref_slice %arg3[%dma_wait3A_104] : memref<641024xi32, #tpu.memory_space<hbm>> -> memref<32xi32, #tpu.memory_space<hbm>>
    tpu.wait_dma2 semaphore(%arg27 : memref<!tpu.dma_semaphore, #tpu.memory_space<semaphore_mem>>) src(%dma_wait3A_105 : memref<32xi32, #tpu.memory_space<hbm>>) dst(%dma_wait3A_103 : memref<32xi32, #tpu.memory_space<vmem>>)
    %dma_start3A_106 = arith.constant 0 : i32
    %dma_start3A_107 = tpu.memref_slice %arg10[%dma_start3A_106] : memref<64xi32, #tpu.memory_space<vmem>> -> memref<32xi32, #tpu.memory_space<vmem>>
    %dma_start3A_108 = arith.constant 0 : i32
    %dma_start3A_109 = arith.constant 0 : i32
    %dma_start3A_110 = tpu.memref_slice %arg2[%dma_start3A_108, %dma_start3A_109] : memref<10240x128xf32, #tpu.memory_space<hbm>> -> memref<10240x128xf32, #tpu.memory_space<hbm>>
    tpu.enqueue_indirect_dma source(%dma_start3A_110 : memref<10240x128xf32, #tpu.memory_space<hbm>>) target(%arg16 : memref<32x128xf32, #tpu.memory_space<vmem>>) offsets(%dma_start3A_107 : memref<32xi32, #tpu.memory_space<vmem>>) semaphore(%arg33 : memref<!tpu.dma_semaphore, #tpu.memory_space<semaphore_mem>>)
    %dma_start3A_111 = arith.constant 32 : i32
    %dma_start3A_112 = tpu.memref_slice %arg10[%dma_start3A_111] : memref<64xi32, #tpu.memory_space<vmem>> -> memref<32xi32, #tpu.memory_space<vmem>>
    %dma_start3A_113 = arith.constant 0 : i32
    %dma_start3A_114 = arith.constant 0 : i32
    %dma_start3A_115 = tpu.memref_slice %arg2[%dma_start3A_113, %dma_start3A_114] : memref<10240x128xf32, #tpu.memory_space<hbm>> -> memref<10240x128xf32, #tpu.memory_space<hbm>>
    tpu.enqueue_indirect_dma source(%dma_start3A_115 : memref<10240x128xf32, #tpu.memory_space<hbm>>) target(%arg14 : memref<32x128xf32, #tpu.memory_space<vmem>>) offsets(%dma_start3A_112 : memref<32xi32, #tpu.memory_space<vmem>>) semaphore(%arg31 : memref<!tpu.dma_semaphore, #tpu.memory_space<semaphore_mem>>)
    %add3A_116 = arith.constant 32 : i32
    %add3A_117 = arith.addi %mul3A_75, %add3A_116 : i32
    %add3A_118 = arith.constant 320512 : i32
    %add3A_119 = arith.addi %add3A_118, %add3A_117 : i32
    %dma_start3A_120 = arith.constant 0 : i32
    %dma_start3A_121 = tpu.memref_slice %arg11[%dma_start3A_120] : memref<64xi32, #tpu.memory_space<vmem>> -> memref<32xi32, #tpu.memory_space<vmem>>
    %dma_start3A_122 = tpu.memref_slice %arg3[%add3A_119] : memref<641024xi32, #tpu.memory_space<hbm>> -> memref<32xi32, #tpu.memory_space<hbm>>
    %dma_start3A_123 = arith.constant 0 : i32
    %dma_start3A_124 = tpu.memref_slice %arg11[%dma_start3A_123] : memref<64xi32, #tpu.memory_space<vmem>> -> memref<32xi32, #tpu.memory_space<vmem>>
    %dma_start3A_125 = tpu.memref_slice %arg3[%add3A_119] : memref<641024xi32, #tpu.memory_space<hbm>> -> memref<32xi32, #tpu.memory_space<hbm>>
    tpu.enqueue_dma source(%dma_start3A_125 : memref<32xi32, #tpu.memory_space<hbm>>) target(%dma_start3A_124 : memref<32xi32, #tpu.memory_space<vmem>>) target_semaphore(%arg28 : memref<!tpu.dma_semaphore, #tpu.memory_space<semaphore_mem>>)
    %dma_start3A_126 = arith.constant 32 : i32
    %dma_start3A_127 = tpu.memref_slice %arg11[%dma_start3A_126] : memref<64xi32, #tpu.memory_space<vmem>> -> memref<32xi32, #tpu.memory_space<vmem>>
    %dma_start3A_128 = tpu.memref_slice %arg3[%add3A_117] : memref<641024xi32, #tpu.memory_space<hbm>> -> memref<32xi32, #tpu.memory_space<hbm>>
    %dma_start3A_129 = arith.constant 32 : i32
    %dma_start3A_130 = tpu.memref_slice %arg11[%dma_start3A_129] : memref<64xi32, #tpu.memory_space<vmem>> -> memref<32xi32, #tpu.memory_space<vmem>>
    %dma_start3A_131 = tpu.memref_slice %arg3[%add3A_117] : memref<641024xi32, #tpu.memory_space<hbm>> -> memref<32xi32, #tpu.memory_space<hbm>>
    tpu.enqueue_dma source(%dma_start3A_131 : memref<32xi32, #tpu.memory_space<hbm>>) target(%dma_start3A_130 : memref<32xi32, #tpu.memory_space<vmem>>) target_semaphore(%arg28 : memref<!tpu.dma_semaphore, #tpu.memory_space<semaphore_mem>>)
    %scan3A_132 = arith.constant 0 : i32
    %scan3A_133 = arith.constant 0 : i32
    %scan3A_134 = arith.constant 78 : i32
    %scan3A_135 = arith.addi %scan3A_133, %scan3A_134 : i32
    %scan3A_136 = arith.constant 1 : i32
    scf.for %scan3A_237 = %scan3A_133 to %scan3A_135 step %scan3A_136  : i32 {
      %mul3A_238 = arith.constant 4 : i32
      %mul3A_239 = arith.muli %mul3A_238, %scan3A_237 : i32
      %add3A_240 = arith.constant 0 : i32
      %add3A_241 = arith.addi %mul3A_239, %add3A_240 : i32
      %add3A_242 = arith.constant 1 : i32
      %add3A_243 = arith.addi %add3A_241, %add3A_242 : i32
      %lt3A_244 = arith.constant 313 : i32
      %lt3A_245 = arith.cmpi slt, %add3A_243, %lt3A_244 : i32
      %convert_element_type3A_246 = arith.extui %lt3A_245 : i1 to i32
      %cond3A_247 = arith.constant 0 : i32
      %cond3A_248 = arith.cmpi ne, %convert_element_type3A_246, %cond3A_247 : i32
      scf.if %cond3A_248 {
        %dma_wait3A_585 = arith.constant 0 : i32
        %dma_wait3A_586 = tpu.memref_slice %arg11[%dma_wait3A_585] : memref<64xi32, #tpu.memory_space<vmem>> -> memref<32xi32, #tpu.memory_space<vmem>>
        %dma_wait3A_587 = arith.constant 0 : i32
        %dma_wait3A_588 = tpu.memref_slice %arg3[%dma_wait3A_587] : memref<641024xi32, #tpu.memory_space<hbm>> -> memref<32xi32, #tpu.memory_space<hbm>>
        %dma_wait3A_589 = arith.constant 0 : i32
        %dma_wait3A_590 = tpu.memref_slice %arg11[%dma_wait3A_589] : memref<64xi32, #tpu.memory_space<vmem>> -> memref<32xi32, #tpu.memory_space<vmem>>
        %dma_wait3A_591 = arith.constant 0 : i32
        %dma_wait3A_592 = tpu.memref_slice %arg3[%dma_wait3A_591] : memref<641024xi32, #tpu.memory_space<hbm>> -> memref<32xi32, #tpu.memory_space<hbm>>
        tpu.wait_dma2 semaphore(%arg28 : memref<!tpu.dma_semaphore, #tpu.memory_space<semaphore_mem>>) src(%dma_wait3A_592 : memref<32xi32, #tpu.memory_space<hbm>>) dst(%dma_wait3A_590 : memref<32xi32, #tpu.memory_space<vmem>>)
        %dma_wait3A_593 = arith.constant 32 : i32
        %dma_wait3A_594 = tpu.memref_slice %arg11[%dma_wait3A_593] : memref<64xi32, #tpu.memory_space<vmem>> -> memref<32xi32, #tpu.memory_space<vmem>>
        %dma_wait3A_595 = arith.constant 0 : i32
        %dma_wait3A_596 = tpu.memref_slice %arg3[%dma_wait3A_595] : memref<641024xi32, #tpu.memory_space<hbm>> -> memref<32xi32, #tpu.memory_space<hbm>>
        %dma_wait3A_597 = arith.constant 32 : i32
        %dma_wait3A_598 = tpu.memref_slice %arg11[%dma_wait3A_597] : memref<64xi32, #tpu.memory_space<vmem>> -> memref<32xi32, #tpu.memory_space<vmem>>
        %dma_wait3A_599 = arith.constant 0 : i32
        %dma_wait3A_600 = tpu.memref_slice %arg3[%dma_wait3A_599] : memref<641024xi32, #tpu.memory_space<hbm>> -> memref<32xi32, #tpu.memory_space<hbm>>
        tpu.wait_dma2 semaphore(%arg28 : memref<!tpu.dma_semaphore, #tpu.memory_space<semaphore_mem>>) src(%dma_wait3A_600 : memref<32xi32, #tpu.memory_space<hbm>>) dst(%dma_wait3A_598 : memref<32xi32, #tpu.memory_space<vmem>>)
        %dma_start3A_601 = arith.constant 0 : i32
        %dma_start3A_602 = tpu.memref_slice %arg11[%dma_start3A_601] : memref<64xi32, #tpu.memory_space<vmem>> -> memref<32xi32, #tpu.memory_space<vmem>>
        %dma_start3A_603 = arith.constant 0 : i32
        %dma_start3A_604 = arith.constant 0 : i32
        %dma_start3A_605 = tpu.memref_slice %arg2[%dma_start3A_603, %dma_start3A_604] : memref<10240x128xf32, #tpu.memory_space<hbm>> -> memref<10240x128xf32, #tpu.memory_space<hbm>>
        tpu.enqueue_indirect_dma source(%dma_start3A_605 : memref<10240x128xf32, #tpu.memory_space<hbm>>) target(%arg17 : memref<32x128xf32, #tpu.memory_space<vmem>>) offsets(%dma_start3A_602 : memref<32xi32, #tpu.memory_space<vmem>>) semaphore(%arg34 : memref<!tpu.dma_semaphore, #tpu.memory_space<semaphore_mem>>)
        %dma_start3A_606 = arith.constant 32 : i32
        %dma_start3A_607 = tpu.memref_slice %arg11[%dma_start3A_606] : memref<64xi32, #tpu.memory_space<vmem>> -> memref<32xi32, #tpu.memory_space<vmem>>
        %dma_start3A_608 = arith.constant 0 : i32
        %dma_start3A_609 = arith.constant 0 : i32
        %dma_start3A_610 = tpu.memref_slice %arg2[%dma_start3A_608, %dma_start3A_609] : memref<10240x128xf32, #tpu.memory_space<hbm>> -> memref<10240x128xf32, #tpu.memory_space<hbm>>
        tpu.enqueue_indirect_dma source(%dma_start3A_610 : memref<10240x128xf32, #tpu.memory_space<hbm>>) target(%arg15 : memref<32x128xf32, #tpu.memory_space<vmem>>) offsets(%dma_start3A_607 : memref<32xi32, #tpu.memory_space<vmem>>) semaphore(%arg32 : memref<!tpu.dma_semaphore, #tpu.memory_space<semaphore_mem>>)
      } else {
      }
      %dma_wait3A_249 = arith.constant 0 : i32
      %dma_wait3A_250 = tpu.memref_slice %arg10[%dma_wait3A_249] : memref<64xi32, #tpu.memory_space<vmem>> -> memref<32xi32, #tpu.memory_space<vmem>>
      %dma_wait3A_251 = arith.constant 0 : i32
      %dma_wait3A_252 = arith.constant 0 : i32
      %dma_wait3A_253 = tpu.memref_slice %arg2[%dma_wait3A_251, %dma_wait3A_252] : memref<10240x128xf32, #tpu.memory_space<hbm>> -> memref<10240x128xf32, #tpu.memory_space<hbm>>
      tpu.wait_indirect_dma semaphore(%arg33 : memref<!tpu.dma_semaphore, #tpu.memory_space<semaphore_mem>>) src(%dma_wait3A_253 : memref<10240x128xf32, #tpu.memory_space<hbm>>) dst(%arg16 : memref<32x128xf32, #tpu.memory_space<vmem>>)
      %dma_wait3A_254 = arith.constant 32 : i32
      %dma_wait3A_255 = tpu.memref_slice %arg10[%dma_wait3A_254] : memref<64xi32, #tpu.memory_space<vmem>> -> memref<32xi32, #tpu.memory_space<vmem>>
      %dma_wait3A_256 = arith.constant 0 : i32
      %dma_wait3A_257 = arith.constant 0 : i32
      %dma_wait3A_258 = tpu.memref_slice %arg2[%dma_wait3A_256, %dma_wait3A_257] : memref<10240x128xf32, #tpu.memory_space<hbm>> -> memref<10240x128xf32, #tpu.memory_space<hbm>>
      tpu.wait_indirect_dma semaphore(%arg31 : memref<!tpu.dma_semaphore, #tpu.memory_space<semaphore_mem>>) src(%dma_wait3A_258 : memref<10240x128xf32, #tpu.memory_space<hbm>>) dst(%arg14 : memref<32x128xf32, #tpu.memory_space<vmem>>)
      %parallel_loop3A_259 = arith.constant 0 : i32
      %parallel_loop3A_260 = arith.constant 32 : i32
      %parallel_loop3A_261 = arith.constant 1 : i32
      scf.for %parallel_loop3A_585 = %parallel_loop3A_259 to %parallel_loop3A_260 step %parallel_loop3A_261  : i32 {
        %parallel_loop3A_586 = arith.index_cast %parallel_loop3A_585 : i32 to index
        %parallel_loop3A_587 = arith.constant 0 : index
        %parallel_loop3A_588 = tpu.vector_load %arg14[%parallel_loop3A_586, %parallel_loop3A_587] {strides = array<i32>} : memref<32x128xf32, #tpu.memory_space<vmem>>, vector<16xf32>,
        %parallel_loop3A_589 = arith.index_cast %parallel_loop3A_585 : i32 to index
        %parallel_loop3A_590 = arith.constant 16 : index
        %parallel_loop3A_591 = tpu.vector_load %arg14[%parallel_loop3A_589, %parallel_loop3A_590] {strides = array<i32>} : memref<32x128xf32, #tpu.memory_space<vmem>>, vector<16xf32>,
        %parallel_loop3A_592 = arith.index_cast %parallel_loop3A_585 : i32 to index
        %parallel_loop3A_593 = arith.constant 32 : index
        %parallel_loop3A_594 = tpu.vector_load %arg14[%parallel_loop3A_592, %parallel_loop3A_593] {strides = array<i32>} : memref<32x128xf32, #tpu.memory_space<vmem>>, vector<16xf32>,
        %parallel_loop3A_595 = arith.index_cast %parallel_loop3A_585 : i32 to index
        %parallel_loop3A_596 = arith.constant 48 : index
        %parallel_loop3A_597 = tpu.vector_load %arg14[%parallel_loop3A_595, %parallel_loop3A_596] {strides = array<i32>} : memref<32x128xf32, #tpu.memory_space<vmem>>, vector<16xf32>,
        %parallel_loop3A_598 = arith.index_cast %parallel_loop3A_585 : i32 to index
        %parallel_loop3A_599 = arith.constant 64 : index
        %parallel_loop3A_600 = tpu.vector_load %arg14[%parallel_loop3A_598, %parallel_loop3A_599] {strides = array<i32>} : memref<32x128xf32, #tpu.memory_space<vmem>>, vector<16xf32>,
        %parallel_loop3A_601 = arith.index_cast %parallel_loop3A_585 : i32 to index
        %parallel_loop3A_602 = arith.constant 80 : index
        %parallel_loop3A_603 = tpu.vector_load %arg14[%parallel_loop3A_601, %parallel_loop3A_602] {strides = array<i32>} : memref<32x128xf32, #tpu.memory_space<vmem>>, vector<16xf32>,
        %parallel_loop3A_604 = arith.index_cast %parallel_loop3A_585 : i32 to index
        %parallel_loop3A_605 = arith.constant 96 : index
        %parallel_loop3A_606 = tpu.vector_load %arg14[%parallel_loop3A_604, %parallel_loop3A_605] {strides = array<i32>} : memref<32x128xf32, #tpu.memory_space<vmem>>, vector<16xf32>,
        %parallel_loop3A_607 = arith.index_cast %parallel_loop3A_585 : i32 to index
        %parallel_loop3A_608 = arith.constant 112 : index
        %parallel_loop3A_609 = tpu.vector_load %arg14[%parallel_loop3A_607, %parallel_loop3A_608] {strides = array<i32>} : memref<32x128xf32, #tpu.memory_space<vmem>>, vector<16xf32>,
        %parallel_loop3A_610 = arith.index_cast %parallel_loop3A_585 : i32 to index
        %parallel_loop3A_611 = arith.constant 0 : index
        %parallel_loop3A_612 = tpu.vector_load %arg16[%parallel_loop3A_610, %parallel_loop3A_611] {strides = array<i32>} : memref<32x128xf32, #tpu.memory_space<vmem>>, vector<16xf32>,
        %parallel_loop3A_613 = arith.index_cast %parallel_loop3A_585 : i32 to index
        %parallel_loop3A_614 = arith.constant 16 : index
        %parallel_loop3A_615 = tpu.vector_load %arg16[%parallel_loop3A_613, %parallel_loop3A_614] {strides = array<i32>} : memref<32x128xf32, #tpu.memory_space<vmem>>, vector<16xf32>,
        %parallel_loop3A_616 = arith.index_cast %parallel_loop3A_585 : i32 to index
        %parallel_loop3A_617 = arith.constant 32 : index
        %parallel_loop3A_618 = tpu.vector_load %arg16[%parallel_loop3A_616, %parallel_loop3A_617] {strides = array<i32>} : memref<32x128xf32, #tpu.memory_space<vmem>>, vector<16xf32>,
        %parallel_loop3A_619 = arith.index_cast %parallel_loop3A_585 : i32 to index
        %parallel_loop3A_620 = arith.constant 48 : index
        %parallel_loop3A_621 = tpu.vector_load %arg16[%parallel_loop3A_619, %parallel_loop3A_620] {strides = array<i32>} : memref<32x128xf32, #tpu.memory_space<vmem>>, vector<16xf32>,
        %parallel_loop3A_622 = arith.index_cast %parallel_loop3A_585 : i32 to index
        %parallel_loop3A_623 = arith.constant 64 : index
        %parallel_loop3A_624 = tpu.vector_load %arg16[%parallel_loop3A_622, %parallel_loop3A_623] {strides = array<i32>} : memref<32x128xf32, #tpu.memory_space<vmem>>, vector<16xf32>,
        %parallel_loop3A_625 = arith.index_cast %parallel_loop3A_585 : i32 to index
        %parallel_loop3A_626 = arith.constant 80 : index
        %parallel_loop3A_627 = tpu.vector_load %arg16[%parallel_loop3A_625, %parallel_loop3A_626] {strides = array<i32>} : memref<32x128xf32, #tpu.memory_space<vmem>>, vector<16xf32>,
        %parallel_loop3A_628 = arith.index_cast %parallel_loop3A_585 : i32 to index
        %parallel_loop3A_629 = arith.constant 96 : index
        %parallel_loop3A_630 = tpu.vector_load %arg16[%parallel_loop3A_628, %parallel_loop3A_629] {strides = array<i32>} : memref<32x128xf32, #tpu.memory_space<vmem>>, vector<16xf32>,
        %parallel_loop3A_631 = arith.index_cast %parallel_loop3A_585 : i32 to index
        %parallel_loop3A_632 = arith.constant 112 : index
        %parallel_loop3A_633 = tpu.vector_load %arg16[%parallel_loop3A_631, %parallel_loop3A_632] {strides = array<i32>} : memref<32x128xf32, #tpu.memory_space<vmem>>, vector<16xf32>,
        %parallel_loop3A_634 = arith.mulf %parallel_loop3A_588, %parallel_loop3A_612 : vector<16xf32>
        %parallel_loop3A_635 = arith.mulf %parallel_loop3A_634, %get3A_43 : vector<16xf32>
        %parallel_loop3A_636 = arith.mulf %parallel_loop3A_588, %parallel_loop3A_612 : vector<16xf32>
        %parallel_loop3A_637 = arith.mulf %parallel_loop3A_636, %get3A_59 : vector<16xf32>
        %parallel_loop3A_638 = arith.mulf %parallel_loop3A_591, %parallel_loop3A_615 : vector<16xf32>
        %parallel_loop3A_639 = arith.mulf %parallel_loop3A_638, %get3A_45 : vector<16xf32>
        %parallel_loop3A_640 = arith.addf %parallel_loop3A_635, %parallel_loop3A_639 : vector<16xf32>
        %parallel_loop3A_641 = arith.mulf %parallel_loop3A_638, %get3A_61 : vector<16xf32>
        %parallel_loop3A_642 = arith.addf %parallel_loop3A_637, %parallel_loop3A_641 : vector<16xf32>
        %parallel_loop3A_643 = arith.mulf %parallel_loop3A_594, %parallel_loop3A_618 : vector<16xf32>
        %parallel_loop3A_644 = arith.mulf %parallel_loop3A_643, %get3A_47 : vector<16xf32>
        %parallel_loop3A_645 = arith.addf %parallel_loop3A_640, %parallel_loop3A_644 : vector<16xf32>
        %parallel_loop3A_646 = arith.mulf %parallel_loop3A_643, %get3A_63 : vector<16xf32>
        %parallel_loop3A_647 = arith.addf %parallel_loop3A_642, %parallel_loop3A_646 : vector<16xf32>
        %parallel_loop3A_648 = arith.mulf %parallel_loop3A_597, %parallel_loop3A_621 : vector<16xf32>
        %parallel_loop3A_649 = arith.mulf %parallel_loop3A_648, %get3A_49 : vector<16xf32>
        %parallel_loop3A_650 = arith.addf %parallel_loop3A_645, %parallel_loop3A_649 : vector<16xf32>
        %parallel_loop3A_651 = arith.mulf %parallel_loop3A_648, %get3A_65 : vector<16xf32>
        %parallel_loop3A_652 = arith.addf %parallel_loop3A_647, %parallel_loop3A_651 : vector<16xf32>
        %parallel_loop3A_653 = arith.mulf %parallel_loop3A_600, %parallel_loop3A_624 : vector<16xf32>
        %parallel_loop3A_654 = arith.mulf %parallel_loop3A_653, %get3A_51 : vector<16xf32>
        %parallel_loop3A_655 = arith.addf %parallel_loop3A_650, %parallel_loop3A_654 : vector<16xf32>
        %parallel_loop3A_656 = arith.mulf %parallel_loop3A_653, %get3A_67 : vector<16xf32>
        %parallel_loop3A_657 = arith.addf %parallel_loop3A_652, %parallel_loop3A_656 : vector<16xf32>
        %parallel_loop3A_658 = arith.mulf %parallel_loop3A_603, %parallel_loop3A_627 : vector<16xf32>
        %parallel_loop3A_659 = arith.mulf %parallel_loop3A_658, %get3A_53 : vector<16xf32>
        %parallel_loop3A_660 = arith.addf %parallel_loop3A_655, %parallel_loop3A_659 : vector<16xf32>
        %parallel_loop3A_661 = arith.mulf %parallel_loop3A_658, %get3A_69 : vector<16xf32>
        %parallel_loop3A_662 = arith.addf %parallel_loop3A_657, %parallel_loop3A_661 : vector<16xf32>
        %parallel_loop3A_663 = arith.mulf %parallel_loop3A_606, %parallel_loop3A_630 : vector<16xf32>
        %parallel_loop3A_664 = arith.mulf %parallel_loop3A_663, %get3A_55 : vector<16xf32>
        %parallel_loop3A_665 = arith.addf %parallel_loop3A_660, %parallel_loop3A_664 : vector<16xf32>
        %parallel_loop3A_666 = arith.mulf %parallel_loop3A_663, %get3A_71 : vector<16xf32>
        %parallel_loop3A_667 = arith.addf %parallel_loop3A_662, %parallel_loop3A_666 : vector<16xf32>
        %parallel_loop3A_668 = arith.mulf %parallel_loop3A_609, %parallel_loop3A_633 : vector<16xf32>
        %parallel_loop3A_669 = arith.mulf %parallel_loop3A_668, %get3A_57 : vector<16xf32>
        %parallel_loop3A_670 = arith.addf %parallel_loop3A_665, %parallel_loop3A_669 : vector<16xf32>
        %parallel_loop3A_671 = arith.mulf %parallel_loop3A_668, %get3A_73 : vector<16xf32>
        %parallel_loop3A_672 = arith.addf %parallel_loop3A_667, %parallel_loop3A_671 : vector<16xf32>
        %parallel_loop3A_673 = arith.constant true
        %parallel_loop3A_674 = vector.broadcast %parallel_loop3A_673 : i1 to vector<16xi1>
        %parallel_loop3A_675 = tpu.scan <sum>, %parallel_loop3A_670 masked %parallel_loop3A_674 : vector<16xf32>, vector<16xi1> -> vector<16xf32>
        %parallel_loop3A_676 = vector.extract_strided_slice %parallel_loop3A_675 {offsets = [15], sizes = [1], strides = [1]} : vector<16xf32> to vector<1xf32>
        %parallel_loop3A_677 = vector.extract %parallel_loop3A_676[0] : f32 from vector<1xf32>
        %parallel_loop3A_678 = vector.broadcast %parallel_loop3A_677 : f32 to vector<16xf32>
        %parallel_loop3A_679 = arith.constant 0.00999999977 : f32
        %parallel_loop3A_680 = vector.broadcast %parallel_loop3A_679 : f32 to vector<16xf32>
        %parallel_loop3A_681 = arith.mulf %parallel_loop3A_678, %parallel_loop3A_680 : vector<16xf32>
        %parallel_loop3A_682 = arith.maximumf %parallel_loop3A_678, %parallel_loop3A_681 : vector<16xf32>
        %parallel_loop3A_683 = math.exp %parallel_loop3A_682 : vector<16xf32>
        %parallel_loop3A_684 = arith.constant true
        %parallel_loop3A_685 = vector.broadcast %parallel_loop3A_684 : i1 to vector<16xi1>
        %parallel_loop3A_686 = tpu.scan <sum>, %parallel_loop3A_672 masked %parallel_loop3A_685 : vector<16xf32>, vector<16xi1> -> vector<16xf32>
        %parallel_loop3A_687 = vector.extract_strided_slice %parallel_loop3A_686 {offsets = [15], sizes = [1], strides = [1]} : vector<16xf32> to vector<1xf32>
        %parallel_loop3A_688 = vector.extract %parallel_loop3A_687[0] : f32 from vector<1xf32>
        %parallel_loop3A_689 = vector.broadcast %parallel_loop3A_688 : f32 to vector<16xf32>
        %parallel_loop3A_690 = arith.constant 0.00999999977 : f32
        %parallel_loop3A_691 = vector.broadcast %parallel_loop3A_690 : f32 to vector<16xf32>
        %parallel_loop3A_692 = arith.mulf %parallel_loop3A_689, %parallel_loop3A_691 : vector<16xf32>
        %parallel_loop3A_693 = arith.maximumf %parallel_loop3A_689, %parallel_loop3A_692 : vector<16xf32>
        %parallel_loop3A_694 = math.exp %parallel_loop3A_693 : vector<16xf32>
        %parallel_loop3A_695 = arith.mulf %parallel_loop3A_588, %parallel_loop3A_683 : vector<16xf32>
        %parallel_loop3A_696 = arith.index_cast %parallel_loop3A_585 : i32 to index
        %parallel_loop3A_697 = arith.constant 0 : index
        %parallel_loop3A_698 = tpu.vector_load %arg18[%parallel_loop3A_696, %parallel_loop3A_697] {strides = array<i32>} : memref<64x128xf32, #tpu.memory_space<vmem>>, vector<16xf32>,
        tpu.vector_store %arg18[%parallel_loop3A_696, %parallel_loop3A_697], %parallel_loop3A_695 {strides = array<i32>} : memref<64x128xf32, #tpu.memory_space<vmem>>, vector<16xf32>,
        %parallel_loop3A_699 = arith.mulf %parallel_loop3A_612, %parallel_loop3A_694 : vector<16xf32>
        %parallel_loop3A_700 = arith.constant 32 : i32
        %parallel_loop3A_701 = arith.addi %parallel_loop3A_700, %parallel_loop3A_585 : i32
        %parallel_loop3A_702 = arith.index_cast %parallel_loop3A_701 : i32 to index
        %parallel_loop3A_703 = arith.constant 0 : index
        %parallel_loop3A_704 = tpu.vector_load %arg18[%parallel_loop3A_702, %parallel_loop3A_703] {strides = array<i32>} : memref<64x128xf32, #tpu.memory_space<vmem>>, vector<16xf32>,
        tpu.vector_store %arg18[%parallel_loop3A_702, %parallel_loop3A_703], %parallel_loop3A_699 {strides = array<i32>} : memref<64x128xf32, #tpu.memory_space<vmem>>, vector<16xf32>,
        %parallel_loop3A_705 = arith.mulf %parallel_loop3A_591, %parallel_loop3A_683 : vector<16xf32>
        %parallel_loop3A_706 = arith.index_cast %parallel_loop3A_585 : i32 to index
        %parallel_loop3A_707 = arith.constant 16 : index
        %parallel_loop3A_708 = tpu.vector_load %arg18[%parallel_loop3A_706, %parallel_loop3A_707] {strides = array<i32>} : memref<64x128xf32, #tpu.memory_space<vmem>>, vector<16xf32>,
        tpu.vector_store %arg18[%parallel_loop3A_706, %parallel_loop3A_707], %parallel_loop3A_705 {strides = array<i32>} : memref<64x128xf32, #tpu.memory_space<vmem>>, vector<16xf32>,
        %parallel_loop3A_709 = arith.mulf %parallel_loop3A_615, %parallel_loop3A_694 : vector<16xf32>
        %parallel_loop3A_710 = arith.constant 32 : i32
        %parallel_loop3A_711 = arith.addi %parallel_loop3A_710, %parallel_loop3A_585 : i32
        %parallel_loop3A_712 = arith.index_cast %parallel_loop3A_711 : i32 to index
        %parallel_loop3A_713 = arith.constant 16 : index
        %parallel_loop3A_714 = tpu.vector_load %arg18[%parallel_loop3A_712, %parallel_loop3A_713] {strides = array<i32>} : memref<64x128xf32, #tpu.memory_space<vmem>>, vector<16xf32>,
        tpu.vector_store %arg18[%parallel_loop3A_712, %parallel_loop3A_713], %parallel_loop3A_709 {strides = array<i32>} : memref<64x128xf32, #tpu.memory_space<vmem>>, vector<16xf32>,
        %parallel_loop3A_715 = arith.mulf %parallel_loop3A_594, %parallel_loop3A_683 : vector<16xf32>
        %parallel_loop3A_716 = arith.index_cast %parallel_loop3A_585 : i32 to index
        %parallel_loop3A_717 = arith.constant 32 : index
        %parallel_loop3A_718 = tpu.vector_load %arg18[%parallel_loop3A_716, %parallel_loop3A_717] {strides = array<i32>} : memref<64x128xf32, #tpu.memory_space<vmem>>, vector<16xf32>,
        tpu.vector_store %arg18[%parallel_loop3A_716, %parallel_loop3A_717], %parallel_loop3A_715 {strides = array<i32>} : memref<64x128xf32, #tpu.memory_space<vmem>>, vector<16xf32>,
        %parallel_loop3A_719 = arith.mulf %parallel_loop3A_618, %parallel_loop3A_694 : vector<16xf32>
        %parallel_loop3A_720 = arith.constant 32 : i32
        %parallel_loop3A_721 = arith.addi %parallel_loop3A_720, %parallel_loop3A_585 : i32
        %parallel_loop3A_722 = arith.index_cast %parallel_loop3A_721 : i32 to index
        %parallel_loop3A_723 = arith.constant 32 : index
        %parallel_loop3A_724 = tpu.vector_load %arg18[%parallel_loop3A_722, %parallel_loop3A_723] {strides = array<i32>} : memref<64x128xf32, #tpu.memory_space<vmem>>, vector<16xf32>,
        tpu.vector_store %arg18[%parallel_loop3A_722, %parallel_loop3A_723], %parallel_loop3A_719 {strides = array<i32>} : memref<64x128xf32, #tpu.memory_space<vmem>>, vector<16xf32>,
        %parallel_loop3A_725 = arith.mulf %parallel_loop3A_597, %parallel_loop3A_683 : vector<16xf32>
        %parallel_loop3A_726 = arith.index_cast %parallel_loop3A_585 : i32 to index
        %parallel_loop3A_727 = arith.constant 48 : index
        %parallel_loop3A_728 = tpu.vector_load %arg18[%parallel_loop3A_726, %parallel_loop3A_727] {strides = array<i32>} : memref<64x128xf32, #tpu.memory_space<vmem>>, vector<16xf32>,
        tpu.vector_store %arg18[%parallel_loop3A_726, %parallel_loop3A_727], %parallel_loop3A_725 {strides = array<i32>} : memref<64x128xf32, #tpu.memory_space<vmem>>, vector<16xf32>,
        %parallel_loop3A_729 = arith.mulf %parallel_loop3A_621, %parallel_loop3A_694 : vector<16xf32>
        %parallel_loop3A_730 = arith.constant 32 : i32
        %parallel_loop3A_731 = arith.addi %parallel_loop3A_730, %parallel_loop3A_585 : i32
        %parallel_loop3A_732 = arith.index_cast %parallel_loop3A_731 : i32 to index
        %parallel_loop3A_733 = arith.constant 48 : index
        %parallel_loop3A_734 = tpu.vector_load %arg18[%parallel_loop3A_732, %parallel_loop3A_733] {strides = array<i32>} : memref<64x128xf32, #tpu.memory_space<vmem>>, vector<16xf32>,
        tpu.vector_store %arg18[%parallel_loop3A_732, %parallel_loop3A_733], %parallel_loop3A_729 {strides = array<i32>} : memref<64x128xf32, #tpu.memory_space<vmem>>, vector<16xf32>,
        %parallel_loop3A_735 = arith.mulf %parallel_loop3A_600, %parallel_loop3A_683 : vector<16xf32>
        %parallel_loop3A_736 = arith.index_cast %parallel_loop3A_585 : i32 to index
        %parallel_loop3A_737 = arith.constant 64 : index
        %parallel_loop3A_738 = tpu.vector_load %arg18[%parallel_loop3A_736, %parallel_loop3A_737] {strides = array<i32>} : memref<64x128xf32, #tpu.memory_space<vmem>>, vector<16xf32>,
        tpu.vector_store %arg18[%parallel_loop3A_736, %parallel_loop3A_737], %parallel_loop3A_735 {strides = array<i32>} : memref<64x128xf32, #tpu.memory_space<vmem>>, vector<16xf32>,
        %parallel_loop3A_739 = arith.mulf %parallel_loop3A_624, %parallel_loop3A_694 : vector<16xf32>
        %parallel_loop3A_740 = arith.constant 32 : i32
        %parallel_loop3A_741 = arith.addi %parallel_loop3A_740, %parallel_loop3A_585 : i32
        %parallel_loop3A_742 = arith.index_cast %parallel_loop3A_741 : i32 to index
        %parallel_loop3A_743 = arith.constant 64 : index
        %parallel_loop3A_744 = tpu.vector_load %arg18[%parallel_loop3A_742, %parallel_loop3A_743] {strides = array<i32>} : memref<64x128xf32, #tpu.memory_space<vmem>>, vector<16xf32>,
        tpu.vector_store %arg18[%parallel_loop3A_742, %parallel_loop3A_743], %parallel_loop3A_739 {strides = array<i32>} : memref<64x128xf32, #tpu.memory_space<vmem>>, vector<16xf32>,
        %parallel_loop3A_745 = arith.mulf %parallel_loop3A_603, %parallel_loop3A_683 : vector<16xf32>
        %parallel_loop3A_746 = arith.index_cast %parallel_loop3A_585 : i32 to index
        %parallel_loop3A_747 = arith.constant 80 : index
        %parallel_loop3A_748 = tpu.vector_load %arg18[%parallel_loop3A_746, %parallel_loop3A_747] {strides = array<i32>} : memref<64x128xf32, #tpu.memory_space<vmem>>, vector<16xf32>,
        tpu.vector_store %arg18[%parallel_loop3A_746, %parallel_loop3A_747], %parallel_loop3A_745 {strides = array<i32>} : memref<64x128xf32, #tpu.memory_space<vmem>>, vector<16xf32>,
        %parallel_loop3A_749 = arith.mulf %parallel_loop3A_627, %parallel_loop3A_694 : vector<16xf32>
        %parallel_loop3A_750 = arith.constant 32 : i32
        %parallel_loop3A_751 = arith.addi %parallel_loop3A_750, %parallel_loop3A_585 : i32
        %parallel_loop3A_752 = arith.index_cast %parallel_loop3A_751 : i32 to index
        %parallel_loop3A_753 = arith.constant 80 : index
        %parallel_loop3A_754 = tpu.vector_load %arg18[%parallel_loop3A_752, %parallel_loop3A_753] {strides = array<i32>} : memref<64x128xf32, #tpu.memory_space<vmem>>, vector<16xf32>,
        tpu.vector_store %arg18[%parallel_loop3A_752, %parallel_loop3A_753], %parallel_loop3A_749 {strides = array<i32>} : memref<64x128xf32, #tpu.memory_space<vmem>>, vector<16xf32>,
        %parallel_loop3A_755 = arith.mulf %parallel_loop3A_606, %parallel_loop3A_683 : vector<16xf32>
        %parallel_loop3A_756 = arith.index_cast %parallel_loop3A_585 : i32 to index
        %parallel_loop3A_757 = arith.constant 96 : index
        %parallel_loop3A_758 = tpu.vector_load %arg18[%parallel_loop3A_756, %parallel_loop3A_757] {strides = array<i32>} : memref<64x128xf32, #tpu.memory_space<vmem>>, vector<16xf32>,
        tpu.vector_store %arg18[%parallel_loop3A_756, %parallel_loop3A_757], %parallel_loop3A_755 {strides = array<i32>} : memref<64x128xf32, #tpu.memory_space<vmem>>, vector<16xf32>,
        %parallel_loop3A_759 = arith.mulf %parallel_loop3A_630, %parallel_loop3A_694 : vector<16xf32>
        %parallel_loop3A_760 = arith.constant 32 : i32
        %parallel_loop3A_761 = arith.addi %parallel_loop3A_760, %parallel_loop3A_585 : i32
        %parallel_loop3A_762 = arith.index_cast %parallel_loop3A_761 : i32 to index
        %parallel_loop3A_763 = arith.constant 96 : index
        %parallel_loop3A_764 = tpu.vector_load %arg18[%parallel_loop3A_762, %parallel_loop3A_763] {strides = array<i32>} : memref<64x128xf32, #tpu.memory_space<vmem>>, vector<16xf32>,
        tpu.vector_store %arg18[%parallel_loop3A_762, %parallel_loop3A_763], %parallel_loop3A_759 {strides = array<i32>} : memref<64x128xf32, #tpu.memory_space<vmem>>, vector<16xf32>,
        %parallel_loop3A_765 = arith.mulf %parallel_loop3A_609, %parallel_loop3A_683 : vector<16xf32>
        %parallel_loop3A_766 = arith.index_cast %parallel_loop3A_585 : i32 to index
        %parallel_loop3A_767 = arith.constant 112 : index
        %parallel_loop3A_768 = tpu.vector_load %arg18[%parallel_loop3A_766, %parallel_loop3A_767] {strides = array<i32>} : memref<64x128xf32, #tpu.memory_space<vmem>>, vector<16xf32>,
        tpu.vector_store %arg18[%parallel_loop3A_766, %parallel_loop3A_767], %parallel_loop3A_765 {strides = array<i32>} : memref<64x128xf32, #tpu.memory_space<vmem>>, vector<16xf32>,
        %parallel_loop3A_769 = arith.mulf %parallel_loop3A_633, %parallel_loop3A_694 : vector<16xf32>
        %parallel_loop3A_770 = arith.constant 32 : i32
        %parallel_loop3A_771 = arith.addi %parallel_loop3A_770, %parallel_loop3A_585 : i32
        %parallel_loop3A_772 = arith.index_cast %parallel_loop3A_771 : i32 to index
        %parallel_loop3A_773 = arith.constant 112 : index
        %parallel_loop3A_774 = tpu.vector_load %arg18[%parallel_loop3A_772, %parallel_loop3A_773] {strides = array<i32>} : memref<64x128xf32, #tpu.memory_space<vmem>>, vector<16xf32>,
        tpu.vector_store %arg18[%parallel_loop3A_772, %parallel_loop3A_773], %parallel_loop3A_769 {strides = array<i32>} : memref<64x128xf32, #tpu.memory_space<vmem>>, vector<16xf32>,
        %parallel_loop3A_775 = arith.constant 16 : i32
        %parallel_loop3A_776 = arith.muli %parallel_loop3A_585, %parallel_loop3A_775 : i32
        %parallel_loop3A_777 = arith.index_cast %parallel_loop3A_776 : i32 to index
        %parallel_loop3A_778 = tpu.vector_load %arg20[%parallel_loop3A_777] {strides = array<i32>} : memref<512xf32, #tpu.memory_space<vmem>>, vector<16xf32>,
        tpu.vector_store %arg20[%parallel_loop3A_777], %parallel_loop3A_683 {strides = array<i32>} : memref<512xf32, #tpu.memory_space<vmem>>, vector<16xf32>,
        %parallel_loop3A_779 = arith.constant 16 : i32
        %parallel_loop3A_780 = arith.muli %parallel_loop3A_585, %parallel_loop3A_779 : i32
        %parallel_loop3A_781 = arith.index_cast %parallel_loop3A_780 : i32 to index
        %parallel_loop3A_782 = tpu.vector_load %arg21[%parallel_loop3A_781] {strides = array<i32>} : memref<512xf32, #tpu.memory_space<vmem>>, vector<16xf32>,
        tpu.vector_store %arg21[%parallel_loop3A_781], %parallel_loop3A_694 {strides = array<i32>} : memref<512xf32, #tpu.memory_space<vmem>>, vector<16xf32>,
      } {sc.loop_unroll_factor = 1 : i64, sc.parallel_access}
      %get3A_262 = arith.constant 0 : index
      %get3A_263 = tpu.vector_load %arg10[%get3A_262] {strides = array<i32>} : memref<64xi32, #tpu.memory_space<vmem>>, vector<16xi32>,
      %get3A_264 = arith.constant 32 : index
      %get3A_265 = tpu.vector_load %arg10[%get3A_264] {strides = array<i32>} : memref<64xi32, #tpu.memory_space<vmem>>, vector<16xi32>,
      %mul3A_266 = arith.constant 16 : i32
      %mul3A_267 = vector.broadcast %mul3A_266 : i32 to vector<16xi32>
      %mul3A_268 = arith.muli %iota3A, %mul3A_267 : vector<16xi32>
      %add3A_269 = arith.constant 0 : i32
      %add3A_270 = vector.broadcast %add3A_269 : i32 to vector<16xi32>
      %add3A_271 = arith.addi %mul3A_268, %add3A_270 : vector<16xi32>
      %gather3A_272 = tpu.vector_load_idx %arg20[%add3A_271] : memref<512xf32, #tpu.memory_space<vmem>>[vector<16xi32>], vector<16xf32>,
      %gather3A_273 = tpu.vector_load_idx %arg21[%add3A_271] : memref<512xf32, #tpu.memory_space<vmem>>[vector<16xi32>], vector<16xf32>,
      %shift_right_arithmetic3A_274 = arith.constant 7 : i32
      %shift_right_arithmetic3A_275 = vector.broadcast %shift_right_arithmetic3A_274 : i32 to vector<16xi32>
      %shift_right_arithmetic3A_276 = arith.shrsi %get3A_263, %shift_right_arithmetic3A_275 : vector<16xi32>
      %and3A_277 = arith.constant 127 : i32
      %and3A_278 = vector.broadcast %and3A_277 : i32 to vector<16xi32>
      %and3A_279 = arith.andi %get3A_263, %and3A_278 : vector<16xi32>
      tpu.vector_store_idx %arg22[%shift_right_arithmetic3A_276, %and3A_279], %gather3A_272 {add = true} : memref<80x128xf32, #tpu.memory_space<vmem>>[vector<16xi32>, vector<16xi32>], vector<16xf32>,
      %shift_right_arithmetic3A_280 = arith.constant 7 : i32
      %shift_right_arithmetic3A_281 = vector.broadcast %shift_right_arithmetic3A_280 : i32 to vector<16xi32>
      %shift_right_arithmetic3A_282 = arith.shrsi %get3A_265, %shift_right_arithmetic3A_281 : vector<16xi32>
      %and3A_283 = arith.constant 127 : i32
      %and3A_284 = vector.broadcast %and3A_283 : i32 to vector<16xi32>
      %and3A_285 = arith.andi %get3A_265, %and3A_284 : vector<16xi32>
      tpu.vector_store_idx %arg22[%shift_right_arithmetic3A_282, %and3A_285], %gather3A_273 {add = true} : memref<80x128xf32, #tpu.memory_space<vmem>>[vector<16xi32>, vector<16xi32>], vector<16xf32>,
      %get3A_286 = arith.constant 16 : index
      %get3A_287 = tpu.vector_load %arg10[%get3A_286] {strides = array<i32>} : memref<64xi32, #tpu.memory_space<vmem>>, vector<16xi32>,
      %get3A_288 = arith.constant 48 : index
      %get3A_289 = tpu.vector_load %arg10[%get3A_288] {strides = array<i32>} : memref<64xi32, #tpu.memory_space<vmem>>, vector<16xi32>,
      %mul3A_290 = arith.constant 16 : i32
      %mul3A_291 = vector.broadcast %mul3A_290 : i32 to vector<16xi32>
      %mul3A_292 = arith.muli %iota3A, %mul3A_291 : vector<16xi32>
      %add3A_293 = arith.constant 256 : i32
      %add3A_294 = vector.broadcast %add3A_293 : i32 to vector<16xi32>
      %add3A_295 = arith.addi %mul3A_292, %add3A_294 : vector<16xi32>
      %gather3A_296 = tpu.vector_load_idx %arg20[%add3A_295] : memref<512xf32, #tpu.memory_space<vmem>>[vector<16xi32>], vector<16xf32>,
      %gather3A_297 = tpu.vector_load_idx %arg21[%add3A_295] : memref<512xf32, #tpu.memory_space<vmem>>[vector<16xi32>], vector<16xf32>,
      %shift_right_arithmetic3A_298 = arith.constant 7 : i32
      %shift_right_arithmetic3A_299 = vector.broadcast %shift_right_arithmetic3A_298 : i32 to vector<16xi32>
      %shift_right_arithmetic3A_300 = arith.shrsi %get3A_287, %shift_right_arithmetic3A_299 : vector<16xi32>
      %and3A_301 = arith.constant 127 : i32
      %and3A_302 = vector.broadcast %and3A_301 : i32 to vector<16xi32>
      %and3A_303 = arith.andi %get3A_287, %and3A_302 : vector<16xi32>
      tpu.vector_store_idx %arg22[%shift_right_arithmetic3A_300, %and3A_303], %gather3A_296 {add = true} : memref<80x128xf32, #tpu.memory_space<vmem>>[vector<16xi32>, vector<16xi32>], vector<16xf32>,
      %shift_right_arithmetic3A_304 = arith.constant 7 : i32
      %shift_right_arithmetic3A_305 = vector.broadcast %shift_right_arithmetic3A_304 : i32 to vector<16xi32>
      %shift_right_arithmetic3A_306 = arith.shrsi %get3A_289, %shift_right_arithmetic3A_305 : vector<16xi32>
      %and3A_307 = arith.constant 127 : i32
      %and3A_308 = vector.broadcast %and3A_307 : i32 to vector<16xi32>
      %and3A_309 = arith.andi %get3A_289, %and3A_308 : vector<16xi32>
      tpu.vector_store_idx %arg22[%shift_right_arithmetic3A_306, %and3A_309], %gather3A_297 {add = true} : memref<80x128xf32, #tpu.memory_space<vmem>>[vector<16xi32>, vector<16xi32>], vector<16xf32>,
      %ge3A = arith.constant 1 : i32
      %ge3A_310 = arith.cmpi sge, %add3A_241, %ge3A : i32
      %convert_element_type3A_311 = arith.extui %ge3A_310 : i1 to i32
      %cond3A_312 = arith.constant 0 : i32
      %cond3A_313 = arith.cmpi ne, %convert_element_type3A_311, %cond3A_312 : i32
      scf.if %cond3A_313 {
        %dma_wait3A_585 = arith.constant 0 : i32
        %dma_wait3A_586 = arith.constant 0 : i32
        %dma_wait3A_587 = tpu.memref_slice %arg8[%dma_wait3A_585, %dma_wait3A_586] : memref<10240x128xf32, #tpu.memory_space<vmem_shared>> -> memref<10240x128xf32, #tpu.memory_space<vmem_shared>>
        tpu.wait_indirect_dma semaphore(%arg36 : memref<!tpu.dma_semaphore, #tpu.memory_space<semaphore_mem>>) src(%arg19 : memref<64x128xf32, #tpu.memory_space<vmem>>) dst(%dma_wait3A_587 : memref<10240x128xf32, #tpu.memory_space<vmem_shared>>)
      } else {
      }
      %dma_start3A_314 = arith.constant 0 : i32
      %dma_start3A_315 = arith.constant 0 : i32
      %dma_start3A_316 = tpu.memref_slice %arg8[%dma_start3A_314, %dma_start3A_315] : memref<10240x128xf32, #tpu.memory_space<vmem_shared>> -> memref<10240x128xf32, #tpu.memory_space<vmem_shared>>
      tpu.enqueue_indirect_dma source(%arg18 : memref<64x128xf32, #tpu.memory_space<vmem>>) target(%dma_start3A_316 : memref<10240x128xf32, #tpu.memory_space<vmem_shared>>) offsets(%arg10 : memref<64xi32, #tpu.memory_space<vmem>>) semaphore(%arg35 : memref<!tpu.dma_semaphore, #tpu.memory_space<semaphore_mem>>) {add = true}
      %add3A_317 = arith.constant 2 : i32
      %add3A_318 = arith.addi %add3A_241, %add3A_317 : i32
      %lt3A_319 = arith.constant 313 : i32
      %lt3A_320 = arith.cmpi slt, %add3A_318, %lt3A_319 : i32
      %convert_element_type3A_321 = arith.extui %lt3A_320 : i1 to i32
      %cond3A_322 = arith.constant 0 : i32
      %cond3A_323 = arith.cmpi ne, %convert_element_type3A_321, %cond3A_322 : i32
      scf.if %cond3A_323 {
        %add3A_585 = arith.constant 2 : i32
        %add3A_586 = arith.addi %add3A_241, %add3A_585 : i32
        %mul3A_587 = arith.constant 32 : i32
        %mul3A_588 = arith.muli %add3A_586, %mul3A_587 : i32
        %add3A_589 = arith.addi %mul3A_75, %mul3A_588 : i32
        %add3A_590 = arith.constant 320512 : i32
        %add3A_591 = arith.addi %add3A_590, %add3A_589 : i32
        %dma_start3A_592 = arith.constant 0 : i32
        %dma_start3A_593 = tpu.memref_slice %arg12[%dma_start3A_592] : memref<64xi32, #tpu.memory_space<vmem>> -> memref<32xi32, #tpu.memory_space<vmem>>
        %dma_start3A_594 = tpu.memref_slice %arg3[%add3A_591] : memref<641024xi32, #tpu.memory_space<hbm>> -> memref<32xi32, #tpu.memory_space<hbm>>
        %dma_start3A_595 = arith.constant 0 : i32
        %dma_start3A_596 = tpu.memref_slice %arg12[%dma_start3A_595] : memref<64xi32, #tpu.memory_space<vmem>> -> memref<32xi32, #tpu.memory_space<vmem>>
        %dma_start3A_597 = tpu.memref_slice %arg3[%add3A_591] : memref<641024xi32, #tpu.memory_space<hbm>> -> memref<32xi32, #tpu.memory_space<hbm>>
        tpu.enqueue_dma source(%dma_start3A_597 : memref<32xi32, #tpu.memory_space<hbm>>) target(%dma_start3A_596 : memref<32xi32, #tpu.memory_space<vmem>>) target_semaphore(%arg29 : memref<!tpu.dma_semaphore, #tpu.memory_space<semaphore_mem>>)
        %dma_start3A_598 = arith.constant 32 : i32
        %dma_start3A_599 = tpu.memref_slice %arg12[%dma_start3A_598] : memref<64xi32, #tpu.memory_space<vmem>> -> memref<32xi32, #tpu.memory_space<vmem>>
        %dma_start3A_600 = tpu.memref_slice %arg3[%add3A_589] : memref<641024xi32, #tpu.memory_space<hbm>> -> memref<32xi32, #tpu.memory_space<hbm>>
        %dma_start3A_601 = arith.constant 32 : i32
        %dma_start3A_602 = tpu.memref_slice %arg12[%dma_start3A_601] : memref<64xi32, #tpu.memory_space<vmem>> -> memref<32xi32, #tpu.memory_space<vmem>>
        %dma_start3A_603 = tpu.memref_slice %arg3[%add3A_589] : memref<641024xi32, #tpu.memory_space<hbm>> -> memref<32xi32, #tpu.memory_space<hbm>>
        tpu.enqueue_dma source(%dma_start3A_603 : memref<32xi32, #tpu.memory_space<hbm>>) target(%dma_start3A_602 : memref<32xi32, #tpu.memory_space<vmem>>) target_semaphore(%arg29 : memref<!tpu.dma_semaphore, #tpu.memory_space<semaphore_mem>>)
      } else {
      }
      %mul3A_324 = arith.constant 4 : i32
      %mul3A_325 = arith.muli %mul3A_324, %scan3A_237 : i32
      %add3A_326 = arith.constant 1 : i32
      %add3A_327 = arith.addi %mul3A_325, %add3A_326 : i32
      %add3A_328 = arith.constant 1 : i32
      %add3A_329 = arith.addi %add3A_327, %add3A_328 : i32
      %lt3A_330 = arith.constant 313 : i32
      %lt3A_331 = arith.cmpi slt, %add3A_329, %lt3A_330 : i32
      %convert_element_type3A_332 = arith.extui %lt3A_331 : i1 to i32
      %cond3A_333 = arith.constant 0 : i32
      %cond3A_334 = arith.cmpi ne, %convert_element_type3A_332, %cond3A_333 : i32
      scf.if %cond3A_334 {
        %dma_wait3A_585 = arith.constant 0 : i32
        %dma_wait3A_586 = tpu.memref_slice %arg12[%dma_wait3A_585] : memref<64xi32, #tpu.memory_space<vmem>> -> memref<32xi32, #tpu.memory_space<vmem>>
        %dma_wait3A_587 = arith.constant 0 : i32
        %dma_wait3A_588 = tpu.memref_slice %arg3[%dma_wait3A_587] : memref<641024xi32, #tpu.memory_space<hbm>> -> memref<32xi32, #tpu.memory_space<hbm>>
        %dma_wait3A_589 = arith.constant 0 : i32
        %dma_wait3A_590 = tpu.memref_slice %arg12[%dma_wait3A_589] : memref<64xi32, #tpu.memory_space<vmem>> -> memref<32xi32, #tpu.memory_space<vmem>>
        %dma_wait3A_591 = arith.constant 0 : i32
        %dma_wait3A_592 = tpu.memref_slice %arg3[%dma_wait3A_591] : memref<641024xi32, #tpu.memory_space<hbm>> -> memref<32xi32, #tpu.memory_space<hbm>>
        tpu.wait_dma2 semaphore(%arg29 : memref<!tpu.dma_semaphore, #tpu.memory_space<semaphore_mem>>) src(%dma_wait3A_592 : memref<32xi32, #tpu.memory_space<hbm>>) dst(%dma_wait3A_590 : memref<32xi32, #tpu.memory_space<vmem>>)
        %dma_wait3A_593 = arith.constant 32 : i32
        %dma_wait3A_594 = tpu.memref_slice %arg12[%dma_wait3A_593] : memref<64xi32, #tpu.memory_space<vmem>> -> memref<32xi32, #tpu.memory_space<vmem>>
        %dma_wait3A_595 = arith.constant 0 : i32
        %dma_wait3A_596 = tpu.memref_slice %arg3[%dma_wait3A_595] : memref<641024xi32, #tpu.memory_space<hbm>> -> memref<32xi32, #tpu.memory_space<hbm>>
        %dma_wait3A_597 = arith.constant 32 : i32
        %dma_wait3A_598 = tpu.memref_slice %arg12[%dma_wait3A_597] : memref<64xi32, #tpu.memory_space<vmem>> -> memref<32xi32, #tpu.memory_space<vmem>>
        %dma_wait3A_599 = arith.constant 0 : i32
        %dma_wait3A_600 = tpu.memref_slice %arg3[%dma_wait3A_599] : memref<641024xi32, #tpu.memory_space<hbm>> -> memref<32xi32, #tpu.memory_space<hbm>>
        tpu.wait_dma2 semaphore(%arg29 : memref<!tpu.dma_semaphore, #tpu.memory_space<semaphore_mem>>) src(%dma_wait3A_600 : memref<32xi32, #tpu.memory_space<hbm>>) dst(%dma_wait3A_598 : memref<32xi32, #tpu.memory_space<vmem>>)
        %dma_start3A_601 = arith.constant 0 : i32
        %dma_start3A_602 = tpu.memref_slice %arg12[%dma_start3A_601] : memref<64xi32, #tpu.memory_space<vmem>> -> memref<32xi32, #tpu.memory_space<vmem>>
        %dma_start3A_603 = arith.constant 0 : i32
        %dma_start3A_604 = arith.constant 0 : i32
        %dma_start3A_605 = tpu.memref_slice %arg2[%dma_start3A_603, %dma_start3A_604] : memref<10240x128xf32, #tpu.memory_space<hbm>> -> memref<10240x128xf32, #tpu.memory_space<hbm>>
        tpu.enqueue_indirect_dma source(%dma_start3A_605 : memref<10240x128xf32, #tpu.memory_space<hbm>>) target(%arg16 : memref<32x128xf32, #tpu.memory_space<vmem>>) offsets(%dma_start3A_602 : memref<32xi32, #tpu.memory_space<vmem>>) semaphore(%arg33 : memref<!tpu.dma_semaphore, #tpu.memory_space<semaphore_mem>>)
        %dma_start3A_606 = arith.constant 32 : i32
        %dma_start3A_607 = tpu.memref_slice %arg12[%dma_start3A_606] : memref<64xi32, #tpu.memory_space<vmem>> -> memref<32xi32, #tpu.memory_space<vmem>>
        %dma_start3A_608 = arith.constant 0 : i32
        %dma_start3A_609 = arith.constant 0 : i32
        %dma_start3A_610 = tpu.memref_slice %arg2[%dma_start3A_608, %dma_start3A_609] : memref<10240x128xf32, #tpu.memory_space<hbm>> -> memref<10240x128xf32, #tpu.memory_space<hbm>>
        tpu.enqueue_indirect_dma source(%dma_start3A_610 : memref<10240x128xf32, #tpu.memory_space<hbm>>) target(%arg14 : memref<32x128xf32, #tpu.memory_space<vmem>>) offsets(%dma_start3A_607 : memref<32xi32, #tpu.memory_space<vmem>>) semaphore(%arg31 : memref<!tpu.dma_semaphore, #tpu.memory_space<semaphore_mem>>)
      } else {
      }
      %dma_wait3A_335 = arith.constant 0 : i32
      %dma_wait3A_336 = tpu.memref_slice %arg11[%dma_wait3A_335] : memref<64xi32, #tpu.memory_space<vmem>> -> memref<32xi32, #tpu.memory_space<vmem>>
      %dma_wait3A_337 = arith.constant 0 : i32
      %dma_wait3A_338 = arith.constant 0 : i32
      %dma_wait3A_339 = tpu.memref_slice %arg2[%dma_wait3A_337, %dma_wait3A_338] : memref<10240x128xf32, #tpu.memory_space<hbm>> -> memref<10240x128xf32, #tpu.memory_space<hbm>>
      tpu.wait_indirect_dma semaphore(%arg34 : memref<!tpu.dma_semaphore, #tpu.memory_space<semaphore_mem>>) src(%dma_wait3A_339 : memref<10240x128xf32, #tpu.memory_space<hbm>>) dst(%arg17 : memref<32x128xf32, #tpu.memory_space<vmem>>)
      %dma_wait3A_340 = arith.constant 32 : i32
      %dma_wait3A_341 = tpu.memref_slice %arg11[%dma_wait3A_340] : memref<64xi32, #tpu.memory_space<vmem>> -> memref<32xi32, #tpu.memory_space<vmem>>
      %dma_wait3A_342 = arith.constant 0 : i32
      %dma_wait3A_343 = arith.constant 0 : i32
      %dma_wait3A_344 = tpu.memref_slice %arg2[%dma_wait3A_342, %dma_wait3A_343] : memref<10240x128xf32, #tpu.memory_space<hbm>> -> memref<10240x128xf32, #tpu.memory_space<hbm>>
      tpu.wait_indirect_dma semaphore(%arg32 : memref<!tpu.dma_semaphore, #tpu.memory_space<semaphore_mem>>) src(%dma_wait3A_344 : memref<10240x128xf32, #tpu.memory_space<hbm>>) dst(%arg15 : memref<32x128xf32, #tpu.memory_space<vmem>>)
      %parallel_loop3A_345 = arith.constant 0 : i32
      %parallel_loop3A_346 = arith.constant 32 : i32
      %parallel_loop3A_347 = arith.constant 1 : i32
      scf.for %parallel_loop3A_585 = %parallel_loop3A_345 to %parallel_loop3A_346 step %parallel_loop3A_347  : i32 {
        %parallel_loop3A_586 = arith.index_cast %parallel_loop3A_585 : i32 to index
        %parallel_loop3A_587 = arith.constant 0 : index
        %parallel_loop3A_588 = tpu.vector_load %arg15[%parallel_loop3A_586, %parallel_loop3A_587] {strides = array<i32>} : memref<32x128xf32, #tpu.memory_space<vmem>>, vector<16xf32>,
        %parallel_loop3A_589 = arith.index_cast %parallel_loop3A_585 : i32 to index
        %parallel_loop3A_590 = arith.constant 16 : index
        %parallel_loop3A_591 = tpu.vector_load %arg15[%parallel_loop3A_589, %parallel_loop3A_590] {strides = array<i32>} : memref<32x128xf32, #tpu.memory_space<vmem>>, vector<16xf32>,
        %parallel_loop3A_592 = arith.index_cast %parallel_loop3A_585 : i32 to index
        %parallel_loop3A_593 = arith.constant 32 : index
        %parallel_loop3A_594 = tpu.vector_load %arg15[%parallel_loop3A_592, %parallel_loop3A_593] {strides = array<i32>} : memref<32x128xf32, #tpu.memory_space<vmem>>, vector<16xf32>,
        %parallel_loop3A_595 = arith.index_cast %parallel_loop3A_585 : i32 to index
        %parallel_loop3A_596 = arith.constant 48 : index
        %parallel_loop3A_597 = tpu.vector_load %arg15[%parallel_loop3A_595, %parallel_loop3A_596] {strides = array<i32>} : memref<32x128xf32, #tpu.memory_space<vmem>>, vector<16xf32>,
        %parallel_loop3A_598 = arith.index_cast %parallel_loop3A_585 : i32 to index
        %parallel_loop3A_599 = arith.constant 64 : index
        %parallel_loop3A_600 = tpu.vector_load %arg15[%parallel_loop3A_598, %parallel_loop3A_599] {strides = array<i32>} : memref<32x128xf32, #tpu.memory_space<vmem>>, vector<16xf32>,
        %parallel_loop3A_601 = arith.index_cast %parallel_loop3A_585 : i32 to index
        %parallel_loop3A_602 = arith.constant 80 : index
        %parallel_loop3A_603 = tpu.vector_load %arg15[%parallel_loop3A_601, %parallel_loop3A_602] {strides = array<i32>} : memref<32x128xf32, #tpu.memory_space<vmem>>, vector<16xf32>,
        %parallel_loop3A_604 = arith.index_cast %parallel_loop3A_585 : i32 to index
        %parallel_loop3A_605 = arith.constant 96 : index
        %parallel_loop3A_606 = tpu.vector_load %arg15[%parallel_loop3A_604, %parallel_loop3A_605] {strides = array<i32>} : memref<32x128xf32, #tpu.memory_space<vmem>>, vector<16xf32>,
        %parallel_loop3A_607 = arith.index_cast %parallel_loop3A_585 : i32 to index
        %parallel_loop3A_608 = arith.constant 112 : index
        %parallel_loop3A_609 = tpu.vector_load %arg15[%parallel_loop3A_607, %parallel_loop3A_608] {strides = array<i32>} : memref<32x128xf32, #tpu.memory_space<vmem>>, vector<16xf32>,
        %parallel_loop3A_610 = arith.index_cast %parallel_loop3A_585 : i32 to index
        %parallel_loop3A_611 = arith.constant 0 : index
        %parallel_loop3A_612 = tpu.vector_load %arg17[%parallel_loop3A_610, %parallel_loop3A_611] {strides = array<i32>} : memref<32x128xf32, #tpu.memory_space<vmem>>, vector<16xf32>,
        %parallel_loop3A_613 = arith.index_cast %parallel_loop3A_585 : i32 to index
        %parallel_loop3A_614 = arith.constant 16 : index
        %parallel_loop3A_615 = tpu.vector_load %arg17[%parallel_loop3A_613, %parallel_loop3A_614] {strides = array<i32>} : memref<32x128xf32, #tpu.memory_space<vmem>>, vector<16xf32>,
        %parallel_loop3A_616 = arith.index_cast %parallel_loop3A_585 : i32 to index
        %parallel_loop3A_617 = arith.constant 32 : index
        %parallel_loop3A_618 = tpu.vector_load %arg17[%parallel_loop3A_616, %parallel_loop3A_617] {strides = array<i32>} : memref<32x128xf32, #tpu.memory_space<vmem>>, vector<16xf32>,
        %parallel_loop3A_619 = arith.index_cast %parallel_loop3A_585 : i32 to index
        %parallel_loop3A_620 = arith.constant 48 : index
        %parallel_loop3A_621 = tpu.vector_load %arg17[%parallel_loop3A_619, %parallel_loop3A_620] {strides = array<i32>} : memref<32x128xf32, #tpu.memory_space<vmem>>, vector<16xf32>,
        %parallel_loop3A_622 = arith.index_cast %parallel_loop3A_585 : i32 to index
        %parallel_loop3A_623 = arith.constant 64 : index
        %parallel_loop3A_624 = tpu.vector_load %arg17[%parallel_loop3A_622, %parallel_loop3A_623] {strides = array<i32>} : memref<32x128xf32, #tpu.memory_space<vmem>>, vector<16xf32>,
        %parallel_loop3A_625 = arith.index_cast %parallel_loop3A_585 : i32 to index
        %parallel_loop3A_626 = arith.constant 80 : index
        %parallel_loop3A_627 = tpu.vector_load %arg17[%parallel_loop3A_625, %parallel_loop3A_626] {strides = array<i32>} : memref<32x128xf32, #tpu.memory_space<vmem>>, vector<16xf32>,
        %parallel_loop3A_628 = arith.index_cast %parallel_loop3A_585 : i32 to index
        %parallel_loop3A_629 = arith.constant 96 : index
        %parallel_loop3A_630 = tpu.vector_load %arg17[%parallel_loop3A_628, %parallel_loop3A_629] {strides = array<i32>} : memref<32x128xf32, #tpu.memory_space<vmem>>, vector<16xf32>,
        %parallel_loop3A_631 = arith.index_cast %parallel_loop3A_585 : i32 to index
        %parallel_loop3A_632 = arith.constant 112 : index
        %parallel_loop3A_633 = tpu.vector_load %arg17[%parallel_loop3A_631, %parallel_loop3A_632] {strides = array<i32>} : memref<32x128xf32, #tpu.memory_space<vmem>>, vector<16xf32>,
        %parallel_loop3A_634 = arith.mulf %parallel_loop3A_588, %parallel_loop3A_612 : vector<16xf32>
        %parallel_loop3A_635 = arith.mulf %parallel_loop3A_634, %get3A_43 : vector<16xf32>
        %parallel_loop3A_636 = arith.mulf %parallel_loop3A_588, %parallel_loop3A_612 : vector<16xf32>
        %parallel_loop3A_637 = arith.mulf %parallel_loop3A_636, %get3A_59 : vector<16xf32>
        %parallel_loop3A_638 = arith.mulf %parallel_loop3A_591, %parallel_loop3A_615 : vector<16xf32>
        %parallel_loop3A_639 = arith.mulf %parallel_loop3A_638, %get3A_45 : vector<16xf32>
        %parallel_loop3A_640 = arith.addf %parallel_loop3A_635, %parallel_loop3A_639 : vector<16xf32>
        %parallel_loop3A_641 = arith.mulf %parallel_loop3A_638, %get3A_61 : vector<16xf32>
        %parallel_loop3A_642 = arith.addf %parallel_loop3A_637, %parallel_loop3A_641 : vector<16xf32>
        %parallel_loop3A_643 = arith.mulf %parallel_loop3A_594, %parallel_loop3A_618 : vector<16xf32>
        %parallel_loop3A_644 = arith.mulf %parallel_loop3A_643, %get3A_47 : vector<16xf32>
        %parallel_loop3A_645 = arith.addf %parallel_loop3A_640, %parallel_loop3A_644 : vector<16xf32>
        %parallel_loop3A_646 = arith.mulf %parallel_loop3A_643, %get3A_63 : vector<16xf32>
        %parallel_loop3A_647 = arith.addf %parallel_loop3A_642, %parallel_loop3A_646 : vector<16xf32>
        %parallel_loop3A_648 = arith.mulf %parallel_loop3A_597, %parallel_loop3A_621 : vector<16xf32>
        %parallel_loop3A_649 = arith.mulf %parallel_loop3A_648, %get3A_49 : vector<16xf32>
        %parallel_loop3A_650 = arith.addf %parallel_loop3A_645, %parallel_loop3A_649 : vector<16xf32>
        %parallel_loop3A_651 = arith.mulf %parallel_loop3A_648, %get3A_65 : vector<16xf32>
        %parallel_loop3A_652 = arith.addf %parallel_loop3A_647, %parallel_loop3A_651 : vector<16xf32>
        %parallel_loop3A_653 = arith.mulf %parallel_loop3A_600, %parallel_loop3A_624 : vector<16xf32>
        %parallel_loop3A_654 = arith.mulf %parallel_loop3A_653, %get3A_51 : vector<16xf32>
        %parallel_loop3A_655 = arith.addf %parallel_loop3A_650, %parallel_loop3A_654 : vector<16xf32>
        %parallel_loop3A_656 = arith.mulf %parallel_loop3A_653, %get3A_67 : vector<16xf32>
        %parallel_loop3A_657 = arith.addf %parallel_loop3A_652, %parallel_loop3A_656 : vector<16xf32>
        %parallel_loop3A_658 = arith.mulf %parallel_loop3A_603, %parallel_loop3A_627 : vector<16xf32>
        %parallel_loop3A_659 = arith.mulf %parallel_loop3A_658, %get3A_53 : vector<16xf32>
        %parallel_loop3A_660 = arith.addf %parallel_loop3A_655, %parallel_loop3A_659 : vector<16xf32>
        %parallel_loop3A_661 = arith.mulf %parallel_loop3A_658, %get3A_69 : vector<16xf32>
        %parallel_loop3A_662 = arith.addf %parallel_loop3A_657, %parallel_loop3A_661 : vector<16xf32>
        %parallel_loop3A_663 = arith.mulf %parallel_loop3A_606, %parallel_loop3A_630 : vector<16xf32>
        %parallel_loop3A_664 = arith.mulf %parallel_loop3A_663, %get3A_55 : vector<16xf32>
        %parallel_loop3A_665 = arith.addf %parallel_loop3A_660, %parallel_loop3A_664 : vector<16xf32>
        %parallel_loop3A_666 = arith.mulf %parallel_loop3A_663, %get3A_71 : vector<16xf32>
        %parallel_loop3A_667 = arith.addf %parallel_loop3A_662, %parallel_loop3A_666 : vector<16xf32>
        %parallel_loop3A_668 = arith.mulf %parallel_loop3A_609, %parallel_loop3A_633 : vector<16xf32>
        %parallel_loop3A_669 = arith.mulf %parallel_loop3A_668, %get3A_57 : vector<16xf32>
        %parallel_loop3A_670 = arith.addf %parallel_loop3A_665, %parallel_loop3A_669 : vector<16xf32>
        %parallel_loop3A_671 = arith.mulf %parallel_loop3A_668, %get3A_73 : vector<16xf32>
        %parallel_loop3A_672 = arith.addf %parallel_loop3A_667, %parallel_loop3A_671 : vector<16xf32>
        %parallel_loop3A_673 = arith.constant true
        %parallel_loop3A_674 = vector.broadcast %parallel_loop3A_673 : i1 to vector<16xi1>
        %parallel_loop3A_675 = tpu.scan <sum>, %parallel_loop3A_670 masked %parallel_loop3A_674 : vector<16xf32>, vector<16xi1> -> vector<16xf32>
        %parallel_loop3A_676 = vector.extract_strided_slice %parallel_loop3A_675 {offsets = [15], sizes = [1], strides = [1]} : vector<16xf32> to vector<1xf32>
        %parallel_loop3A_677 = vector.extract %parallel_loop3A_676[0] : f32 from vector<1xf32>
        %parallel_loop3A_678 = vector.broadcast %parallel_loop3A_677 : f32 to vector<16xf32>
        %parallel_loop3A_679 = arith.constant 0.00999999977 : f32
        %parallel_loop3A_680 = vector.broadcast %parallel_loop3A_679 : f32 to vector<16xf32>
        %parallel_loop3A_681 = arith.mulf %parallel_loop3A_678, %parallel_loop3A_680 : vector<16xf32>
        %parallel_loop3A_682 = arith.maximumf %parallel_loop3A_678, %parallel_loop3A_681 : vector<16xf32>
        %parallel_loop3A_683 = math.exp %parallel_loop3A_682 : vector<16xf32>
        %parallel_loop3A_684 = arith.constant true
        %parallel_loop3A_685 = vector.broadcast %parallel_loop3A_684 : i1 to vector<16xi1>
        %parallel_loop3A_686 = tpu.scan <sum>, %parallel_loop3A_672 masked %parallel_loop3A_685 : vector<16xf32>, vector<16xi1> -> vector<16xf32>
        %parallel_loop3A_687 = vector.extract_strided_slice %parallel_loop3A_686 {offsets = [15], sizes = [1], strides = [1]} : vector<16xf32> to vector<1xf32>
        %parallel_loop3A_688 = vector.extract %parallel_loop3A_687[0] : f32 from vector<1xf32>
        %parallel_loop3A_689 = vector.broadcast %parallel_loop3A_688 : f32 to vector<16xf32>
        %parallel_loop3A_690 = arith.constant 0.00999999977 : f32
        %parallel_loop3A_691 = vector.broadcast %parallel_loop3A_690 : f32 to vector<16xf32>
        %parallel_loop3A_692 = arith.mulf %parallel_loop3A_689, %parallel_loop3A_691 : vector<16xf32>
        %parallel_loop3A_693 = arith.maximumf %parallel_loop3A_689, %parallel_loop3A_692 : vector<16xf32>
        %parallel_loop3A_694 = math.exp %parallel_loop3A_693 : vector<16xf32>
        %parallel_loop3A_695 = arith.mulf %parallel_loop3A_588, %parallel_loop3A_683 : vector<16xf32>
        %parallel_loop3A_696 = arith.index_cast %parallel_loop3A_585 : i32 to index
        %parallel_loop3A_697 = arith.constant 0 : index
        %parallel_loop3A_698 = tpu.vector_load %arg19[%parallel_loop3A_696, %parallel_loop3A_697] {strides = array<i32>} : memref<64x128xf32, #tpu.memory_space<vmem>>, vector<16xf32>,
        tpu.vector_store %arg19[%parallel_loop3A_696, %parallel_loop3A_697], %parallel_loop3A_695 {strides = array<i32>} : memref<64x128xf32, #tpu.memory_space<vmem>>, vector<16xf32>,
        %parallel_loop3A_699 = arith.mulf %parallel_loop3A_612, %parallel_loop3A_694 : vector<16xf32>
        %parallel_loop3A_700 = arith.constant 32 : i32
        %parallel_loop3A_701 = arith.addi %parallel_loop3A_700, %parallel_loop3A_585 : i32
        %parallel_loop3A_702 = arith.index_cast %parallel_loop3A_701 : i32 to index
        %parallel_loop3A_703 = arith.constant 0 : index
        %parallel_loop3A_704 = tpu.vector_load %arg19[%parallel_loop3A_702, %parallel_loop3A_703] {strides = array<i32>} : memref<64x128xf32, #tpu.memory_space<vmem>>, vector<16xf32>,
        tpu.vector_store %arg19[%parallel_loop3A_702, %parallel_loop3A_703], %parallel_loop3A_699 {strides = array<i32>} : memref<64x128xf32, #tpu.memory_space<vmem>>, vector<16xf32>,
        %parallel_loop3A_705 = arith.mulf %parallel_loop3A_591, %parallel_loop3A_683 : vector<16xf32>
        %parallel_loop3A_706 = arith.index_cast %parallel_loop3A_585 : i32 to index
        %parallel_loop3A_707 = arith.constant 16 : index
        %parallel_loop3A_708 = tpu.vector_load %arg19[%parallel_loop3A_706, %parallel_loop3A_707] {strides = array<i32>} : memref<64x128xf32, #tpu.memory_space<vmem>>, vector<16xf32>,
        tpu.vector_store %arg19[%parallel_loop3A_706, %parallel_loop3A_707], %parallel_loop3A_705 {strides = array<i32>} : memref<64x128xf32, #tpu.memory_space<vmem>>, vector<16xf32>,
        %parallel_loop3A_709 = arith.mulf %parallel_loop3A_615, %parallel_loop3A_694 : vector<16xf32>
        %parallel_loop3A_710 = arith.constant 32 : i32
        %parallel_loop3A_711 = arith.addi %parallel_loop3A_710, %parallel_loop3A_585 : i32
        %parallel_loop3A_712 = arith.index_cast %parallel_loop3A_711 : i32 to index
        %parallel_loop3A_713 = arith.constant 16 : index
        %parallel_loop3A_714 = tpu.vector_load %arg19[%parallel_loop3A_712, %parallel_loop3A_713] {strides = array<i32>} : memref<64x128xf32, #tpu.memory_space<vmem>>, vector<16xf32>,
        tpu.vector_store %arg19[%parallel_loop3A_712, %parallel_loop3A_713], %parallel_loop3A_709 {strides = array<i32>} : memref<64x128xf32, #tpu.memory_space<vmem>>, vector<16xf32>,
        %parallel_loop3A_715 = arith.mulf %parallel_loop3A_594, %parallel_loop3A_683 : vector<16xf32>
        %parallel_loop3A_716 = arith.index_cast %parallel_loop3A_585 : i32 to index
        %parallel_loop3A_717 = arith.constant 32 : index
        %parallel_loop3A_718 = tpu.vector_load %arg19[%parallel_loop3A_716, %parallel_loop3A_717] {strides = array<i32>} : memref<64x128xf32, #tpu.memory_space<vmem>>, vector<16xf32>,
        tpu.vector_store %arg19[%parallel_loop3A_716, %parallel_loop3A_717], %parallel_loop3A_715 {strides = array<i32>} : memref<64x128xf32, #tpu.memory_space<vmem>>, vector<16xf32>,
        %parallel_loop3A_719 = arith.mulf %parallel_loop3A_618, %parallel_loop3A_694 : vector<16xf32>
        %parallel_loop3A_720 = arith.constant 32 : i32
        %parallel_loop3A_721 = arith.addi %parallel_loop3A_720, %parallel_loop3A_585 : i32
        %parallel_loop3A_722 = arith.index_cast %parallel_loop3A_721 : i32 to index
        %parallel_loop3A_723 = arith.constant 32 : index
        %parallel_loop3A_724 = tpu.vector_load %arg19[%parallel_loop3A_722, %parallel_loop3A_723] {strides = array<i32>} : memref<64x128xf32, #tpu.memory_space<vmem>>, vector<16xf32>,
        tpu.vector_store %arg19[%parallel_loop3A_722, %parallel_loop3A_723], %parallel_loop3A_719 {strides = array<i32>} : memref<64x128xf32, #tpu.memory_space<vmem>>, vector<16xf32>,
        %parallel_loop3A_725 = arith.mulf %parallel_loop3A_597, %parallel_loop3A_683 : vector<16xf32>
        %parallel_loop3A_726 = arith.index_cast %parallel_loop3A_585 : i32 to index
        %parallel_loop3A_727 = arith.constant 48 : index
        %parallel_loop3A_728 = tpu.vector_load %arg19[%parallel_loop3A_726, %parallel_loop3A_727] {strides = array<i32>} : memref<64x128xf32, #tpu.memory_space<vmem>>, vector<16xf32>,
        tpu.vector_store %arg19[%parallel_loop3A_726, %parallel_loop3A_727], %parallel_loop3A_725 {strides = array<i32>} : memref<64x128xf32, #tpu.memory_space<vmem>>, vector<16xf32>,
        %parallel_loop3A_729 = arith.mulf %parallel_loop3A_621, %parallel_loop3A_694 : vector<16xf32>
        %parallel_loop3A_730 = arith.constant 32 : i32
        %parallel_loop3A_731 = arith.addi %parallel_loop3A_730, %parallel_loop3A_585 : i32
        %parallel_loop3A_732 = arith.index_cast %parallel_loop3A_731 : i32 to index
        %parallel_loop3A_733 = arith.constant 48 : index
        %parallel_loop3A_734 = tpu.vector_load %arg19[%parallel_loop3A_732, %parallel_loop3A_733] {strides = array<i32>} : memref<64x128xf32, #tpu.memory_space<vmem>>, vector<16xf32>,
        tpu.vector_store %arg19[%parallel_loop3A_732, %parallel_loop3A_733], %parallel_loop3A_729 {strides = array<i32>} : memref<64x128xf32, #tpu.memory_space<vmem>>, vector<16xf32>,
        %parallel_loop3A_735 = arith.mulf %parallel_loop3A_600, %parallel_loop3A_683 : vector<16xf32>
        %parallel_loop3A_736 = arith.index_cast %parallel_loop3A_585 : i32 to index
        %parallel_loop3A_737 = arith.constant 64 : index
        %parallel_loop3A_738 = tpu.vector_load %arg19[%parallel_loop3A_736, %parallel_loop3A_737] {strides = array<i32>} : memref<64x128xf32, #tpu.memory_space<vmem>>, vector<16xf32>,
        tpu.vector_store %arg19[%parallel_loop3A_736, %parallel_loop3A_737], %parallel_loop3A_735 {strides = array<i32>} : memref<64x128xf32, #tpu.memory_space<vmem>>, vector<16xf32>,
        %parallel_loop3A_739 = arith.mulf %parallel_loop3A_624, %parallel_loop3A_694 : vector<16xf32>
        %parallel_loop3A_740 = arith.constant 32 : i32
        %parallel_loop3A_741 = arith.addi %parallel_loop3A_740, %parallel_loop3A_585 : i32
        %parallel_loop3A_742 = arith.index_cast %parallel_loop3A_741 : i32 to index
        %parallel_loop3A_743 = arith.constant 64 : index
        %parallel_loop3A_744 = tpu.vector_load %arg19[%parallel_loop3A_742, %parallel_loop3A_743] {strides = array<i32>} : memref<64x128xf32, #tpu.memory_space<vmem>>, vector<16xf32>,
        tpu.vector_store %arg19[%parallel_loop3A_742, %parallel_loop3A_743], %parallel_loop3A_739 {strides = array<i32>} : memref<64x128xf32, #tpu.memory_space<vmem>>, vector<16xf32>,
        %parallel_loop3A_745 = arith.mulf %parallel_loop3A_603, %parallel_loop3A_683 : vector<16xf32>
        %parallel_loop3A_746 = arith.index_cast %parallel_loop3A_585 : i32 to index
        %parallel_loop3A_747 = arith.constant 80 : index
        %parallel_loop3A_748 = tpu.vector_load %arg19[%parallel_loop3A_746, %parallel_loop3A_747] {strides = array<i32>} : memref<64x128xf32, #tpu.memory_space<vmem>>, vector<16xf32>,
        tpu.vector_store %arg19[%parallel_loop3A_746, %parallel_loop3A_747], %parallel_loop3A_745 {strides = array<i32>} : memref<64x128xf32, #tpu.memory_space<vmem>>, vector<16xf32>,
        %parallel_loop3A_749 = arith.mulf %parallel_loop3A_627, %parallel_loop3A_694 : vector<16xf32>
        %parallel_loop3A_750 = arith.constant 32 : i32
        %parallel_loop3A_751 = arith.addi %parallel_loop3A_750, %parallel_loop3A_585 : i32
        %parallel_loop3A_752 = arith.index_cast %parallel_loop3A_751 : i32 to index
        %parallel_loop3A_753 = arith.constant 80 : index
        %parallel_loop3A_754 = tpu.vector_load %arg19[%parallel_loop3A_752, %parallel_loop3A_753] {strides = array<i32>} : memref<64x128xf32, #tpu.memory_space<vmem>>, vector<16xf32>,
        tpu.vector_store %arg19[%parallel_loop3A_752, %parallel_loop3A_753], %parallel_loop3A_749 {strides = array<i32>} : memref<64x128xf32, #tpu.memory_space<vmem>>, vector<16xf32>,
        %parallel_loop3A_755 = arith.mulf %parallel_loop3A_606, %parallel_loop3A_683 : vector<16xf32>
        %parallel_loop3A_756 = arith.index_cast %parallel_loop3A_585 : i32 to index
        %parallel_loop3A_757 = arith.constant 96 : index
        %parallel_loop3A_758 = tpu.vector_load %arg19[%parallel_loop3A_756, %parallel_loop3A_757] {strides = array<i32>} : memref<64x128xf32, #tpu.memory_space<vmem>>, vector<16xf32>,
        tpu.vector_store %arg19[%parallel_loop3A_756, %parallel_loop3A_757], %parallel_loop3A_755 {strides = array<i32>} : memref<64x128xf32, #tpu.memory_space<vmem>>, vector<16xf32>,
        %parallel_loop3A_759 = arith.mulf %parallel_loop3A_630, %parallel_loop3A_694 : vector<16xf32>
        %parallel_loop3A_760 = arith.constant 32 : i32
        %parallel_loop3A_761 = arith.addi %parallel_loop3A_760, %parallel_loop3A_585 : i32
        %parallel_loop3A_762 = arith.index_cast %parallel_loop3A_761 : i32 to index
        %parallel_loop3A_763 = arith.constant 96 : index
        %parallel_loop3A_764 = tpu.vector_load %arg19[%parallel_loop3A_762, %parallel_loop3A_763] {strides = array<i32>} : memref<64x128xf32, #tpu.memory_space<vmem>>, vector<16xf32>,
        tpu.vector_store %arg19[%parallel_loop3A_762, %parallel_loop3A_763], %parallel_loop3A_759 {strides = array<i32>} : memref<64x128xf32, #tpu.memory_space<vmem>>, vector<16xf32>,
        %parallel_loop3A_765 = arith.mulf %parallel_loop3A_609, %parallel_loop3A_683 : vector<16xf32>
        %parallel_loop3A_766 = arith.index_cast %parallel_loop3A_585 : i32 to index
        %parallel_loop3A_767 = arith.constant 112 : index
        %parallel_loop3A_768 = tpu.vector_load %arg19[%parallel_loop3A_766, %parallel_loop3A_767] {strides = array<i32>} : memref<64x128xf32, #tpu.memory_space<vmem>>, vector<16xf32>,
        tpu.vector_store %arg19[%parallel_loop3A_766, %parallel_loop3A_767], %parallel_loop3A_765 {strides = array<i32>} : memref<64x128xf32, #tpu.memory_space<vmem>>, vector<16xf32>,
        %parallel_loop3A_769 = arith.mulf %parallel_loop3A_633, %parallel_loop3A_694 : vector<16xf32>
        %parallel_loop3A_770 = arith.constant 32 : i32
        %parallel_loop3A_771 = arith.addi %parallel_loop3A_770, %parallel_loop3A_585 : i32
        %parallel_loop3A_772 = arith.index_cast %parallel_loop3A_771 : i32 to index
        %parallel_loop3A_773 = arith.constant 112 : index
        %parallel_loop3A_774 = tpu.vector_load %arg19[%parallel_loop3A_772, %parallel_loop3A_773] {strides = array<i32>} : memref<64x128xf32, #tpu.memory_space<vmem>>, vector<16xf32>,
        tpu.vector_store %arg19[%parallel_loop3A_772, %parallel_loop3A_773], %parallel_loop3A_769 {strides = array<i32>} : memref<64x128xf32, #tpu.memory_space<vmem>>, vector<16xf32>,
        %parallel_loop3A_775 = arith.constant 16 : i32
        %parallel_loop3A_776 = arith.muli %parallel_loop3A_585, %parallel_loop3A_775 : i32
        %parallel_loop3A_777 = arith.index_cast %parallel_loop3A_776 : i32 to index
        %parallel_loop3A_778 = tpu.vector_load %arg20[%parallel_loop3A_777] {strides = array<i32>} : memref<512xf32, #tpu.memory_space<vmem>>, vector<16xf32>,
        tpu.vector_store %arg20[%parallel_loop3A_777], %parallel_loop3A_683 {strides = array<i32>} : memref<512xf32, #tpu.memory_space<vmem>>, vector<16xf32>,
        %parallel_loop3A_779 = arith.constant 16 : i32
        %parallel_loop3A_780 = arith.muli %parallel_loop3A_585, %parallel_loop3A_779 : i32
        %parallel_loop3A_781 = arith.index_cast %parallel_loop3A_780 : i32 to index
        %parallel_loop3A_782 = tpu.vector_load %arg21[%parallel_loop3A_781] {strides = array<i32>} : memref<512xf32, #tpu.memory_space<vmem>>, vector<16xf32>,
        tpu.vector_store %arg21[%parallel_loop3A_781], %parallel_loop3A_694 {strides = array<i32>} : memref<512xf32, #tpu.memory_space<vmem>>, vector<16xf32>,
      } {sc.loop_unroll_factor = 1 : i64, sc.parallel_access}
      %get3A_348 = arith.constant 0 : index
      %get3A_349 = tpu.vector_load %arg11[%get3A_348] {strides = array<i32>} : memref<64xi32, #tpu.memory_space<vmem>>, vector<16xi32>,
      %get3A_350 = arith.constant 32 : index
      %get3A_351 = tpu.vector_load %arg11[%get3A_350] {strides = array<i32>} : memref<64xi32, #tpu.memory_space<vmem>>, vector<16xi32>,
      %mul3A_352 = arith.constant 16 : i32
      %mul3A_353 = vector.broadcast %mul3A_352 : i32 to vector<16xi32>
      %mul3A_354 = arith.muli %iota3A, %mul3A_353 : vector<16xi32>
      %add3A_355 = arith.constant 0 : i32
      %add3A_356 = vector.broadcast %add3A_355 : i32 to vector<16xi32>
      %add3A_357 = arith.addi %mul3A_354, %add3A_356 : vector<16xi32>
      %gather3A_358 = tpu.vector_load_idx %arg20[%add3A_357] : memref<512xf32, #tpu.memory_space<vmem>>[vector<16xi32>], vector<16xf32>,
      %gather3A_359 = tpu.vector_load_idx %arg21[%add3A_357] : memref<512xf32, #tpu.memory_space<vmem>>[vector<16xi32>], vector<16xf32>,
      %shift_right_arithmetic3A_360 = arith.constant 7 : i32
      %shift_right_arithmetic3A_361 = vector.broadcast %shift_right_arithmetic3A_360 : i32 to vector<16xi32>
      %shift_right_arithmetic3A_362 = arith.shrsi %get3A_349, %shift_right_arithmetic3A_361 : vector<16xi32>
      %and3A_363 = arith.constant 127 : i32
      %and3A_364 = vector.broadcast %and3A_363 : i32 to vector<16xi32>
      %and3A_365 = arith.andi %get3A_349, %and3A_364 : vector<16xi32>
      tpu.vector_store_idx %arg22[%shift_right_arithmetic3A_362, %and3A_365], %gather3A_358 {add = true} : memref<80x128xf32, #tpu.memory_space<vmem>>[vector<16xi32>, vector<16xi32>], vector<16xf32>,
      %shift_right_arithmetic3A_366 = arith.constant 7 : i32
      %shift_right_arithmetic3A_367 = vector.broadcast %shift_right_arithmetic3A_366 : i32 to vector<16xi32>
      %shift_right_arithmetic3A_368 = arith.shrsi %get3A_351, %shift_right_arithmetic3A_367 : vector<16xi32>
      %and3A_369 = arith.constant 127 : i32
      %and3A_370 = vector.broadcast %and3A_369 : i32 to vector<16xi32>
      %and3A_371 = arith.andi %get3A_351, %and3A_370 : vector<16xi32>
      tpu.vector_store_idx %arg22[%shift_right_arithmetic3A_368, %and3A_371], %gather3A_359 {add = true} : memref<80x128xf32, #tpu.memory_space<vmem>>[vector<16xi32>, vector<16xi32>], vector<16xf32>,
      %get3A_372 = arith.constant 16 : index
      %get3A_373 = tpu.vector_load %arg11[%get3A_372] {strides = array<i32>} : memref<64xi32, #tpu.memory_space<vmem>>, vector<16xi32>,
      %get3A_374 = arith.constant 48 : index
      %get3A_375 = tpu.vector_load %arg11[%get3A_374] {strides = array<i32>} : memref<64xi32, #tpu.memory_space<vmem>>, vector<16xi32>,
      %mul3A_376 = arith.constant 16 : i32
      %mul3A_377 = vector.broadcast %mul3A_376 : i32 to vector<16xi32>
      %mul3A_378 = arith.muli %iota3A, %mul3A_377 : vector<16xi32>
      %add3A_379 = arith.constant 256 : i32
      %add3A_380 = vector.broadcast %add3A_379 : i32 to vector<16xi32>
      %add3A_381 = arith.addi %mul3A_378, %add3A_380 : vector<16xi32>
      %gather3A_382 = tpu.vector_load_idx %arg20[%add3A_381] : memref<512xf32, #tpu.memory_space<vmem>>[vector<16xi32>], vector<16xf32>,
      %gather3A_383 = tpu.vector_load_idx %arg21[%add3A_381] : memref<512xf32, #tpu.memory_space<vmem>>[vector<16xi32>], vector<16xf32>,
      %shift_right_arithmetic3A_384 = arith.constant 7 : i32
      %shift_right_arithmetic3A_385 = vector.broadcast %shift_right_arithmetic3A_384 : i32 to vector<16xi32>
      %shift_right_arithmetic3A_386 = arith.shrsi %get3A_373, %shift_right_arithmetic3A_385 : vector<16xi32>
      %and3A_387 = arith.constant 127 : i32
      %and3A_388 = vector.broadcast %and3A_387 : i32 to vector<16xi32>
      %and3A_389 = arith.andi %get3A_373, %and3A_388 : vector<16xi32>
      tpu.vector_store_idx %arg22[%shift_right_arithmetic3A_386, %and3A_389], %gather3A_382 {add = true} : memref<80x128xf32, #tpu.memory_space<vmem>>[vector<16xi32>, vector<16xi32>], vector<16xf32>,
      %shift_right_arithmetic3A_390 = arith.constant 7 : i32
      %shift_right_arithmetic3A_391 = vector.broadcast %shift_right_arithmetic3A_390 : i32 to vector<16xi32>
      %shift_right_arithmetic3A_392 = arith.shrsi %get3A_375, %shift_right_arithmetic3A_391 : vector<16xi32>
      %and3A_393 = arith.constant 127 : i32
      %and3A_394 = vector.broadcast %and3A_393 : i32 to vector<16xi32>
      %and3A_395 = arith.andi %get3A_375, %and3A_394 : vector<16xi32>
      tpu.vector_store_idx %arg22[%shift_right_arithmetic3A_392, %and3A_395], %gather3A_383 {add = true} : memref<80x128xf32, #tpu.memory_space<vmem>>[vector<16xi32>, vector<16xi32>], vector<16xf32>,
      %ge3A_396 = arith.constant 1 : i32
      %ge3A_397 = arith.cmpi sge, %add3A_327, %ge3A_396 : i32
      %convert_element_type3A_398 = arith.extui %ge3A_397 : i1 to i32
      %cond3A_399 = arith.constant 0 : i32
      %cond3A_400 = arith.cmpi ne, %convert_element_type3A_398, %cond3A_399 : i32
      scf.if %cond3A_400 {
        %dma_wait3A_585 = arith.constant 0 : i32
        %dma_wait3A_586 = arith.constant 0 : i32
        %dma_wait3A_587 = tpu.memref_slice %arg8[%dma_wait3A_585, %dma_wait3A_586] : memref<10240x128xf32, #tpu.memory_space<vmem_shared>> -> memref<10240x128xf32, #tpu.memory_space<vmem_shared>>
        tpu.wait_indirect_dma semaphore(%arg35 : memref<!tpu.dma_semaphore, #tpu.memory_space<semaphore_mem>>) src(%arg18 : memref<64x128xf32, #tpu.memory_space<vmem>>) dst(%dma_wait3A_587 : memref<10240x128xf32, #tpu.memory_space<vmem_shared>>)
      } else {
      }
      %dma_start3A_401 = arith.constant 0 : i32
      %dma_start3A_402 = arith.constant 0 : i32
      %dma_start3A_403 = tpu.memref_slice %arg8[%dma_start3A_401, %dma_start3A_402] : memref<10240x128xf32, #tpu.memory_space<vmem_shared>> -> memref<10240x128xf32, #tpu.memory_space<vmem_shared>>
      tpu.enqueue_indirect_dma source(%arg19 : memref<64x128xf32, #tpu.memory_space<vmem>>) target(%dma_start3A_403 : memref<10240x128xf32, #tpu.memory_space<vmem_shared>>) offsets(%arg11 : memref<64xi32, #tpu.memory_space<vmem>>) semaphore(%arg36 : memref<!tpu.dma_semaphore, #tpu.memory_space<semaphore_mem>>) {add = true}
      %add3A_404 = arith.constant 2 : i32
      %add3A_405 = arith.addi %add3A_327, %add3A_404 : i32
      %lt3A_406 = arith.constant 313 : i32
      %lt3A_407 = arith.cmpi slt, %add3A_405, %lt3A_406 : i32
      %convert_element_type3A_408 = arith.extui %lt3A_407 : i1 to i32
      %cond3A_409 = arith.constant 0 : i32
      %cond3A_410 = arith.cmpi ne, %convert_element_type3A_408, %cond3A_409 : i32
      scf.if %cond3A_410 {
        %add3A_585 = arith.constant 2 : i32
        %add3A_586 = arith.addi %add3A_327, %add3A_585 : i32
        %mul3A_587 = arith.constant 32 : i32
        %mul3A_588 = arith.muli %add3A_586, %mul3A_587 : i32
        %add3A_589 = arith.addi %mul3A_75, %mul3A_588 : i32
        %add3A_590 = arith.constant 320512 : i32
        %add3A_591 = arith.addi %add3A_590, %add3A_589 : i32
        %dma_start3A_592 = arith.constant 0 : i32
        %dma_start3A_593 = tpu.memref_slice %arg13[%dma_start3A_592] : memref<64xi32, #tpu.memory_space<vmem>> -> memref<32xi32, #tpu.memory_space<vmem>>
        %dma_start3A_594 = tpu.memref_slice %arg3[%add3A_591] : memref<641024xi32, #tpu.memory_space<hbm>> -> memref<32xi32, #tpu.memory_space<hbm>>
        %dma_start3A_595 = arith.constant 0 : i32
        %dma_start3A_596 = tpu.memref_slice %arg13[%dma_start3A_595] : memref<64xi32, #tpu.memory_space<vmem>> -> memref<32xi32, #tpu.memory_space<vmem>>
        %dma_start3A_597 = tpu.memref_slice %arg3[%add3A_591] : memref<641024xi32, #tpu.memory_space<hbm>> -> memref<32xi32, #tpu.memory_space<hbm>>
        tpu.enqueue_dma source(%dma_start3A_597 : memref<32xi32, #tpu.memory_space<hbm>>) target(%dma_start3A_596 : memref<32xi32, #tpu.memory_space<vmem>>) target_semaphore(%arg30 : memref<!tpu.dma_semaphore, #tpu.memory_space<semaphore_mem>>)
        %dma_start3A_598 = arith.constant 32 : i32
        %dma_start3A_599 = tpu.memref_slice %arg13[%dma_start3A_598] : memref<64xi32, #tpu.memory_space<vmem>> -> memref<32xi32, #tpu.memory_space<vmem>>
        %dma_start3A_600 = tpu.memref_slice %arg3[%add3A_589] : memref<641024xi32, #tpu.memory_space<hbm>> -> memref<32xi32, #tpu.memory_space<hbm>>
        %dma_start3A_601 = arith.constant 32 : i32
        %dma_start3A_602 = tpu.memref_slice %arg13[%dma_start3A_601] : memref<64xi32, #tpu.memory_space<vmem>> -> memref<32xi32, #tpu.memory_space<vmem>>
        %dma_start3A_603 = tpu.memref_slice %arg3[%add3A_589] : memref<641024xi32, #tpu.memory_space<hbm>> -> memref<32xi32, #tpu.memory_space<hbm>>
        tpu.enqueue_dma source(%dma_start3A_603 : memref<32xi32, #tpu.memory_space<hbm>>) target(%dma_start3A_602 : memref<32xi32, #tpu.memory_space<vmem>>) target_semaphore(%arg30 : memref<!tpu.dma_semaphore, #tpu.memory_space<semaphore_mem>>)
      } else {
      }
      %mul3A_411 = arith.constant 4 : i32
      %mul3A_412 = arith.muli %mul3A_411, %scan3A_237 : i32
      %add3A_413 = arith.constant 2 : i32
      %add3A_414 = arith.addi %mul3A_412, %add3A_413 : i32
      %add3A_415 = arith.constant 1 : i32
      %add3A_416 = arith.addi %add3A_414, %add3A_415 : i32
      %lt3A_417 = arith.constant 313 : i32
      %lt3A_418 = arith.cmpi slt, %add3A_416, %lt3A_417 : i32
      %convert_element_type3A_419 = arith.extui %lt3A_418 : i1 to i32
      %cond3A_420 = arith.constant 0 : i32
      %cond3A_421 = arith.cmpi ne, %convert_element_type3A_419, %cond3A_420 : i32
      scf.if %cond3A_421 {
        %dma_wait3A_585 = arith.constant 0 : i32
        %dma_wait3A_586 = tpu.memref_slice %arg13[%dma_wait3A_585] : memref<64xi32, #tpu.memory_space<vmem>> -> memref<32xi32, #tpu.memory_space<vmem>>
        %dma_wait3A_587 = arith.constant 0 : i32
        %dma_wait3A_588 = tpu.memref_slice %arg3[%dma_wait3A_587] : memref<641024xi32, #tpu.memory_space<hbm>> -> memref<32xi32, #tpu.memory_space<hbm>>
        %dma_wait3A_589 = arith.constant 0 : i32
        %dma_wait3A_590 = tpu.memref_slice %arg13[%dma_wait3A_589] : memref<64xi32, #tpu.memory_space<vmem>> -> memref<32xi32, #tpu.memory_space<vmem>>
        %dma_wait3A_591 = arith.constant 0 : i32
        %dma_wait3A_592 = tpu.memref_slice %arg3[%dma_wait3A_591] : memref<641024xi32, #tpu.memory_space<hbm>> -> memref<32xi32, #tpu.memory_space<hbm>>
        tpu.wait_dma2 semaphore(%arg30 : memref<!tpu.dma_semaphore, #tpu.memory_space<semaphore_mem>>) src(%dma_wait3A_592 : memref<32xi32, #tpu.memory_space<hbm>>) dst(%dma_wait3A_590 : memref<32xi32, #tpu.memory_space<vmem>>)
        %dma_wait3A_593 = arith.constant 32 : i32
        %dma_wait3A_594 = tpu.memref_slice %arg13[%dma_wait3A_593] : memref<64xi32, #tpu.memory_space<vmem>> -> memref<32xi32, #tpu.memory_space<vmem>>
        %dma_wait3A_595 = arith.constant 0 : i32
        %dma_wait3A_596 = tpu.memref_slice %arg3[%dma_wait3A_595] : memref<641024xi32, #tpu.memory_space<hbm>> -> memref<32xi32, #tpu.memory_space<hbm>>
        %dma_wait3A_597 = arith.constant 32 : i32
        %dma_wait3A_598 = tpu.memref_slice %arg13[%dma_wait3A_597] : memref<64xi32, #tpu.memory_space<vmem>> -> memref<32xi32, #tpu.memory_space<vmem>>
        %dma_wait3A_599 = arith.constant 0 : i32
        %dma_wait3A_600 = tpu.memref_slice %arg3[%dma_wait3A_599] : memref<641024xi32, #tpu.memory_space<hbm>> -> memref<32xi32, #tpu.memory_space<hbm>>
        tpu.wait_dma2 semaphore(%arg30 : memref<!tpu.dma_semaphore, #tpu.memory_space<semaphore_mem>>) src(%dma_wait3A_600 : memref<32xi32, #tpu.memory_space<hbm>>) dst(%dma_wait3A_598 : memref<32xi32, #tpu.memory_space<vmem>>)
        %dma_start3A_601 = arith.constant 0 : i32
        %dma_start3A_602 = tpu.memref_slice %arg13[%dma_start3A_601] : memref<64xi32, #tpu.memory_space<vmem>> -> memref<32xi32, #tpu.memory_space<vmem>>
        %dma_start3A_603 = arith.constant 0 : i32
        %dma_start3A_604 = arith.constant 0 : i32
        %dma_start3A_605 = tpu.memref_slice %arg2[%dma_start3A_603, %dma_start3A_604] : memref<10240x128xf32, #tpu.memory_space<hbm>> -> memref<10240x128xf32, #tpu.memory_space<hbm>>
        tpu.enqueue_indirect_dma source(%dma_start3A_605 : memref<10240x128xf32, #tpu.memory_space<hbm>>) target(%arg17 : memref<32x128xf32, #tpu.memory_space<vmem>>) offsets(%dma_start3A_602 : memref<32xi32, #tpu.memory_space<vmem>>) semaphore(%arg34 : memref<!tpu.dma_semaphore, #tpu.memory_space<semaphore_mem>>)
        %dma_start3A_606 = arith.constant 32 : i32
        %dma_start3A_607 = tpu.memref_slice %arg13[%dma_start3A_606] : memref<64xi32, #tpu.memory_space<vmem>> -> memref<32xi32, #tpu.memory_space<vmem>>
        %dma_start3A_608 = arith.constant 0 : i32
        %dma_start3A_609 = arith.constant 0 : i32
        %dma_start3A_610 = tpu.memref_slice %arg2[%dma_start3A_608, %dma_start3A_609] : memref<10240x128xf32, #tpu.memory_space<hbm>> -> memref<10240x128xf32, #tpu.memory_space<hbm>>
        tpu.enqueue_indirect_dma source(%dma_start3A_610 : memref<10240x128xf32, #tpu.memory_space<hbm>>) target(%arg15 : memref<32x128xf32, #tpu.memory_space<vmem>>) offsets(%dma_start3A_607 : memref<32xi32, #tpu.memory_space<vmem>>) semaphore(%arg32 : memref<!tpu.dma_semaphore, #tpu.memory_space<semaphore_mem>>)
      } else {
      }
      %dma_wait3A_422 = arith.constant 0 : i32
      %dma_wait3A_423 = tpu.memref_slice %arg12[%dma_wait3A_422] : memref<64xi32, #tpu.memory_space<vmem>> -> memref<32xi32, #tpu.memory_space<vmem>>
      %dma_wait3A_424 = arith.constant 0 : i32
      %dma_wait3A_425 = arith.constant 0 : i32
      %dma_wait3A_426 = tpu.memref_slice %arg2[%dma_wait3A_424, %dma_wait3A_425] : memref<10240x128xf32, #tpu.memory_space<hbm>> -> memref<10240x128xf32, #tpu.memory_space<hbm>>
      tpu.wait_indirect_dma semaphore(%arg33 : memref<!tpu.dma_semaphore, #tpu.memory_space<semaphore_mem>>) src(%dma_wait3A_426 : memref<10240x128xf32, #tpu.memory_space<hbm>>) dst(%arg16 : memref<32x128xf32, #tpu.memory_space<vmem>>)
      %dma_wait3A_427 = arith.constant 32 : i32
      %dma_wait3A_428 = tpu.memref_slice %arg12[%dma_wait3A_427] : memref<64xi32, #tpu.memory_space<vmem>> -> memref<32xi32, #tpu.memory_space<vmem>>
      %dma_wait3A_429 = arith.constant 0 : i32
      %dma_wait3A_430 = arith.constant 0 : i32
      %dma_wait3A_431 = tpu.memref_slice %arg2[%dma_wait3A_429, %dma_wait3A_430] : memref<10240x128xf32, #tpu.memory_space<hbm>> -> memref<10240x128xf32, #tpu.memory_space<hbm>>
      tpu.wait_indirect_dma semaphore(%arg31 : memref<!tpu.dma_semaphore, #tpu.memory_space<semaphore_mem>>) src(%dma_wait3A_431 : memref<10240x128xf32, #tpu.memory_space<hbm>>) dst(%arg14 : memref<32x128xf32, #tpu.memory_space<vmem>>)
      %parallel_loop3A_432 = arith.constant 0 : i32
      %parallel_loop3A_433 = arith.constant 32 : i32
      %parallel_loop3A_434 = arith.constant 1 : i32
      scf.for %parallel_loop3A_585 = %parallel_loop3A_432 to %parallel_loop3A_433 step %parallel_loop3A_434  : i32 {
        %parallel_loop3A_586 = arith.index_cast %parallel_loop3A_585 : i32 to index
        %parallel_loop3A_587 = arith.constant 0 : index
        %parallel_loop3A_588 = tpu.vector_load %arg14[%parallel_loop3A_586, %parallel_loop3A_587] {strides = array<i32>} : memref<32x128xf32, #tpu.memory_space<vmem>>, vector<16xf32>,
        %parallel_loop3A_589 = arith.index_cast %parallel_loop3A_585 : i32 to index
        %parallel_loop3A_590 = arith.constant 16 : index
        %parallel_loop3A_591 = tpu.vector_load %arg14[%parallel_loop3A_589, %parallel_loop3A_590] {strides = array<i32>} : memref<32x128xf32, #tpu.memory_space<vmem>>, vector<16xf32>,
        %parallel_loop3A_592 = arith.index_cast %parallel_loop3A_585 : i32 to index
        %parallel_loop3A_593 = arith.constant 32 : index
        %parallel_loop3A_594 = tpu.vector_load %arg14[%parallel_loop3A_592, %parallel_loop3A_593] {strides = array<i32>} : memref<32x128xf32, #tpu.memory_space<vmem>>, vector<16xf32>,
        %parallel_loop3A_595 = arith.index_cast %parallel_loop3A_585 : i32 to index
        %parallel_loop3A_596 = arith.constant 48 : index
        %parallel_loop3A_597 = tpu.vector_load %arg14[%parallel_loop3A_595, %parallel_loop3A_596] {strides = array<i32>} : memref<32x128xf32, #tpu.memory_space<vmem>>, vector<16xf32>,
        %parallel_loop3A_598 = arith.index_cast %parallel_loop3A_585 : i32 to index
        %parallel_loop3A_599 = arith.constant 64 : index
        %parallel_loop3A_600 = tpu.vector_load %arg14[%parallel_loop3A_598, %parallel_loop3A_599] {strides = array<i32>} : memref<32x128xf32, #tpu.memory_space<vmem>>, vector<16xf32>,
        %parallel_loop3A_601 = arith.index_cast %parallel_loop3A_585 : i32 to index
        %parallel_loop3A_602 = arith.constant 80 : index
        %parallel_loop3A_603 = tpu.vector_load %arg14[%parallel_loop3A_601, %parallel_loop3A_602] {strides = array<i32>} : memref<32x128xf32, #tpu.memory_space<vmem>>, vector<16xf32>,
        %parallel_loop3A_604 = arith.index_cast %parallel_loop3A_585 : i32 to index
        %parallel_loop3A_605 = arith.constant 96 : index
        %parallel_loop3A_606 = tpu.vector_load %arg14[%parallel_loop3A_604, %parallel_loop3A_605] {strides = array<i32>} : memref<32x128xf32, #tpu.memory_space<vmem>>, vector<16xf32>,
        %parallel_loop3A_607 = arith.index_cast %parallel_loop3A_585 : i32 to index
        %parallel_loop3A_608 = arith.constant 112 : index
        %parallel_loop3A_609 = tpu.vector_load %arg14[%parallel_loop3A_607, %parallel_loop3A_608] {strides = array<i32>} : memref<32x128xf32, #tpu.memory_space<vmem>>, vector<16xf32>,
        %parallel_loop3A_610 = arith.index_cast %parallel_loop3A_585 : i32 to index
        %parallel_loop3A_611 = arith.constant 0 : index
        %parallel_loop3A_612 = tpu.vector_load %arg16[%parallel_loop3A_610, %parallel_loop3A_611] {strides = array<i32>} : memref<32x128xf32, #tpu.memory_space<vmem>>, vector<16xf32>,
        %parallel_loop3A_613 = arith.index_cast %parallel_loop3A_585 : i32 to index
        %parallel_loop3A_614 = arith.constant 16 : index
        %parallel_loop3A_615 = tpu.vector_load %arg16[%parallel_loop3A_613, %parallel_loop3A_614] {strides = array<i32>} : memref<32x128xf32, #tpu.memory_space<vmem>>, vector<16xf32>,
        %parallel_loop3A_616 = arith.index_cast %parallel_loop3A_585 : i32 to index
        %parallel_loop3A_617 = arith.constant 32 : index
        %parallel_loop3A_618 = tpu.vector_load %arg16[%parallel_loop3A_616, %parallel_loop3A_617] {strides = array<i32>} : memref<32x128xf32, #tpu.memory_space<vmem>>, vector<16xf32>,
        %parallel_loop3A_619 = arith.index_cast %parallel_loop3A_585 : i32 to index
        %parallel_loop3A_620 = arith.constant 48 : index
        %parallel_loop3A_621 = tpu.vector_load %arg16[%parallel_loop3A_619, %parallel_loop3A_620] {strides = array<i32>} : memref<32x128xf32, #tpu.memory_space<vmem>>, vector<16xf32>,
        %parallel_loop3A_622 = arith.index_cast %parallel_loop3A_585 : i32 to index
        %parallel_loop3A_623 = arith.constant 64 : index
        %parallel_loop3A_624 = tpu.vector_load %arg16[%parallel_loop3A_622, %parallel_loop3A_623] {strides = array<i32>} : memref<32x128xf32, #tpu.memory_space<vmem>>, vector<16xf32>,
        %parallel_loop3A_625 = arith.index_cast %parallel_loop3A_585 : i32 to index
        %parallel_loop3A_626 = arith.constant 80 : index
        %parallel_loop3A_627 = tpu.vector_load %arg16[%parallel_loop3A_625, %parallel_loop3A_626] {strides = array<i32>} : memref<32x128xf32, #tpu.memory_space<vmem>>, vector<16xf32>,
        %parallel_loop3A_628 = arith.index_cast %parallel_loop3A_585 : i32 to index
        %parallel_loop3A_629 = arith.constant 96 : index
        %parallel_loop3A_630 = tpu.vector_load %arg16[%parallel_loop3A_628, %parallel_loop3A_629] {strides = array<i32>} : memref<32x128xf32, #tpu.memory_space<vmem>>, vector<16xf32>,
        %parallel_loop3A_631 = arith.index_cast %parallel_loop3A_585 : i32 to index
        %parallel_loop3A_632 = arith.constant 112 : index
        %parallel_loop3A_633 = tpu.vector_load %arg16[%parallel_loop3A_631, %parallel_loop3A_632] {strides = array<i32>} : memref<32x128xf32, #tpu.memory_space<vmem>>, vector<16xf32>,
        %parallel_loop3A_634 = arith.mulf %parallel_loop3A_588, %parallel_loop3A_612 : vector<16xf32>
        %parallel_loop3A_635 = arith.mulf %parallel_loop3A_634, %get3A_43 : vector<16xf32>
        %parallel_loop3A_636 = arith.mulf %parallel_loop3A_588, %parallel_loop3A_612 : vector<16xf32>
        %parallel_loop3A_637 = arith.mulf %parallel_loop3A_636, %get3A_59 : vector<16xf32>
        %parallel_loop3A_638 = arith.mulf %parallel_loop3A_591, %parallel_loop3A_615 : vector<16xf32>
        %parallel_loop3A_639 = arith.mulf %parallel_loop3A_638, %get3A_45 : vector<16xf32>
        %parallel_loop3A_640 = arith.addf %parallel_loop3A_635, %parallel_loop3A_639 : vector<16xf32>
        %parallel_loop3A_641 = arith.mulf %parallel_loop3A_638, %get3A_61 : vector<16xf32>
        %parallel_loop3A_642 = arith.addf %parallel_loop3A_637, %parallel_loop3A_641 : vector<16xf32>
        %parallel_loop3A_643 = arith.mulf %parallel_loop3A_594, %parallel_loop3A_618 : vector<16xf32>
        %parallel_loop3A_644 = arith.mulf %parallel_loop3A_643, %get3A_47 : vector<16xf32>
        %parallel_loop3A_645 = arith.addf %parallel_loop3A_640, %parallel_loop3A_644 : vector<16xf32>
        %parallel_loop3A_646 = arith.mulf %parallel_loop3A_643, %get3A_63 : vector<16xf32>
        %parallel_loop3A_647 = arith.addf %parallel_loop3A_642, %parallel_loop3A_646 : vector<16xf32>
        %parallel_loop3A_648 = arith.mulf %parallel_loop3A_597, %parallel_loop3A_621 : vector<16xf32>
        %parallel_loop3A_649 = arith.mulf %parallel_loop3A_648, %get3A_49 : vector<16xf32>
        %parallel_loop3A_650 = arith.addf %parallel_loop3A_645, %parallel_loop3A_649 : vector<16xf32>
        %parallel_loop3A_651 = arith.mulf %parallel_loop3A_648, %get3A_65 : vector<16xf32>
        %parallel_loop3A_652 = arith.addf %parallel_loop3A_647, %parallel_loop3A_651 : vector<16xf32>
        %parallel_loop3A_653 = arith.mulf %parallel_loop3A_600, %parallel_loop3A_624 : vector<16xf32>
        %parallel_loop3A_654 = arith.mulf %parallel_loop3A_653, %get3A_51 : vector<16xf32>
        %parallel_loop3A_655 = arith.addf %parallel_loop3A_650, %parallel_loop3A_654 : vector<16xf32>
        %parallel_loop3A_656 = arith.mulf %parallel_loop3A_653, %get3A_67 : vector<16xf32>
        %parallel_loop3A_657 = arith.addf %parallel_loop3A_652, %parallel_loop3A_656 : vector<16xf32>
        %parallel_loop3A_658 = arith.mulf %parallel_loop3A_603, %parallel_loop3A_627 : vector<16xf32>
        %parallel_loop3A_659 = arith.mulf %parallel_loop3A_658, %get3A_53 : vector<16xf32>
        %parallel_loop3A_660 = arith.addf %parallel_loop3A_655, %parallel_loop3A_659 : vector<16xf32>
        %parallel_loop3A_661 = arith.mulf %parallel_loop3A_658, %get3A_69 : vector<16xf32>
        %parallel_loop3A_662 = arith.addf %parallel_loop3A_657, %parallel_loop3A_661 : vector<16xf32>
        %parallel_loop3A_663 = arith.mulf %parallel_loop3A_606, %parallel_loop3A_630 : vector<16xf32>
        %parallel_loop3A_664 = arith.mulf %parallel_loop3A_663, %get3A_55 : vector<16xf32>
        %parallel_loop3A_665 = arith.addf %parallel_loop3A_660, %parallel_loop3A_664 : vector<16xf32>
        %parallel_loop3A_666 = arith.mulf %parallel_loop3A_663, %get3A_71 : vector<16xf32>
        %parallel_loop3A_667 = arith.addf %parallel_loop3A_662, %parallel_loop3A_666 : vector<16xf32>
        %parallel_loop3A_668 = arith.mulf %parallel_loop3A_609, %parallel_loop3A_633 : vector<16xf32>
        %parallel_loop3A_669 = arith.mulf %parallel_loop3A_668, %get3A_57 : vector<16xf32>
        %parallel_loop3A_670 = arith.addf %parallel_loop3A_665, %parallel_loop3A_669 : vector<16xf32>
        %parallel_loop3A_671 = arith.mulf %parallel_loop3A_668, %get3A_73 : vector<16xf32>
        %parallel_loop3A_672 = arith.addf %parallel_loop3A_667, %parallel_loop3A_671 : vector<16xf32>
        %parallel_loop3A_673 = arith.constant true
        %parallel_loop3A_674 = vector.broadcast %parallel_loop3A_673 : i1 to vector<16xi1>
        %parallel_loop3A_675 = tpu.scan <sum>, %parallel_loop3A_670 masked %parallel_loop3A_674 : vector<16xf32>, vector<16xi1> -> vector<16xf32>
        %parallel_loop3A_676 = vector.extract_strided_slice %parallel_loop3A_675 {offsets = [15], sizes = [1], strides = [1]} : vector<16xf32> to vector<1xf32>
        %parallel_loop3A_677 = vector.extract %parallel_loop3A_676[0] : f32 from vector<1xf32>
        %parallel_loop3A_678 = vector.broadcast %parallel_loop3A_677 : f32 to vector<16xf32>
        %parallel_loop3A_679 = arith.constant 0.00999999977 : f32
        %parallel_loop3A_680 = vector.broadcast %parallel_loop3A_679 : f32 to vector<16xf32>
        %parallel_loop3A_681 = arith.mulf %parallel_loop3A_678, %parallel_loop3A_680 : vector<16xf32>
        %parallel_loop3A_682 = arith.maximumf %parallel_loop3A_678, %parallel_loop3A_681 : vector<16xf32>
        %parallel_loop3A_683 = math.exp %parallel_loop3A_682 : vector<16xf32>
        %parallel_loop3A_684 = arith.constant true
        %parallel_loop3A_685 = vector.broadcast %parallel_loop3A_684 : i1 to vector<16xi1>
        %parallel_loop3A_686 = tpu.scan <sum>, %parallel_loop3A_672 masked %parallel_loop3A_685 : vector<16xf32>, vector<16xi1> -> vector<16xf32>
        %parallel_loop3A_687 = vector.extract_strided_slice %parallel_loop3A_686 {offsets = [15], sizes = [1], strides = [1]} : vector<16xf32> to vector<1xf32>
        %parallel_loop3A_688 = vector.extract %parallel_loop3A_687[0] : f32 from vector<1xf32>
        %parallel_loop3A_689 = vector.broadcast %parallel_loop3A_688 : f32 to vector<16xf32>
        %parallel_loop3A_690 = arith.constant 0.00999999977 : f32
        %parallel_loop3A_691 = vector.broadcast %parallel_loop3A_690 : f32 to vector<16xf32>
        %parallel_loop3A_692 = arith.mulf %parallel_loop3A_689, %parallel_loop3A_691 : vector<16xf32>
        %parallel_loop3A_693 = arith.maximumf %parallel_loop3A_689, %parallel_loop3A_692 : vector<16xf32>
        %parallel_loop3A_694 = math.exp %parallel_loop3A_693 : vector<16xf32>
        %parallel_loop3A_695 = arith.mulf %parallel_loop3A_588, %parallel_loop3A_683 : vector<16xf32>
        %parallel_loop3A_696 = arith.index_cast %parallel_loop3A_585 : i32 to index
        %parallel_loop3A_697 = arith.constant 0 : index
        %parallel_loop3A_698 = tpu.vector_load %arg18[%parallel_loop3A_696, %parallel_loop3A_697] {strides = array<i32>} : memref<64x128xf32, #tpu.memory_space<vmem>>, vector<16xf32>,
        tpu.vector_store %arg18[%parallel_loop3A_696, %parallel_loop3A_697], %parallel_loop3A_695 {strides = array<i32>} : memref<64x128xf32, #tpu.memory_space<vmem>>, vector<16xf32>,
        %parallel_loop3A_699 = arith.mulf %parallel_loop3A_612, %parallel_loop3A_694 : vector<16xf32>
        %parallel_loop3A_700 = arith.constant 32 : i32
        %parallel_loop3A_701 = arith.addi %parallel_loop3A_700, %parallel_loop3A_585 : i32
        %parallel_loop3A_702 = arith.index_cast %parallel_loop3A_701 : i32 to index
        %parallel_loop3A_703 = arith.constant 0 : index
        %parallel_loop3A_704 = tpu.vector_load %arg18[%parallel_loop3A_702, %parallel_loop3A_703] {strides = array<i32>} : memref<64x128xf32, #tpu.memory_space<vmem>>, vector<16xf32>,
        tpu.vector_store %arg18[%parallel_loop3A_702, %parallel_loop3A_703], %parallel_loop3A_699 {strides = array<i32>} : memref<64x128xf32, #tpu.memory_space<vmem>>, vector<16xf32>,
        %parallel_loop3A_705 = arith.mulf %parallel_loop3A_591, %parallel_loop3A_683 : vector<16xf32>
        %parallel_loop3A_706 = arith.index_cast %parallel_loop3A_585 : i32 to index
        %parallel_loop3A_707 = arith.constant 16 : index
        %parallel_loop3A_708 = tpu.vector_load %arg18[%parallel_loop3A_706, %parallel_loop3A_707] {strides = array<i32>} : memref<64x128xf32, #tpu.memory_space<vmem>>, vector<16xf32>,
        tpu.vector_store %arg18[%parallel_loop3A_706, %parallel_loop3A_707], %parallel_loop3A_705 {strides = array<i32>} : memref<64x128xf32, #tpu.memory_space<vmem>>, vector<16xf32>,
        %parallel_loop3A_709 = arith.mulf %parallel_loop3A_615, %parallel_loop3A_694 : vector<16xf32>
        %parallel_loop3A_710 = arith.constant 32 : i32
        %parallel_loop3A_711 = arith.addi %parallel_loop3A_710, %parallel_loop3A_585 : i32
        %parallel_loop3A_712 = arith.index_cast %parallel_loop3A_711 : i32 to index
        %parallel_loop3A_713 = arith.constant 16 : index
        %parallel_loop3A_714 = tpu.vector_load %arg18[%parallel_loop3A_712, %parallel_loop3A_713] {strides = array<i32>} : memref<64x128xf32, #tpu.memory_space<vmem>>, vector<16xf32>,
        tpu.vector_store %arg18[%parallel_loop3A_712, %parallel_loop3A_713], %parallel_loop3A_709 {strides = array<i32>} : memref<64x128xf32, #tpu.memory_space<vmem>>, vector<16xf32>,
        %parallel_loop3A_715 = arith.mulf %parallel_loop3A_594, %parallel_loop3A_683 : vector<16xf32>
        %parallel_loop3A_716 = arith.index_cast %parallel_loop3A_585 : i32 to index
        %parallel_loop3A_717 = arith.constant 32 : index
        %parallel_loop3A_718 = tpu.vector_load %arg18[%parallel_loop3A_716, %parallel_loop3A_717] {strides = array<i32>} : memref<64x128xf32, #tpu.memory_space<vmem>>, vector<16xf32>,
        tpu.vector_store %arg18[%parallel_loop3A_716, %parallel_loop3A_717], %parallel_loop3A_715 {strides = array<i32>} : memref<64x128xf32, #tpu.memory_space<vmem>>, vector<16xf32>,
        %parallel_loop3A_719 = arith.mulf %parallel_loop3A_618, %parallel_loop3A_694 : vector<16xf32>
        %parallel_loop3A_720 = arith.constant 32 : i32
        %parallel_loop3A_721 = arith.addi %parallel_loop3A_720, %parallel_loop3A_585 : i32
        %parallel_loop3A_722 = arith.index_cast %parallel_loop3A_721 : i32 to index
        %parallel_loop3A_723 = arith.constant 32 : index
        %parallel_loop3A_724 = tpu.vector_load %arg18[%parallel_loop3A_722, %parallel_loop3A_723] {strides = array<i32>} : memref<64x128xf32, #tpu.memory_space<vmem>>, vector<16xf32>,
        tpu.vector_store %arg18[%parallel_loop3A_722, %parallel_loop3A_723], %parallel_loop3A_719 {strides = array<i32>} : memref<64x128xf32, #tpu.memory_space<vmem>>, vector<16xf32>,
        %parallel_loop3A_725 = arith.mulf %parallel_loop3A_597, %parallel_loop3A_683 : vector<16xf32>
        %parallel_loop3A_726 = arith.index_cast %parallel_loop3A_585 : i32 to index
        %parallel_loop3A_727 = arith.constant 48 : index
        %parallel_loop3A_728 = tpu.vector_load %arg18[%parallel_loop3A_726, %parallel_loop3A_727] {strides = array<i32>} : memref<64x128xf32, #tpu.memory_space<vmem>>, vector<16xf32>,
        tpu.vector_store %arg18[%parallel_loop3A_726, %parallel_loop3A_727], %parallel_loop3A_725 {strides = array<i32>} : memref<64x128xf32, #tpu.memory_space<vmem>>, vector<16xf32>,
        %parallel_loop3A_729 = arith.mulf %parallel_loop3A_621, %parallel_loop3A_694 : vector<16xf32>
        %parallel_loop3A_730 = arith.constant 32 : i32
        %parallel_loop3A_731 = arith.addi %parallel_loop3A_730, %parallel_loop3A_585 : i32
        %parallel_loop3A_732 = arith.index_cast %parallel_loop3A_731 : i32 to index
        %parallel_loop3A_733 = arith.constant 48 : index
        %parallel_loop3A_734 = tpu.vector_load %arg18[%parallel_loop3A_732, %parallel_loop3A_733] {strides = array<i32>} : memref<64x128xf32, #tpu.memory_space<vmem>>, vector<16xf32>,
        tpu.vector_store %arg18[%parallel_loop3A_732, %parallel_loop3A_733], %parallel_loop3A_729 {strides = array<i32>} : memref<64x128xf32, #tpu.memory_space<vmem>>, vector<16xf32>,
        %parallel_loop3A_735 = arith.mulf %parallel_loop3A_600, %parallel_loop3A_683 : vector<16xf32>
        %parallel_loop3A_736 = arith.index_cast %parallel_loop3A_585 : i32 to index
        %parallel_loop3A_737 = arith.constant 64 : index
        %parallel_loop3A_738 = tpu.vector_load %arg18[%parallel_loop3A_736, %parallel_loop3A_737] {strides = array<i32>} : memref<64x128xf32, #tpu.memory_space<vmem>>, vector<16xf32>,
        tpu.vector_store %arg18[%parallel_loop3A_736, %parallel_loop3A_737], %parallel_loop3A_735 {strides = array<i32>} : memref<64x128xf32, #tpu.memory_space<vmem>>, vector<16xf32>,
        %parallel_loop3A_739 = arith.mulf %parallel_loop3A_624, %parallel_loop3A_694 : vector<16xf32>
        %parallel_loop3A_740 = arith.constant 32 : i32
        %parallel_loop3A_741 = arith.addi %parallel_loop3A_740, %parallel_loop3A_585 : i32
        %parallel_loop3A_742 = arith.index_cast %parallel_loop3A_741 : i32 to index
        %parallel_loop3A_743 = arith.constant 64 : index
        %parallel_loop3A_744 = tpu.vector_load %arg18[%parallel_loop3A_742, %parallel_loop3A_743] {strides = array<i32>} : memref<64x128xf32, #tpu.memory_space<vmem>>, vector<16xf32>,
        tpu.vector_store %arg18[%parallel_loop3A_742, %parallel_loop3A_743], %parallel_loop3A_739 {strides = array<i32>} : memref<64x128xf32, #tpu.memory_space<vmem>>, vector<16xf32>,
        %parallel_loop3A_745 = arith.mulf %parallel_loop3A_603, %parallel_loop3A_683 : vector<16xf32>
        %parallel_loop3A_746 = arith.index_cast %parallel_loop3A_585 : i32 to index
        %parallel_loop3A_747 = arith.constant 80 : index
        %parallel_loop3A_748 = tpu.vector_load %arg18[%parallel_loop3A_746, %parallel_loop3A_747] {strides = array<i32>} : memref<64x128xf32, #tpu.memory_space<vmem>>, vector<16xf32>,
        tpu.vector_store %arg18[%parallel_loop3A_746, %parallel_loop3A_747], %parallel_loop3A_745 {strides = array<i32>} : memref<64x128xf32, #tpu.memory_space<vmem>>, vector<16xf32>,
        %parallel_loop3A_749 = arith.mulf %parallel_loop3A_627, %parallel_loop3A_694 : vector<16xf32>
        %parallel_loop3A_750 = arith.constant 32 : i32
        %parallel_loop3A_751 = arith.addi %parallel_loop3A_750, %parallel_loop3A_585 : i32
        %parallel_loop3A_752 = arith.index_cast %parallel_loop3A_751 : i32 to index
        %parallel_loop3A_753 = arith.constant 80 : index
        %parallel_loop3A_754 = tpu.vector_load %arg18[%parallel_loop3A_752, %parallel_loop3A_753] {strides = array<i32>} : memref<64x128xf32, #tpu.memory_space<vmem>>, vector<16xf32>,
        tpu.vector_store %arg18[%parallel_loop3A_752, %parallel_loop3A_753], %parallel_loop3A_749 {strides = array<i32>} : memref<64x128xf32, #tpu.memory_space<vmem>>, vector<16xf32>,
        %parallel_loop3A_755 = arith.mulf %parallel_loop3A_606, %parallel_loop3A_683 : vector<16xf32>
        %parallel_loop3A_756 = arith.index_cast %parallel_loop3A_585 : i32 to index
        %parallel_loop3A_757 = arith.constant 96 : index
        %parallel_loop3A_758 = tpu.vector_load %arg18[%parallel_loop3A_756, %parallel_loop3A_757] {strides = array<i32>} : memref<64x128xf32, #tpu.memory_space<vmem>>, vector<16xf32>,
        tpu.vector_store %arg18[%parallel_loop3A_756, %parallel_loop3A_757], %parallel_loop3A_755 {strides = array<i32>} : memref<64x128xf32, #tpu.memory_space<vmem>>, vector<16xf32>,
        %parallel_loop3A_759 = arith.mulf %parallel_loop3A_630, %parallel_loop3A_694 : vector<16xf32>
        %parallel_loop3A_760 = arith.constant 32 : i32
        %parallel_loop3A_761 = arith.addi %parallel_loop3A_760, %parallel_loop3A_585 : i32
        %parallel_loop3A_762 = arith.index_cast %parallel_loop3A_761 : i32 to index
        %parallel_loop3A_763 = arith.constant 96 : index
        %parallel_loop3A_764 = tpu.vector_load %arg18[%parallel_loop3A_762, %parallel_loop3A_763] {strides = array<i32>} : memref<64x128xf32, #tpu.memory_space<vmem>>, vector<16xf32>,
        tpu.vector_store %arg18[%parallel_loop3A_762, %parallel_loop3A_763], %parallel_loop3A_759 {strides = array<i32>} : memref<64x128xf32, #tpu.memory_space<vmem>>, vector<16xf32>,
        %parallel_loop3A_765 = arith.mulf %parallel_loop3A_609, %parallel_loop3A_683 : vector<16xf32>
        %parallel_loop3A_766 = arith.index_cast %parallel_loop3A_585 : i32 to index
        %parallel_loop3A_767 = arith.constant 112 : index
        %parallel_loop3A_768 = tpu.vector_load %arg18[%parallel_loop3A_766, %parallel_loop3A_767] {strides = array<i32>} : memref<64x128xf32, #tpu.memory_space<vmem>>, vector<16xf32>,
        tpu.vector_store %arg18[%parallel_loop3A_766, %parallel_loop3A_767], %parallel_loop3A_765 {strides = array<i32>} : memref<64x128xf32, #tpu.memory_space<vmem>>, vector<16xf32>,
        %parallel_loop3A_769 = arith.mulf %parallel_loop3A_633, %parallel_loop3A_694 : vector<16xf32>
        %parallel_loop3A_770 = arith.constant 32 : i32
        %parallel_loop3A_771 = arith.addi %parallel_loop3A_770, %parallel_loop3A_585 : i32
        %parallel_loop3A_772 = arith.index_cast %parallel_loop3A_771 : i32 to index
        %parallel_loop3A_773 = arith.constant 112 : index
        %parallel_loop3A_774 = tpu.vector_load %arg18[%parallel_loop3A_772, %parallel_loop3A_773] {strides = array<i32>} : memref<64x128xf32, #tpu.memory_space<vmem>>, vector<16xf32>,
        tpu.vector_store %arg18[%parallel_loop3A_772, %parallel_loop3A_773], %parallel_loop3A_769 {strides = array<i32>} : memref<64x128xf32, #tpu.memory_space<vmem>>, vector<16xf32>,
        %parallel_loop3A_775 = arith.constant 16 : i32
        %parallel_loop3A_776 = arith.muli %parallel_loop3A_585, %parallel_loop3A_775 : i32
        %parallel_loop3A_777 = arith.index_cast %parallel_loop3A_776 : i32 to index
        %parallel_loop3A_778 = tpu.vector_load %arg20[%parallel_loop3A_777] {strides = array<i32>} : memref<512xf32, #tpu.memory_space<vmem>>, vector<16xf32>,
        tpu.vector_store %arg20[%parallel_loop3A_777], %parallel_loop3A_683 {strides = array<i32>} : memref<512xf32, #tpu.memory_space<vmem>>, vector<16xf32>,
        %parallel_loop3A_779 = arith.constant 16 : i32
        %parallel_loop3A_780 = arith.muli %parallel_loop3A_585, %parallel_loop3A_779 : i32
        %parallel_loop3A_781 = arith.index_cast %parallel_loop3A_780 : i32 to index
        %parallel_loop3A_782 = tpu.vector_load %arg21[%parallel_loop3A_781] {strides = array<i32>} : memref<512xf32, #tpu.memory_space<vmem>>, vector<16xf32>,
        tpu.vector_store %arg21[%parallel_loop3A_781], %parallel_loop3A_694 {strides = array<i32>} : memref<512xf32, #tpu.memory_space<vmem>>, vector<16xf32>,
      } {sc.loop_unroll_factor = 1 : i64, sc.parallel_access}
      %get3A_435 = arith.constant 0 : index
      %get3A_436 = tpu.vector_load %arg12[%get3A_435] {strides = array<i32>} : memref<64xi32, #tpu.memory_space<vmem>>, vector<16xi32>,
      %get3A_437 = arith.constant 32 : index
      %get3A_438 = tpu.vector_load %arg12[%get3A_437] {strides = array<i32>} : memref<64xi32, #tpu.memory_space<vmem>>, vector<16xi32>,
      %mul3A_439 = arith.constant 16 : i32
      %mul3A_440 = vector.broadcast %mul3A_439 : i32 to vector<16xi32>
      %mul3A_441 = arith.muli %iota3A, %mul3A_440 : vector<16xi32>
      %add3A_442 = arith.constant 0 : i32
      %add3A_443 = vector.broadcast %add3A_442 : i32 to vector<16xi32>
      %add3A_444 = arith.addi %mul3A_441, %add3A_443 : vector<16xi32>
      %gather3A_445 = tpu.vector_load_idx %arg20[%add3A_444] : memref<512xf32, #tpu.memory_space<vmem>>[vector<16xi32>], vector<16xf32>,
      %gather3A_446 = tpu.vector_load_idx %arg21[%add3A_444] : memref<512xf32, #tpu.memory_space<vmem>>[vector<16xi32>], vector<16xf32>,
      %shift_right_arithmetic3A_447 = arith.constant 7 : i32
      %shift_right_arithmetic3A_448 = vector.broadcast %shift_right_arithmetic3A_447 : i32 to vector<16xi32>
      %shift_right_arithmetic3A_449 = arith.shrsi %get3A_436, %shift_right_arithmetic3A_448 : vector<16xi32>
      %and3A_450 = arith.constant 127 : i32
      %and3A_451 = vector.broadcast %and3A_450 : i32 to vector<16xi32>
      %and3A_452 = arith.andi %get3A_436, %and3A_451 : vector<16xi32>
      tpu.vector_store_idx %arg22[%shift_right_arithmetic3A_449, %and3A_452], %gather3A_445 {add = true} : memref<80x128xf32, #tpu.memory_space<vmem>>[vector<16xi32>, vector<16xi32>], vector<16xf32>,
      %shift_right_arithmetic3A_453 = arith.constant 7 : i32
      %shift_right_arithmetic3A_454 = vector.broadcast %shift_right_arithmetic3A_453 : i32 to vector<16xi32>
      %shift_right_arithmetic3A_455 = arith.shrsi %get3A_438, %shift_right_arithmetic3A_454 : vector<16xi32>
      %and3A_456 = arith.constant 127 : i32
      %and3A_457 = vector.broadcast %and3A_456 : i32 to vector<16xi32>
      %and3A_458 = arith.andi %get3A_438, %and3A_457 : vector<16xi32>
      tpu.vector_store_idx %arg22[%shift_right_arithmetic3A_455, %and3A_458], %gather3A_446 {add = true} : memref<80x128xf32, #tpu.memory_space<vmem>>[vector<16xi32>, vector<16xi32>], vector<16xf32>,
      %get3A_459 = arith.constant 16 : index
      %get3A_460 = tpu.vector_load %arg12[%get3A_459] {strides = array<i32>} : memref<64xi32, #tpu.memory_space<vmem>>, vector<16xi32>,
      %get3A_461 = arith.constant 48 : index
      %get3A_462 = tpu.vector_load %arg12[%get3A_461] {strides = array<i32>} : memref<64xi32, #tpu.memory_space<vmem>>, vector<16xi32>,
      %mul3A_463 = arith.constant 16 : i32
      %mul3A_464 = vector.broadcast %mul3A_463 : i32 to vector<16xi32>
      %mul3A_465 = arith.muli %iota3A, %mul3A_464 : vector<16xi32>
      %add3A_466 = arith.constant 256 : i32
      %add3A_467 = vector.broadcast %add3A_466 : i32 to vector<16xi32>
      %add3A_468 = arith.addi %mul3A_465, %add3A_467 : vector<16xi32>
      %gather3A_469 = tpu.vector_load_idx %arg20[%add3A_468] : memref<512xf32, #tpu.memory_space<vmem>>[vector<16xi32>], vector<16xf32>,
      %gather3A_470 = tpu.vector_load_idx %arg21[%add3A_468] : memref<512xf32, #tpu.memory_space<vmem>>[vector<16xi32>], vector<16xf32>,
      %shift_right_arithmetic3A_471 = arith.constant 7 : i32
      %shift_right_arithmetic3A_472 = vector.broadcast %shift_right_arithmetic3A_471 : i32 to vector<16xi32>
      %shift_right_arithmetic3A_473 = arith.shrsi %get3A_460, %shift_right_arithmetic3A_472 : vector<16xi32>
      %and3A_474 = arith.constant 127 : i32
      %and3A_475 = vector.broadcast %and3A_474 : i32 to vector<16xi32>
      %and3A_476 = arith.andi %get3A_460, %and3A_475 : vector<16xi32>
      tpu.vector_store_idx %arg22[%shift_right_arithmetic3A_473, %and3A_476], %gather3A_469 {add = true} : memref<80x128xf32, #tpu.memory_space<vmem>>[vector<16xi32>, vector<16xi32>], vector<16xf32>,
      %shift_right_arithmetic3A_477 = arith.constant 7 : i32
      %shift_right_arithmetic3A_478 = vector.broadcast %shift_right_arithmetic3A_477 : i32 to vector<16xi32>
      %shift_right_arithmetic3A_479 = arith.shrsi %get3A_462, %shift_right_arithmetic3A_478 : vector<16xi32>
      %and3A_480 = arith.constant 127 : i32
      %and3A_481 = vector.broadcast %and3A_480 : i32 to vector<16xi32>
      %and3A_482 = arith.andi %get3A_462, %and3A_481 : vector<16xi32>
      tpu.vector_store_idx %arg22[%shift_right_arithmetic3A_479, %and3A_482], %gather3A_470 {add = true} : memref<80x128xf32, #tpu.memory_space<vmem>>[vector<16xi32>, vector<16xi32>], vector<16xf32>,
      %ge3A_483 = arith.constant 1 : i32
      %ge3A_484 = arith.cmpi sge, %add3A_414, %ge3A_483 : i32
      %convert_element_type3A_485 = arith.extui %ge3A_484 : i1 to i32
      %cond3A_486 = arith.constant 0 : i32
      %cond3A_487 = arith.cmpi ne, %convert_element_type3A_485, %cond3A_486 : i32
      scf.if %cond3A_487 {
        %dma_wait3A_585 = arith.constant 0 : i32
        %dma_wait3A_586 = arith.constant 0 : i32
        %dma_wait3A_587 = tpu.memref_slice %arg8[%dma_wait3A_585, %dma_wait3A_586] : memref<10240x128xf32, #tpu.memory_space<vmem_shared>> -> memref<10240x128xf32, #tpu.memory_space<vmem_shared>>
        tpu.wait_indirect_dma semaphore(%arg36 : memref<!tpu.dma_semaphore, #tpu.memory_space<semaphore_mem>>) src(%arg19 : memref<64x128xf32, #tpu.memory_space<vmem>>) dst(%dma_wait3A_587 : memref<10240x128xf32, #tpu.memory_space<vmem_shared>>)
      } else {
      }
      %dma_start3A_488 = arith.constant 0 : i32
      %dma_start3A_489 = arith.constant 0 : i32
      %dma_start3A_490 = tpu.memref_slice %arg8[%dma_start3A_488, %dma_start3A_489] : memref<10240x128xf32, #tpu.memory_space<vmem_shared>> -> memref<10240x128xf32, #tpu.memory_space<vmem_shared>>
      tpu.enqueue_indirect_dma source(%arg18 : memref<64x128xf32, #tpu.memory_space<vmem>>) target(%dma_start3A_490 : memref<10240x128xf32, #tpu.memory_space<vmem_shared>>) offsets(%arg12 : memref<64xi32, #tpu.memory_space<vmem>>) semaphore(%arg35 : memref<!tpu.dma_semaphore, #tpu.memory_space<semaphore_mem>>) {add = true}
      %add3A_491 = arith.constant 2 : i32
      %add3A_492 = arith.addi %add3A_414, %add3A_491 : i32
      %lt3A_493 = arith.constant 313 : i32
      %lt3A_494 = arith.cmpi slt, %add3A_492, %lt3A_493 : i32
      %convert_element_type3A_495 = arith.extui %lt3A_494 : i1 to i32
      %cond3A_496 = arith.constant 0 : i32
      %cond3A_497 = arith.cmpi ne, %convert_element_type3A_495, %cond3A_496 : i32
      scf.if %cond3A_497 {
        %add3A_585 = arith.constant 2 : i32
        %add3A_586 = arith.addi %add3A_414, %add3A_585 : i32
        %mul3A_587 = arith.constant 32 : i32
        %mul3A_588 = arith.muli %add3A_586, %mul3A_587 : i32
        %add3A_589 = arith.addi %mul3A_75, %mul3A_588 : i32
        %add3A_590 = arith.constant 320512 : i32
        %add3A_591 = arith.addi %add3A_590, %add3A_589 : i32
        %dma_start3A_592 = arith.constant 0 : i32
        %dma_start3A_593 = tpu.memref_slice %arg10[%dma_start3A_592] : memref<64xi32, #tpu.memory_space<vmem>> -> memref<32xi32, #tpu.memory_space<vmem>>
        %dma_start3A_594 = tpu.memref_slice %arg3[%add3A_591] : memref<641024xi32, #tpu.memory_space<hbm>> -> memref<32xi32, #tpu.memory_space<hbm>>
        %dma_start3A_595 = arith.constant 0 : i32
        %dma_start3A_596 = tpu.memref_slice %arg10[%dma_start3A_595] : memref<64xi32, #tpu.memory_space<vmem>> -> memref<32xi32, #tpu.memory_space<vmem>>
        %dma_start3A_597 = tpu.memref_slice %arg3[%add3A_591] : memref<641024xi32, #tpu.memory_space<hbm>> -> memref<32xi32, #tpu.memory_space<hbm>>
        tpu.enqueue_dma source(%dma_start3A_597 : memref<32xi32, #tpu.memory_space<hbm>>) target(%dma_start3A_596 : memref<32xi32, #tpu.memory_space<vmem>>) target_semaphore(%arg27 : memref<!tpu.dma_semaphore, #tpu.memory_space<semaphore_mem>>)
        %dma_start3A_598 = arith.constant 32 : i32
        %dma_start3A_599 = tpu.memref_slice %arg10[%dma_start3A_598] : memref<64xi32, #tpu.memory_space<vmem>> -> memref<32xi32, #tpu.memory_space<vmem>>
        %dma_start3A_600 = tpu.memref_slice %arg3[%add3A_589] : memref<641024xi32, #tpu.memory_space<hbm>> -> memref<32xi32, #tpu.memory_space<hbm>>
        %dma_start3A_601 = arith.constant 32 : i32
        %dma_start3A_602 = tpu.memref_slice %arg10[%dma_start3A_601] : memref<64xi32, #tpu.memory_space<vmem>> -> memref<32xi32, #tpu.memory_space<vmem>>
        %dma_start3A_603 = tpu.memref_slice %arg3[%add3A_589] : memref<641024xi32, #tpu.memory_space<hbm>> -> memref<32xi32, #tpu.memory_space<hbm>>
        tpu.enqueue_dma source(%dma_start3A_603 : memref<32xi32, #tpu.memory_space<hbm>>) target(%dma_start3A_602 : memref<32xi32, #tpu.memory_space<vmem>>) target_semaphore(%arg27 : memref<!tpu.dma_semaphore, #tpu.memory_space<semaphore_mem>>)
      } else {
      }
      %mul3A_498 = arith.constant 4 : i32
      %mul3A_499 = arith.muli %mul3A_498, %scan3A_237 : i32
      %add3A_500 = arith.constant 3 : i32
      %add3A_501 = arith.addi %mul3A_499, %add3A_500 : i32
      %add3A_502 = arith.constant 1 : i32
      %add3A_503 = arith.addi %add3A_501, %add3A_502 : i32
      %lt3A_504 = arith.constant 313 : i32
      %lt3A_505 = arith.cmpi slt, %add3A_503, %lt3A_504 : i32
      %convert_element_type3A_506 = arith.extui %lt3A_505 : i1 to i32
      %cond3A_507 = arith.constant 0 : i32
      %cond3A_508 = arith.cmpi ne, %convert_element_type3A_506, %cond3A_507 : i32
      scf.if %cond3A_508 {
        %dma_wait3A_585 = arith.constant 0 : i32
        %dma_wait3A_586 = tpu.memref_slice %arg10[%dma_wait3A_585] : memref<64xi32, #tpu.memory_space<vmem>> -> memref<32xi32, #tpu.memory_space<vmem>>
        %dma_wait3A_587 = arith.constant 0 : i32
        %dma_wait3A_588 = tpu.memref_slice %arg3[%dma_wait3A_587] : memref<641024xi32, #tpu.memory_space<hbm>> -> memref<32xi32, #tpu.memory_space<hbm>>
        %dma_wait3A_589 = arith.constant 0 : i32
        %dma_wait3A_590 = tpu.memref_slice %arg10[%dma_wait3A_589] : memref<64xi32, #tpu.memory_space<vmem>> -> memref<32xi32, #tpu.memory_space<vmem>>
        %dma_wait3A_591 = arith.constant 0 : i32
        %dma_wait3A_592 = tpu.memref_slice %arg3[%dma_wait3A_591] : memref<641024xi32, #tpu.memory_space<hbm>> -> memref<32xi32, #tpu.memory_space<hbm>>
        tpu.wait_dma2 semaphore(%arg27 : memref<!tpu.dma_semaphore, #tpu.memory_space<semaphore_mem>>) src(%dma_wait3A_592 : memref<32xi32, #tpu.memory_space<hbm>>) dst(%dma_wait3A_590 : memref<32xi32, #tpu.memory_space<vmem>>)
        %dma_wait3A_593 = arith.constant 32 : i32
        %dma_wait3A_594 = tpu.memref_slice %arg10[%dma_wait3A_593] : memref<64xi32, #tpu.memory_space<vmem>> -> memref<32xi32, #tpu.memory_space<vmem>>
        %dma_wait3A_595 = arith.constant 0 : i32
        %dma_wait3A_596 = tpu.memref_slice %arg3[%dma_wait3A_595] : memref<641024xi32, #tpu.memory_space<hbm>> -> memref<32xi32, #tpu.memory_space<hbm>>
        %dma_wait3A_597 = arith.constant 32 : i32
        %dma_wait3A_598 = tpu.memref_slice %arg10[%dma_wait3A_597] : memref<64xi32, #tpu.memory_space<vmem>> -> memref<32xi32, #tpu.memory_space<vmem>>
        %dma_wait3A_599 = arith.constant 0 : i32
        %dma_wait3A_600 = tpu.memref_slice %arg3[%dma_wait3A_599] : memref<641024xi32, #tpu.memory_space<hbm>> -> memref<32xi32, #tpu.memory_space<hbm>>
        tpu.wait_dma2 semaphore(%arg27 : memref<!tpu.dma_semaphore, #tpu.memory_space<semaphore_mem>>) src(%dma_wait3A_600 : memref<32xi32, #tpu.memory_space<hbm>>) dst(%dma_wait3A_598 : memref<32xi32, #tpu.memory_space<vmem>>)
        %dma_start3A_601 = arith.constant 0 : i32
        %dma_start3A_602 = tpu.memref_slice %arg10[%dma_start3A_601] : memref<64xi32, #tpu.memory_space<vmem>> -> memref<32xi32, #tpu.memory_space<vmem>>
        %dma_start3A_603 = arith.constant 0 : i32
        %dma_start3A_604 = arith.constant 0 : i32
        %dma_start3A_605 = tpu.memref_slice %arg2[%dma_start3A_603, %dma_start3A_604] : memref<10240x128xf32, #tpu.memory_space<hbm>> -> memref<10240x128xf32, #tpu.memory_space<hbm>>
        tpu.enqueue_indirect_dma source(%dma_start3A_605 : memref<10240x128xf32, #tpu.memory_space<hbm>>) target(%arg16 : memref<32x128xf32, #tpu.memory_space<vmem>>) offsets(%dma_start3A_602 : memref<32xi32, #tpu.memory_space<vmem>>) semaphore(%arg33 : memref<!tpu.dma_semaphore, #tpu.memory_space<semaphore_mem>>)
        %dma_start3A_606 = arith.constant 32 : i32
        %dma_start3A_607 = tpu.memref_slice %arg10[%dma_start3A_606] : memref<64xi32, #tpu.memory_space<vmem>> -> memref<32xi32, #tpu.memory_space<vmem>>
        %dma_start3A_608 = arith.constant 0 : i32
        %dma_start3A_609 = arith.constant 0 : i32
        %dma_start3A_610 = tpu.memref_slice %arg2[%dma_start3A_608, %dma_start3A_609] : memref<10240x128xf32, #tpu.memory_space<hbm>> -> memref<10240x128xf32, #tpu.memory_space<hbm>>
        tpu.enqueue_indirect_dma source(%dma_start3A_610 : memref<10240x128xf32, #tpu.memory_space<hbm>>) target(%arg14 : memref<32x128xf32, #tpu.memory_space<vmem>>) offsets(%dma_start3A_607 : memref<32xi32, #tpu.memory_space<vmem>>) semaphore(%arg31 : memref<!tpu.dma_semaphore, #tpu.memory_space<semaphore_mem>>)
      } else {
      }
      %dma_wait3A_509 = arith.constant 0 : i32
      %dma_wait3A_510 = tpu.memref_slice %arg13[%dma_wait3A_509] : memref<64xi32, #tpu.memory_space<vmem>> -> memref<32xi32, #tpu.memory_space<vmem>>
      %dma_wait3A_511 = arith.constant 0 : i32
      %dma_wait3A_512 = arith.constant 0 : i32
      %dma_wait3A_513 = tpu.memref_slice %arg2[%dma_wait3A_511, %dma_wait3A_512] : memref<10240x128xf32, #tpu.memory_space<hbm>> -> memref<10240x128xf32, #tpu.memory_space<hbm>>
      tpu.wait_indirect_dma semaphore(%arg34 : memref<!tpu.dma_semaphore, #tpu.memory_space<semaphore_mem>>) src(%dma_wait3A_513 : memref<10240x128xf32, #tpu.memory_space<hbm>>) dst(%arg17 : memref<32x128xf32, #tpu.memory_space<vmem>>)
      %dma_wait3A_514 = arith.constant 32 : i32
      %dma_wait3A_515 = tpu.memref_slice %arg13[%dma_wait3A_514] : memref<64xi32, #tpu.memory_space<vmem>> -> memref<32xi32, #tpu.memory_space<vmem>>
      %dma_wait3A_516 = arith.constant 0 : i32
      %dma_wait3A_517 = arith.constant 0 : i32
      %dma_wait3A_518 = tpu.memref_slice %arg2[%dma_wait3A_516, %dma_wait3A_517] : memref<10240x128xf32, #tpu.memory_space<hbm>> -> memref<10240x128xf32, #tpu.memory_space<hbm>>
      tpu.wait_indirect_dma semaphore(%arg32 : memref<!tpu.dma_semaphore, #tpu.memory_space<semaphore_mem>>) src(%dma_wait3A_518 : memref<10240x128xf32, #tpu.memory_space<hbm>>) dst(%arg15 : memref<32x128xf32, #tpu.memory_space<vmem>>)
      %parallel_loop3A_519 = arith.constant 0 : i32
      %parallel_loop3A_520 = arith.constant 32 : i32
      %parallel_loop3A_521 = arith.constant 1 : i32
      scf.for %parallel_loop3A_585 = %parallel_loop3A_519 to %parallel_loop3A_520 step %parallel_loop3A_521  : i32 {
        %parallel_loop3A_586 = arith.index_cast %parallel_loop3A_585 : i32 to index
        %parallel_loop3A_587 = arith.constant 0 : index
        %parallel_loop3A_588 = tpu.vector_load %arg15[%parallel_loop3A_586, %parallel_loop3A_587] {strides = array<i32>} : memref<32x128xf32, #tpu.memory_space<vmem>>, vector<16xf32>,
        %parallel_loop3A_589 = arith.index_cast %parallel_loop3A_585 : i32 to index
        %parallel_loop3A_590 = arith.constant 16 : index
        %parallel_loop3A_591 = tpu.vector_load %arg15[%parallel_loop3A_589, %parallel_loop3A_590] {strides = array<i32>} : memref<32x128xf32, #tpu.memory_space<vmem>>, vector<16xf32>,
        %parallel_loop3A_592 = arith.index_cast %parallel_loop3A_585 : i32 to index
        %parallel_loop3A_593 = arith.constant 32 : index
        %parallel_loop3A_594 = tpu.vector_load %arg15[%parallel_loop3A_592, %parallel_loop3A_593] {strides = array<i32>} : memref<32x128xf32, #tpu.memory_space<vmem>>, vector<16xf32>,
        %parallel_loop3A_595 = arith.index_cast %parallel_loop3A_585 : i32 to index
        %parallel_loop3A_596 = arith.constant 48 : index
        %parallel_loop3A_597 = tpu.vector_load %arg15[%parallel_loop3A_595, %parallel_loop3A_596] {strides = array<i32>} : memref<32x128xf32, #tpu.memory_space<vmem>>, vector<16xf32>,
        %parallel_loop3A_598 = arith.index_cast %parallel_loop3A_585 : i32 to index
        %parallel_loop3A_599 = arith.constant 64 : index
        %parallel_loop3A_600 = tpu.vector_load %arg15[%parallel_loop3A_598, %parallel_loop3A_599] {strides = array<i32>} : memref<32x128xf32, #tpu.memory_space<vmem>>, vector<16xf32>,
        %parallel_loop3A_601 = arith.index_cast %parallel_loop3A_585 : i32 to index
        %parallel_loop3A_602 = arith.constant 80 : index
        %parallel_loop3A_603 = tpu.vector_load %arg15[%parallel_loop3A_601, %parallel_loop3A_602] {strides = array<i32>} : memref<32x128xf32, #tpu.memory_space<vmem>>, vector<16xf32>,
        %parallel_loop3A_604 = arith.index_cast %parallel_loop3A_585 : i32 to index
        %parallel_loop3A_605 = arith.constant 96 : index
        %parallel_loop3A_606 = tpu.vector_load %arg15[%parallel_loop3A_604, %parallel_loop3A_605] {strides = array<i32>} : memref<32x128xf32, #tpu.memory_space<vmem>>, vector<16xf32>,
        %parallel_loop3A_607 = arith.index_cast %parallel_loop3A_585 : i32 to index
        %parallel_loop3A_608 = arith.constant 112 : index
        %parallel_loop3A_609 = tpu.vector_load %arg15[%parallel_loop3A_607, %parallel_loop3A_608] {strides = array<i32>} : memref<32x128xf32, #tpu.memory_space<vmem>>, vector<16xf32>,
        %parallel_loop3A_610 = arith.index_cast %parallel_loop3A_585 : i32 to index
        %parallel_loop3A_611 = arith.constant 0 : index
        %parallel_loop3A_612 = tpu.vector_load %arg17[%parallel_loop3A_610, %parallel_loop3A_611] {strides = array<i32>} : memref<32x128xf32, #tpu.memory_space<vmem>>, vector<16xf32>,
        %parallel_loop3A_613 = arith.index_cast %parallel_loop3A_585 : i32 to index
        %parallel_loop3A_614 = arith.constant 16 : index
        %parallel_loop3A_615 = tpu.vector_load %arg17[%parallel_loop3A_613, %parallel_loop3A_614] {strides = array<i32>} : memref<32x128xf32, #tpu.memory_space<vmem>>, vector<16xf32>,
        %parallel_loop3A_616 = arith.index_cast %parallel_loop3A_585 : i32 to index
        %parallel_loop3A_617 = arith.constant 32 : index
        %parallel_loop3A_618 = tpu.vector_load %arg17[%parallel_loop3A_616, %parallel_loop3A_617] {strides = array<i32>} : memref<32x128xf32, #tpu.memory_space<vmem>>, vector<16xf32>,
        %parallel_loop3A_619 = arith.index_cast %parallel_loop3A_585 : i32 to index
        %parallel_loop3A_620 = arith.constant 48 : index
        %parallel_loop3A_621 = tpu.vector_load %arg17[%parallel_loop3A_619, %parallel_loop3A_620] {strides = array<i32>} : memref<32x128xf32, #tpu.memory_space<vmem>>, vector<16xf32>,
        %parallel_loop3A_622 = arith.index_cast %parallel_loop3A_585 : i32 to index
        %parallel_loop3A_623 = arith.constant 64 : index
        %parallel_loop3A_624 = tpu.vector_load %arg17[%parallel_loop3A_622, %parallel_loop3A_623] {strides = array<i32>} : memref<32x128xf32, #tpu.memory_space<vmem>>, vector<16xf32>,
        %parallel_loop3A_625 = arith.index_cast %parallel_loop3A_585 : i32 to index
        %parallel_loop3A_626 = arith.constant 80 : index
        %parallel_loop3A_627 = tpu.vector_load %arg17[%parallel_loop3A_625, %parallel_loop3A_626] {strides = array<i32>} : memref<32x128xf32, #tpu.memory_space<vmem>>, vector<16xf32>,
        %parallel_loop3A_628 = arith.index_cast %parallel_loop3A_585 : i32 to index
        %parallel_loop3A_629 = arith.constant 96 : index
        %parallel_loop3A_630 = tpu.vector_load %arg17[%parallel_loop3A_628, %parallel_loop3A_629] {strides = array<i32>} : memref<32x128xf32, #tpu.memory_space<vmem>>, vector<16xf32>,
        %parallel_loop3A_631 = arith.index_cast %parallel_loop3A_585 : i32 to index
        %parallel_loop3A_632 = arith.constant 112 : index
        %parallel_loop3A_633 = tpu.vector_load %arg17[%parallel_loop3A_631, %parallel_loop3A_632] {strides = array<i32>} : memref<32x128xf32, #tpu.memory_space<vmem>>, vector<16xf32>,
        %parallel_loop3A_634 = arith.mulf %parallel_loop3A_588, %parallel_loop3A_612 : vector<16xf32>
        %parallel_loop3A_635 = arith.mulf %parallel_loop3A_634, %get3A_43 : vector<16xf32>
        %parallel_loop3A_636 = arith.mulf %parallel_loop3A_588, %parallel_loop3A_612 : vector<16xf32>
        %parallel_loop3A_637 = arith.mulf %parallel_loop3A_636, %get3A_59 : vector<16xf32>
        %parallel_loop3A_638 = arith.mulf %parallel_loop3A_591, %parallel_loop3A_615 : vector<16xf32>
        %parallel_loop3A_639 = arith.mulf %parallel_loop3A_638, %get3A_45 : vector<16xf32>
        %parallel_loop3A_640 = arith.addf %parallel_loop3A_635, %parallel_loop3A_639 : vector<16xf32>
        %parallel_loop3A_641 = arith.mulf %parallel_loop3A_638, %get3A_61 : vector<16xf32>
        %parallel_loop3A_642 = arith.addf %parallel_loop3A_637, %parallel_loop3A_641 : vector<16xf32>
        %parallel_loop3A_643 = arith.mulf %parallel_loop3A_594, %parallel_loop3A_618 : vector<16xf32>
        %parallel_loop3A_644 = arith.mulf %parallel_loop3A_643, %get3A_47 : vector<16xf32>
        %parallel_loop3A_645 = arith.addf %parallel_loop3A_640, %parallel_loop3A_644 : vector<16xf32>
        %parallel_loop3A_646 = arith.mulf %parallel_loop3A_643, %get3A_63 : vector<16xf32>
        %parallel_loop3A_647 = arith.addf %parallel_loop3A_642, %parallel_loop3A_646 : vector<16xf32>
        %parallel_loop3A_648 = arith.mulf %parallel_loop3A_597, %parallel_loop3A_621 : vector<16xf32>
        %parallel_loop3A_649 = arith.mulf %parallel_loop3A_648, %get3A_49 : vector<16xf32>
        %parallel_loop3A_650 = arith.addf %parallel_loop3A_645, %parallel_loop3A_649 : vector<16xf32>
        %parallel_loop3A_651 = arith.mulf %parallel_loop3A_648, %get3A_65 : vector<16xf32>
        %parallel_loop3A_652 = arith.addf %parallel_loop3A_647, %parallel_loop3A_651 : vector<16xf32>
        %parallel_loop3A_653 = arith.mulf %parallel_loop3A_600, %parallel_loop3A_624 : vector<16xf32>
        %parallel_loop3A_654 = arith.mulf %parallel_loop3A_653, %get3A_51 : vector<16xf32>
        %parallel_loop3A_655 = arith.addf %parallel_loop3A_650, %parallel_loop3A_654 : vector<16xf32>
        %parallel_loop3A_656 = arith.mulf %parallel_loop3A_653, %get3A_67 : vector<16xf32>
        %parallel_loop3A_657 = arith.addf %parallel_loop3A_652, %parallel_loop3A_656 : vector<16xf32>
        %parallel_loop3A_658 = arith.mulf %parallel_loop3A_603, %parallel_loop3A_627 : vector<16xf32>
        %parallel_loop3A_659 = arith.mulf %parallel_loop3A_658, %get3A_53 : vector<16xf32>
        %parallel_loop3A_660 = arith.addf %parallel_loop3A_655, %parallel_loop3A_659 : vector<16xf32>
        %parallel_loop3A_661 = arith.mulf %parallel_loop3A_658, %get3A_69 : vector<16xf32>
        %parallel_loop3A_662 = arith.addf %parallel_loop3A_657, %parallel_loop3A_661 : vector<16xf32>
        %parallel_loop3A_663 = arith.mulf %parallel_loop3A_606, %parallel_loop3A_630 : vector<16xf32>
        %parallel_loop3A_664 = arith.mulf %parallel_loop3A_663, %get3A_55 : vector<16xf32>
        %parallel_loop3A_665 = arith.addf %parallel_loop3A_660, %parallel_loop3A_664 : vector<16xf32>
        %parallel_loop3A_666 = arith.mulf %parallel_loop3A_663, %get3A_71 : vector<16xf32>
        %parallel_loop3A_667 = arith.addf %parallel_loop3A_662, %parallel_loop3A_666 : vector<16xf32>
        %parallel_loop3A_668 = arith.mulf %parallel_loop3A_609, %parallel_loop3A_633 : vector<16xf32>
        %parallel_loop3A_669 = arith.mulf %parallel_loop3A_668, %get3A_57 : vector<16xf32>
        %parallel_loop3A_670 = arith.addf %parallel_loop3A_665, %parallel_loop3A_669 : vector<16xf32>
        %parallel_loop3A_671 = arith.mulf %parallel_loop3A_668, %get3A_73 : vector<16xf32>
        %parallel_loop3A_672 = arith.addf %parallel_loop3A_667, %parallel_loop3A_671 : vector<16xf32>
        %parallel_loop3A_673 = arith.constant true
        %parallel_loop3A_674 = vector.broadcast %parallel_loop3A_673 : i1 to vector<16xi1>
        %parallel_loop3A_675 = tpu.scan <sum>, %parallel_loop3A_670 masked %parallel_loop3A_674 : vector<16xf32>, vector<16xi1> -> vector<16xf32>
        %parallel_loop3A_676 = vector.extract_strided_slice %parallel_loop3A_675 {offsets = [15], sizes = [1], strides = [1]} : vector<16xf32> to vector<1xf32>
        %parallel_loop3A_677 = vector.extract %parallel_loop3A_676[0] : f32 from vector<1xf32>
        %parallel_loop3A_678 = vector.broadcast %parallel_loop3A_677 : f32 to vector<16xf32>
        %parallel_loop3A_679 = arith.constant 0.00999999977 : f32
        %parallel_loop3A_680 = vector.broadcast %parallel_loop3A_679 : f32 to vector<16xf32>
        %parallel_loop3A_681 = arith.mulf %parallel_loop3A_678, %parallel_loop3A_680 : vector<16xf32>
        %parallel_loop3A_682 = arith.maximumf %parallel_loop3A_678, %parallel_loop3A_681 : vector<16xf32>
        %parallel_loop3A_683 = math.exp %parallel_loop3A_682 : vector<16xf32>
        %parallel_loop3A_684 = arith.constant true
        %parallel_loop3A_685 = vector.broadcast %parallel_loop3A_684 : i1 to vector<16xi1>
        %parallel_loop3A_686 = tpu.scan <sum>, %parallel_loop3A_672 masked %parallel_loop3A_685 : vector<16xf32>, vector<16xi1> -> vector<16xf32>
        %parallel_loop3A_687 = vector.extract_strided_slice %parallel_loop3A_686 {offsets = [15], sizes = [1], strides = [1]} : vector<16xf32> to vector<1xf32>
        %parallel_loop3A_688 = vector.extract %parallel_loop3A_687[0] : f32 from vector<1xf32>
        %parallel_loop3A_689 = vector.broadcast %parallel_loop3A_688 : f32 to vector<16xf32>
        %parallel_loop3A_690 = arith.constant 0.00999999977 : f32
        %parallel_loop3A_691 = vector.broadcast %parallel_loop3A_690 : f32 to vector<16xf32>
        %parallel_loop3A_692 = arith.mulf %parallel_loop3A_689, %parallel_loop3A_691 : vector<16xf32>
        %parallel_loop3A_693 = arith.maximumf %parallel_loop3A_689, %parallel_loop3A_692 : vector<16xf32>
        %parallel_loop3A_694 = math.exp %parallel_loop3A_693 : vector<16xf32>
        %parallel_loop3A_695 = arith.mulf %parallel_loop3A_588, %parallel_loop3A_683 : vector<16xf32>
        %parallel_loop3A_696 = arith.index_cast %parallel_loop3A_585 : i32 to index
        %parallel_loop3A_697 = arith.constant 0 : index
        %parallel_loop3A_698 = tpu.vector_load %arg19[%parallel_loop3A_696, %parallel_loop3A_697] {strides = array<i32>} : memref<64x128xf32, #tpu.memory_space<vmem>>, vector<16xf32>,
        tpu.vector_store %arg19[%parallel_loop3A_696, %parallel_loop3A_697], %parallel_loop3A_695 {strides = array<i32>} : memref<64x128xf32, #tpu.memory_space<vmem>>, vector<16xf32>,
        %parallel_loop3A_699 = arith.mulf %parallel_loop3A_612, %parallel_loop3A_694 : vector<16xf32>
        %parallel_loop3A_700 = arith.constant 32 : i32
        %parallel_loop3A_701 = arith.addi %parallel_loop3A_700, %parallel_loop3A_585 : i32
        %parallel_loop3A_702 = arith.index_cast %parallel_loop3A_701 : i32 to index
        %parallel_loop3A_703 = arith.constant 0 : index
        %parallel_loop3A_704 = tpu.vector_load %arg19[%parallel_loop3A_702, %parallel_loop3A_703] {strides = array<i32>} : memref<64x128xf32, #tpu.memory_space<vmem>>, vector<16xf32>,
        tpu.vector_store %arg19[%parallel_loop3A_702, %parallel_loop3A_703], %parallel_loop3A_699 {strides = array<i32>} : memref<64x128xf32, #tpu.memory_space<vmem>>, vector<16xf32>,
        %parallel_loop3A_705 = arith.mulf %parallel_loop3A_591, %parallel_loop3A_683 : vector<16xf32>
        %parallel_loop3A_706 = arith.index_cast %parallel_loop3A_585 : i32 to index
        %parallel_loop3A_707 = arith.constant 16 : index
        %parallel_loop3A_708 = tpu.vector_load %arg19[%parallel_loop3A_706, %parallel_loop3A_707] {strides = array<i32>} : memref<64x128xf32, #tpu.memory_space<vmem>>, vector<16xf32>,
        tpu.vector_store %arg19[%parallel_loop3A_706, %parallel_loop3A_707], %parallel_loop3A_705 {strides = array<i32>} : memref<64x128xf32, #tpu.memory_space<vmem>>, vector<16xf32>,
        %parallel_loop3A_709 = arith.mulf %parallel_loop3A_615, %parallel_loop3A_694 : vector<16xf32>
        %parallel_loop3A_710 = arith.constant 32 : i32
        %parallel_loop3A_711 = arith.addi %parallel_loop3A_710, %parallel_loop3A_585 : i32
        %parallel_loop3A_712 = arith.index_cast %parallel_loop3A_711 : i32 to index
        %parallel_loop3A_713 = arith.constant 16 : index
        %parallel_loop3A_714 = tpu.vector_load %arg19[%parallel_loop3A_712, %parallel_loop3A_713] {strides = array<i32>} : memref<64x128xf32, #tpu.memory_space<vmem>>, vector<16xf32>,
        tpu.vector_store %arg19[%parallel_loop3A_712, %parallel_loop3A_713], %parallel_loop3A_709 {strides = array<i32>} : memref<64x128xf32, #tpu.memory_space<vmem>>, vector<16xf32>,
        %parallel_loop3A_715 = arith.mulf %parallel_loop3A_594, %parallel_loop3A_683 : vector<16xf32>
        %parallel_loop3A_716 = arith.index_cast %parallel_loop3A_585 : i32 to index
        %parallel_loop3A_717 = arith.constant 32 : index
        %parallel_loop3A_718 = tpu.vector_load %arg19[%parallel_loop3A_716, %parallel_loop3A_717] {strides = array<i32>} : memref<64x128xf32, #tpu.memory_space<vmem>>, vector<16xf32>,
        tpu.vector_store %arg19[%parallel_loop3A_716, %parallel_loop3A_717], %parallel_loop3A_715 {strides = array<i32>} : memref<64x128xf32, #tpu.memory_space<vmem>>, vector<16xf32>,
        %parallel_loop3A_719 = arith.mulf %parallel_loop3A_618, %parallel_loop3A_694 : vector<16xf32>
        %parallel_loop3A_720 = arith.constant 32 : i32
        %parallel_loop3A_721 = arith.addi %parallel_loop3A_720, %parallel_loop3A_585 : i32
        %parallel_loop3A_722 = arith.index_cast %parallel_loop3A_721 : i32 to index
        %parallel_loop3A_723 = arith.constant 32 : index
        %parallel_loop3A_724 = tpu.vector_load %arg19[%parallel_loop3A_722, %parallel_loop3A_723] {strides = array<i32>} : memref<64x128xf32, #tpu.memory_space<vmem>>, vector<16xf32>,
        tpu.vector_store %arg19[%parallel_loop3A_722, %parallel_loop3A_723], %parallel_loop3A_719 {strides = array<i32>} : memref<64x128xf32, #tpu.memory_space<vmem>>, vector<16xf32>,
        %parallel_loop3A_725 = arith.mulf %parallel_loop3A_597, %parallel_loop3A_683 : vector<16xf32>
        %parallel_loop3A_726 = arith.index_cast %parallel_loop3A_585 : i32 to index
        %parallel_loop3A_727 = arith.constant 48 : index
        %parallel_loop3A_728 = tpu.vector_load %arg19[%parallel_loop3A_726, %parallel_loop3A_727] {strides = array<i32>} : memref<64x128xf32, #tpu.memory_space<vmem>>, vector<16xf32>,
        tpu.vector_store %arg19[%parallel_loop3A_726, %parallel_loop3A_727], %parallel_loop3A_725 {strides = array<i32>} : memref<64x128xf32, #tpu.memory_space<vmem>>, vector<16xf32>,
        %parallel_loop3A_729 = arith.mulf %parallel_loop3A_621, %parallel_loop3A_694 : vector<16xf32>
        %parallel_loop3A_730 = arith.constant 32 : i32
        %parallel_loop3A_731 = arith.addi %parallel_loop3A_730, %parallel_loop3A_585 : i32
        %parallel_loop3A_732 = arith.index_cast %parallel_loop3A_731 : i32 to index
        %parallel_loop3A_733 = arith.constant 48 : index
        %parallel_loop3A_734 = tpu.vector_load %arg19[%parallel_loop3A_732, %parallel_loop3A_733] {strides = array<i32>} : memref<64x128xf32, #tpu.memory_space<vmem>>, vector<16xf32>,
        tpu.vector_store %arg19[%parallel_loop3A_732, %parallel_loop3A_733], %parallel_loop3A_729 {strides = array<i32>} : memref<64x128xf32, #tpu.memory_space<vmem>>, vector<16xf32>,
        %parallel_loop3A_735 = arith.mulf %parallel_loop3A_600, %parallel_loop3A_683 : vector<16xf32>
        %parallel_loop3A_736 = arith.index_cast %parallel_loop3A_585 : i32 to index
        %parallel_loop3A_737 = arith.constant 64 : index
        %parallel_loop3A_738 = tpu.vector_load %arg19[%parallel_loop3A_736, %parallel_loop3A_737] {strides = array<i32>} : memref<64x128xf32, #tpu.memory_space<vmem>>, vector<16xf32>,
        tpu.vector_store %arg19[%parallel_loop3A_736, %parallel_loop3A_737], %parallel_loop3A_735 {strides = array<i32>} : memref<64x128xf32, #tpu.memory_space<vmem>>, vector<16xf32>,
        %parallel_loop3A_739 = arith.mulf %parallel_loop3A_624, %parallel_loop3A_694 : vector<16xf32>
        %parallel_loop3A_740 = arith.constant 32 : i32
        %parallel_loop3A_741 = arith.addi %parallel_loop3A_740, %parallel_loop3A_585 : i32
        %parallel_loop3A_742 = arith.index_cast %parallel_loop3A_741 : i32 to index
        %parallel_loop3A_743 = arith.constant 64 : index
        %parallel_loop3A_744 = tpu.vector_load %arg19[%parallel_loop3A_742, %parallel_loop3A_743] {strides = array<i32>} : memref<64x128xf32, #tpu.memory_space<vmem>>, vector<16xf32>,
        tpu.vector_store %arg19[%parallel_loop3A_742, %parallel_loop3A_743], %parallel_loop3A_739 {strides = array<i32>} : memref<64x128xf32, #tpu.memory_space<vmem>>, vector<16xf32>,
        %parallel_loop3A_745 = arith.mulf %parallel_loop3A_603, %parallel_loop3A_683 : vector<16xf32>
        %parallel_loop3A_746 = arith.index_cast %parallel_loop3A_585 : i32 to index
        %parallel_loop3A_747 = arith.constant 80 : index
        %parallel_loop3A_748 = tpu.vector_load %arg19[%parallel_loop3A_746, %parallel_loop3A_747] {strides = array<i32>} : memref<64x128xf32, #tpu.memory_space<vmem>>, vector<16xf32>,
        tpu.vector_store %arg19[%parallel_loop3A_746, %parallel_loop3A_747], %parallel_loop3A_745 {strides = array<i32>} : memref<64x128xf32, #tpu.memory_space<vmem>>, vector<16xf32>,
        %parallel_loop3A_749 = arith.mulf %parallel_loop3A_627, %parallel_loop3A_694 : vector<16xf32>
        %parallel_loop3A_750 = arith.constant 32 : i32
        %parallel_loop3A_751 = arith.addi %parallel_loop3A_750, %parallel_loop3A_585 : i32
        %parallel_loop3A_752 = arith.index_cast %parallel_loop3A_751 : i32 to index
        %parallel_loop3A_753 = arith.constant 80 : index
        %parallel_loop3A_754 = tpu.vector_load %arg19[%parallel_loop3A_752, %parallel_loop3A_753] {strides = array<i32>} : memref<64x128xf32, #tpu.memory_space<vmem>>, vector<16xf32>,
        tpu.vector_store %arg19[%parallel_loop3A_752, %parallel_loop3A_753], %parallel_loop3A_749 {strides = array<i32>} : memref<64x128xf32, #tpu.memory_space<vmem>>, vector<16xf32>,
        %parallel_loop3A_755 = arith.mulf %parallel_loop3A_606, %parallel_loop3A_683 : vector<16xf32>
        %parallel_loop3A_756 = arith.index_cast %parallel_loop3A_585 : i32 to index
        %parallel_loop3A_757 = arith.constant 96 : index
        %parallel_loop3A_758 = tpu.vector_load %arg19[%parallel_loop3A_756, %parallel_loop3A_757] {strides = array<i32>} : memref<64x128xf32, #tpu.memory_space<vmem>>, vector<16xf32>,
        tpu.vector_store %arg19[%parallel_loop3A_756, %parallel_loop3A_757], %parallel_loop3A_755 {strides = array<i32>} : memref<64x128xf32, #tpu.memory_space<vmem>>, vector<16xf32>,
        %parallel_loop3A_759 = arith.mulf %parallel_loop3A_630, %parallel_loop3A_694 : vector<16xf32>
        %parallel_loop3A_760 = arith.constant 32 : i32
        %parallel_loop3A_761 = arith.addi %parallel_loop3A_760, %parallel_loop3A_585 : i32
        %parallel_loop3A_762 = arith.index_cast %parallel_loop3A_761 : i32 to index
        %parallel_loop3A_763 = arith.constant 96 : index
        %parallel_loop3A_764 = tpu.vector_load %arg19[%parallel_loop3A_762, %parallel_loop3A_763] {strides = array<i32>} : memref<64x128xf32, #tpu.memory_space<vmem>>, vector<16xf32>,
        tpu.vector_store %arg19[%parallel_loop3A_762, %parallel_loop3A_763], %parallel_loop3A_759 {strides = array<i32>} : memref<64x128xf32, #tpu.memory_space<vmem>>, vector<16xf32>,
        %parallel_loop3A_765 = arith.mulf %parallel_loop3A_609, %parallel_loop3A_683 : vector<16xf32>
        %parallel_loop3A_766 = arith.index_cast %parallel_loop3A_585 : i32 to index
        %parallel_loop3A_767 = arith.constant 112 : index
        %parallel_loop3A_768 = tpu.vector_load %arg19[%parallel_loop3A_766, %parallel_loop3A_767] {strides = array<i32>} : memref<64x128xf32, #tpu.memory_space<vmem>>, vector<16xf32>,
        tpu.vector_store %arg19[%parallel_loop3A_766, %parallel_loop3A_767], %parallel_loop3A_765 {strides = array<i32>} : memref<64x128xf32, #tpu.memory_space<vmem>>, vector<16xf32>,
        %parallel_loop3A_769 = arith.mulf %parallel_loop3A_633, %parallel_loop3A_694 : vector<16xf32>
        %parallel_loop3A_770 = arith.constant 32 : i32
        %parallel_loop3A_771 = arith.addi %parallel_loop3A_770, %parallel_loop3A_585 : i32
        %parallel_loop3A_772 = arith.index_cast %parallel_loop3A_771 : i32 to index
        %parallel_loop3A_773 = arith.constant 112 : index
        %parallel_loop3A_774 = tpu.vector_load %arg19[%parallel_loop3A_772, %parallel_loop3A_773] {strides = array<i32>} : memref<64x128xf32, #tpu.memory_space<vmem>>, vector<16xf32>,
        tpu.vector_store %arg19[%parallel_loop3A_772, %parallel_loop3A_773], %parallel_loop3A_769 {strides = array<i32>} : memref<64x128xf32, #tpu.memory_space<vmem>>, vector<16xf32>,
        %parallel_loop3A_775 = arith.constant 16 : i32
        %parallel_loop3A_776 = arith.muli %parallel_loop3A_585, %parallel_loop3A_775 : i32
        %parallel_loop3A_777 = arith.index_cast %parallel_loop3A_776 : i32 to index
        %parallel_loop3A_778 = tpu.vector_load %arg20[%parallel_loop3A_777] {strides = array<i32>} : memref<512xf32, #tpu.memory_space<vmem>>, vector<16xf32>,
        tpu.vector_store %arg20[%parallel_loop3A_777], %parallel_loop3A_683 {strides = array<i32>} : memref<512xf32, #tpu.memory_space<vmem>>, vector<16xf32>,
        %parallel_loop3A_779 = arith.constant 16 : i32
        %parallel_loop3A_780 = arith.muli %parallel_loop3A_585, %parallel_loop3A_779 : i32
        %parallel_loop3A_781 = arith.index_cast %parallel_loop3A_780 : i32 to index
        %parallel_loop3A_782 = tpu.vector_load %arg21[%parallel_loop3A_781] {strides = array<i32>} : memref<512xf32, #tpu.memory_space<vmem>>, vector<16xf32>,
        tpu.vector_store %arg21[%parallel_loop3A_781], %parallel_loop3A_694 {strides = array<i32>} : memref<512xf32, #tpu.memory_space<vmem>>, vector<16xf32>,
      } {sc.loop_unroll_factor = 1 : i64, sc.parallel_access}
      %get3A_522 = arith.constant 0 : index
      %get3A_523 = tpu.vector_load %arg13[%get3A_522] {strides = array<i32>} : memref<64xi32, #tpu.memory_space<vmem>>, vector<16xi32>,
      %get3A_524 = arith.constant 32 : index
      %get3A_525 = tpu.vector_load %arg13[%get3A_524] {strides = array<i32>} : memref<64xi32, #tpu.memory_space<vmem>>, vector<16xi32>,
      %mul3A_526 = arith.constant 16 : i32
      %mul3A_527 = vector.broadcast %mul3A_526 : i32 to vector<16xi32>
      %mul3A_528 = arith.muli %iota3A, %mul3A_527 : vector<16xi32>
      %add3A_529 = arith.constant 0 : i32
      %add3A_530 = vector.broadcast %add3A_529 : i32 to vector<16xi32>
      %add3A_531 = arith.addi %mul3A_528, %add3A_530 : vector<16xi32>
      %gather3A_532 = tpu.vector_load_idx %arg20[%add3A_531] : memref<512xf32, #tpu.memory_space<vmem>>[vector<16xi32>], vector<16xf32>,
      %gather3A_533 = tpu.vector_load_idx %arg21[%add3A_531] : memref<512xf32, #tpu.memory_space<vmem>>[vector<16xi32>], vector<16xf32>,
      %shift_right_arithmetic3A_534 = arith.constant 7 : i32
      %shift_right_arithmetic3A_535 = vector.broadcast %shift_right_arithmetic3A_534 : i32 to vector<16xi32>
      %shift_right_arithmetic3A_536 = arith.shrsi %get3A_523, %shift_right_arithmetic3A_535 : vector<16xi32>
      %and3A_537 = arith.constant 127 : i32
      %and3A_538 = vector.broadcast %and3A_537 : i32 to vector<16xi32>
      %and3A_539 = arith.andi %get3A_523, %and3A_538 : vector<16xi32>
      tpu.vector_store_idx %arg22[%shift_right_arithmetic3A_536, %and3A_539], %gather3A_532 {add = true} : memref<80x128xf32, #tpu.memory_space<vmem>>[vector<16xi32>, vector<16xi32>], vector<16xf32>,
      %shift_right_arithmetic3A_540 = arith.constant 7 : i32
      %shift_right_arithmetic3A_541 = vector.broadcast %shift_right_arithmetic3A_540 : i32 to vector<16xi32>
      %shift_right_arithmetic3A_542 = arith.shrsi %get3A_525, %shift_right_arithmetic3A_541 : vector<16xi32>
      %and3A_543 = arith.constant 127 : i32
      %and3A_544 = vector.broadcast %and3A_543 : i32 to vector<16xi32>
      %and3A_545 = arith.andi %get3A_525, %and3A_544 : vector<16xi32>
      tpu.vector_store_idx %arg22[%shift_right_arithmetic3A_542, %and3A_545], %gather3A_533 {add = true} : memref<80x128xf32, #tpu.memory_space<vmem>>[vector<16xi32>, vector<16xi32>], vector<16xf32>,
      %get3A_546 = arith.constant 16 : index
      %get3A_547 = tpu.vector_load %arg13[%get3A_546] {strides = array<i32>} : memref<64xi32, #tpu.memory_space<vmem>>, vector<16xi32>,
      %get3A_548 = arith.constant 48 : index
      %get3A_549 = tpu.vector_load %arg13[%get3A_548] {strides = array<i32>} : memref<64xi32, #tpu.memory_space<vmem>>, vector<16xi32>,
      %mul3A_550 = arith.constant 16 : i32
      %mul3A_551 = vector.broadcast %mul3A_550 : i32 to vector<16xi32>
      %mul3A_552 = arith.muli %iota3A, %mul3A_551 : vector<16xi32>
      %add3A_553 = arith.constant 256 : i32
      %add3A_554 = vector.broadcast %add3A_553 : i32 to vector<16xi32>
      %add3A_555 = arith.addi %mul3A_552, %add3A_554 : vector<16xi32>
      %gather3A_556 = tpu.vector_load_idx %arg20[%add3A_555] : memref<512xf32, #tpu.memory_space<vmem>>[vector<16xi32>], vector<16xf32>,
      %gather3A_557 = tpu.vector_load_idx %arg21[%add3A_555] : memref<512xf32, #tpu.memory_space<vmem>>[vector<16xi32>], vector<16xf32>,
      %shift_right_arithmetic3A_558 = arith.constant 7 : i32
      %shift_right_arithmetic3A_559 = vector.broadcast %shift_right_arithmetic3A_558 : i32 to vector<16xi32>
      %shift_right_arithmetic3A_560 = arith.shrsi %get3A_547, %shift_right_arithmetic3A_559 : vector<16xi32>
      %and3A_561 = arith.constant 127 : i32
      %and3A_562 = vector.broadcast %and3A_561 : i32 to vector<16xi32>
      %and3A_563 = arith.andi %get3A_547, %and3A_562 : vector<16xi32>
      tpu.vector_store_idx %arg22[%shift_right_arithmetic3A_560, %and3A_563], %gather3A_556 {add = true} : memref<80x128xf32, #tpu.memory_space<vmem>>[vector<16xi32>, vector<16xi32>], vector<16xf32>,
      %shift_right_arithmetic3A_564 = arith.constant 7 : i32
      %shift_right_arithmetic3A_565 = vector.broadcast %shift_right_arithmetic3A_564 : i32 to vector<16xi32>
      %shift_right_arithmetic3A_566 = arith.shrsi %get3A_549, %shift_right_arithmetic3A_565 : vector<16xi32>
      %and3A_567 = arith.constant 127 : i32
      %and3A_568 = vector.broadcast %and3A_567 : i32 to vector<16xi32>
      %and3A_569 = arith.andi %get3A_549, %and3A_568 : vector<16xi32>
      tpu.vector_store_idx %arg22[%shift_right_arithmetic3A_566, %and3A_569], %gather3A_557 {add = true} : memref<80x128xf32, #tpu.memory_space<vmem>>[vector<16xi32>, vector<16xi32>], vector<16xf32>,
      %ge3A_570 = arith.constant 1 : i32
      %ge3A_571 = arith.cmpi sge, %add3A_501, %ge3A_570 : i32
      %convert_element_type3A_572 = arith.extui %ge3A_571 : i1 to i32
      %cond3A_573 = arith.constant 0 : i32
      %cond3A_574 = arith.cmpi ne, %convert_element_type3A_572, %cond3A_573 : i32
      scf.if %cond3A_574 {
        %dma_wait3A_585 = arith.constant 0 : i32
        %dma_wait3A_586 = arith.constant 0 : i32
        %dma_wait3A_587 = tpu.memref_slice %arg8[%dma_wait3A_585, %dma_wait3A_586] : memref<10240x128xf32, #tpu.memory_space<vmem_shared>> -> memref<10240x128xf32, #tpu.memory_space<vmem_shared>>
        tpu.wait_indirect_dma semaphore(%arg35 : memref<!tpu.dma_semaphore, #tpu.memory_space<semaphore_mem>>) src(%arg18 : memref<64x128xf32, #tpu.memory_space<vmem>>) dst(%dma_wait3A_587 : memref<10240x128xf32, #tpu.memory_space<vmem_shared>>)
      } else {
      }
      %dma_start3A_575 = arith.constant 0 : i32
      %dma_start3A_576 = arith.constant 0 : i32
      %dma_start3A_577 = tpu.memref_slice %arg8[%dma_start3A_575, %dma_start3A_576] : memref<10240x128xf32, #tpu.memory_space<vmem_shared>> -> memref<10240x128xf32, #tpu.memory_space<vmem_shared>>
      tpu.enqueue_indirect_dma source(%arg19 : memref<64x128xf32, #tpu.memory_space<vmem>>) target(%dma_start3A_577 : memref<10240x128xf32, #tpu.memory_space<vmem_shared>>) offsets(%arg13 : memref<64xi32, #tpu.memory_space<vmem>>) semaphore(%arg36 : memref<!tpu.dma_semaphore, #tpu.memory_space<semaphore_mem>>) {add = true}
      %add3A_578 = arith.constant 2 : i32
      %add3A_579 = arith.addi %add3A_501, %add3A_578 : i32
      %lt3A_580 = arith.constant 313 : i32
      %lt3A_581 = arith.cmpi slt, %add3A_579, %lt3A_580 : i32
      %convert_element_type3A_582 = arith.extui %lt3A_581 : i1 to i32
      %cond3A_583 = arith.constant 0 : i32
      %cond3A_584 = arith.cmpi ne, %convert_element_type3A_582, %cond3A_583 : i32
      scf.if %cond3A_584 {
        %add3A_585 = arith.constant 2 : i32
        %add3A_586 = arith.addi %add3A_501, %add3A_585 : i32
        %mul3A_587 = arith.constant 32 : i32
        %mul3A_588 = arith.muli %add3A_586, %mul3A_587 : i32
        %add3A_589 = arith.addi %mul3A_75, %mul3A_588 : i32
        %add3A_590 = arith.constant 320512 : i32
        %add3A_591 = arith.addi %add3A_590, %add3A_589 : i32
        %dma_start3A_592 = arith.constant 0 : i32
        %dma_start3A_593 = tpu.memref_slice %arg11[%dma_start3A_592] : memref<64xi32, #tpu.memory_space<vmem>> -> memref<32xi32, #tpu.memory_space<vmem>>
        %dma_start3A_594 = tpu.memref_slice %arg3[%add3A_591] : memref<641024xi32, #tpu.memory_space<hbm>> -> memref<32xi32, #tpu.memory_space<hbm>>
        %dma_start3A_595 = arith.constant 0 : i32
        %dma_start3A_596 = tpu.memref_slice %arg11[%dma_start3A_595] : memref<64xi32, #tpu.memory_space<vmem>> -> memref<32xi32, #tpu.memory_space<vmem>>
        %dma_start3A_597 = tpu.memref_slice %arg3[%add3A_591] : memref<641024xi32, #tpu.memory_space<hbm>> -> memref<32xi32, #tpu.memory_space<hbm>>
        tpu.enqueue_dma source(%dma_start3A_597 : memref<32xi32, #tpu.memory_space<hbm>>) target(%dma_start3A_596 : memref<32xi32, #tpu.memory_space<vmem>>) target_semaphore(%arg28 : memref<!tpu.dma_semaphore, #tpu.memory_space<semaphore_mem>>)
        %dma_start3A_598 = arith.constant 32 : i32
        %dma_start3A_599 = tpu.memref_slice %arg11[%dma_start3A_598] : memref<64xi32, #tpu.memory_space<vmem>> -> memref<32xi32, #tpu.memory_space<vmem>>
        %dma_start3A_600 = tpu.memref_slice %arg3[%add3A_589] : memref<641024xi32, #tpu.memory_space<hbm>> -> memref<32xi32, #tpu.memory_space<hbm>>
        %dma_start3A_601 = arith.constant 32 : i32
        %dma_start3A_602 = tpu.memref_slice %arg11[%dma_start3A_601] : memref<64xi32, #tpu.memory_space<vmem>> -> memref<32xi32, #tpu.memory_space<vmem>>
        %dma_start3A_603 = tpu.memref_slice %arg3[%add3A_589] : memref<641024xi32, #tpu.memory_space<hbm>> -> memref<32xi32, #tpu.memory_space<hbm>>
        tpu.enqueue_dma source(%dma_start3A_603 : memref<32xi32, #tpu.memory_space<hbm>>) target(%dma_start3A_602 : memref<32xi32, #tpu.memory_space<vmem>>) target_semaphore(%arg28 : memref<!tpu.dma_semaphore, #tpu.memory_space<semaphore_mem>>)
      } else {
      }
    }
    %scan3A_137 = arith.constant 78 : i32
    %dma_wait3A_138 = arith.constant 0 : i32
    %dma_wait3A_139 = tpu.memref_slice %arg10[%dma_wait3A_138] : memref<64xi32, #tpu.memory_space<vmem>> -> memref<32xi32, #tpu.memory_space<vmem>>
    %dma_wait3A_140 = arith.constant 0 : i32
    %dma_wait3A_141 = arith.constant 0 : i32
    %dma_wait3A_142 = tpu.memref_slice %arg2[%dma_wait3A_140, %dma_wait3A_141] : memref<10240x128xf32, #tpu.memory_space<hbm>> -> memref<10240x128xf32, #tpu.memory_space<hbm>>
    tpu.wait_indirect_dma semaphore(%arg33 : memref<!tpu.dma_semaphore, #tpu.memory_space<semaphore_mem>>) src(%dma_wait3A_142 : memref<10240x128xf32, #tpu.memory_space<hbm>>) dst(%arg16 : memref<32x128xf32, #tpu.memory_space<vmem>>)
    %dma_wait3A_143 = arith.constant 32 : i32
    %dma_wait3A_144 = tpu.memref_slice %arg10[%dma_wait3A_143] : memref<64xi32, #tpu.memory_space<vmem>> -> memref<32xi32, #tpu.memory_space<vmem>>
    %dma_wait3A_145 = arith.constant 0 : i32
    %dma_wait3A_146 = arith.constant 0 : i32
    %dma_wait3A_147 = tpu.memref_slice %arg2[%dma_wait3A_145, %dma_wait3A_146] : memref<10240x128xf32, #tpu.memory_space<hbm>> -> memref<10240x128xf32, #tpu.memory_space<hbm>>
    tpu.wait_indirect_dma semaphore(%arg31 : memref<!tpu.dma_semaphore, #tpu.memory_space<semaphore_mem>>) src(%dma_wait3A_147 : memref<10240x128xf32, #tpu.memory_space<hbm>>) dst(%arg14 : memref<32x128xf32, #tpu.memory_space<vmem>>)
    %parallel_loop3A = arith.constant 0 : i32
    %parallel_loop3A_148 = arith.constant 32 : i32
    %parallel_loop3A_149 = arith.constant 1 : i32
    scf.for %parallel_loop3A_237 = %parallel_loop3A to %parallel_loop3A_148 step %parallel_loop3A_149  : i32 {
      %parallel_loop3A_238 = arith.index_cast %parallel_loop3A_237 : i32 to index
      %parallel_loop3A_239 = arith.constant 0 : index
      %parallel_loop3A_240 = tpu.vector_load %arg14[%parallel_loop3A_238, %parallel_loop3A_239] {strides = array<i32>} : memref<32x128xf32, #tpu.memory_space<vmem>>, vector<16xf32>,
      %parallel_loop3A_241 = arith.index_cast %parallel_loop3A_237 : i32 to index
      %parallel_loop3A_242 = arith.constant 16 : index
      %parallel_loop3A_243 = tpu.vector_load %arg14[%parallel_loop3A_241, %parallel_loop3A_242] {strides = array<i32>} : memref<32x128xf32, #tpu.memory_space<vmem>>, vector<16xf32>,
      %parallel_loop3A_244 = arith.index_cast %parallel_loop3A_237 : i32 to index
      %parallel_loop3A_245 = arith.constant 32 : index
      %parallel_loop3A_246 = tpu.vector_load %arg14[%parallel_loop3A_244, %parallel_loop3A_245] {strides = array<i32>} : memref<32x128xf32, #tpu.memory_space<vmem>>, vector<16xf32>,
      %parallel_loop3A_247 = arith.index_cast %parallel_loop3A_237 : i32 to index
      %parallel_loop3A_248 = arith.constant 48 : index
      %parallel_loop3A_249 = tpu.vector_load %arg14[%parallel_loop3A_247, %parallel_loop3A_248] {strides = array<i32>} : memref<32x128xf32, #tpu.memory_space<vmem>>, vector<16xf32>,
      %parallel_loop3A_250 = arith.index_cast %parallel_loop3A_237 : i32 to index
      %parallel_loop3A_251 = arith.constant 64 : index
      %parallel_loop3A_252 = tpu.vector_load %arg14[%parallel_loop3A_250, %parallel_loop3A_251] {strides = array<i32>} : memref<32x128xf32, #tpu.memory_space<vmem>>, vector<16xf32>,
      %parallel_loop3A_253 = arith.index_cast %parallel_loop3A_237 : i32 to index
      %parallel_loop3A_254 = arith.constant 80 : index
      %parallel_loop3A_255 = tpu.vector_load %arg14[%parallel_loop3A_253, %parallel_loop3A_254] {strides = array<i32>} : memref<32x128xf32, #tpu.memory_space<vmem>>, vector<16xf32>,
      %parallel_loop3A_256 = arith.index_cast %parallel_loop3A_237 : i32 to index
      %parallel_loop3A_257 = arith.constant 96 : index
      %parallel_loop3A_258 = tpu.vector_load %arg14[%parallel_loop3A_256, %parallel_loop3A_257] {strides = array<i32>} : memref<32x128xf32, #tpu.memory_space<vmem>>, vector<16xf32>,
      %parallel_loop3A_259 = arith.index_cast %parallel_loop3A_237 : i32 to index
      %parallel_loop3A_260 = arith.constant 112 : index
      %parallel_loop3A_261 = tpu.vector_load %arg14[%parallel_loop3A_259, %parallel_loop3A_260] {strides = array<i32>} : memref<32x128xf32, #tpu.memory_space<vmem>>, vector<16xf32>,
      %parallel_loop3A_262 = arith.index_cast %parallel_loop3A_237 : i32 to index
      %parallel_loop3A_263 = arith.constant 0 : index
      %parallel_loop3A_264 = tpu.vector_load %arg16[%parallel_loop3A_262, %parallel_loop3A_263] {strides = array<i32>} : memref<32x128xf32, #tpu.memory_space<vmem>>, vector<16xf32>,
      %parallel_loop3A_265 = arith.index_cast %parallel_loop3A_237 : i32 to index
      %parallel_loop3A_266 = arith.constant 16 : index
      %parallel_loop3A_267 = tpu.vector_load %arg16[%parallel_loop3A_265, %parallel_loop3A_266] {strides = array<i32>} : memref<32x128xf32, #tpu.memory_space<vmem>>, vector<16xf32>,
      %parallel_loop3A_268 = arith.index_cast %parallel_loop3A_237 : i32 to index
      %parallel_loop3A_269 = arith.constant 32 : index
      %parallel_loop3A_270 = tpu.vector_load %arg16[%parallel_loop3A_268, %parallel_loop3A_269] {strides = array<i32>} : memref<32x128xf32, #tpu.memory_space<vmem>>, vector<16xf32>,
      %parallel_loop3A_271 = arith.index_cast %parallel_loop3A_237 : i32 to index
      %parallel_loop3A_272 = arith.constant 48 : index
      %parallel_loop3A_273 = tpu.vector_load %arg16[%parallel_loop3A_271, %parallel_loop3A_272] {strides = array<i32>} : memref<32x128xf32, #tpu.memory_space<vmem>>, vector<16xf32>,
      %parallel_loop3A_274 = arith.index_cast %parallel_loop3A_237 : i32 to index
      %parallel_loop3A_275 = arith.constant 64 : index
      %parallel_loop3A_276 = tpu.vector_load %arg16[%parallel_loop3A_274, %parallel_loop3A_275] {strides = array<i32>} : memref<32x128xf32, #tpu.memory_space<vmem>>, vector<16xf32>,
      %parallel_loop3A_277 = arith.index_cast %parallel_loop3A_237 : i32 to index
      %parallel_loop3A_278 = arith.constant 80 : index
      %parallel_loop3A_279 = tpu.vector_load %arg16[%parallel_loop3A_277, %parallel_loop3A_278] {strides = array<i32>} : memref<32x128xf32, #tpu.memory_space<vmem>>, vector<16xf32>,
      %parallel_loop3A_280 = arith.index_cast %parallel_loop3A_237 : i32 to index
      %parallel_loop3A_281 = arith.constant 96 : index
      %parallel_loop3A_282 = tpu.vector_load %arg16[%parallel_loop3A_280, %parallel_loop3A_281] {strides = array<i32>} : memref<32x128xf32, #tpu.memory_space<vmem>>, vector<16xf32>,
      %parallel_loop3A_283 = arith.index_cast %parallel_loop3A_237 : i32 to index
      %parallel_loop3A_284 = arith.constant 112 : index
      %parallel_loop3A_285 = tpu.vector_load %arg16[%parallel_loop3A_283, %parallel_loop3A_284] {strides = array<i32>} : memref<32x128xf32, #tpu.memory_space<vmem>>, vector<16xf32>,
      %parallel_loop3A_286 = arith.mulf %parallel_loop3A_240, %parallel_loop3A_264 : vector<16xf32>
      %parallel_loop3A_287 = arith.mulf %parallel_loop3A_286, %get3A_43 : vector<16xf32>
      %parallel_loop3A_288 = arith.mulf %parallel_loop3A_240, %parallel_loop3A_264 : vector<16xf32>
      %parallel_loop3A_289 = arith.mulf %parallel_loop3A_288, %get3A_59 : vector<16xf32>
      %parallel_loop3A_290 = arith.mulf %parallel_loop3A_243, %parallel_loop3A_267 : vector<16xf32>
      %parallel_loop3A_291 = arith.mulf %parallel_loop3A_290, %get3A_45 : vector<16xf32>
      %parallel_loop3A_292 = arith.addf %parallel_loop3A_287, %parallel_loop3A_291 : vector<16xf32>
      %parallel_loop3A_293 = arith.mulf %parallel_loop3A_290, %get3A_61 : vector<16xf32>
      %parallel_loop3A_294 = arith.addf %parallel_loop3A_289, %parallel_loop3A_293 : vector<16xf32>
      %parallel_loop3A_295 = arith.mulf %parallel_loop3A_246, %parallel_loop3A_270 : vector<16xf32>
      %parallel_loop3A_296 = arith.mulf %parallel_loop3A_295, %get3A_47 : vector<16xf32>
      %parallel_loop3A_297 = arith.addf %parallel_loop3A_292, %parallel_loop3A_296 : vector<16xf32>
      %parallel_loop3A_298 = arith.mulf %parallel_loop3A_295, %get3A_63 : vector<16xf32>
      %parallel_loop3A_299 = arith.addf %parallel_loop3A_294, %parallel_loop3A_298 : vector<16xf32>
      %parallel_loop3A_300 = arith.mulf %parallel_loop3A_249, %parallel_loop3A_273 : vector<16xf32>
      %parallel_loop3A_301 = arith.mulf %parallel_loop3A_300, %get3A_49 : vector<16xf32>
      %parallel_loop3A_302 = arith.addf %parallel_loop3A_297, %parallel_loop3A_301 : vector<16xf32>
      %parallel_loop3A_303 = arith.mulf %parallel_loop3A_300, %get3A_65 : vector<16xf32>
      %parallel_loop3A_304 = arith.addf %parallel_loop3A_299, %parallel_loop3A_303 : vector<16xf32>
      %parallel_loop3A_305 = arith.mulf %parallel_loop3A_252, %parallel_loop3A_276 : vector<16xf32>
      %parallel_loop3A_306 = arith.mulf %parallel_loop3A_305, %get3A_51 : vector<16xf32>
      %parallel_loop3A_307 = arith.addf %parallel_loop3A_302, %parallel_loop3A_306 : vector<16xf32>
      %parallel_loop3A_308 = arith.mulf %parallel_loop3A_305, %get3A_67 : vector<16xf32>
      %parallel_loop3A_309 = arith.addf %parallel_loop3A_304, %parallel_loop3A_308 : vector<16xf32>
      %parallel_loop3A_310 = arith.mulf %parallel_loop3A_255, %parallel_loop3A_279 : vector<16xf32>
      %parallel_loop3A_311 = arith.mulf %parallel_loop3A_310, %get3A_53 : vector<16xf32>
      %parallel_loop3A_312 = arith.addf %parallel_loop3A_307, %parallel_loop3A_311 : vector<16xf32>
      %parallel_loop3A_313 = arith.mulf %parallel_loop3A_310, %get3A_69 : vector<16xf32>
      %parallel_loop3A_314 = arith.addf %parallel_loop3A_309, %parallel_loop3A_313 : vector<16xf32>
      %parallel_loop3A_315 = arith.mulf %parallel_loop3A_258, %parallel_loop3A_282 : vector<16xf32>
      %parallel_loop3A_316 = arith.mulf %parallel_loop3A_315, %get3A_55 : vector<16xf32>
      %parallel_loop3A_317 = arith.addf %parallel_loop3A_312, %parallel_loop3A_316 : vector<16xf32>
      %parallel_loop3A_318 = arith.mulf %parallel_loop3A_315, %get3A_71 : vector<16xf32>
      %parallel_loop3A_319 = arith.addf %parallel_loop3A_314, %parallel_loop3A_318 : vector<16xf32>
      %parallel_loop3A_320 = arith.mulf %parallel_loop3A_261, %parallel_loop3A_285 : vector<16xf32>
      %parallel_loop3A_321 = arith.mulf %parallel_loop3A_320, %get3A_57 : vector<16xf32>
      %parallel_loop3A_322 = arith.addf %parallel_loop3A_317, %parallel_loop3A_321 : vector<16xf32>
      %parallel_loop3A_323 = arith.mulf %parallel_loop3A_320, %get3A_73 : vector<16xf32>
      %parallel_loop3A_324 = arith.addf %parallel_loop3A_319, %parallel_loop3A_323 : vector<16xf32>
      %parallel_loop3A_325 = arith.constant true
      %parallel_loop3A_326 = vector.broadcast %parallel_loop3A_325 : i1 to vector<16xi1>
      %parallel_loop3A_327 = tpu.scan <sum>, %parallel_loop3A_322 masked %parallel_loop3A_326 : vector<16xf32>, vector<16xi1> -> vector<16xf32>
      %parallel_loop3A_328 = vector.extract_strided_slice %parallel_loop3A_327 {offsets = [15], sizes = [1], strides = [1]} : vector<16xf32> to vector<1xf32>
      %parallel_loop3A_329 = vector.extract %parallel_loop3A_328[0] : f32 from vector<1xf32>
      %parallel_loop3A_330 = vector.broadcast %parallel_loop3A_329 : f32 to vector<16xf32>
      %parallel_loop3A_331 = arith.constant 0.00999999977 : f32
      %parallel_loop3A_332 = vector.broadcast %parallel_loop3A_331 : f32 to vector<16xf32>
      %parallel_loop3A_333 = arith.mulf %parallel_loop3A_330, %parallel_loop3A_332 : vector<16xf32>
      %parallel_loop3A_334 = arith.maximumf %parallel_loop3A_330, %parallel_loop3A_333 : vector<16xf32>
      %parallel_loop3A_335 = math.exp %parallel_loop3A_334 : vector<16xf32>
      %parallel_loop3A_336 = arith.constant true
      %parallel_loop3A_337 = vector.broadcast %parallel_loop3A_336 : i1 to vector<16xi1>
      %parallel_loop3A_338 = tpu.scan <sum>, %parallel_loop3A_324 masked %parallel_loop3A_337 : vector<16xf32>, vector<16xi1> -> vector<16xf32>
      %parallel_loop3A_339 = vector.extract_strided_slice %parallel_loop3A_338 {offsets = [15], sizes = [1], strides = [1]} : vector<16xf32> to vector<1xf32>
      %parallel_loop3A_340 = vector.extract %parallel_loop3A_339[0] : f32 from vector<1xf32>
      %parallel_loop3A_341 = vector.broadcast %parallel_loop3A_340 : f32 to vector<16xf32>
      %parallel_loop3A_342 = arith.constant 0.00999999977 : f32
      %parallel_loop3A_343 = vector.broadcast %parallel_loop3A_342 : f32 to vector<16xf32>
      %parallel_loop3A_344 = arith.mulf %parallel_loop3A_341, %parallel_loop3A_343 : vector<16xf32>
      %parallel_loop3A_345 = arith.maximumf %parallel_loop3A_341, %parallel_loop3A_344 : vector<16xf32>
      %parallel_loop3A_346 = math.exp %parallel_loop3A_345 : vector<16xf32>
      %parallel_loop3A_347 = arith.mulf %parallel_loop3A_240, %parallel_loop3A_335 : vector<16xf32>
      %parallel_loop3A_348 = arith.index_cast %parallel_loop3A_237 : i32 to index
      %parallel_loop3A_349 = arith.constant 0 : index
      %parallel_loop3A_350 = tpu.vector_load %arg18[%parallel_loop3A_348, %parallel_loop3A_349] {strides = array<i32>} : memref<64x128xf32, #tpu.memory_space<vmem>>, vector<16xf32>,
      tpu.vector_store %arg18[%parallel_loop3A_348, %parallel_loop3A_349], %parallel_loop3A_347 {strides = array<i32>} : memref<64x128xf32, #tpu.memory_space<vmem>>, vector<16xf32>,
      %parallel_loop3A_351 = arith.mulf %parallel_loop3A_264, %parallel_loop3A_346 : vector<16xf32>
      %parallel_loop3A_352 = arith.constant 32 : i32
      %parallel_loop3A_353 = arith.addi %parallel_loop3A_352, %parallel_loop3A_237 : i32
      %parallel_loop3A_354 = arith.index_cast %parallel_loop3A_353 : i32 to index
      %parallel_loop3A_355 = arith.constant 0 : index
      %parallel_loop3A_356 = tpu.vector_load %arg18[%parallel_loop3A_354, %parallel_loop3A_355] {strides = array<i32>} : memref<64x128xf32, #tpu.memory_space<vmem>>, vector<16xf32>,
      tpu.vector_store %arg18[%parallel_loop3A_354, %parallel_loop3A_355], %parallel_loop3A_351 {strides = array<i32>} : memref<64x128xf32, #tpu.memory_space<vmem>>, vector<16xf32>,
      %parallel_loop3A_357 = arith.mulf %parallel_loop3A_243, %parallel_loop3A_335 : vector<16xf32>
      %parallel_loop3A_358 = arith.index_cast %parallel_loop3A_237 : i32 to index
      %parallel_loop3A_359 = arith.constant 16 : index
      %parallel_loop3A_360 = tpu.vector_load %arg18[%parallel_loop3A_358, %parallel_loop3A_359] {strides = array<i32>} : memref<64x128xf32, #tpu.memory_space<vmem>>, vector<16xf32>,
      tpu.vector_store %arg18[%parallel_loop3A_358, %parallel_loop3A_359], %parallel_loop3A_357 {strides = array<i32>} : memref<64x128xf32, #tpu.memory_space<vmem>>, vector<16xf32>,
      %parallel_loop3A_361 = arith.mulf %parallel_loop3A_267, %parallel_loop3A_346 : vector<16xf32>
      %parallel_loop3A_362 = arith.constant 32 : i32
      %parallel_loop3A_363 = arith.addi %parallel_loop3A_362, %parallel_loop3A_237 : i32
      %parallel_loop3A_364 = arith.index_cast %parallel_loop3A_363 : i32 to index
      %parallel_loop3A_365 = arith.constant 16 : index
      %parallel_loop3A_366 = tpu.vector_load %arg18[%parallel_loop3A_364, %parallel_loop3A_365] {strides = array<i32>} : memref<64x128xf32, #tpu.memory_space<vmem>>, vector<16xf32>,
      tpu.vector_store %arg18[%parallel_loop3A_364, %parallel_loop3A_365], %parallel_loop3A_361 {strides = array<i32>} : memref<64x128xf32, #tpu.memory_space<vmem>>, vector<16xf32>,
      %parallel_loop3A_367 = arith.mulf %parallel_loop3A_246, %parallel_loop3A_335 : vector<16xf32>
      %parallel_loop3A_368 = arith.index_cast %parallel_loop3A_237 : i32 to index
      %parallel_loop3A_369 = arith.constant 32 : index
      %parallel_loop3A_370 = tpu.vector_load %arg18[%parallel_loop3A_368, %parallel_loop3A_369] {strides = array<i32>} : memref<64x128xf32, #tpu.memory_space<vmem>>, vector<16xf32>,
      tpu.vector_store %arg18[%parallel_loop3A_368, %parallel_loop3A_369], %parallel_loop3A_367 {strides = array<i32>} : memref<64x128xf32, #tpu.memory_space<vmem>>, vector<16xf32>,
      %parallel_loop3A_371 = arith.mulf %parallel_loop3A_270, %parallel_loop3A_346 : vector<16xf32>
      %parallel_loop3A_372 = arith.constant 32 : i32
      %parallel_loop3A_373 = arith.addi %parallel_loop3A_372, %parallel_loop3A_237 : i32
      %parallel_loop3A_374 = arith.index_cast %parallel_loop3A_373 : i32 to index
      %parallel_loop3A_375 = arith.constant 32 : index
      %parallel_loop3A_376 = tpu.vector_load %arg18[%parallel_loop3A_374, %parallel_loop3A_375] {strides = array<i32>} : memref<64x128xf32, #tpu.memory_space<vmem>>, vector<16xf32>,
      tpu.vector_store %arg18[%parallel_loop3A_374, %parallel_loop3A_375], %parallel_loop3A_371 {strides = array<i32>} : memref<64x128xf32, #tpu.memory_space<vmem>>, vector<16xf32>,
      %parallel_loop3A_377 = arith.mulf %parallel_loop3A_249, %parallel_loop3A_335 : vector<16xf32>
      %parallel_loop3A_378 = arith.index_cast %parallel_loop3A_237 : i32 to index
      %parallel_loop3A_379 = arith.constant 48 : index
      %parallel_loop3A_380 = tpu.vector_load %arg18[%parallel_loop3A_378, %parallel_loop3A_379] {strides = array<i32>} : memref<64x128xf32, #tpu.memory_space<vmem>>, vector<16xf32>,
      tpu.vector_store %arg18[%parallel_loop3A_378, %parallel_loop3A_379], %parallel_loop3A_377 {strides = array<i32>} : memref<64x128xf32, #tpu.memory_space<vmem>>, vector<16xf32>,
      %parallel_loop3A_381 = arith.mulf %parallel_loop3A_273, %parallel_loop3A_346 : vector<16xf32>
      %parallel_loop3A_382 = arith.constant 32 : i32
      %parallel_loop3A_383 = arith.addi %parallel_loop3A_382, %parallel_loop3A_237 : i32
      %parallel_loop3A_384 = arith.index_cast %parallel_loop3A_383 : i32 to index
      %parallel_loop3A_385 = arith.constant 48 : index
      %parallel_loop3A_386 = tpu.vector_load %arg18[%parallel_loop3A_384, %parallel_loop3A_385] {strides = array<i32>} : memref<64x128xf32, #tpu.memory_space<vmem>>, vector<16xf32>,
      tpu.vector_store %arg18[%parallel_loop3A_384, %parallel_loop3A_385], %parallel_loop3A_381 {strides = array<i32>} : memref<64x128xf32, #tpu.memory_space<vmem>>, vector<16xf32>,
      %parallel_loop3A_387 = arith.mulf %parallel_loop3A_252, %parallel_loop3A_335 : vector<16xf32>
      %parallel_loop3A_388 = arith.index_cast %parallel_loop3A_237 : i32 to index
      %parallel_loop3A_389 = arith.constant 64 : index
      %parallel_loop3A_390 = tpu.vector_load %arg18[%parallel_loop3A_388, %parallel_loop3A_389] {strides = array<i32>} : memref<64x128xf32, #tpu.memory_space<vmem>>, vector<16xf32>,
      tpu.vector_store %arg18[%parallel_loop3A_388, %parallel_loop3A_389], %parallel_loop3A_387 {strides = array<i32>} : memref<64x128xf32, #tpu.memory_space<vmem>>, vector<16xf32>,
      %parallel_loop3A_391 = arith.mulf %parallel_loop3A_276, %parallel_loop3A_346 : vector<16xf32>
      %parallel_loop3A_392 = arith.constant 32 : i32
      %parallel_loop3A_393 = arith.addi %parallel_loop3A_392, %parallel_loop3A_237 : i32
      %parallel_loop3A_394 = arith.index_cast %parallel_loop3A_393 : i32 to index
      %parallel_loop3A_395 = arith.constant 64 : index
      %parallel_loop3A_396 = tpu.vector_load %arg18[%parallel_loop3A_394, %parallel_loop3A_395] {strides = array<i32>} : memref<64x128xf32, #tpu.memory_space<vmem>>, vector<16xf32>,
      tpu.vector_store %arg18[%parallel_loop3A_394, %parallel_loop3A_395], %parallel_loop3A_391 {strides = array<i32>} : memref<64x128xf32, #tpu.memory_space<vmem>>, vector<16xf32>,
      %parallel_loop3A_397 = arith.mulf %parallel_loop3A_255, %parallel_loop3A_335 : vector<16xf32>
      %parallel_loop3A_398 = arith.index_cast %parallel_loop3A_237 : i32 to index
      %parallel_loop3A_399 = arith.constant 80 : index
      %parallel_loop3A_400 = tpu.vector_load %arg18[%parallel_loop3A_398, %parallel_loop3A_399] {strides = array<i32>} : memref<64x128xf32, #tpu.memory_space<vmem>>, vector<16xf32>,
      tpu.vector_store %arg18[%parallel_loop3A_398, %parallel_loop3A_399], %parallel_loop3A_397 {strides = array<i32>} : memref<64x128xf32, #tpu.memory_space<vmem>>, vector<16xf32>,
      %parallel_loop3A_401 = arith.mulf %parallel_loop3A_279, %parallel_loop3A_346 : vector<16xf32>
      %parallel_loop3A_402 = arith.constant 32 : i32
      %parallel_loop3A_403 = arith.addi %parallel_loop3A_402, %parallel_loop3A_237 : i32
      %parallel_loop3A_404 = arith.index_cast %parallel_loop3A_403 : i32 to index
      %parallel_loop3A_405 = arith.constant 80 : index
      %parallel_loop3A_406 = tpu.vector_load %arg18[%parallel_loop3A_404, %parallel_loop3A_405] {strides = array<i32>} : memref<64x128xf32, #tpu.memory_space<vmem>>, vector<16xf32>,
      tpu.vector_store %arg18[%parallel_loop3A_404, %parallel_loop3A_405], %parallel_loop3A_401 {strides = array<i32>} : memref<64x128xf32, #tpu.memory_space<vmem>>, vector<16xf32>,
      %parallel_loop3A_407 = arith.mulf %parallel_loop3A_258, %parallel_loop3A_335 : vector<16xf32>
      %parallel_loop3A_408 = arith.index_cast %parallel_loop3A_237 : i32 to index
      %parallel_loop3A_409 = arith.constant 96 : index
      %parallel_loop3A_410 = tpu.vector_load %arg18[%parallel_loop3A_408, %parallel_loop3A_409] {strides = array<i32>} : memref<64x128xf32, #tpu.memory_space<vmem>>, vector<16xf32>,
      tpu.vector_store %arg18[%parallel_loop3A_408, %parallel_loop3A_409], %parallel_loop3A_407 {strides = array<i32>} : memref<64x128xf32, #tpu.memory_space<vmem>>, vector<16xf32>,
      %parallel_loop3A_411 = arith.mulf %parallel_loop3A_282, %parallel_loop3A_346 : vector<16xf32>
      %parallel_loop3A_412 = arith.constant 32 : i32
      %parallel_loop3A_413 = arith.addi %parallel_loop3A_412, %parallel_loop3A_237 : i32
      %parallel_loop3A_414 = arith.index_cast %parallel_loop3A_413 : i32 to index
      %parallel_loop3A_415 = arith.constant 96 : index
      %parallel_loop3A_416 = tpu.vector_load %arg18[%parallel_loop3A_414, %parallel_loop3A_415] {strides = array<i32>} : memref<64x128xf32, #tpu.memory_space<vmem>>, vector<16xf32>,
      tpu.vector_store %arg18[%parallel_loop3A_414, %parallel_loop3A_415], %parallel_loop3A_411 {strides = array<i32>} : memref<64x128xf32, #tpu.memory_space<vmem>>, vector<16xf32>,
      %parallel_loop3A_417 = arith.mulf %parallel_loop3A_261, %parallel_loop3A_335 : vector<16xf32>
      %parallel_loop3A_418 = arith.index_cast %parallel_loop3A_237 : i32 to index
      %parallel_loop3A_419 = arith.constant 112 : index
      %parallel_loop3A_420 = tpu.vector_load %arg18[%parallel_loop3A_418, %parallel_loop3A_419] {strides = array<i32>} : memref<64x128xf32, #tpu.memory_space<vmem>>, vector<16xf32>,
      tpu.vector_store %arg18[%parallel_loop3A_418, %parallel_loop3A_419], %parallel_loop3A_417 {strides = array<i32>} : memref<64x128xf32, #tpu.memory_space<vmem>>, vector<16xf32>,
      %parallel_loop3A_421 = arith.mulf %parallel_loop3A_285, %parallel_loop3A_346 : vector<16xf32>
      %parallel_loop3A_422 = arith.constant 32 : i32
      %parallel_loop3A_423 = arith.addi %parallel_loop3A_422, %parallel_loop3A_237 : i32
      %parallel_loop3A_424 = arith.index_cast %parallel_loop3A_423 : i32 to index
      %parallel_loop3A_425 = arith.constant 112 : index
      %parallel_loop3A_426 = tpu.vector_load %arg18[%parallel_loop3A_424, %parallel_loop3A_425] {strides = array<i32>} : memref<64x128xf32, #tpu.memory_space<vmem>>, vector<16xf32>,
      tpu.vector_store %arg18[%parallel_loop3A_424, %parallel_loop3A_425], %parallel_loop3A_421 {strides = array<i32>} : memref<64x128xf32, #tpu.memory_space<vmem>>, vector<16xf32>,
      %parallel_loop3A_427 = arith.constant 16 : i32
      %parallel_loop3A_428 = arith.muli %parallel_loop3A_237, %parallel_loop3A_427 : i32
      %parallel_loop3A_429 = arith.index_cast %parallel_loop3A_428 : i32 to index
      %parallel_loop3A_430 = tpu.vector_load %arg20[%parallel_loop3A_429] {strides = array<i32>} : memref<512xf32, #tpu.memory_space<vmem>>, vector<16xf32>,
      tpu.vector_store %arg20[%parallel_loop3A_429], %parallel_loop3A_335 {strides = array<i32>} : memref<512xf32, #tpu.memory_space<vmem>>, vector<16xf32>,
      %parallel_loop3A_431 = arith.constant 16 : i32
      %parallel_loop3A_432 = arith.muli %parallel_loop3A_237, %parallel_loop3A_431 : i32
      %parallel_loop3A_433 = arith.index_cast %parallel_loop3A_432 : i32 to index
      %parallel_loop3A_434 = tpu.vector_load %arg21[%parallel_loop3A_433] {strides = array<i32>} : memref<512xf32, #tpu.memory_space<vmem>>, vector<16xf32>,
      tpu.vector_store %arg21[%parallel_loop3A_433], %parallel_loop3A_346 {strides = array<i32>} : memref<512xf32, #tpu.memory_space<vmem>>, vector<16xf32>,
    } {sc.loop_unroll_factor = 1 : i64, sc.parallel_access}
    %get3A_150 = arith.constant 0 : index
    %get3A_151 = tpu.vector_load %arg10[%get3A_150] {strides = array<i32>} : memref<64xi32, #tpu.memory_space<vmem>>, vector<16xi32>,
    %get3A_152 = arith.constant 32 : index
    %get3A_153 = tpu.vector_load %arg10[%get3A_152] {strides = array<i32>} : memref<64xi32, #tpu.memory_space<vmem>>, vector<16xi32>,
    %mul3A_154 = arith.constant 16 : i32
    %mul3A_155 = vector.broadcast %mul3A_154 : i32 to vector<16xi32>
    %mul3A_156 = arith.muli %iota3A, %mul3A_155 : vector<16xi32>
    %add3A_157 = arith.constant 0 : i32
    %add3A_158 = vector.broadcast %add3A_157 : i32 to vector<16xi32>
    %add3A_159 = arith.addi %mul3A_156, %add3A_158 : vector<16xi32>
    %gather3A = tpu.vector_load_idx %arg20[%add3A_159] : memref<512xf32, #tpu.memory_space<vmem>>[vector<16xi32>], vector<16xf32>,
    %gather3A_160 = tpu.vector_load_idx %arg21[%add3A_159] : memref<512xf32, #tpu.memory_space<vmem>>[vector<16xi32>], vector<16xf32>,
    %shift_right_arithmetic3A = arith.constant 7 : i32
    %shift_right_arithmetic3A_161 = vector.broadcast %shift_right_arithmetic3A : i32 to vector<16xi32>
    %shift_right_arithmetic3A_162 = arith.shrsi %get3A_151, %shift_right_arithmetic3A_161 : vector<16xi32>
    %and3A = arith.constant 127 : i32
    %and3A_163 = vector.broadcast %and3A : i32 to vector<16xi32>
    %and3A_164 = arith.andi %get3A_151, %and3A_163 : vector<16xi32>
    tpu.vector_store_idx %arg22[%shift_right_arithmetic3A_162, %and3A_164], %gather3A {add = true} : memref<80x128xf32, #tpu.memory_space<vmem>>[vector<16xi32>, vector<16xi32>], vector<16xf32>,
    %shift_right_arithmetic3A_165 = arith.constant 7 : i32
    %shift_right_arithmetic3A_166 = vector.broadcast %shift_right_arithmetic3A_165 : i32 to vector<16xi32>
    %shift_right_arithmetic3A_167 = arith.shrsi %get3A_153, %shift_right_arithmetic3A_166 : vector<16xi32>
    %and3A_168 = arith.constant 127 : i32
    %and3A_169 = vector.broadcast %and3A_168 : i32 to vector<16xi32>
    %and3A_170 = arith.andi %get3A_153, %and3A_169 : vector<16xi32>
    tpu.vector_store_idx %arg22[%shift_right_arithmetic3A_167, %and3A_170], %gather3A_160 {add = true} : memref<80x128xf32, #tpu.memory_space<vmem>>[vector<16xi32>, vector<16xi32>], vector<16xf32>,
    %get3A_171 = arith.constant 16 : index
    %get3A_172 = tpu.vector_load %arg10[%get3A_171] {strides = array<i32>} : memref<64xi32, #tpu.memory_space<vmem>>, vector<16xi32>,
    %get3A_173 = arith.constant 48 : index
    %get3A_174 = tpu.vector_load %arg10[%get3A_173] {strides = array<i32>} : memref<64xi32, #tpu.memory_space<vmem>>, vector<16xi32>,
    %mul3A_175 = arith.constant 16 : i32
    %mul3A_176 = vector.broadcast %mul3A_175 : i32 to vector<16xi32>
    %mul3A_177 = arith.muli %iota3A, %mul3A_176 : vector<16xi32>
    %add3A_178 = arith.constant 256 : i32
    %add3A_179 = vector.broadcast %add3A_178 : i32 to vector<16xi32>
    %add3A_180 = arith.addi %mul3A_177, %add3A_179 : vector<16xi32>
    %gather3A_181 = tpu.vector_load_idx %arg20[%add3A_180] : memref<512xf32, #tpu.memory_space<vmem>>[vector<16xi32>], vector<16xf32>,
    %gather3A_182 = tpu.vector_load_idx %arg21[%add3A_180] : memref<512xf32, #tpu.memory_space<vmem>>[vector<16xi32>], vector<16xf32>,
    %shift_right_arithmetic3A_183 = arith.constant 7 : i32
    %shift_right_arithmetic3A_184 = vector.broadcast %shift_right_arithmetic3A_183 : i32 to vector<16xi32>
    %shift_right_arithmetic3A_185 = arith.shrsi %get3A_172, %shift_right_arithmetic3A_184 : vector<16xi32>
    %and3A_186 = arith.constant 127 : i32
    %and3A_187 = vector.broadcast %and3A_186 : i32 to vector<16xi32>
    %and3A_188 = arith.andi %get3A_172, %and3A_187 : vector<16xi32>
    tpu.vector_store_idx %arg22[%shift_right_arithmetic3A_185, %and3A_188], %gather3A_181 {add = true} : memref<80x128xf32, #tpu.memory_space<vmem>>[vector<16xi32>, vector<16xi32>], vector<16xf32>,
    %shift_right_arithmetic3A_189 = arith.constant 7 : i32
    %shift_right_arithmetic3A_190 = vector.broadcast %shift_right_arithmetic3A_189 : i32 to vector<16xi32>
    %shift_right_arithmetic3A_191 = arith.shrsi %get3A_174, %shift_right_arithmetic3A_190 : vector<16xi32>
    %and3A_192 = arith.constant 127 : i32
    %and3A_193 = vector.broadcast %and3A_192 : i32 to vector<16xi32>
    %and3A_194 = arith.andi %get3A_174, %and3A_193 : vector<16xi32>
    tpu.vector_store_idx %arg22[%shift_right_arithmetic3A_191, %and3A_194], %gather3A_182 {add = true} : memref<80x128xf32, #tpu.memory_space<vmem>>[vector<16xi32>, vector<16xi32>], vector<16xf32>,
    %dma_wait3A_195 = arith.constant 0 : i32
    %dma_wait3A_196 = arith.constant 0 : i32
    %dma_wait3A_197 = tpu.memref_slice %arg8[%dma_wait3A_195, %dma_wait3A_196] : memref<10240x128xf32, #tpu.memory_space<vmem_shared>> -> memref<10240x128xf32, #tpu.memory_space<vmem_shared>>
    tpu.wait_indirect_dma semaphore(%arg36 : memref<!tpu.dma_semaphore, #tpu.memory_space<semaphore_mem>>) src(%arg19 : memref<64x128xf32, #tpu.memory_space<vmem>>) dst(%dma_wait3A_197 : memref<10240x128xf32, #tpu.memory_space<vmem_shared>>)
    %dma_start3A_198 = arith.constant 0 : i32
    %dma_start3A_199 = arith.constant 0 : i32
    %dma_start3A_200 = tpu.memref_slice %arg8[%dma_start3A_198, %dma_start3A_199] : memref<10240x128xf32, #tpu.memory_space<vmem_shared>> -> memref<10240x128xf32, #tpu.memory_space<vmem_shared>>
    tpu.enqueue_indirect_dma source(%arg18 : memref<64x128xf32, #tpu.memory_space<vmem>>) target(%dma_start3A_200 : memref<10240x128xf32, #tpu.memory_space<vmem_shared>>) offsets(%arg10 : memref<64xi32, #tpu.memory_space<vmem>>) semaphore(%arg35 : memref<!tpu.dma_semaphore, #tpu.memory_space<semaphore_mem>>) {add = true}
    %dma_wait3A_201 = arith.constant 0 : i32
    %dma_wait3A_202 = arith.constant 0 : i32
    %dma_wait3A_203 = tpu.memref_slice %arg8[%dma_wait3A_201, %dma_wait3A_202] : memref<10240x128xf32, #tpu.memory_space<vmem_shared>> -> memref<10240x128xf32, #tpu.memory_space<vmem_shared>>
    tpu.wait_indirect_dma semaphore(%arg35 : memref<!tpu.dma_semaphore, #tpu.memory_space<semaphore_mem>>) src(%arg18 : memref<64x128xf32, #tpu.memory_space<vmem>>) dst(%dma_wait3A_203 : memref<10240x128xf32, #tpu.memory_space<vmem_shared>>)
    %add3A_204 = arith.constant 0 : i32
    %add3A_205 = vector.broadcast %add3A_204 : i32 to vector<16xi32>
    %add3A_206 = arith.addi %iota3A, %add3A_205 : vector<16xi32>
    %swap3A = arith.constant 0 : index
    %swap3A_207 = tpu.vector_load %arg24[%swap3A] {strides = array<i32>} : memref<80xi32, #tpu.memory_space<vmem>>, vector<16xi32>,
    tpu.vector_store %arg24[%swap3A], %add3A_206 {strides = array<i32>} : memref<80xi32, #tpu.memory_space<vmem>>, vector<16xi32>,
    %add3A_208 = arith.constant 16 : i32
    %add3A_209 = vector.broadcast %add3A_208 : i32 to vector<16xi32>
    %add3A_210 = arith.addi %iota3A, %add3A_209 : vector<16xi32>
    %swap3A_211 = arith.constant 16 : index
    %swap3A_212 = tpu.vector_load %arg24[%swap3A_211] {strides = array<i32>} : memref<80xi32, #tpu.memory_space<vmem>>, vector<16xi32>,
    tpu.vector_store %arg24[%swap3A_211], %add3A_210 {strides = array<i32>} : memref<80xi32, #tpu.memory_space<vmem>>, vector<16xi32>,
    %add3A_213 = arith.constant 32 : i32
    %add3A_214 = vector.broadcast %add3A_213 : i32 to vector<16xi32>
    %add3A_215 = arith.addi %iota3A, %add3A_214 : vector<16xi32>
    %swap3A_216 = arith.constant 32 : index
    %swap3A_217 = tpu.vector_load %arg24[%swap3A_216] {strides = array<i32>} : memref<80xi32, #tpu.memory_space<vmem>>, vector<16xi32>,
    tpu.vector_store %arg24[%swap3A_216], %add3A_215 {strides = array<i32>} : memref<80xi32, #tpu.memory_space<vmem>>, vector<16xi32>,
    %add3A_218 = arith.constant 48 : i32
    %add3A_219 = vector.broadcast %add3A_218 : i32 to vector<16xi32>
    %add3A_220 = arith.addi %iota3A, %add3A_219 : vector<16xi32>
    %swap3A_221 = arith.constant 48 : index
    %swap3A_222 = tpu.vector_load %arg24[%swap3A_221] {strides = array<i32>} : memref<80xi32, #tpu.memory_space<vmem>>, vector<16xi32>,
    tpu.vector_store %arg24[%swap3A_221], %add3A_220 {strides = array<i32>} : memref<80xi32, #tpu.memory_space<vmem>>, vector<16xi32>,
    %add3A_223 = arith.constant 64 : i32
    %add3A_224 = vector.broadcast %add3A_223 : i32 to vector<16xi32>
    %add3A_225 = arith.addi %iota3A, %add3A_224 : vector<16xi32>
    %swap3A_226 = arith.constant 64 : index
    %swap3A_227 = tpu.vector_load %arg24[%swap3A_226] {strides = array<i32>} : memref<80xi32, #tpu.memory_space<vmem>>, vector<16xi32>,
    tpu.vector_store %arg24[%swap3A_226], %add3A_225 {strides = array<i32>} : memref<80xi32, #tpu.memory_space<vmem>>, vector<16xi32>,
    "tpu.region"() ({
      %run_scoped3A = tpu.sem_alloc : memref<!tpu.dma_semaphore, #tpu.memory_space<semaphore_mem>>
      %dma_start3A_237 = arith.constant 0 : i32
      %dma_start3A_238 = arith.constant 0 : i32
      %dma_start3A_239 = tpu.memref_slice %arg9[%dma_start3A_237, %dma_start3A_238] : memref<80x128xf32, #tpu.memory_space<vmem_shared>> -> memref<80x128xf32, #tpu.memory_space<vmem_shared>>
      tpu.enqueue_indirect_dma source(%arg22 : memref<80x128xf32, #tpu.memory_space<vmem>>) target(%dma_start3A_239 : memref<80x128xf32, #tpu.memory_space<vmem_shared>>) offsets(%arg24 : memref<80xi32, #tpu.memory_space<vmem>>) semaphore(%run_scoped3A : memref<!tpu.dma_semaphore, #tpu.memory_space<semaphore_mem>>) {add = true}
      %dma_wait3A_240 = arith.constant 0 : i32
      %dma_wait3A_241 = arith.constant 0 : i32
      %dma_wait3A_242 = tpu.memref_slice %arg9[%dma_wait3A_240, %dma_wait3A_241] : memref<80x128xf32, #tpu.memory_space<vmem_shared>> -> memref<80x128xf32, #tpu.memory_space<vmem_shared>>
      tpu.wait_indirect_dma semaphore(%run_scoped3A : memref<!tpu.dma_semaphore, #tpu.memory_space<semaphore_mem>>) src(%arg22 : memref<80x128xf32, #tpu.memory_space<vmem>>) dst(%dma_wait3A_242 : memref<80x128xf32, #tpu.memory_space<vmem_shared>>)
      tpu.yield
    }) : () -> ()
    %barrier3A_228 = arith.constant 0 : index
    tpu.barrier barrier_id(%barrier3A_228)
    %mul3A_229 = arith.constant 10240 : i32
    %mul3A_230 = arith.muli %arg0, %mul3A_229 : i32
    %add3A_231 = arith.addi %mul3A_230, %mul3A_14 : i32
    "tpu.region"() ({
      %run_scoped3A = tpu.sem_alloc : memref<!tpu.dma_semaphore, #tpu.memory_space<semaphore_mem>>
      %dma_start3A_237 = arith.constant 0 : i32
      %dma_start3A_238 = tpu.memref_slice %arg6[%add3A_231, %dma_start3A_237] : memref<20480x128xf32, #tpu.memory_space<hbm>> -> memref<640x128xf32, #tpu.memory_space<hbm>>
      %dma_start3A_239 = arith.constant 0 : i32
      %dma_start3A_240 = tpu.memref_slice %arg8[%mul3A_14, %dma_start3A_239] : memref<10240x128xf32, #tpu.memory_space<vmem_shared>> -> memref<640x128xf32, #tpu.memory_space<vmem_shared>>
      tpu.enqueue_dma source(%dma_start3A_240 : memref<640x128xf32, #tpu.memory_space<vmem_shared>>) target(%dma_start3A_238 : memref<640x128xf32, #tpu.memory_space<hbm>>) target_semaphore(%run_scoped3A : memref<!tpu.dma_semaphore, #tpu.memory_space<semaphore_mem>>)
      %dma_wait3A_241 = arith.constant 0 : i32
      %dma_wait3A_242 = tpu.memref_slice %arg6[%add3A_231, %dma_wait3A_241] : memref<20480x128xf32, #tpu.memory_space<hbm>> -> memref<640x128xf32, #tpu.memory_space<hbm>>
      %dma_wait3A_243 = arith.constant 0 : i32
      %dma_wait3A_244 = tpu.memref_slice %arg8[%mul3A_14, %dma_wait3A_243] : memref<10240x128xf32, #tpu.memory_space<vmem_shared>> -> memref<640x128xf32, #tpu.memory_space<vmem_shared>>
      tpu.wait_dma2 semaphore(%run_scoped3A : memref<!tpu.dma_semaphore, #tpu.memory_space<semaphore_mem>>) src(%dma_wait3A_244 : memref<640x128xf32, #tpu.memory_space<vmem_shared>>) dst(%dma_wait3A_242 : memref<640x128xf32, #tpu.memory_space<hbm>>)
      tpu.yield
    }) : () -> ()
    %lt3A_232 = arith.constant 10 : i32
    %lt3A_233 = arith.cmpi slt, %arg1, %lt3A_232 : i32
    %convert_element_type3A_234 = arith.extui %lt3A_233 : i1 to i32
    %cond3A_235 = arith.constant 0 : i32
    %cond3A_236 = arith.cmpi ne, %convert_element_type3A_234, %cond3A_235 : i32
    scf.if %cond3A_236 {
      %mul3A_237 = arith.constant 8 : i32
      %mul3A_238 = arith.muli %arg1, %mul3A_237 : i32
      %mul3A_239 = arith.constant 80 : i32
      %mul3A_240 = arith.muli %arg0, %mul3A_239 : i32
      %mul3A_241 = arith.constant 8 : i32
      %mul3A_242 = arith.muli %arg1, %mul3A_241 : i32
      %add3A_243 = arith.addi %mul3A_240, %mul3A_242 : i32
      "tpu.region"() ({
        %run_scoped3A = tpu.sem_alloc : memref<!tpu.dma_semaphore, #tpu.memory_space<semaphore_mem>>
        %dma_start3A_244 = arith.constant 0 : i32
        %dma_start3A_245 = tpu.memref_slice %arg7[%add3A_243, %dma_start3A_244] : memref<160x128xf32, #tpu.memory_space<hbm>> -> memref<8x128xf32, #tpu.memory_space<hbm>>
        %dma_start3A_246 = arith.constant 0 : i32
        %dma_start3A_247 = tpu.memref_slice %arg9[%mul3A_238, %dma_start3A_246] : memref<80x128xf32, #tpu.memory_space<vmem_shared>> -> memref<8x128xf32, #tpu.memory_space<vmem_shared>>
        tpu.enqueue_dma source(%dma_start3A_247 : memref<8x128xf32, #tpu.memory_space<vmem_shared>>) target(%dma_start3A_245 : memref<8x128xf32, #tpu.memory_space<hbm>>) target_semaphore(%run_scoped3A : memref<!tpu.dma_semaphore, #tpu.memory_space<semaphore_mem>>)
        %dma_wait3A_248 = arith.constant 0 : i32
        %dma_wait3A_249 = tpu.memref_slice %arg7[%add3A_243, %dma_wait3A_248] : memref<160x128xf32, #tpu.memory_space<hbm>> -> memref<8x128xf32, #tpu.memory_space<hbm>>
        %dma_wait3A_250 = arith.constant 0 : i32
        %dma_wait3A_251 = tpu.memref_slice %arg9[%mul3A_238, %dma_wait3A_250] : memref<80x128xf32, #tpu.memory_space<vmem_shared>> -> memref<8x128xf32, #tpu.memory_space<vmem_shared>>
        tpu.wait_dma2 semaphore(%run_scoped3A : memref<!tpu.dma_semaphore, #tpu.memory_space<semaphore_mem>>) src(%dma_wait3A_251 : memref<8x128xf32, #tpu.memory_space<vmem_shared>>) dst(%dma_wait3A_249 : memref<8x128xf32, #tpu.memory_space<hbm>>)
        tpu.yield
      }) : () -> ()
    } else {
    }
    return
  }
}

#map = affine_map<(d0, d1) -> (0, 0)>
#map1 = affine_map<(d0, d1) -> (0)>
module attributes {stable_mosaic.version = 14 : i64} {
  func.func @_combine_body(%arg0: i32, %arg1: i32, %arg2: memref<20480x128xf32, #tpu.memory_space<hbm>>, %arg3: memref<20480xf32, #tpu.memory_space<hbm>>, %arg4: memref<10240x128xf32, #tpu.memory_space<hbm>>, %arg5: memref<128xf32, #tpu.memory_space<hbm>>, %arg6: memref<10240xi32, #tpu.memory_space<hbm>>, %arg7: memref<10240x128xf32, #tpu.memory_space<hbm>>, %arg8: memref<160x128xf32, #tpu.memory_space<vmem>>, %arg9: memref<160x128xf32, #tpu.memory_space<vmem>>, %arg10: memref<160x128xf32, #tpu.memory_space<vmem>>, %arg11: memref<176xi32, #tpu.memory_space<vmem>>, %arg12: memref<160x128xf32, #tpu.memory_space<vmem>>, %arg13: memref<160xf32, #tpu.memory_space<vmem>>, %arg14: memref<160xf32, #tpu.memory_space<vmem>>, %arg15: memref<176xf32, #tpu.memory_space<vmem>>, %arg16: memref<128xf32, #tpu.memory_space<vmem>>) attributes {dimension_semantics = [#tpu.dimension_semantics<core_parallel>, #tpu.dimension_semantics<subcore_parallel>], iteration_bounds = array<i64: 2, 16>, scalar_prefetch = 0 : i64, scratch_operands = 9 : i64, tpu.core_type = #tpu.core_type<sc_vector_subcore>, window_params = [{transform_indices = #map}, {transform_indices = #map1}, {transform_indices = #map}, {transform_indices = #map1}, {transform_indices = #map1}, {transform_indices = #map}]} {
    %mul3A = arith.constant 16 : i32
    %mul3A_0 = arith.muli %arg0, %mul3A : i32
    %add3A = arith.addi %mul3A_0, %arg1 : i32
    %mul3A_1 = arith.constant 320 : i32
    %mul3A_2 = arith.muli %add3A, %mul3A_1 : i32
    "tpu.region"() ({
      %run_scoped3A = tpu.sem_alloc : memref<!tpu.dma_semaphore, #tpu.memory_space<semaphore_mem>>
      tpu.enqueue_dma source(%arg5 : memref<128xf32, #tpu.memory_space<hbm>>) target(%arg16 : memref<128xf32, #tpu.memory_space<vmem>>) target_semaphore(%run_scoped3A : memref<!tpu.dma_semaphore, #tpu.memory_space<semaphore_mem>>)
      tpu.wait_dma2 semaphore(%run_scoped3A : memref<!tpu.dma_semaphore, #tpu.memory_space<semaphore_mem>>) src(%arg5 : memref<128xf32, #tpu.memory_space<hbm>>) dst(%arg16 : memref<128xf32, #tpu.memory_space<vmem>>)
      tpu.yield
    }) : () -> ()
    %get3A = arith.constant 0 : index
    %get3A_3 = tpu.vector_load %arg16[%get3A] {strides = array<i32>} : memref<128xf32, #tpu.memory_space<vmem>>, vector<16xf32>,
    %get3A_4 = arith.constant 16 : index
    %get3A_5 = tpu.vector_load %arg16[%get3A_4] {strides = array<i32>} : memref<128xf32, #tpu.memory_space<vmem>>, vector<16xf32>,
    %get3A_6 = arith.constant 32 : index
    %get3A_7 = tpu.vector_load %arg16[%get3A_6] {strides = array<i32>} : memref<128xf32, #tpu.memory_space<vmem>>, vector<16xf32>,
    %get3A_8 = arith.constant 48 : index
    %get3A_9 = tpu.vector_load %arg16[%get3A_8] {strides = array<i32>} : memref<128xf32, #tpu.memory_space<vmem>>, vector<16xf32>,
    %get3A_10 = arith.constant 64 : index
    %get3A_11 = tpu.vector_load %arg16[%get3A_10] {strides = array<i32>} : memref<128xf32, #tpu.memory_space<vmem>>, vector<16xf32>,
    %get3A_12 = arith.constant 80 : index
    %get3A_13 = tpu.vector_load %arg16[%get3A_12] {strides = array<i32>} : memref<128xf32, #tpu.memory_space<vmem>>, vector<16xf32>,
    %get3A_14 = arith.constant 96 : index
    %get3A_15 = tpu.vector_load %arg16[%get3A_14] {strides = array<i32>} : memref<128xf32, #tpu.memory_space<vmem>>, vector<16xf32>,
    %get3A_16 = arith.constant 112 : index
    %get3A_17 = tpu.vector_load %arg16[%get3A_16] {strides = array<i32>} : memref<128xf32, #tpu.memory_space<vmem>>, vector<16xf32>,
    %scan3A = arith.constant 0 : i32
    %scan3A_18 = arith.constant 0 : i32
    %scan3A_19 = arith.constant 2 : i32
    %scan3A_20 = arith.addi %scan3A_18, %scan3A_19 : i32
    %scan3A_21 = arith.constant 1 : i32
    scf.for %scan3A_23 = %scan3A_18 to %scan3A_20 step %scan3A_21  : i32 {
      %mul3A_24 = arith.constant 160 : i32
      %mul3A_25 = arith.muli %scan3A_23, %mul3A_24 : i32
      %add3A_26 = arith.addi %mul3A_2, %mul3A_25 : i32
      "tpu.region"() ({
        %run_scoped3A = tpu.sem_alloc : memref<!tpu.dma_semaphore, #tpu.memory_space<semaphore_mem>>
        %dma_start3A = arith.constant 0 : i32
        %dma_start3A_106 = tpu.memref_slice %arg2[%add3A_26, %dma_start3A] : memref<20480x128xf32, #tpu.memory_space<hbm>> -> memref<160x128xf32, #tpu.memory_space<hbm>>
        %dma_start3A_107 = arith.constant 0 : i32
        %dma_start3A_108 = tpu.memref_slice %arg2[%add3A_26, %dma_start3A_107] : memref<20480x128xf32, #tpu.memory_space<hbm>> -> memref<160x128xf32, #tpu.memory_space<hbm>>
        tpu.enqueue_dma source(%dma_start3A_108 : memref<160x128xf32, #tpu.memory_space<hbm>>) target(%arg8 : memref<160x128xf32, #tpu.memory_space<vmem>>) target_semaphore(%run_scoped3A : memref<!tpu.dma_semaphore, #tpu.memory_space<semaphore_mem>>)
        %dma_wait3A = arith.constant 0 : i32
        %dma_wait3A_109 = tpu.memref_slice %arg2[%add3A_26, %dma_wait3A] : memref<20480x128xf32, #tpu.memory_space<hbm>> -> memref<160x128xf32, #tpu.memory_space<hbm>>
        %dma_wait3A_110 = arith.constant 0 : i32
        %dma_wait3A_111 = tpu.memref_slice %arg2[%add3A_26, %dma_wait3A_110] : memref<20480x128xf32, #tpu.memory_space<hbm>> -> memref<160x128xf32, #tpu.memory_space<hbm>>
        tpu.wait_dma2 semaphore(%run_scoped3A : memref<!tpu.dma_semaphore, #tpu.memory_space<semaphore_mem>>) src(%dma_wait3A_111 : memref<160x128xf32, #tpu.memory_space<hbm>>) dst(%arg8 : memref<160x128xf32, #tpu.memory_space<vmem>>)
        tpu.yield
      }) : () -> ()
      %add3A_27 = arith.constant 10240 : i32
      %add3A_28 = arith.addi %add3A_27, %add3A_26 : i32
      "tpu.region"() ({
        %run_scoped3A = tpu.sem_alloc : memref<!tpu.dma_semaphore, #tpu.memory_space<semaphore_mem>>
        %dma_start3A = arith.constant 0 : i32
        %dma_start3A_106 = tpu.memref_slice %arg2[%add3A_28, %dma_start3A] : memref<20480x128xf32, #tpu.memory_space<hbm>> -> memref<160x128xf32, #tpu.memory_space<hbm>>
        %dma_start3A_107 = arith.constant 0 : i32
        %dma_start3A_108 = tpu.memref_slice %arg2[%add3A_28, %dma_start3A_107] : memref<20480x128xf32, #tpu.memory_space<hbm>> -> memref<160x128xf32, #tpu.memory_space<hbm>>
        tpu.enqueue_dma source(%dma_start3A_108 : memref<160x128xf32, #tpu.memory_space<hbm>>) target(%arg9 : memref<160x128xf32, #tpu.memory_space<vmem>>) target_semaphore(%run_scoped3A : memref<!tpu.dma_semaphore, #tpu.memory_space<semaphore_mem>>)
        %dma_wait3A = arith.constant 0 : i32
        %dma_wait3A_109 = tpu.memref_slice %arg2[%add3A_28, %dma_wait3A] : memref<20480x128xf32, #tpu.memory_space<hbm>> -> memref<160x128xf32, #tpu.memory_space<hbm>>
        %dma_wait3A_110 = arith.constant 0 : i32
        %dma_wait3A_111 = tpu.memref_slice %arg2[%add3A_28, %dma_wait3A_110] : memref<20480x128xf32, #tpu.memory_space<hbm>> -> memref<160x128xf32, #tpu.memory_space<hbm>>
        tpu.wait_dma2 semaphore(%run_scoped3A : memref<!tpu.dma_semaphore, #tpu.memory_space<semaphore_mem>>) src(%dma_wait3A_111 : memref<160x128xf32, #tpu.memory_space<hbm>>) dst(%arg9 : memref<160x128xf32, #tpu.memory_space<vmem>>)
        tpu.yield
      }) : () -> ()
      "tpu.region"() ({
        %run_scoped3A = tpu.sem_alloc : memref<!tpu.dma_semaphore, #tpu.memory_space<semaphore_mem>>
        %dma_start3A = arith.constant 0 : i32
        %dma_start3A_106 = tpu.memref_slice %arg4[%add3A_26, %dma_start3A] : memref<10240x128xf32, #tpu.memory_space<hbm>> -> memref<160x128xf32, #tpu.memory_space<hbm>>
        %dma_start3A_107 = arith.constant 0 : i32
        %dma_start3A_108 = tpu.memref_slice %arg4[%add3A_26, %dma_start3A_107] : memref<10240x128xf32, #tpu.memory_space<hbm>> -> memref<160x128xf32, #tpu.memory_space<hbm>>
        tpu.enqueue_dma source(%dma_start3A_108 : memref<160x128xf32, #tpu.memory_space<hbm>>) target(%arg10 : memref<160x128xf32, #tpu.memory_space<vmem>>) target_semaphore(%run_scoped3A : memref<!tpu.dma_semaphore, #tpu.memory_space<semaphore_mem>>)
        %dma_wait3A = arith.constant 0 : i32
        %dma_wait3A_109 = tpu.memref_slice %arg4[%add3A_26, %dma_wait3A] : memref<10240x128xf32, #tpu.memory_space<hbm>> -> memref<160x128xf32, #tpu.memory_space<hbm>>
        %dma_wait3A_110 = arith.constant 0 : i32
        %dma_wait3A_111 = tpu.memref_slice %arg4[%add3A_26, %dma_wait3A_110] : memref<10240x128xf32, #tpu.memory_space<hbm>> -> memref<160x128xf32, #tpu.memory_space<hbm>>
        tpu.wait_dma2 semaphore(%run_scoped3A : memref<!tpu.dma_semaphore, #tpu.memory_space<semaphore_mem>>) src(%dma_wait3A_111 : memref<160x128xf32, #tpu.memory_space<hbm>>) dst(%arg10 : memref<160x128xf32, #tpu.memory_space<vmem>>)
        tpu.yield
      }) : () -> ()
      "tpu.region"() ({
        %run_scoped3A = tpu.sem_alloc : memref<!tpu.dma_semaphore, #tpu.memory_space<semaphore_mem>>
        %dma_start3A = arith.constant 0 : i32
        %dma_start3A_106 = tpu.memref_slice %arg11[%dma_start3A] : memref<176xi32, #tpu.memory_space<vmem>> -> memref<160xi32, #tpu.memory_space<vmem>>
        %dma_start3A_107 = tpu.memref_slice %arg6[%add3A_26] : memref<10240xi32, #tpu.memory_space<hbm>> -> memref<160xi32, #tpu.memory_space<hbm>>
        %dma_start3A_108 = arith.constant 0 : i32
        %dma_start3A_109 = tpu.memref_slice %arg11[%dma_start3A_108] : memref<176xi32, #tpu.memory_space<vmem>> -> memref<160xi32, #tpu.memory_space<vmem>>
        %dma_start3A_110 = tpu.memref_slice %arg6[%add3A_26] : memref<10240xi32, #tpu.memory_space<hbm>> -> memref<160xi32, #tpu.memory_space<hbm>>
        tpu.enqueue_dma source(%dma_start3A_110 : memref<160xi32, #tpu.memory_space<hbm>>) target(%dma_start3A_109 : memref<160xi32, #tpu.memory_space<vmem>>) target_semaphore(%run_scoped3A : memref<!tpu.dma_semaphore, #tpu.memory_space<semaphore_mem>>)
        %dma_wait3A = arith.constant 0 : i32
        %dma_wait3A_111 = tpu.memref_slice %arg11[%dma_wait3A] : memref<176xi32, #tpu.memory_space<vmem>> -> memref<160xi32, #tpu.memory_space<vmem>>
        %dma_wait3A_112 = tpu.memref_slice %arg6[%add3A_26] : memref<10240xi32, #tpu.memory_space<hbm>> -> memref<160xi32, #tpu.memory_space<hbm>>
        %dma_wait3A_113 = arith.constant 0 : i32
        %dma_wait3A_114 = tpu.memref_slice %arg11[%dma_wait3A_113] : memref<176xi32, #tpu.memory_space<vmem>> -> memref<160xi32, #tpu.memory_space<vmem>>
        %dma_wait3A_115 = tpu.memref_slice %arg6[%add3A_26] : memref<10240xi32, #tpu.memory_space<hbm>> -> memref<160xi32, #tpu.memory_space<hbm>>
        tpu.wait_dma2 semaphore(%run_scoped3A : memref<!tpu.dma_semaphore, #tpu.memory_space<semaphore_mem>>) src(%dma_wait3A_115 : memref<160xi32, #tpu.memory_space<hbm>>) dst(%dma_wait3A_114 : memref<160xi32, #tpu.memory_space<vmem>>)
        tpu.yield
      }) : () -> ()
      "tpu.region"() ({
        %run_scoped3A = tpu.sem_alloc : memref<!tpu.dma_semaphore, #tpu.memory_space<semaphore_mem>>
        %dma_start3A = tpu.memref_slice %arg3[%add3A_26] : memref<20480xf32, #tpu.memory_space<hbm>> -> memref<160xf32, #tpu.memory_space<hbm>>
        %dma_start3A_106 = tpu.memref_slice %arg3[%add3A_26] : memref<20480xf32, #tpu.memory_space<hbm>> -> memref<160xf32, #tpu.memory_space<hbm>>
        tpu.enqueue_dma source(%dma_start3A_106 : memref<160xf32, #tpu.memory_space<hbm>>) target(%arg13 : memref<160xf32, #tpu.memory_space<vmem>>) target_semaphore(%run_scoped3A : memref<!tpu.dma_semaphore, #tpu.memory_space<semaphore_mem>>)
        %dma_wait3A = tpu.memref_slice %arg3[%add3A_26] : memref<20480xf32, #tpu.memory_space<hbm>> -> memref<160xf32, #tpu.memory_space<hbm>>
        %dma_wait3A_107 = tpu.memref_slice %arg3[%add3A_26] : memref<20480xf32, #tpu.memory_space<hbm>> -> memref<160xf32, #tpu.memory_space<hbm>>
        tpu.wait_dma2 semaphore(%run_scoped3A : memref<!tpu.dma_semaphore, #tpu.memory_space<semaphore_mem>>) src(%dma_wait3A_107 : memref<160xf32, #tpu.memory_space<hbm>>) dst(%arg13 : memref<160xf32, #tpu.memory_space<vmem>>)
        tpu.yield
      }) : () -> ()
      %add3A_29 = arith.constant 10240 : i32
      %add3A_30 = arith.addi %add3A_29, %add3A_26 : i32
      "tpu.region"() ({
        %run_scoped3A = tpu.sem_alloc : memref<!tpu.dma_semaphore, #tpu.memory_space<semaphore_mem>>
        %dma_start3A = tpu.memref_slice %arg3[%add3A_30] : memref<20480xf32, #tpu.memory_space<hbm>> -> memref<160xf32, #tpu.memory_space<hbm>>
        %dma_start3A_106 = tpu.memref_slice %arg3[%add3A_30] : memref<20480xf32, #tpu.memory_space<hbm>> -> memref<160xf32, #tpu.memory_space<hbm>>
        tpu.enqueue_dma source(%dma_start3A_106 : memref<160xf32, #tpu.memory_space<hbm>>) target(%arg14 : memref<160xf32, #tpu.memory_space<vmem>>) target_semaphore(%run_scoped3A : memref<!tpu.dma_semaphore, #tpu.memory_space<semaphore_mem>>)
        %dma_wait3A = tpu.memref_slice %arg3[%add3A_30] : memref<20480xf32, #tpu.memory_space<hbm>> -> memref<160xf32, #tpu.memory_space<hbm>>
        %dma_wait3A_107 = tpu.memref_slice %arg3[%add3A_30] : memref<20480xf32, #tpu.memory_space<hbm>> -> memref<160xf32, #tpu.memory_space<hbm>>
        tpu.wait_dma2 semaphore(%run_scoped3A : memref<!tpu.dma_semaphore, #tpu.memory_space<semaphore_mem>>) src(%dma_wait3A_107 : memref<160xf32, #tpu.memory_space<hbm>>) dst(%arg14 : memref<160xf32, #tpu.memory_space<vmem>>)
        tpu.yield
      }) : () -> ()
      %get3A_31 = arith.constant 0 : index
      %get3A_32 = tpu.vector_load %arg13[%get3A_31] {strides = array<i32>} : memref<160xf32, #tpu.memory_space<vmem>>, vector<16xf32>,
      %get3A_33 = arith.constant 0 : index
      %get3A_34 = tpu.vector_load %arg14[%get3A_33] {strides = array<i32>} : memref<160xf32, #tpu.memory_space<vmem>>, vector<16xf32>,
      %add3A_35 = arith.addf %get3A_32, %get3A_34 : vector<16xf32>
      %swap3A = arith.constant 0 : index
      %swap3A_36 = tpu.vector_load %arg15[%swap3A] {strides = array<i32>} : memref<176xf32, #tpu.memory_space<vmem>>, vector<16xf32>,
      tpu.vector_store %arg15[%swap3A], %add3A_35 {strides = array<i32>} : memref<176xf32, #tpu.memory_space<vmem>>, vector<16xf32>,
      %get3A_37 = arith.constant 16 : index
      %get3A_38 = tpu.vector_load %arg13[%get3A_37] {strides = array<i32>} : memref<160xf32, #tpu.memory_space<vmem>>, vector<16xf32>,
      %get3A_39 = arith.constant 16 : index
      %get3A_40 = tpu.vector_load %arg14[%get3A_39] {strides = array<i32>} : memref<160xf32, #tpu.memory_space<vmem>>, vector<16xf32>,
      %add3A_41 = arith.addf %get3A_38, %get3A_40 : vector<16xf32>
      %swap3A_42 = arith.constant 16 : index
      %swap3A_43 = tpu.vector_load %arg15[%swap3A_42] {strides = array<i32>} : memref<176xf32, #tpu.memory_space<vmem>>, vector<16xf32>,
      tpu.vector_store %arg15[%swap3A_42], %add3A_41 {strides = array<i32>} : memref<176xf32, #tpu.memory_space<vmem>>, vector<16xf32>,
      %get3A_44 = arith.constant 32 : index
      %get3A_45 = tpu.vector_load %arg13[%get3A_44] {strides = array<i32>} : memref<160xf32, #tpu.memory_space<vmem>>, vector<16xf32>,
      %get3A_46 = arith.constant 32 : index
      %get3A_47 = tpu.vector_load %arg14[%get3A_46] {strides = array<i32>} : memref<160xf32, #tpu.memory_space<vmem>>, vector<16xf32>,
      %add3A_48 = arith.addf %get3A_45, %get3A_47 : vector<16xf32>
      %swap3A_49 = arith.constant 32 : index
      %swap3A_50 = tpu.vector_load %arg15[%swap3A_49] {strides = array<i32>} : memref<176xf32, #tpu.memory_space<vmem>>, vector<16xf32>,
      tpu.vector_store %arg15[%swap3A_49], %add3A_48 {strides = array<i32>} : memref<176xf32, #tpu.memory_space<vmem>>, vector<16xf32>,
      %get3A_51 = arith.constant 48 : index
      %get3A_52 = tpu.vector_load %arg13[%get3A_51] {strides = array<i32>} : memref<160xf32, #tpu.memory_space<vmem>>, vector<16xf32>,
      %get3A_53 = arith.constant 48 : index
      %get3A_54 = tpu.vector_load %arg14[%get3A_53] {strides = array<i32>} : memref<160xf32, #tpu.memory_space<vmem>>, vector<16xf32>,
      %add3A_55 = arith.addf %get3A_52, %get3A_54 : vector<16xf32>
      %swap3A_56 = arith.constant 48 : index
      %swap3A_57 = tpu.vector_load %arg15[%swap3A_56] {strides = array<i32>} : memref<176xf32, #tpu.memory_space<vmem>>, vector<16xf32>,
      tpu.vector_store %arg15[%swap3A_56], %add3A_55 {strides = array<i32>} : memref<176xf32, #tpu.memory_space<vmem>>, vector<16xf32>,
      %get3A_58 = arith.constant 64 : index
      %get3A_59 = tpu.vector_load %arg13[%get3A_58] {strides = array<i32>} : memref<160xf32, #tpu.memory_space<vmem>>, vector<16xf32>,
      %get3A_60 = arith.constant 64 : index
      %get3A_61 = tpu.vector_load %arg14[%get3A_60] {strides = array<i32>} : memref<160xf32, #tpu.memory_space<vmem>>, vector<16xf32>,
      %add3A_62 = arith.addf %get3A_59, %get3A_61 : vector<16xf32>
      %swap3A_63 = arith.constant 64 : index
      %swap3A_64 = tpu.vector_load %arg15[%swap3A_63] {strides = array<i32>} : memref<176xf32, #tpu.memory_space<vmem>>, vector<16xf32>,
      tpu.vector_store %arg15[%swap3A_63], %add3A_62 {strides = array<i32>} : memref<176xf32, #tpu.memory_space<vmem>>, vector<16xf32>,
      %get3A_65 = arith.constant 80 : index
      %get3A_66 = tpu.vector_load %arg13[%get3A_65] {strides = array<i32>} : memref<160xf32, #tpu.memory_space<vmem>>, vector<16xf32>,
      %get3A_67 = arith.constant 80 : index
      %get3A_68 = tpu.vector_load %arg14[%get3A_67] {strides = array<i32>} : memref<160xf32, #tpu.memory_space<vmem>>, vector<16xf32>,
      %add3A_69 = arith.addf %get3A_66, %get3A_68 : vector<16xf32>
      %swap3A_70 = arith.constant 80 : index
      %swap3A_71 = tpu.vector_load %arg15[%swap3A_70] {strides = array<i32>} : memref<176xf32, #tpu.memory_space<vmem>>, vector<16xf32>,
      tpu.vector_store %arg15[%swap3A_70], %add3A_69 {strides = array<i32>} : memref<176xf32, #tpu.memory_space<vmem>>, vector<16xf32>,
      %get3A_72 = arith.constant 96 : index
      %get3A_73 = tpu.vector_load %arg13[%get3A_72] {strides = array<i32>} : memref<160xf32, #tpu.memory_space<vmem>>, vector<16xf32>,
      %get3A_74 = arith.constant 96 : index
      %get3A_75 = tpu.vector_load %arg14[%get3A_74] {strides = array<i32>} : memref<160xf32, #tpu.memory_space<vmem>>, vector<16xf32>,
      %add3A_76 = arith.addf %get3A_73, %get3A_75 : vector<16xf32>
      %swap3A_77 = arith.constant 96 : index
      %swap3A_78 = tpu.vector_load %arg15[%swap3A_77] {strides = array<i32>} : memref<176xf32, #tpu.memory_space<vmem>>, vector<16xf32>,
      tpu.vector_store %arg15[%swap3A_77], %add3A_76 {strides = array<i32>} : memref<176xf32, #tpu.memory_space<vmem>>, vector<16xf32>,
      %get3A_79 = arith.constant 112 : index
      %get3A_80 = tpu.vector_load %arg13[%get3A_79] {strides = array<i32>} : memref<160xf32, #tpu.memory_space<vmem>>, vector<16xf32>,
      %get3A_81 = arith.constant 112 : index
      %get3A_82 = tpu.vector_load %arg14[%get3A_81] {strides = array<i32>} : memref<160xf32, #tpu.memory_space<vmem>>, vector<16xf32>,
      %add3A_83 = arith.addf %get3A_80, %get3A_82 : vector<16xf32>
      %swap3A_84 = arith.constant 112 : index
      %swap3A_85 = tpu.vector_load %arg15[%swap3A_84] {strides = array<i32>} : memref<176xf32, #tpu.memory_space<vmem>>, vector<16xf32>,
      tpu.vector_store %arg15[%swap3A_84], %add3A_83 {strides = array<i32>} : memref<176xf32, #tpu.memory_space<vmem>>, vector<16xf32>,
      %get3A_86 = arith.constant 128 : index
      %get3A_87 = tpu.vector_load %arg13[%get3A_86] {strides = array<i32>} : memref<160xf32, #tpu.memory_space<vmem>>, vector<16xf32>,
      %get3A_88 = arith.constant 128 : index
      %get3A_89 = tpu.vector_load %arg14[%get3A_88] {strides = array<i32>} : memref<160xf32, #tpu.memory_space<vmem>>, vector<16xf32>,
      %add3A_90 = arith.addf %get3A_87, %get3A_89 : vector<16xf32>
      %swap3A_91 = arith.constant 128 : index
      %swap3A_92 = tpu.vector_load %arg15[%swap3A_91] {strides = array<i32>} : memref<176xf32, #tpu.memory_space<vmem>>, vector<16xf32>,
      tpu.vector_store %arg15[%swap3A_91], %add3A_90 {strides = array<i32>} : memref<176xf32, #tpu.memory_space<vmem>>, vector<16xf32>,
      %get3A_93 = arith.constant 144 : index
      %get3A_94 = tpu.vector_load %arg13[%get3A_93] {strides = array<i32>} : memref<160xf32, #tpu.memory_space<vmem>>, vector<16xf32>,
      %get3A_95 = arith.constant 144 : index
      %get3A_96 = tpu.vector_load %arg14[%get3A_95] {strides = array<i32>} : memref<160xf32, #tpu.memory_space<vmem>>, vector<16xf32>,
      %add3A_97 = arith.addf %get3A_94, %get3A_96 : vector<16xf32>
      %swap3A_98 = arith.constant 144 : index
      %swap3A_99 = tpu.vector_load %arg15[%swap3A_98] {strides = array<i32>} : memref<176xf32, #tpu.memory_space<vmem>>, vector<16xf32>,
      tpu.vector_store %arg15[%swap3A_98], %add3A_97 {strides = array<i32>} : memref<176xf32, #tpu.memory_space<vmem>>, vector<16xf32>,
      %scan3A_100 = arith.constant 0 : i32
      %scan3A_101 = arith.constant 0 : i32
      %scan3A_102 = arith.constant 160 : i32
      %scan3A_103 = arith.addi %scan3A_101, %scan3A_102 : i32
      %scan3A_104 = arith.constant 1 : i32
      scf.for %scan3A_106 = %scan3A_101 to %scan3A_103 step %scan3A_104  : i32 {
        %get3A_107 = arith.index_cast %scan3A_106 : i32 to index
        %get3A_108 = arith.constant 0 : index
        %get3A_109 = tpu.vector_load %arg10[%get3A_107, %get3A_108] {strides = array<i32>} : memref<160x128xf32, #tpu.memory_space<vmem>>, vector<16xf32>,
        %get3A_110 = arith.index_cast %scan3A_106 : i32 to index
        %get3A_111 = arith.constant 16 : index
        %get3A_112 = tpu.vector_load %arg10[%get3A_110, %get3A_111] {strides = array<i32>} : memref<160x128xf32, #tpu.memory_space<vmem>>, vector<16xf32>,
        %get3A_113 = arith.index_cast %scan3A_106 : i32 to index
        %get3A_114 = arith.constant 32 : index
        %get3A_115 = tpu.vector_load %arg10[%get3A_113, %get3A_114] {strides = array<i32>} : memref<160x128xf32, #tpu.memory_space<vmem>>, vector<16xf32>,
        %get3A_116 = arith.index_cast %scan3A_106 : i32 to index
        %get3A_117 = arith.constant 48 : index
        %get3A_118 = tpu.vector_load %arg10[%get3A_116, %get3A_117] {strides = array<i32>} : memref<160x128xf32, #tpu.memory_space<vmem>>, vector<16xf32>,
        %get3A_119 = arith.index_cast %scan3A_106 : i32 to index
        %get3A_120 = arith.constant 64 : index
        %get3A_121 = tpu.vector_load %arg10[%get3A_119, %get3A_120] {strides = array<i32>} : memref<160x128xf32, #tpu.memory_space<vmem>>, vector<16xf32>,
        %get3A_122 = arith.index_cast %scan3A_106 : i32 to index
        %get3A_123 = arith.constant 80 : index
        %get3A_124 = tpu.vector_load %arg10[%get3A_122, %get3A_123] {strides = array<i32>} : memref<160x128xf32, #tpu.memory_space<vmem>>, vector<16xf32>,
        %get3A_125 = arith.index_cast %scan3A_106 : i32 to index
        %get3A_126 = arith.constant 96 : index
        %get3A_127 = tpu.vector_load %arg10[%get3A_125, %get3A_126] {strides = array<i32>} : memref<160x128xf32, #tpu.memory_space<vmem>>, vector<16xf32>,
        %get3A_128 = arith.index_cast %scan3A_106 : i32 to index
        %get3A_129 = arith.constant 112 : index
        %get3A_130 = tpu.vector_load %arg10[%get3A_128, %get3A_129] {strides = array<i32>} : memref<160x128xf32, #tpu.memory_space<vmem>>, vector<16xf32>,
        %mul3A_131 = arith.mulf %get3A_109, %get3A_109 : vector<16xf32>
        %mul3A_132 = arith.mulf %mul3A_131, %get3A_3 : vector<16xf32>
        %mul3A_133 = arith.mulf %get3A_112, %get3A_112 : vector<16xf32>
        %mul3A_134 = arith.mulf %mul3A_133, %get3A_5 : vector<16xf32>
        %add3A_135 = arith.addf %mul3A_132, %mul3A_134 : vector<16xf32>
        %mul3A_136 = arith.mulf %get3A_115, %get3A_115 : vector<16xf32>
        %mul3A_137 = arith.mulf %mul3A_136, %get3A_7 : vector<16xf32>
        %add3A_138 = arith.addf %add3A_135, %mul3A_137 : vector<16xf32>
        %mul3A_139 = arith.mulf %get3A_118, %get3A_118 : vector<16xf32>
        %mul3A_140 = arith.mulf %mul3A_139, %get3A_9 : vector<16xf32>
        %add3A_141 = arith.addf %add3A_138, %mul3A_140 : vector<16xf32>
        %mul3A_142 = arith.mulf %get3A_121, %get3A_121 : vector<16xf32>
        %mul3A_143 = arith.mulf %mul3A_142, %get3A_11 : vector<16xf32>
        %add3A_144 = arith.addf %add3A_141, %mul3A_143 : vector<16xf32>
        %mul3A_145 = arith.mulf %get3A_124, %get3A_124 : vector<16xf32>
        %mul3A_146 = arith.mulf %mul3A_145, %get3A_13 : vector<16xf32>
        %add3A_147 = arith.addf %add3A_144, %mul3A_146 : vector<16xf32>
        %mul3A_148 = arith.mulf %get3A_127, %get3A_127 : vector<16xf32>
        %mul3A_149 = arith.mulf %mul3A_148, %get3A_15 : vector<16xf32>
        %add3A_150 = arith.addf %add3A_147, %mul3A_149 : vector<16xf32>
        %mul3A_151 = arith.mulf %get3A_130, %get3A_130 : vector<16xf32>
        %mul3A_152 = arith.mulf %mul3A_151, %get3A_17 : vector<16xf32>
        %add3A_153 = arith.addf %add3A_150, %mul3A_152 : vector<16xf32>
        %broadcast_in_dim3A = arith.constant true
        %broadcast_in_dim3A_154 = vector.broadcast %broadcast_in_dim3A : i1 to vector<16xi1>
        %masked_cumsum3A = tpu.scan <sum>, %add3A_153 masked %broadcast_in_dim3A_154 : vector<16xf32>, vector<16xi1> -> vector<16xf32>
        %slice3A = vector.extract_strided_slice %masked_cumsum3A {offsets = [15], sizes = [1], strides = [1]} : vector<16xf32> to vector<1xf32>
        %squeeze3A = vector.extract %slice3A[0] : f32 from vector<1xf32>
        %broadcast_in_dim3A_155 = vector.broadcast %squeeze3A : f32 to vector<16xf32>
        %mul3A_156 = arith.constant 0.00999999977 : f32
        %mul3A_157 = vector.broadcast %mul3A_156 : f32 to vector<16xf32>
        %mul3A_158 = arith.mulf %broadcast_in_dim3A_155, %mul3A_157 : vector<16xf32>
        %max3A = arith.maximumf %broadcast_in_dim3A_155, %mul3A_158 : vector<16xf32>
        %exp3A = math.exp %max3A : vector<16xf32>
        %get3A_159 = arith.index_cast %scan3A_106 : i32 to index
        %get3A_160 = tpu.vector_load %arg15[%get3A_159] {strides = array<i32>} : memref<176xf32, #tpu.memory_space<vmem>>, vector<16xf32>,
        %slice3A_161 = vector.extract_strided_slice %get3A_160 {offsets = [0], sizes = [1], strides = [1]} : vector<16xf32> to vector<1xf32>
        %squeeze3A_162 = vector.extract %slice3A_161[0] : f32 from vector<1xf32>
        %broadcast_in_dim3A_163 = vector.broadcast %squeeze3A_162 : f32 to vector<16xf32>
        %add3A_164 = arith.addf %broadcast_in_dim3A_163, %exp3A : vector<16xf32>
        %get3A_165 = arith.index_cast %scan3A_106 : i32 to index
        %get3A_166 = tpu.vector_load %arg11[%get3A_165] {strides = array<i32>} : memref<176xi32, #tpu.memory_space<vmem>>, vector<16xi32>,
        %slice3A_167 = vector.extract_strided_slice %get3A_166 {offsets = [0], sizes = [1], strides = [1]} : vector<16xi32> to vector<1xi32>
        %squeeze3A_168 = vector.extract %slice3A_167[0] : i32 from vector<1xi32>
        %broadcast_in_dim3A_169 = vector.broadcast %squeeze3A_168 : i32 to vector<16xi32>
        %eq3A = arith.constant 1 : i32
        %eq3A_170 = vector.broadcast %eq3A : i32 to vector<16xi32>
        %eq3A_171 = arith.cmpi eq, %broadcast_in_dim3A_169, %eq3A_170 : vector<16xi32>
        %get3A_172 = arith.index_cast %scan3A_106 : i32 to index
        %get3A_173 = arith.constant 0 : index
        %get3A_174 = tpu.vector_load %arg8[%get3A_172, %get3A_173] {strides = array<i32>} : memref<160x128xf32, #tpu.memory_space<vmem>>, vector<16xf32>,
        %get3A_175 = arith.index_cast %scan3A_106 : i32 to index
        %get3A_176 = arith.constant 0 : index
        %get3A_177 = tpu.vector_load %arg9[%get3A_175, %get3A_176] {strides = array<i32>} : memref<160x128xf32, #tpu.memory_space<vmem>>, vector<16xf32>,
        %add3A_178 = arith.addf %get3A_174, %get3A_177 : vector<16xf32>
        %mul3A_179 = arith.mulf %exp3A, %get3A_109 : vector<16xf32>
        %add3A_180 = arith.addf %add3A_178, %mul3A_179 : vector<16xf32>
        %div3A = arith.divf %add3A_180, %add3A_164 : vector<16xf32>
        %add3A_181 = arith.addf %div3A, %get3A_109 : vector<16xf32>
        %add3A_182 = arith.addf %get3A_109, %get3A_109 : vector<16xf32>
        %select_n3A = arith.select %eq3A_171, %add3A_181, %add3A_182 : vector<16xi1>, vector<16xf32>
        %swap3A_183 = arith.index_cast %scan3A_106 : i32 to index
        %swap3A_184 = arith.constant 0 : index
        %swap3A_185 = tpu.vector_load %arg12[%swap3A_183, %swap3A_184] {strides = array<i32>} : memref<160x128xf32, #tpu.memory_space<vmem>>, vector<16xf32>,
        tpu.vector_store %arg12[%swap3A_183, %swap3A_184], %select_n3A {strides = array<i32>} : memref<160x128xf32, #tpu.memory_space<vmem>>, vector<16xf32>,
        %get3A_186 = arith.index_cast %scan3A_106 : i32 to index
        %get3A_187 = arith.constant 16 : index
        %get3A_188 = tpu.vector_load %arg8[%get3A_186, %get3A_187] {strides = array<i32>} : memref<160x128xf32, #tpu.memory_space<vmem>>, vector<16xf32>,
        %get3A_189 = arith.index_cast %scan3A_106 : i32 to index
        %get3A_190 = arith.constant 16 : index
        %get3A_191 = tpu.vector_load %arg9[%get3A_189, %get3A_190] {strides = array<i32>} : memref<160x128xf32, #tpu.memory_space<vmem>>, vector<16xf32>,
        %add3A_192 = arith.addf %get3A_188, %get3A_191 : vector<16xf32>
        %mul3A_193 = arith.mulf %exp3A, %get3A_112 : vector<16xf32>
        %add3A_194 = arith.addf %add3A_192, %mul3A_193 : vector<16xf32>
        %div3A_195 = arith.divf %add3A_194, %add3A_164 : vector<16xf32>
        %add3A_196 = arith.addf %div3A_195, %get3A_112 : vector<16xf32>
        %add3A_197 = arith.addf %get3A_112, %get3A_112 : vector<16xf32>
        %select_n3A_198 = arith.select %eq3A_171, %add3A_196, %add3A_197 : vector<16xi1>, vector<16xf32>
        %swap3A_199 = arith.index_cast %scan3A_106 : i32 to index
        %swap3A_200 = arith.constant 16 : index
        %swap3A_201 = tpu.vector_load %arg12[%swap3A_199, %swap3A_200] {strides = array<i32>} : memref<160x128xf32, #tpu.memory_space<vmem>>, vector<16xf32>,
        tpu.vector_store %arg12[%swap3A_199, %swap3A_200], %select_n3A_198 {strides = array<i32>} : memref<160x128xf32, #tpu.memory_space<vmem>>, vector<16xf32>,
        %get3A_202 = arith.index_cast %scan3A_106 : i32 to index
        %get3A_203 = arith.constant 32 : index
        %get3A_204 = tpu.vector_load %arg8[%get3A_202, %get3A_203] {strides = array<i32>} : memref<160x128xf32, #tpu.memory_space<vmem>>, vector<16xf32>,
        %get3A_205 = arith.index_cast %scan3A_106 : i32 to index
        %get3A_206 = arith.constant 32 : index
        %get3A_207 = tpu.vector_load %arg9[%get3A_205, %get3A_206] {strides = array<i32>} : memref<160x128xf32, #tpu.memory_space<vmem>>, vector<16xf32>,
        %add3A_208 = arith.addf %get3A_204, %get3A_207 : vector<16xf32>
        %mul3A_209 = arith.mulf %exp3A, %get3A_115 : vector<16xf32>
        %add3A_210 = arith.addf %add3A_208, %mul3A_209 : vector<16xf32>
        %div3A_211 = arith.divf %add3A_210, %add3A_164 : vector<16xf32>
        %add3A_212 = arith.addf %div3A_211, %get3A_115 : vector<16xf32>
        %add3A_213 = arith.addf %get3A_115, %get3A_115 : vector<16xf32>
        %select_n3A_214 = arith.select %eq3A_171, %add3A_212, %add3A_213 : vector<16xi1>, vector<16xf32>
        %swap3A_215 = arith.index_cast %scan3A_106 : i32 to index
        %swap3A_216 = arith.constant 32 : index
        %swap3A_217 = tpu.vector_load %arg12[%swap3A_215, %swap3A_216] {strides = array<i32>} : memref<160x128xf32, #tpu.memory_space<vmem>>, vector<16xf32>,
        tpu.vector_store %arg12[%swap3A_215, %swap3A_216], %select_n3A_214 {strides = array<i32>} : memref<160x128xf32, #tpu.memory_space<vmem>>, vector<16xf32>,
        %get3A_218 = arith.index_cast %scan3A_106 : i32 to index
        %get3A_219 = arith.constant 48 : index
        %get3A_220 = tpu.vector_load %arg8[%get3A_218, %get3A_219] {strides = array<i32>} : memref<160x128xf32, #tpu.memory_space<vmem>>, vector<16xf32>,
        %get3A_221 = arith.index_cast %scan3A_106 : i32 to index
        %get3A_222 = arith.constant 48 : index
        %get3A_223 = tpu.vector_load %arg9[%get3A_221, %get3A_222] {strides = array<i32>} : memref<160x128xf32, #tpu.memory_space<vmem>>, vector<16xf32>,
        %add3A_224 = arith.addf %get3A_220, %get3A_223 : vector<16xf32>
        %mul3A_225 = arith.mulf %exp3A, %get3A_118 : vector<16xf32>
        %add3A_226 = arith.addf %add3A_224, %mul3A_225 : vector<16xf32>
        %div3A_227 = arith.divf %add3A_226, %add3A_164 : vector<16xf32>
        %add3A_228 = arith.addf %div3A_227, %get3A_118 : vector<16xf32>
        %add3A_229 = arith.addf %get3A_118, %get3A_118 : vector<16xf32>
        %select_n3A_230 = arith.select %eq3A_171, %add3A_228, %add3A_229 : vector<16xi1>, vector<16xf32>
        %swap3A_231 = arith.index_cast %scan3A_106 : i32 to index
        %swap3A_232 = arith.constant 48 : index
        %swap3A_233 = tpu.vector_load %arg12[%swap3A_231, %swap3A_232] {strides = array<i32>} : memref<160x128xf32, #tpu.memory_space<vmem>>, vector<16xf32>,
        tpu.vector_store %arg12[%swap3A_231, %swap3A_232], %select_n3A_230 {strides = array<i32>} : memref<160x128xf32, #tpu.memory_space<vmem>>, vector<16xf32>,
        %get3A_234 = arith.index_cast %scan3A_106 : i32 to index
        %get3A_235 = arith.constant 64 : index
        %get3A_236 = tpu.vector_load %arg8[%get3A_234, %get3A_235] {strides = array<i32>} : memref<160x128xf32, #tpu.memory_space<vmem>>, vector<16xf32>,
        %get3A_237 = arith.index_cast %scan3A_106 : i32 to index
        %get3A_238 = arith.constant 64 : index
        %get3A_239 = tpu.vector_load %arg9[%get3A_237, %get3A_238] {strides = array<i32>} : memref<160x128xf32, #tpu.memory_space<vmem>>, vector<16xf32>,
        %add3A_240 = arith.addf %get3A_236, %get3A_239 : vector<16xf32>
        %mul3A_241 = arith.mulf %exp3A, %get3A_121 : vector<16xf32>
        %add3A_242 = arith.addf %add3A_240, %mul3A_241 : vector<16xf32>
        %div3A_243 = arith.divf %add3A_242, %add3A_164 : vector<16xf32>
        %add3A_244 = arith.addf %div3A_243, %get3A_121 : vector<16xf32>
        %add3A_245 = arith.addf %get3A_121, %get3A_121 : vector<16xf32>
        %select_n3A_246 = arith.select %eq3A_171, %add3A_244, %add3A_245 : vector<16xi1>, vector<16xf32>
        %swap3A_247 = arith.index_cast %scan3A_106 : i32 to index
        %swap3A_248 = arith.constant 64 : index
        %swap3A_249 = tpu.vector_load %arg12[%swap3A_247, %swap3A_248] {strides = array<i32>} : memref<160x128xf32, #tpu.memory_space<vmem>>, vector<16xf32>,
        tpu.vector_store %arg12[%swap3A_247, %swap3A_248], %select_n3A_246 {strides = array<i32>} : memref<160x128xf32, #tpu.memory_space<vmem>>, vector<16xf32>,
        %get3A_250 = arith.index_cast %scan3A_106 : i32 to index
        %get3A_251 = arith.constant 80 : index
        %get3A_252 = tpu.vector_load %arg8[%get3A_250, %get3A_251] {strides = array<i32>} : memref<160x128xf32, #tpu.memory_space<vmem>>, vector<16xf32>,
        %get3A_253 = arith.index_cast %scan3A_106 : i32 to index
        %get3A_254 = arith.constant 80 : index
        %get3A_255 = tpu.vector_load %arg9[%get3A_253, %get3A_254] {strides = array<i32>} : memref<160x128xf32, #tpu.memory_space<vmem>>, vector<16xf32>,
        %add3A_256 = arith.addf %get3A_252, %get3A_255 : vector<16xf32>
        %mul3A_257 = arith.mulf %exp3A, %get3A_124 : vector<16xf32>
        %add3A_258 = arith.addf %add3A_256, %mul3A_257 : vector<16xf32>
        %div3A_259 = arith.divf %add3A_258, %add3A_164 : vector<16xf32>
        %add3A_260 = arith.addf %div3A_259, %get3A_124 : vector<16xf32>
        %add3A_261 = arith.addf %get3A_124, %get3A_124 : vector<16xf32>
        %select_n3A_262 = arith.select %eq3A_171, %add3A_260, %add3A_261 : vector<16xi1>, vector<16xf32>
        %swap3A_263 = arith.index_cast %scan3A_106 : i32 to index
        %swap3A_264 = arith.constant 80 : index
        %swap3A_265 = tpu.vector_load %arg12[%swap3A_263, %swap3A_264] {strides = array<i32>} : memref<160x128xf32, #tpu.memory_space<vmem>>, vector<16xf32>,
        tpu.vector_store %arg12[%swap3A_263, %swap3A_264], %select_n3A_262 {strides = array<i32>} : memref<160x128xf32, #tpu.memory_space<vmem>>, vector<16xf32>,
        %get3A_266 = arith.index_cast %scan3A_106 : i32 to index
        %get3A_267 = arith.constant 96 : index
        %get3A_268 = tpu.vector_load %arg8[%get3A_266, %get3A_267] {strides = array<i32>} : memref<160x128xf32, #tpu.memory_space<vmem>>, vector<16xf32>,
        %get3A_269 = arith.index_cast %scan3A_106 : i32 to index
        %get3A_270 = arith.constant 96 : index
        %get3A_271 = tpu.vector_load %arg9[%get3A_269, %get3A_270] {strides = array<i32>} : memref<160x128xf32, #tpu.memory_space<vmem>>, vector<16xf32>,
        %add3A_272 = arith.addf %get3A_268, %get3A_271 : vector<16xf32>
        %mul3A_273 = arith.mulf %exp3A, %get3A_127 : vector<16xf32>
        %add3A_274 = arith.addf %add3A_272, %mul3A_273 : vector<16xf32>
        %div3A_275 = arith.divf %add3A_274, %add3A_164 : vector<16xf32>
        %add3A_276 = arith.addf %div3A_275, %get3A_127 : vector<16xf32>
        %add3A_277 = arith.addf %get3A_127, %get3A_127 : vector<16xf32>
        %select_n3A_278 = arith.select %eq3A_171, %add3A_276, %add3A_277 : vector<16xi1>, vector<16xf32>
        %swap3A_279 = arith.index_cast %scan3A_106 : i32 to index
        %swap3A_280 = arith.constant 96 : index
        %swap3A_281 = tpu.vector_load %arg12[%swap3A_279, %swap3A_280] {strides = array<i32>} : memref<160x128xf32, #tpu.memory_space<vmem>>, vector<16xf32>,
        tpu.vector_store %arg12[%swap3A_279, %swap3A_280], %select_n3A_278 {strides = array<i32>} : memref<160x128xf32, #tpu.memory_space<vmem>>, vector<16xf32>,
        %get3A_282 = arith.index_cast %scan3A_106 : i32 to index
        %get3A_283 = arith.constant 112 : index
        %get3A_284 = tpu.vector_load %arg8[%get3A_282, %get3A_283] {strides = array<i32>} : memref<160x128xf32, #tpu.memory_space<vmem>>, vector<16xf32>,
        %get3A_285 = arith.index_cast %scan3A_106 : i32 to index
        %get3A_286 = arith.constant 112 : index
        %get3A_287 = tpu.vector_load %arg9[%get3A_285, %get3A_286] {strides = array<i32>} : memref<160x128xf32, #tpu.memory_space<vmem>>, vector<16xf32>,
        %add3A_288 = arith.addf %get3A_284, %get3A_287 : vector<16xf32>
        %mul3A_289 = arith.mulf %exp3A, %get3A_130 : vector<16xf32>
        %add3A_290 = arith.addf %add3A_288, %mul3A_289 : vector<16xf32>
        %div3A_291 = arith.divf %add3A_290, %add3A_164 : vector<16xf32>
        %add3A_292 = arith.addf %div3A_291, %get3A_130 : vector<16xf32>
        %add3A_293 = arith.addf %get3A_130, %get3A_130 : vector<16xf32>
        %select_n3A_294 = arith.select %eq3A_171, %add3A_292, %add3A_293 : vector<16xi1>, vector<16xf32>
        %swap3A_295 = arith.index_cast %scan3A_106 : i32 to index
        %swap3A_296 = arith.constant 112 : index
        %swap3A_297 = tpu.vector_load %arg12[%swap3A_295, %swap3A_296] {strides = array<i32>} : memref<160x128xf32, #tpu.memory_space<vmem>>, vector<16xf32>,
        tpu.vector_store %arg12[%swap3A_295, %swap3A_296], %select_n3A_294 {strides = array<i32>} : memref<160x128xf32, #tpu.memory_space<vmem>>, vector<16xf32>,
      }
      %scan3A_105 = arith.constant 160 : i32
      "tpu.region"() ({
        %run_scoped3A = tpu.sem_alloc : memref<!tpu.dma_semaphore, #tpu.memory_space<semaphore_mem>>
        %dma_start3A = arith.constant 0 : i32
        %dma_start3A_106 = tpu.memref_slice %arg7[%add3A_26, %dma_start3A] : memref<10240x128xf32, #tpu.memory_space<hbm>> -> memref<160x128xf32, #tpu.memory_space<hbm>>
        %dma_start3A_107 = arith.constant 0 : i32
        %dma_start3A_108 = tpu.memref_slice %arg7[%add3A_26, %dma_start3A_107] : memref<10240x128xf32, #tpu.memory_space<hbm>> -> memref<160x128xf32, #tpu.memory_space<hbm>>
        tpu.enqueue_dma source(%arg12 : memref<160x128xf32, #tpu.memory_space<vmem>>) target(%dma_start3A_108 : memref<160x128xf32, #tpu.memory_space<hbm>>) target_semaphore(%run_scoped3A : memref<!tpu.dma_semaphore, #tpu.memory_space<semaphore_mem>>)
        %dma_wait3A = arith.constant 0 : i32
        %dma_wait3A_109 = tpu.memref_slice %arg7[%add3A_26, %dma_wait3A] : memref<10240x128xf32, #tpu.memory_space<hbm>> -> memref<160x128xf32, #tpu.memory_space<hbm>>
        %dma_wait3A_110 = arith.constant 0 : i32
        %dma_wait3A_111 = tpu.memref_slice %arg7[%add3A_26, %dma_wait3A_110] : memref<10240x128xf32, #tpu.memory_space<hbm>> -> memref<160x128xf32, #tpu.memory_space<hbm>>
        tpu.wait_dma2 semaphore(%run_scoped3A : memref<!tpu.dma_semaphore, #tpu.memory_space<semaphore_mem>>) src(%arg12 : memref<160x128xf32, #tpu.memory_space<vmem>>) dst(%dma_wait3A_111 : memref<160x128xf32, #tpu.memory_space<hbm>>)
        tpu.yield
      }) : () -> ()
    }
    %scan3A_22 = arith.constant 2 : i32
    return
  }
}

</mosaic_0001>

<sc_bundles>
// kernel: kernel.4.cloned.1.call-start
scs
__scs_entry_jumppad:
0x0: {  	(pc) =	sbr.rel $0x88, $3  }
0x1: {  	(tag) =	ssettag $0x0;
	lr =	simm.s32 $0x1  }
0x2: {  	[smem:$0x3F9C] =	sst lr;
	_ =	strace $0xD0000000  }
0x3: {  	_ = 	snop  }
0x4: {  	_ = 	snop  }
0x5: {  	_ = 	snop  }
0x6: {  	_ = 	snop  }
0x7: {  	_ = 	snop  }
__scs_overlays_trampoline_lowered:
0x8: {  	[smem:$0x3FAB] =	sst s0  }
0x9: {  	[smem:$0x3FAC] =	sst s1  }
0xa: {  	[smem:$0x3FAD] =	sst s2  }
0xb: {  	[smem:$0x3FAE] =	sst s3  }
0xc: {  	[smem:$0x3FAF] =	sst s4  }
0xd: {  	[smem:$0x3FB0] =	sst s5  }
0xe: {  	[smem:$0x3FB1] =	sst s6  }
0xf: {  	[smem:$0x3FB2] =	sst s7  }
0x10: {  	[smem:$0x3FB3] =	sst s8  }
0x11: {  	[smem:$0x3FB4] =	sst s9;
	s0 =	simm.s32 @!p0 $0x0  }
0x12: {  	s1 =	sld [smem:$0x3F9A];
	s0 =	simm.s32 @p0 $0x1  }
0x13: {  	[smem:$0x3FB5] =	sst s0;
	s0 =	simm.s32 @!p1 $0x0  }
0x14: {  	s2 =	sld [smem:$0x3F99];
	s0 =	simm.s32 @p1 $0x1  }
0x15: {  	[smem:$0x3FB6] =	sst s0;
	s0 =	simm.s32 @!p2 $0x0  }
0x16: {  	s3 =	sld [smem:$0x3FDB];
	s0 =	simm.s32 @p2 $0x1  }
0x17: {  	s4 =	simm.s32 $0x1BF5;
	[smem:$0x3FB8] =	sst s0  }
0x18: {  	s0 =	sld [smem:$0x3F9B];
	_ =	swait.ge [sflag:s4], $0x0  }
0x19: {  	s7 =	sld [smem:$0x3F9C]  }
0x1a: {  	s8 =	sadd.s32 $0xFFFFE003, lr  }
0x1b: {  	s9 =	sadd.s32 $0xFFFFFEF7, lr;
	s5 =	simm.s32 $0xFFFFFFFF;
	p2 =	slt.u32 s8, $0xFFFFF086  }
0x1c: {  	p1 =	slt.u32 s9, $0xF7A;
	s5 =	simm.s32 @!p2 $0x0  }
0x1d: {  	s5 =	simm.s32 @p1 $0x1;
	p0 =	seq.s32 s7, s2  }
0x1e: {  	s7 =	smul.u32 @!p0 $0xF7A, s2;
	p2 =	seq.s32 @!p0 s5, $0x0  }
0x1f: {  	s9 =	smul.u32 $0xF7A, s1;
	s8 =	simm.s32 @!p0 $0x1BF5;
	p2 =	por !p2, p0  }
0x20: {  	[sflag:s8] =	ssyncset.s32 @!p0 $0xFFFFF086;
	s6 =	sadd.s32 @!p0 s3, s7;
	s7 =	simm.s32 @!p0 $0x108  }
0x21: {  	s3 =	sadd.s32 s3, s9;
	s6 =	sadd.s32 @!p0 $0x88, s6;
	s7 =	simm.s32 @p2 $0x1082  }
0x22: {  	[simem:s7], [sflag:s8] =	dma.local @!p0 [hbm:s6], $0xF7A  }
0x23: {  	s9 =	sor.u32 $0xD0000000, s2;
	s6 =	simm.s32 $0x108;
	_ =	swait.ge @!p0 [sflag:s8], $0x0  }
0x24: {  	s3 =	sadd.s32 $0x88, s3;
	s6 =	simm.s32 @!p1 $0x1082;
	[sflag:s4] =	ssyncset.s32 $0xFFFFF086  }
0x25: {  	[simem:s6], [sflag:s4] =	dma.local [hbm:s3], $0xF7A  }
0x26: {  	[smem:$0x3F9C] =	sst s1;
	(tag) =	ssettag s2;
	_ =	strace s9  }
0x27: {  	s1 =	sld [smem:$0x3FAC]  }
0x28: {  	s2 =	sld [smem:$0x3FAD]  }
0x29: {  	s4 =	sld [smem:$0x3FAF]  }
0x2a: {  	p0 =	seq.s32 s5, $0x0;
	s5 =	sld [smem:$0x3FB0]  }
0x2b: {  	s6 =	sld [smem:$0x3FB1]  }
0x2c: {  	s7 =	sld [smem:$0x3FB2]  }
0x2d: {  	s3 =	simm.s32 $0x108;
	s8 =	sld [smem:$0x3FB3]  }
0x2e: {  	s3 =	simm.s32 @!p0 $0x1082;
	s9 =	sld [smem:$0x3FB4]  }
0x2f: {  	lr =	sadd.s32 s0, s3;
	s0 =	sld [smem:$0x3FAB]  }
0x30: {  	s3 =	sld [smem:$0x3FAE]  }
0x31: {  	[smem:$0x3FB7] =	sst s10  }
0x32: {  	s10 =	sld [smem:$0x3FB5];
	_ =	sdelay $0x3  }
0x33: {  	p0 =	seq.s32 s10, $0x1;
	s10 =	sld [smem:$0x3FB7];
	_ =	sdelay $0x3  }
0x34: {  	[smem:$0x3FB7] =	sst s10  }
0x35: {  	s10 =	sld [smem:$0x3FB6];
	_ =	sdelay $0x3  }
0x36: {  	p1 =	seq.s32 s10, $0x1;
	s10 =	sld [smem:$0x3FB7];
	_ =	sdelay $0x3  }
0x37: {  	[smem:$0x3FB7] =	sst s10  }
0x38: {  	s10 =	sld [smem:$0x3FB8]  }
0x39: {  	_ = 	snop;
	(pc) =	sbr.ind lr, $3  }
0x3a: {  	_ = 	snop  }
0x3b: {  	_ = 	snop  }
0x3c: {  	p2 =	seq.s32 s10, $0x1;
	s10 =	sld [smem:$0x3FB7]  }
0x3d: {  	_ =	shalt  }
0x3e: {  	_ =	shalt  }
0x3f: {  	_ =	shalt  }
0x40: {  	_ =	shalt  }
0x41: {  	_ =	shalt  }
0x42: {  	_ =	shalt  }
0x43: {  	_ =	shalt  }
0x44: {  	_ =	shalt  }
0x45: {  	_ =	shalt  }
0x46: {  	_ =	shalt  }
0x47: {  	_ =	shalt  }
0x48: {  	_ =	shalt  }
0x49: {  	_ =	shalt  }
0x4a: {  	_ =	shalt  }
0x4b: {  	_ =	shalt  }
0x4c: {  	_ =	shalt  }
0x4d: {  	_ =	shalt  }
0x4e: {  	_ =	shalt  }
0x4f: {  	_ =	shalt  }
0x50: {  	_ =	shalt  }
0x51: {  	_ =	shalt  }
0x52: {  	_ =	shalt  }
0x53: {  	_ =	shalt  }
0x54: {  	_ =	shalt  }
0x55: {  	_ =	shalt  }
0x56: {  	_ =	shalt  }
0x57: {  	_ =	shalt  }
0x58: {  	_ =	shalt  }
0x59: {  	_ =	shalt  }
0x5a: {  	_ =	shalt  }
0x5b: {  	_ =	shalt  }
0x5c: {  	_ =	shalt  }
0x5d: {  	_ =	shalt  }
0x5e: {  	_ =	shalt  }
0x5f: {  	_ =	shalt  }
0x60: {  	_ =	shalt  }
0x61: {  	_ =	shalt  }
0x62: {  	_ =	shalt  }
0x63: {  	_ =	shalt  }
0x64: {  	_ =	shalt  }
0x65: {  	_ =	shalt  }
0x66: {  	_ =	shalt  }
0x67: {  	_ =	shalt  }
0x68: {  	_ =	shalt  }
0x69: {  	_ =	shalt  }
0x6a: {  	_ =	shalt  }
0x6b: {  	_ =	shalt  }
0x6c: {  	_ =	shalt  }
0x6d: {  	_ =	shalt  }
0x6e: {  	_ =	shalt  }
0x6f: {  	_ =	shalt  }
0x70: {  	_ =	shalt  }
0x71: {  	_ =	shalt  }
0x72: {  	_ =	shalt  }
0x73: {  	_ =	shalt  }
0x74: {  	_ =	shalt  }
0x75: {  	_ =	shalt  }
0x76: {  	_ =	shalt  }
0x77: {  	_ =	shalt  }
0x78: {  	_ =	shalt  }
0x79: {  	_ =	shalt  }
0x7a: {  	_ =	shalt  }
0x7b: {  	_ =	shalt  }
0x7c: {  	_ =	shalt  }
0x7d: {  	_ =	shalt  }
0x7e: {  	_ =	shalt  }
0x7f: {  	_ =	shalt  }
0x80: {  	_ =	shalt  }
0x81: {  	_ =	shalt  }
0x82: {  	_ =	shalt  }
0x83: {  	_ =	shalt  }
0x84: {  	_ =	shalt  }
0x85: {  	_ =	shalt  }
0x86: {  	_ =	shalt  }
0x87: {  	_ =	shalt  }
.Lfunc_end0:
.L_simem_size_0:
called_computation_lowered:
.L_overlay_start_0:
0x88: {  	s2 =	sld [smem:$0x3FD9]  }
0x89: {  	s3 =	sld [smem:$0x3FFE];
	_ =	sdelay $0x1  }
0x8a: {  	s1 =	srdreg.scid  }
0x8b: {  	s0 =	sand.u32 $0x1, s1  }
0x8c: {  	s17 =	sshll.u32 s0, $0xA;
	s2 =	sadd.s32 s3, s2  }
0x8d: {  	s2 =	sadd.s32 s2, s17  }
0x8e: {  	[smem:$0x3FC3] =	sst s2  }
0x8f: {  	_ = 	snop  }
0x90: {  	s2 =	sld [smem:$0x3FC6]  }
0x91: {  	s18 =	sld [smem:$0x3FC5]  }
0x92: {  	s4 =	sld [smem:$0x3FD0];
	(tm) =	ssettm $0x1  }
0x93: {  	s5 =	sld [smem:$0x3FFB];
	_ =	sdelay $0x3  }
0x94: {  	_ =	strace s5  }
0x95: {  	s5 =	sld [smem:$0x3FFC];
	_ =	sdelay $0x3  }
0x96: {  	_ =	strace s5  }
0x97: {  	s5 =	sld [smem:$0x3FFD];
	_ =	sdelay $0x3  }
0x98: {  	_ =	strace s5  }
0x99: {  	_ =	strace $0x8FFFFFFF  }
0x9a: {  	s19 =	sld [smem:$0x3FDB];
	_ =	sdelay $0x1  }
0x9b: {  	s6 =	simm.s32 $_scs_section_size  }
0x9c: {  	s7 =	simm.s32 $_size__tile_overlayer_lowered;
	s8 =	simm.s32 $_tile_overlayer_lowered  }
0x9d: {  	s22 =	simm.s32 $0x1BFF;
	s21 =	sshll.u32 s8, $0x1;
	s5 =	sadd.s32 s6, s19  }
0x9e: {  	s9 =	simm.s32 $0x0;
	s20 =	sshll.u32 s7, $0x1;
	s7 =	sadd.s32 s21, s5  }
0x9f: {  	[timem:s9], [sflag:s22] =	dma.local [hbm:s7], s20  }
0xa0: {  	_ =	swait.ge [sflag:s22], s20  }
0xa1: {  	s6 =	ssub.s32 $0x0, s20;
	[sflag:s22] =	ssyncset.done $0x0  }
0xa2: {  	[sflag:s22] =	ssyncadd.s32 s6;
	_ =	sdelay $0x1  }
0xa3: {  	s23 =	simm.s32 $0x1B8B  }
0xa4: {  	_ =	swait.ge [sflag:s23], $0x1  }
0xa5: {  	[sflag:s23] =	ssyncset.done $0x0  }
0xa6: {  	s25 =	simm.s32 $0x1B8E;
	s24 =	sld [smem:$0x3FFE];
	[sflag:s23] =	ssyncadd.s32 $0xFFFFFFFF  }
0xa7: {  	s26 =	simm.s32 $execute0_lowered;
	[smem:$0x3FD2] =	sst s25  }
0xa8: {  	s7 =	sshll.u32 s26, $0x1;
	_ =	strace $0x80000046;
	[dreg:$0x1] =	wrdreg $0xFFFFFFFF  }
0xa9: {  	s28 =	simm.s32 $_size_execute0_lowered;
	s5 =	sadd.s32 s5, s7;
	[dreg:$0x0] =	wrdreg $0x0  }
0xaa: {  	s7 =	sshll.u32 s28, $0x1;
	[dreg:$0x2] =	wrdreg s5  }
0xab: {  	[dreg:$0x3] =	wrdreg s7  }
0xac: {  	[dreg:$0x4] =	wrdreg $0xC0  }
0xad: {  	_ =	task [dreg:s9], $0x5FFFF  }
0xae: {  	[dreg:$0x1] =	wrdreg $0xFFFFFFFF  }
0xaf: {  	[dreg:$0x0] =	wrdreg $0x60  }
0xb0: {  	[dreg:$0x2] =	wrdreg s24  }
0xb1: {  	[dreg:$0x3] =	wrdreg s4  }
0xb2: {  	[dreg:$0x4] =	wrdreg s2  }
0xb3: {  	[dreg:$0x5] =	wrdreg s18  }
0xb4: {  	[dreg:$0x6] =	wrdreg $0x0  }
0xb5: {  	[dreg:$0x7] =	wrdreg $0x140000  }
0xb6: {  	[dreg:$0x8] =	wrdreg $0x9  }
0xb7: {  	_ =	task.clear_ibuf [dreg:s9], $0x9FFFF;
	_ =	strace $0x90000046  }
0xb8: {  	s29 =	simm.s32 $0x9;
	_ =	strace $0x80000048  }
0xb9: {  	_ =	swait.ge [sflag:s29], $0x1  }
0xba: {  	[sflag:s29] =	ssyncadd.s32 $0xFFFFFFFF  }
0xbb: {  	_ =	strace $0x90000048  }
0xbc: {  	_ =	sfence  }
0xbd: {  	s30 =	sld [smem:$0x0];
	_ =	sdelay $0x2  }
0xbe: {  	s31 =	sshll.u32 s1, $0xD;
	s1 =	sshrl.u32 s1, $0x2  }
0xbf: {  	s3 =	sand.u32 $0x4000, s31;
	s1 =	sadd.s32 s1, s30  }
0xc0: {  	s0 =	sor.u32 s3, s0;
	s1 =	sshll.u32 s1, $0x11  }
0xc1: {  	s0 =	sor.u32 s1, s0  }
0xc2: {  	s0 =	sadd.s32 $0x8F2B, s0  }
0xc3: {  	[sflag:s0] =	ssyncadd.remote.s32 $0x1  }
0xc4: {  	_ =	sfence.sel $0xFFFF  }
0xc5: {  	[dreg:$0x0] =	wrdreg $0xFFFFFFFF;
	(pc) =	sbr.abs _section_cstart, $3  }
0xc6: {  	[dreg:$0x1] =	wrdreg $0xFFFFFFFF  }
0xc7: {  	_ =	task.clear_ibuf [dreg:s9], $0x2FFFF;
	_ =	strace $0x9FFFFFFF  }
0xc8: {  	(tm) =	ssettm $0x7FFFFFFF  }
0xc9: {  	_ =	shalt  }
tec
execute0_lowered:
.L_overlay_start_1:
0x0: {  	(tag) =	ssettag $0x1  }
0x1: {  	s0 =	rddreg [dreg:$0x0]  }
0x2: {  	s1 =	rddreg [dreg:$0x1]  }
0x3: {  	s5 =	rddreg [dreg:$0x4]  }
0x4: {  	s11 =	rddreg [dreg:$0x5];
	s2 =	srdreg.scid  }
0x5: {  	s10 =	stileid.u32;
	s4 =	simm.s32 $0x0;
	s28 =	simm.s32 $0x3  }
0x6: {  	s29 =	simm.s32 $0x4;
	s30 =	simm.s32 $0x0;
	s2 =	sand.u32 $0x1, s2  }
0x7: {  	s3 =	smul.u32 $0x280, s10;
	[smem:$0x7FF] =	sst s4;
	s6 =	sshll.u32 s10, $0xA  }
0x8: {  	s8 =	sadd.s32 $0x800, s0;
	s7 =	smul.u32 $0x50000, s10;
	p0 =	sgt.u32 s10, $0x9  }
0x9: {  	s26 =	smul.u32 $0x2800, s2;
	_ =	strace $0x80000047;
	s31 =	ssub.s32 $0x2, s2  }
0xa: {  	s2 =	sshll.u32 s2, $0x4;
	s11 =	sadd.s32 s6, s11;
	s7 =	sshrl.u32 s7, $0x2  }
0xb: {  	s9 =	sshrl.u32 s31, $0x1;
	[dreg:$0x12] =	wrdreg s11;
	s16 =	sadd.s32 s7, s5  }
0xc: {  	s2 =	sor.u32 s10, s2;
	s7 =	sadd.s32 $0x2000, s16;
	[dreg:$0x7] =	wrdreg s16  }
0xd: {  	s3 =	sadd.s32 s3, s26;
	s12 =	sadd.s32 $0x4000, s16;
	[dreg:$0x8] =	wrdreg s7  }
0xe: {  	s4 =	sadd.s32 s26, s6;
	s13 =	sadd.s32 $0x6000, s16;
	[dreg:$0x9] =	wrdreg s12  }
0xf: {  	s6 =	simm.s32 $0x1;
	s14 =	sadd.s32 $0x8000, s16;
	[dreg:$0xa] =	wrdreg s13  }
0x10: {  	s3 =	sshll.u32 s3, $0x4;
	s15 =	sadd.s32 $0xA000, s16;
	[dreg:$0xb] =	wrdreg s14  }
0x11: {  	s4 =	sshrl.u32 s4, $0x3;
	s17 =	sadd.s32 $0xC000, s16;
	[dreg:$0xc] =	wrdreg s15  }
0x12: {  	s18 =	sadd.s32 $0xE000, s16;
	s20 =	sadd.s32 $0x10000, s16;
	[dreg:$0xd] =	wrdreg s17  }
0x13: {  	s21 =	sadd.s32 $0x12000, s16;
	s3 =	sadd.s32 s3, s0;
	[dreg:$0xe] =	wrdreg s18  }
0x14: {  	s0 =	sadd.s32 s4, s0;
	s4 =	ssub.s32 s31, s9;
	[dreg:$0xf] =	wrdreg s20  }
0x15: {  	s12 =	smul.u32 $0x2720, s2;
	[dreg:$0x10] =	wrdreg s21;
	s13 =	simm.s32 $0x14300  }
0x16: {  	s17 =	simm.s32 $0x14320;
	s15 =	simm.s32 $0x2;
	s18 =	simm.s32 $0x7  }
0x17: {  	s20 =	simm.s32 $0x8;
	s21 =	simm.s32 $0x6;
	s3 =	sadd.s32 $0x28800, s3  }
0x18: {  	s9 =	simm.s32 $0x9;
	s0 =	sadd.s32 $0x78800, s0;
	[dreg:$0x14] =	wrdreg s3  }
0x19: {  	s7 =	simm.s32 $0x14400;
	s23 =	smax.u32 s4, $0x1;
	[dreg:$0x15] =	wrdreg s0  }
0x1a: {  	s14 =	simm.s32 $0xA;
	[dreg:$0x16] =	wrdreg s23;
	s26 =	sadd.s32 $0x80, s12  }
0x1b: {  	s19 =	sshrl.u32 s12, $0x3;
	s31 =	sadd.s32 $0xA0, s12;
	[dreg:$0x19] =	wrdreg s26  }
0x1c: {  	s4 =	simm.s32 $0x20;
	s2 =	sadd.s32 s1, s19;
	[dreg:$0x1a] =	wrdreg s31  }
0x1d: {  	v0 =	vlaneseq.u32;
	s23 =	simm.s32 $0x1C680;
	s22 =	sadd.s32 $0x9C80, s2;
	[dreg:$0x11] =	wrdreg s2  }
0x1e: {  	v1 =	vmul.u32 $0x10, v0;
	s0 =	simm.s32 $0x40;
	s24 =	sadd.s32 $0x9C84, s2;
	[dreg:$0x13] =	wrdreg s22  }
0x1f: {  	s26 =	simm.s32 $0xB;
	s25 =	sadd.s32 $0x4, s2;
	[dreg:$0x17] =	wrdreg s24  }
0x20: {  	[tilespmem:$0x1FFE0] =	vst v1;
	v1 =	vor.u32 $0x100, v1;
	s19 =	simm.s32 $0x5;
	s2 =	simm.s32 $0x14280;
	[dreg:$0x18] =	wrdreg s25  }
0x21: {  	v0 =	vimm.f32 $0.0e+00;
	[tilespmem:$0x1FFF0] =	vst v1;
	s22 =	simm.s32 $0x1C480;
	s24 =	simm.s32 $0x1C880;
	s25 =	simm.s32 $0x14380  }
.LBB2_1:
0x22: {  	s3 =	simm.s32 $0x0;
	s10 =	simm.s32 $0x200  }
.LBB2_2:
0x23: {  	p1 =	sne.s32 s10, $0x7E00;
	[tilespmem:s3+$0x184F0] =	vst v0  }
0x24: {  	[tilespmem:s3+$0x18480] =	vst v0  }
0x25: {  	[tilespmem:s3+$0x18490] =	vst v0  }
.Ltmp0:
0x26: {  	[tilespmem:s3+$0x184A0] =	vst v0;
	(pc) =	sbr.rel @p1 .LBB2_2-.Ltmp0, $4  }
0x27: {  	[tilespmem:s3+$0x184B0] =	vst v0  }
0x28: {  	[tilespmem:s3+$0x184C0] =	vst v0  }
0x29: {  	[tilespmem:s3+$0x184D0] =	vst v0  }
0x2a: {  	[tilespmem:s3+$0x184E0] =	vst v0;
	s3 =	sshra.s32 s10, $0x2;
	s10 =	sadd.s32 $0x200, s10  }
0x2b: {  	[tilespmem:s3+$0x184F0] =	vst v0  }
0x2c: {  	[tilespmem:s3+$0x18480] =	vst v0  }
0x2d: {  	[tilespmem:s3+$0x18490] =	vst v0  }
0x2e: {  	[tilespmem:s3+$0x184A0] =	vst v0  }
0x2f: {  	[tilespmem:s3+$0x184B0] =	vst v0  }
0x30: {  	[tilespmem:s3+$0x184C0] =	vst v0  }
0x31: {  	[tilespmem:s3+$0x184D0] =	vst v0  }
0x32: {  	[tilespmem:s3+$0x184E0] =	vst v0  }
0x33: {  	[tilespmem:$0x1F080] =	vst v0  }
0x34: {  	[tilespmem:$0x1F090] =	vst v0  }
0x35: {  	[tilespmem:$0x1F0A0] =	vst v0  }
0x36: {  	[tilespmem:$0x1F0B0] =	vst v0  }
0x37: {  	[tilespmem:$0x1F0C0] =	vst v0  }
0x38: {  	[tilespmem:$0x1F0D0] =	vst v0  }
0x39: {  	[tilespmem:$0x1F0E0] =	vst v0  }
0x3a: {  	[tilespmem:$0x1F0F0] =	vst v0  }
0x3b: {  	[tilespmem:$0x1F100] =	vst v0  }
0x3c: {  	[tilespmem:$0x1F110] =	vst v0  }
0x3d: {  	[tilespmem:$0x1F120] =	vst v0  }
0x3e: {  	[tilespmem:$0x1F130] =	vst v0  }
0x3f: {  	[tilespmem:$0x1F140] =	vst v0  }
0x40: {  	[tilespmem:$0x1F150] =	vst v0  }
0x41: {  	[tilespmem:$0x1F160] =	vst v0  }
0x42: {  	[tilespmem:$0x1F170] =	vst v0  }
0x43: {  	[tilespmem:$0x1F180] =	vst v0  }
0x44: {  	[tilespmem:$0x1F190] =	vst v0  }
0x45: {  	[tilespmem:$0x1F1A0] =	vst v0  }
0x46: {  	[tilespmem:$0x1F1B0] =	vst v0  }
0x47: {  	[tilespmem:$0x1F1C0] =	vst v0  }
0x48: {  	[tilespmem:$0x1F1D0] =	vst v0  }
0x49: {  	[tilespmem:$0x1F1E0] =	vst v0  }
0x4a: {  	[tilespmem:$0x1F1F0] =	vst v0  }
0x4b: {  	[tilespmem:$0x1F200] =	vst v0  }
0x4c: {  	[tilespmem:$0x1F210] =	vst v0  }
0x4d: {  	[tilespmem:$0x1F220] =	vst v0  }
0x4e: {  	[tilespmem:$0x1F230] =	vst v0  }
0x4f: {  	[tilespmem:$0x1F240] =	vst v0  }
0x50: {  	[tilespmem:$0x1F250] =	vst v0  }
0x51: {  	[tilespmem:$0x1F260] =	vst v0  }
0x52: {  	[tilespmem:$0x1F270] =	vst v0  }
0x53: {  	[tilespmem:$0x1F280] =	vst v0  }
0x54: {  	[tilespmem:$0x1F290] =	vst v0  }
0x55: {  	[tilespmem:$0x1F2A0] =	vst v0  }
0x56: {  	[tilespmem:$0x1F2B0] =	vst v0  }
0x57: {  	[tilespmem:$0x1F2C0] =	vst v0  }
0x58: {  	[tilespmem:$0x1F2D0] =	vst v0  }
0x59: {  	[tilespmem:$0x1F2E0] =	vst v0  }
0x5a: {  	[tilespmem:$0x1F2F0] =	vst v0  }
0x5b: {  	[tilespmem:$0x1F300] =	vst v0  }
0x5c: {  	[tilespmem:$0x1F310] =	vst v0  }
0x5d: {  	[tilespmem:$0x1F320] =	vst v0  }
0x5e: {  	[tilespmem:$0x1F330] =	vst v0  }
0x5f: {  	[tilespmem:$0x1F340] =	vst v0  }
0x60: {  	[tilespmem:$0x1F350] =	vst v0  }
0x61: {  	[tilespmem:$0x1F360] =	vst v0  }
0x62: {  	[tilespmem:$0x1F370] =	vst v0  }
0x63: {  	[tilespmem:$0x1F380] =	vst v0  }
0x64: {  	[tilespmem:$0x1F390] =	vst v0  }
0x65: {  	[tilespmem:$0x1F3A0] =	vst v0  }
0x66: {  	[tilespmem:$0x1F3B0] =	vst v0  }
0x67: {  	[tilespmem:$0x1F3C0] =	vst v0  }
0x68: {  	[tilespmem:$0x1F3D0] =	vst v0  }
0x69: {  	[tilespmem:$0x1F3E0] =	vst v0  }
0x6a: {  	[tilespmem:$0x1F3F0] =	vst v0  }
0x6b: {  	[tilespmem:$0x1F400] =	vst v0  }
0x6c: {  	[tilespmem:$0x1F410] =	vst v0  }
0x6d: {  	[tilespmem:$0x1F420] =	vst v0  }
0x6e: {  	[tilespmem:$0x1F430] =	vst v0  }
0x6f: {  	[tilespmem:$0x1F440] =	vst v0  }
0x70: {  	[tilespmem:$0x1F450] =	vst v0  }
0x71: {  	[tilespmem:$0x1F460] =	vst v0  }
0x72: {  	s10 =	simm.s32 $0x18480;
	[tilespmem:$0x1F470] =	vst v0  }
0x73: {  	[spmem:s16] =	stream.linear.scatter [tilespmem:s10], [sflag:$0xB], $0x2000, $0x38;
	[tilespmem:$0x1F600] =	vst v63  }
0x74: {  	_ =	swait.ge [sflag:s26], $0x2000  }
0x75: {  	[sflag:s26] =	ssyncset.done $0x0  }
0x76: {  	s31 =	rddreg [dreg:$0x8];
	[sflag:s26] =	ssyncadd.s32 $0xFFFFE000  }
0x77: {  	[spmem:s31] =	stream.linear.scatter [tilespmem:s10], [sflag:$0xB], $0x2000, $0x38;
	[tilespmem:$0x1F600] =	vst v63  }
0x78: {  	_ =	swait.ge [sflag:s26], $0x2000  }
0x79: {  	[sflag:s26] =	ssyncset.done $0x0  }
0x7a: {  	s16 =	rddreg [dreg:$0x9];
	[sflag:s26] =	ssyncadd.s32 $0xFFFFE000  }
0x7b: {  	[spmem:s16] =	stream.linear.scatter [tilespmem:s10], [sflag:$0xB], $0x2000, $0x38;
	[tilespmem:$0x1F600] =	vst v63  }
0x7c: {  	_ =	swait.ge [sflag:s26], $0x2000  }
0x7d: {  	[sflag:s26] =	ssyncset.done $0x0  }
0x7e: {  	s31 =	rddreg [dreg:$0xa];
	[sflag:s26] =	ssyncadd.s32 $0xFFFFE000  }
0x7f: {  	[spmem:s31] =	stream.linear.scatter [tilespmem:s10], [sflag:$0xB], $0x2000, $0x38;
	[tilespmem:$0x1F600] =	vst v63  }
0x80: {  	_ =	swait.ge [sflag:s26], $0x2000  }
0x81: {  	[sflag:s26] =	ssyncset.done $0x0  }
0x82: {  	s16 =	rddreg [dreg:$0xb];
	[sflag:s26] =	ssyncadd.s32 $0xFFFFE000  }
0x83: {  	[spmem:s16] =	stream.linear.scatter [tilespmem:s10], [sflag:$0xB], $0x2000, $0x38;
	[tilespmem:$0x1F600] =	vst v63  }
0x84: {  	_ =	swait.ge [sflag:s26], $0x2000  }
0x85: {  	[sflag:s26] =	ssyncset.done $0x0  }
0x86: {  	s31 =	rddreg [dreg:$0xc];
	[sflag:s26] =	ssyncadd.s32 $0xFFFFE000  }
0x87: {  	[spmem:s31] =	stream.linear.scatter [tilespmem:s10], [sflag:$0xB], $0x2000, $0x38;
	[tilespmem:$0x1F600] =	vst v63  }
0x88: {  	_ =	swait.ge [sflag:s26], $0x2000  }
0x89: {  	[sflag:s26] =	ssyncset.done $0x0  }
0x8a: {  	s16 =	rddreg [dreg:$0xd];
	[sflag:s26] =	ssyncadd.s32 $0xFFFFE000  }
0x8b: {  	[spmem:s16] =	stream.linear.scatter [tilespmem:s10], [sflag:$0xB], $0x2000, $0x38;
	[tilespmem:$0x1F600] =	vst v63  }
0x8c: {  	_ =	swait.ge [sflag:s26], $0x2000  }
0x8d: {  	[sflag:s26] =	ssyncset.done $0x0  }
0x8e: {  	s31 =	rddreg [dreg:$0xe];
	[sflag:s26] =	ssyncadd.s32 $0xFFFFE000  }
0x8f: {  	[spmem:s31] =	stream.linear.scatter [tilespmem:s10], [sflag:$0xB], $0x2000, $0x38;
	[tilespmem:$0x1F600] =	vst v63  }
0x90: {  	_ =	swait.ge [sflag:s26], $0x2000  }
0x91: {  	[sflag:s26] =	ssyncset.done $0x0  }
0x92: {  	s16 =	rddreg [dreg:$0xf];
	[sflag:s26] =	ssyncadd.s32 $0xFFFFE000  }
0x93: {  	[spmem:s16] =	stream.linear.scatter [tilespmem:s10], [sflag:$0xB], $0x2000, $0x38;
	[tilespmem:$0x1F600] =	vst v63  }
0x94: {  	_ =	swait.ge [sflag:s26], $0x2000  }
0x95: {  	[sflag:s26] =	ssyncset.done $0x0  }
0x96: {  	s31 =	rddreg [dreg:$0x10];
	[sflag:s26] =	ssyncadd.s32 $0xFFFFE000  }
0x97: {  	[spmem:s31] =	stream.linear.scatter [tilespmem:s10], [sflag:$0xB], $0x2000, $0x38;
	[tilespmem:$0x1F600] =	vst v63  }
0x98: {  	_ =	swait.ge [sflag:s26], $0x2000  }
0x99: {  	[sflag:s26] =	ssyncset.done $0x0  }
0x9a: {  	s3 =	simm.s32 @!p0 $0x1F080;
	[sflag:s26] =	ssyncadd.s32 $0xFFFFE000  }
0x9b: {  	[spmem:s11] =	stream.linear.scatter @!p0 [tilespmem:s3], [sflag:$0xB], $0x400, $0x38;
	[tilespmem:$0x1F600] =	vst v63  }
0x9c: {  	s3 =	simm.s32 @!p0 $0xB  }
0x9d: {  	_ =	swait.ge @!p0 [sflag:s3], $0x400  }
0x9e: {  	[sflag:s3] =	ssyncset.done @!p0 $0x0  }
0x9f: {  	s10 =	simm.s32 $0x200;
	[sflag:s3] =	ssyncadd.s32 @!p0 $0xFFFFFC00;
	s3 =	simm.s32 $0x0  }
.LBB2_4:
0xa0: {  	p1 =	sne.s32 s10, $0x9E00;
	[tilespmem:s3+$0x1C8F0] =	vst v0  }
0xa1: {  	[tilespmem:s3+$0x1C880] =	vst v0  }
0xa2: {  	[tilespmem:s3+$0x1C890] =	vst v0  }
.Ltmp1:
0xa3: {  	[tilespmem:s3+$0x1C8A0] =	vst v0;
	(pc) =	sbr.rel @p1 .LBB2_4-.Ltmp1, $4  }
0xa4: {  	[tilespmem:s3+$0x1C8B0] =	vst v0  }
0xa5: {  	[tilespmem:s3+$0x1C8C0] =	vst v0  }
0xa6: {  	[tilespmem:s3+$0x1C8D0] =	vst v0  }
0xa7: {  	[tilespmem:s3+$0x1C8E0] =	vst v0;
	s3 =	sshra.s32 s10, $0x2;
	s10 =	sadd.s32 $0x200, s10  }
0xa8: {  	[tilespmem:s3+$0x1C8F0] =	vst v0  }
0xa9: {  	[tilespmem:s3+$0x1C880] =	vst v0  }
0xaa: {  	[tilespmem:s3+$0x1C890] =	vst v0  }
0xab: {  	[tilespmem:s3+$0x1C8A0] =	vst v0  }
0xac: {  	[tilespmem:s3+$0x1C8B0] =	vst v0  }
0xad: {  	[tilespmem:s3+$0x1C8C0] =	vst v0  }
0xae: {  	[tilespmem:s3+$0x1C8D0] =	vst v0  }
0xaf: {  	[dreg:$0x1b] =	wrdreg s30;
	[tilespmem:s3+$0x1C8E0] =	vst v0  }
0xb0: {  	[bflag:$0x0] =	sbarrier.arrive $0xFFFF  }
0xb1: {  	s16 =	simm.s32 $0x0;
	s10 =	simm.s32 $0x1F500;
	s31 =	rddreg [dreg:$0x2]  }
0xb2: {  	[tilespmem:s10], [sflag:$0xB] =	stream.linear.gather [hbm4b:s31+s16], $0x80, $0x38;
	[tilespmem:$0x1F600] =	vst v63  }
0xb3: {  	_ =	swait.ge [sflag:s26], $0x80  }
0xb4: {  	[sflag:s26] =	ssyncset.done $0x0  }
0xb5: {  	[sflag:s26] =	ssyncadd.s32 $0xFFFFFF80  }
0xb6: {  	s11 =	simm.s32 $0x1F580;
	s10 =	rddreg [dreg:$0x3]  }
0xb7: {  	[tilespmem:s11], [sflag:$0xB] =	stream.linear.gather [hbm4b:s10+s16], $0x80, $0x38;
	[tilespmem:$0x1F600] =	vst v63  }
0xb8: {  	_ =	swait.ge [sflag:s26], $0x80  }
0xb9: {  	[sflag:s26] =	ssyncset.done $0x0  }
0xba: {  	[sflag:s26] =	ssyncadd.s32 $0xFFFFFF80  }
0xbb: {  	v59 =	vld [tilespmem:$0x1F500]  }
0xbc: {  	v60 =	vld [tilespmem:$0x1F510]  }
0xbd: {  	v61 =	vld [tilespmem:$0x1F520]  }
0xbe: {  	v62 =	vld [tilespmem:$0x1F530]  }
0xbf: {  	v19 =	vld [tilespmem:$0x1F540]  }
0xc0: {  	v12 =	vld [tilespmem:$0x1F550]  }
0xc1: {  	v14 =	vld [tilespmem:$0x1F560]  }
0xc2: {  	v63 =	vld [tilespmem:$0x1F570]  }
0xc3: {  	v18 =	vld [tilespmem:$0x1F580]  }
0xc4: {  	v13 =	vld [tilespmem:$0x1F590]  }
0xc5: {  	v17 =	vld [tilespmem:$0x1F5A0]  }
0xc6: {  	v16 =	vld [tilespmem:$0x1F5B0]  }
0xc7: {  	v10 =	vld [tilespmem:$0x1F5C0]  }
0xc8: {  	v15 =	vld [tilespmem:$0x1F5D0]  }
0xc9: {  	s26 =	rddreg [dreg:$0x13];
	v11 =	vld [tilespmem:$0x1F5E0]  }
0xca: {  	v9 =	vld [tilespmem:$0x1F5F0];
	[tilespmem:s2], [sflag:$0x1] =	stream.linear.gather [hbm4b:s26+s16], $0x20, $0x38  }
0xcb: {  	s31 =	simm.s32 $0x142A0;
	s30 =	rddreg [dreg:$0x11]  }
0xcc: {  	[tilespmem:s31], [sflag:$0x1] =	stream.linear.gather [hbm4b:s30+s16], $0x20, $0x38;
	[tilespmem:$0x1F600] =	vst v63  }
0xcd: {  	[tilespmem:$0x1FF10] =	vst v59  }
0xce: {  	[tilespmem:$0x1FF20] =	vst v60  }
0xcf: {  	[tilespmem:$0x1FF30] =	vst v61  }
0xd0: {  	[tilespmem:$0x1FF40] =	vst v62  }
0xd1: {  	[tilespmem:$0x1FF50] =	vst v63  }
0xd2: {  	_ =	swait.ge [sflag:s6], $0x20  }
0xd3: {  	[sflag:s6] =	ssyncset.done $0x0  }
0xd4: {  	[sflag:s6] =	ssyncadd.s32 $0xFFFFFFE0  }
0xd5: {  	_ =	swait.ge [sflag:s6], $0x20  }
0xd6: {  	[tilespmem:$0x1FF60] =	vst v15  }
0xd7: {  	[tilespmem:$0x1FF70] =	vst v13  }
0xd8: {  	[tilespmem:$0x1FF80] =	vst v14  }
0xd9: {  	[sflag:s6] =	ssyncset.done $0x0;
	[tilespmem:$0x1FF90] =	vst v12  }
0xda: {  	s11 =	simm.s32 $0x16480;
	[tilespmem:$0x1FFA0] =	vst v19;
	[sflag:s6] =	ssyncadd.s32 $0xFFFFFFE0  }
0xdb: {  	[tilespmem:s11], [sflag:$0x7] =	stream.indirect.gather [hbm4b:s8+s4], $0x80, s2, s4, $0xb8;
	[tilespmem:$0x1F600] =	vst v63  }
0xdc: {  	s26 =	simm.s32 $0x14480;
	[tilespmem:$0x1FFB0] =	vst v18  }
0xdd: {  	[tilespmem:s26], [sflag:$0x5] =	stream.indirect.gather [hbm4b:s8+s4], $0x80, s31, s4, $0xb8;
	[tilespmem:$0x1F600] =	vst v63  }
0xde: {  	s30 =	rddreg [dreg:$0x17];
	[tilespmem:$0x1FFC0] =	vst v17  }
0xdf: {  	[tilespmem:s13], [sflag:$0x2] =	stream.linear.gather [hbm4b:s30+s16], $0x20, $0x38;
	[tilespmem:$0x1F600] =	vst v63  }
0xe0: {  	[tilespmem:$0x1FFD0] =	vst v16;
	s31 =	rddreg [dreg:$0x18]  }
0xe1: {  	[tilespmem:s17], [sflag:$0x2] =	stream.linear.gather [hbm4b:s31+s16], $0x20, $0x38;
	[tilespmem:$0x1F600] =	vst v63  }
.LBB2_6:
0xe2: {  	_ =	swait.ge [sflag:s15], $0x20  }
0xe3: {  	[sflag:s15] =	ssyncset.done $0x0  }
0xe4: {  	[sflag:s15] =	ssyncadd.s32 $0xFFFFFFE0  }
0xe5: {  	_ =	swait.ge [sflag:s15], $0x20  }
0xe6: {  	[sflag:s15] =	ssyncset.done $0x0  }
0xe7: {  	s3 =	simm.s32 $0x17480;
	[sflag:s15] =	ssyncadd.s32 $0xFFFFFFE0  }
0xe8: {  	[tilespmem:s3], [sflag:$0x8] =	stream.indirect.gather [hbm4b:s8+s4], $0x80, s13, s4, $0xb8;
	[tilespmem:$0x1F600] =	vst v63  }
0xe9: {  	s31 =	simm.s32 $0x15480  }
0xea: {  	[tilespmem:s31], [sflag:$0x6] =	stream.indirect.gather [hbm4b:s8+s4], $0x80, s17, s4, $0xb8;
	[tilespmem:$0x1F600] =	vst v63  }
0xeb: {  	_ =	swait.ge [sflag:s18], $0x1000  }
0xec: {  	[sflag:s18] =	ssyncset.done $0x0  }
0xed: {  	[sflag:s18] =	ssyncadd.s32 $0xFFFFF000  }
0xee: {  	_ =	swait.ge [sflag:s19], $0x1000  }
0xef: {  	v2 =	vld [tilespmem:$0x1FF10]  }
0xf0: {  	v4 =	vld [tilespmem:$0x1FF20]  }
0xf1: {  	[sflag:s19] =	ssyncset.done $0x0;
	v5 =	vld [tilespmem:$0x1FF30]  }
0xf2: {  	s30 =	simm.s32 $0x0;
	v6 =	vld [tilespmem:$0x1FF40];
	[sflag:s19] =	ssyncadd.s32 $0xFFFFF000  }
0xf3: {  	v38 =	vld [tilespmem:s30+$0x144A0]  }
0xf4: {  	v0 =	vld [tilespmem:s30+$0x14480]  }
0xf5: {  	v42 =	vld [tilespmem:s30+$0x14490]  }
0xf6: {  	v49 =	vld [tilespmem:s30+$0x16480]  }
0xf7: {  	v50 =	vld [tilespmem:s30+$0x16490]  }
0xf8: {  	v48 =	vld [tilespmem:s30+$0x164A0]  }
0xf9: {  	v39 =	vld [tilespmem:s30+$0x144B0]  }
0xfa: {  	v55 =	vld [tilespmem:s30+$0x164B0]  }
0xfb: {  	v43 =	vld [tilespmem:s30+$0x144C0]  }
0xfc: {  	v8 =	vld [tilespmem:s30+$0x164C0]  }
0xfd: {  	v53 =	vld [tilespmem:s30+$0x144D0];
	v20 =	vmul.f32 v49, v0;
	v21 =	vmul.f32 v50, v42  }
0xfe: {  	v58 =	vld [tilespmem:s30+$0x164D0];
	v22 =	vmul.f32 v48, v38  }
0xff: {  	v44 =	vld [tilespmem:s30+$0x144E0];
	v23 =	vmul.f32 v20, v2;
	v24 =	vmul.f32 v21, v4  }
0x100: {  	v57 =	vld [tilespmem:s30+$0x164E0]  }
0x101: {  	v59 =	vld [tilespmem:s30+$0x144F0];
	v25 =	vmul.f32 v55, v39;
	v23 =	vadd.f32 v24, v23;
	v24 =	vmul.f32 v22, v5  }
0x102: {  	v1 =	vld [tilespmem:s30+$0x164F0]  }
0x103: {  	v26 =	vmul.f32 v8, v43;
	v23 =	vadd.f32 v24, v23;
	v24 =	vmul.f32 v25, v6;
	_ =	sdelay $0x1  }
0x104: {  	v27 =	vmul.f32 v58, v53;
	v23 =	vadd.f32 v24, v23;
	v24 =	vmul.f32 v26, v19  }
0x105: {  	v28 =	vmul.f32 v57, v44  }
0x106: {  	[tilespmem:$0x1FF00] =	vst v1;
	v29 =	vmul.f32 v27, v12;
	v23 =	vadd.f32 v24, v23;
	v24 =	vmul.f32 v1, v59;
	v1 =	vld [tilespmem:$0x1FF50]  }
0x107: {  	v20 =	vmul.f32 v20, v18;
	v21 =	vmul.f32 v21, v13  }
0x108: {  	v30 =	vmul.f32 v28, v14  }
0x109: {  	v20 =	vadd.f32 v21, v20;
	v21 =	vmul.f32 v22, v17;
	v22 =	vadd.f32 v29, v23;
	_ =	sdelay $0x1  }
0x10a: {  	v23 =	vmul.f32 v25, v16;
	v29 =	vadd.f32 v30, v22;
	v25 =	vmul.f32 v24, v1;
	_ =	sdelay $0x1  }
0x10b: {  	v21 =	vadd.f32 v21, v20;
	v29 =	vadd.f32 v25, v29  }
0x10c: {  	s17 =	simm.s32 $0x80  }
0x10d: {  	v31 =	vld [tilespmem:s17+$0x144A0];
	v26 =	vmul.f32 v26, v10;
	v23 =	vadd.f32 v23, v21;
	(xrf2) =	vadd.scan.msk.f32 $0xffff, v29  }
0x10e: {  	v32 =	vld [tilespmem:s17+$0x14480]  }
0x10f: {  	v33 =	vld [tilespmem:s17+$0x14490];
	v23 =	vadd.f32 v26, v23;
	v26 =	vmul.f32 v27, v15  }
0x110: {  	v36 =	vld [tilespmem:s17+$0x16490]  }
0x111: {  	v47 =	vld [tilespmem:s17+$0x144E0];
	v23 =	vadd.f32 v26, v23;
	v26 =	vmul.f32 v28, v11  }
0x112: {  	v37 =	vld [tilespmem:s17+$0x144C0]  }
0x113: {  	v52 =	vld [tilespmem:s17+$0x144D0];
	v24 =	vmul.f32 v24, v9;
	v26 =	vadd.f32 v26, v23  }
0x114: {  	v28 =	vld [tilespmem:s17+$0x16480]  }
0x115: {  	v21 =	vld [tilespmem:s17+$0x164B0];
	v24 =	vadd.f32 v24, v26  }
0x116: {  	v23 =	vld [tilespmem:s17+$0x164A0]  }
0x117: {  	v25 =	vld [tilespmem:s17+$0x144B0];
	(xrf2) =	vadd.scan.msk.f32 $0xffff, v24;
	v30, _, _ =	vpop (xrf2)  }
0x118: {  	v20 =	vld [tilespmem:s17+$0x164F0];
	v26 =	vmul.f32 v36, v33;
	v30 =	vbroadcast v30, $0xF  }
0x119: {  	v29 =	vld [tilespmem:s17+$0x164C0];
	v24 =	vmul.f32 v28, v32  }
0x11a: {  	v22 =	vld [tilespmem:s17+$0x144F0];
	v40 =	vmul.f32 v26, v4;
	v41 =	vmul.f32 $9.999999770e-03, v30  }
0x11b: {  	v27 =	vld [tilespmem:s17+$0x164E0];
	v34 =	vmul.f32 v23, v31;
	v35 =	vmul.f32 v24, v2  }
0x11c: {  	v45 =	vld [tilespmem:s17+$0x164D0];
	v51 =	vmul.f32 v21, v25;
	v30 =	vmax.f32 v30, v41  }
0x11d: {  	v46 =	vmul.f32 v34, v5;
	v35 =	vadd.f32 v40, v35;
	v30 =	vmul.f32 $1.442695020e+00, v30  }
0x11e: {  	v60 =	vmul.f32 v29, v37  }
0x11f: {  	v54 =	vmul.f32 v20, v22;
	v56 =	vmul.f32 v51, v6;
	v35 =	vadd.f32 v46, v35  }
0x120: {  	v61 =	vmul.f32 v27, v47;
	v7 =	vmul.f32 v60, v19  }
0x121: {  	v35 =	vadd.f32 v56, v35;
	v41 =	vmul.f32 v45, v52;
	(erf) = vpow2.f32 v30;
	v30, _, _ =	vpop (xrf2)  }
0x122: {  	v26 =	vmul.f32 v26, v13;
	v63 =	vbroadcast v30, $0xF  }
0x123: {  	v24 =	vmul.f32 v24, v18;
	v62 =	vmul.f32 v41, v12;
	v30 =	vadd.f32 v7, v35  }
0x124: {  	v34 =	vmul.f32 v34, v17;
	v56 =	vmul.f32 $9.999999770e-03, v63  }
0x125: {  	v26 =	vadd.f32 v26, v24;
	v46 =	vmul.f32 v61, v14;
	v62 =	vadd.f32 v62, v30  }
0x126: {  	v1 =	vmul.f32 v54, v1;
	v51 =	vmul.f32 v51, v16;
	v40 =	vmax.f32 v63, v56  }
0x127: {  	v7 =	vadd.f32 v34, v26;
	v35 =	vadd.f32 v46, v62;
	v40 =	vmul.f32 $1.442695020e+00, v40  }
0x128: {  	v60 =	vmul.f32 v60, v10  }
0x129: {  	s26 =	simm.s32 $0x100;
	v51 =	vadd.f32 v51, v7;
	v1 =	vadd.f32 v1, v35;
	(erf) = vpow2.f32 v40  }
0x12a: {  	v24 =	vld [tilespmem:s26+$0x164F0];
	v62 =	vpop (erf)  }
0x12b: {  	v34 =	vld [tilespmem:s26+$0x144B0];
	v51 =	vadd.f32 v60, v51;
	v46 =	vmul.f32 v41, v15;
	v0 =	vmul.f32 v62, v0;
	(xrf2) =	vadd.scan.msk.f32 $0xffff, v1  }
0x12c: {  	v26 =	vld [tilespmem:s26+$0x164B0];
	v56 =	vmul.f32 v61, v11;
	v61 =	vmul.f32 v62, v38  }
0x12d: {  	v30 =	vld [tilespmem:s26+$0x144F0];
	v51 =	vadd.f32 v46, v51;
	v7 =	vmul.f32 v62, v39;
	[tilespmem:s30+$0x18480] =	vst v0  }
0x12e: {  	v41 =	vld [tilespmem:s26+$0x14480];
	v46 =	vmul.f32 v62, v43;
	[tilespmem:s30+$0x184A0] =	vst v61  }
0x12f: {  	v54 =	vmul.f32 v54, v9;
	v35 =	vld [tilespmem:s26+$0x164A0];
	v3 =	vmul.f32 v62, v53;
	v0 =	vadd.f32 v56, v51;
	[tilespmem:s30+$0x184B0] =	vst v7  }
0x130: {  	v40 =	vld [tilespmem:s26+$0x144A0];
	v59 =	vmul.f32 v62, v59;
	[tilespmem:s30+$0x184C0] =	vst v46  }
0x131: {  	v38 =	vld [tilespmem:s26+$0x16480];
	v1 =	vmul.f32 v62, v42;
	[tilespmem:s30+$0x184D0] =	vst v3;
	v0 =	vadd.f32 v54, v0  }
0x132: {  	v39 =	vld [tilespmem:s26+$0x16490];
	v61 =	vmul.f32 v62, v44;
	[tilespmem:s30+$0x184F0] =	vst v59;
	v63 =	vpop (erf)  }
0x133: {  	v42 =	vld [tilespmem:s26+$0x14490];
	[tilespmem:s30+$0x18490] =	vst v1;
	v46 =	vmul.f32 v63, v49  }
0x134: {  	v53 =	vmul.f32 v26, v34;
	v43 =	vld [tilespmem:s26+$0x144E0];
	[tilespmem:s30+$0x184E0] =	vst v61;
	v56 =	vmul.f32 v63, v50  }
0x135: {  	v51 =	vmul.f32 v24, v30;
	v44 =	vld [tilespmem:s26+$0x164E0];
	(xrf2) =	vadd.scan.msk.f32 $0xffff, v0;
	v3 =	vmul.f32 v63, v48;
	v0, _, _ =	vpop (xrf2);
	[tilespmem:s30+$0x19480] =	vst v46  }
0x136: {  	v49 =	vld [tilespmem:s26+$0x144C0];
	v59 =	vmul.f32 v63, v55;
	v0 =	vbroadcast v0, $0xF;
	[tilespmem:s30+$0x19490] =	vst v56  }
0x137: {  	v6 =	vmul.f32 v53, v6;
	v7 =	vmul.f32 v38, v41;
	v50 =	vld [tilespmem:s26+$0x164C0];
	[tilespmem:s30+$0x194A0] =	vst v3  }
0x138: {  	v60 =	vmul.f32 v39, v42;
	v48 =	vld [tilespmem:s26+$0x144D0];
	[tilespmem:s30+$0x194B0] =	vst v59;
	v56 =	vmul.f32 $9.999999770e-03, v0  }
0x139: {  	v54 =	vmul.f32 v35, v40;
	v61 =	vmul.f32 v7, v2;
	v2 =	vld [tilespmem:$0x1FF00]  }
0x13a: {  	v1 =	vmul.f32 v60, v4;
	v55 =	vmul.f32 v63, v8;
	v46 =	vld [tilespmem:s26+$0x164D0];
	v0 =	vmax.f32 v0, v56  }
0x13b: {  	v58 =	vmul.f32 v63, v58;
	v0 =	vmul.f32 $1.442695020e+00, v0  }
0x13c: {  	v1 =	vadd.f32 v1, v61;
	v3 =	vmul.f32 v54, v5;
	[tilespmem:s30+$0x194C0] =	vst v55;
	v55 =	vmul.f32 v44, v43  }
0x13d: {  	v4 =	vmov v60;
	v5 =	vmul.f32 v63, v57;
	v57 =	vmul.f32 v50, v49  }
0x13e: {  	[tilespmem:s30+$0x194D0] =	vst v58;
	v1 =	vadd.f32 v3, v1;
	v61 =	vmul.f32 v55, v14;
	v60 =	vmul.f32 v63, v2  }
0x13f: {  	[tilespmem:s30+$0x194E0] =	vst v5;
	v56 =	vmul.f32 v46, v48;
	(erf) = vpow2.f32 v0;
	v0, _, _ =	vpop (xrf2)  }
0x140: {  	s10 =	simm.s32 $0x1C480;
	v1 =	vadd.f32 v6, v1;
	v3 =	vmul.f32 v57, v19;
	[tilespmem:s30+$0x194F0] =	vst v60;
	v58 =	vbroadcast v0, $0xF  }
0x141: {  	v59 =	vmul.f32 v56, v12;
	s30 =	simm.s32 $0x1C680;
	[tilespmem:s10+$0x0] =	vst v62;
	v62 =	vmul.f32 v7, v18  }
0x142: {  	s11 =	simm.s32 $0x600;
	v0 =	vmul.f32 v4, v13;
	[tilespmem:s30+$0x0] =	vst v63;
	v63 =	vadd.f32 v3, v1;
	v60 =	vmul.f32 $9.999999770e-03, v58  }
.LBB2_7:
0x143: {  	v2 =	vld [tilespmem:$0x1FF50];
	_ =	sdelay $0x2  }
0x144: {  	s31 =	sshra.s32 s11, $0x2;
	v1 =	vmul.f32 v54, v17;
	v0 =	vadd.f32 v0, v62;
	v3 =	vadd.f32 v59, v63  }
0x145: {  	v59 =	vld [tilespmem:s31+$0x144F0];
	v58 =	vmax.f32 v58, v60  }
0x146: {  	v60 =	vld [tilespmem:s31+$0x164F0];
	v0 =	vadd.f32 v1, v0;
	v1 =	vadd.f32 v61, v3;
	v6 =	vmul.f32 v51, v2  }
0x147: {  	v7 =	vld [tilespmem:s31+$0x144B0]  }
0x148: {  	v53 =	vmul.f32 v53, v16;
	v63 =	vld [tilespmem:s31+$0x164A0];
	v3 =	vmul.f32 $1.442695020e+00, v58;
	v1 =	vadd.f32 v6, v1  }
0x149: {  	v57 =	vmul.f32 v57, v10;
	v61 =	vld [tilespmem:s31+$0x164B0];
	v62 =	vpop (erf)  }
0x14a: {  	v0 =	vadd.f32 v53, v0;
	(erf) = vpow2.f32 v3;
	v3 =	vld [tilespmem:s31+$0x144A0];
	(xrf2) =	vadd.scan.msk.f32 $0xffff, v1;
	v1 =	vmul.f32 v62, v32  }
0x14b: {  	v4 =	vmul.f32 v62, v33;
	v33 =	vmov v42;
	v42 =	vld [tilespmem:s31+$0x14490]  }
0x14c: {  	v0 =	vadd.f32 v57, v0;
	v57 =	vmul.f32 v56, v15;
	v32 =	vmov v41;
	v41 =	vld [tilespmem:s31+$0x14480];
	[tilespmem:s17+$0x18480] =	vst v1  }
0x14d: {  	v5 =	vmul.f32 v55, v11;
	v1 =	vmul.f32 v62, v31;
	v55 =	vld [tilespmem:s31+$0x16480];
	[tilespmem:s17+$0x18490] =	vst v4  }
0x14e: {  	v6 =	vmul.f32 v62, v25;
	v0 =	vadd.f32 v57, v0;
	v56 =	vld [tilespmem:s31+$0x16490]  }
0x14f: {  	v25 =	vmov v34;
	v34 =	vmov v7;
	[tilespmem:s17+$0x184A0] =	vst v1;
	v1 =	vmul.f32 v62, v37  }
0x150: {  	v8 =	vld [tilespmem:$0x1FF20];
	v7 =	vmul.f32 v51, v9;
	v2 =	vmul.f32 v62, v52;
	v0 =	vadd.f32 v5, v0;
	[tilespmem:s17+$0x184B0] =	vst v6  }
0x151: {  	v6 =	vld [tilespmem:$0x1FF10];
	[tilespmem:s17+$0x184C0] =	vst v1;
	v1 =	vmul.f32 v62, v47  }
0x152: {  	v51 =	vmul.f32 v60, v59;
	v31 =	vmovc v40;
	v40 =	vmov v3;
	v0 =	vadd.f32 v7, v0;
	v3 =	vld [tilespmem:s31+$0x144E0];
	[tilespmem:s17+$0x184D0] =	vst v2  }
0x153: {  	v53 =	vmul.f32 v61, v34;
	v52 =	vpop (erf);
	v2 =	vld [tilespmem:s31+$0x164E0];
	[tilespmem:s17+$0x184E0] =	vst v1;
	v1 =	vmul.f32 v56, v42  }
0x154: {  	v7 =	vmul.f32 v62, v22;
	(xrf2) =	vadd.scan.msk.f32 $0xffff, v0;
	v0 =	vmul.f32 v52, v28  }
0x155: {  	v37 =	vmovc v49;
	v47 =	vmul.f32 v52, v21;
	v21 =	vmovc v26;
	v26 =	vmov v61;
	v61 =	vmul.f32 v1, v8;
	v8 =	vld [tilespmem:$0x1FF30]  }
0x156: {  	v22 =	vmovc v30;
	v30 =	vmov v59;
	v59 =	vmul.f32 v52, v36;
	v4 =	vmul.f32 v55, v41;
	v49 =	vld [tilespmem:s31+$0x144C0];
	[tilespmem:s17+$0x184F0] =	vst v7  }
0x157: {  	v54 =	vmul.f32 v63, v40;
	v28 =	vmov v38;
	v5 =	vld [tilespmem:s31+$0x164C0];
	[tilespmem:s17+$0x19480] =	vst v0;
	v0 =	vmul.f32 v52, v23  }
0x158: {  	v45 =	vmul.f32 v52, v45;
	v38 =	vmov v55;
	v55 =	vmul.f32 v4, v6;
	v36, _, _ =	vpop (xrf2);
	v6 =	vld [tilespmem:s31+$0x144D0];
	[tilespmem:s17+$0x19490] =	vst v59  }
0x159: {  	v58 =	vbroadcast v36, $0xF;
	v7 =	vld [tilespmem:s31+$0x164D0];
	[tilespmem:s17+$0x194A0] =	vst v0;
	v0 =	vmul.f32 v52, v29  }
0x15a: {  	[tilespmem:s17+$0x194B0] =	vst v47;
	v47 =	vmovc v43;
	v43 =	vmov v3;
	v3 =	vadd.f32 v61, v55;
	v55 =	vmul.f32 v54, v8;
	v8 =	vld [tilespmem:$0x1FF40]  }
0x15b: {  	v23 =	vmov v35;
	v35 =	vmov v63;
	v63 =	vmul.f32 $9.999999770e-03, v58  }
0x15c: {  	v36 =	vmov v39;
	v39 =	vmov v56;
	[tilespmem:s17+$0x194C0] =	vst v0;
	v0 =	vmul.f32 v52, v27  }
0x15d: {  	[tilespmem:s17+$0x194D0] =	vst v45;
	v57 =	vmul.f32 v5, v49;
	v61 =	vmax.f32 v58, v63;
	v63 =	vmul.f32 v52, v20  }
0x15e: {  	p1 =	sne.s32 s11, $0x3E00;
	v29 =	vmovc v50;
	v45 =	vmovc v46;
	v27 =	vmov v44;
	v58 =	vmul.f32 $1.442695020e+00, v61;
	[tilespmem:s17+$0x194E0] =	vst v0;
	v56 =	vmul.f32 v7, v6  }
.Ltmp2:
0x15f: {  	s10 =	sadd.s32 $0x10, s10;
	[tilespmem:s17+$0x194F0] =	vst v63;
	v3 =	vadd.f32 v55, v3;
	v55 =	vmul.f32 v2, v43;
	v8 =	vmul.f32 v53, v8;
	(pc) =	sbr.rel @p1 .LBB2_7-.Ltmp2, $4  }
0x160: {  	v44 =	vmov v2;
	(erf) = vpow2.f32 v58;
	v0, _, _ =	vpop (xrf2);
	[tilespmem:s10+$0x0] =	vst v62;
	v62 =	vmul.f32 v4, v18  }
0x161: {  	s30 =	sadd.s32 $0x10, s30;
	v20 =	vmovc v24;
	v24 =	vmovc v60;
	v58 =	vbroadcast v0, $0xF;
	v3 =	vadd.f32 v8, v3;
	v8 =	vmul.f32 v57, v19  }
0x162: {  	v50 =	vmovc v5;
	v46 =	vmov v7;
	v59 =	vmul.f32 v56, v12;
	[tilespmem:s30+$0x0] =	vst v52;
	v0 =	vmul.f32 v1, v13  }
0x163: {  	s11 =	sadd.s32 $0x200, s11;
	s17 =	smov.u32 s26;
	s26 =	smov.u32 s31;
	v52 =	vmovc v48;
	v48 =	vmovc v6;
	v61 =	vmul.f32 v55, v14;
	v60 =	vmul.f32 $9.999999770e-03, v58;
	v63 =	vadd.f32 v8, v3  }
0x164: {  	v0 =	vadd.f32 v0, v62;
	v1 =	vmul.f32 v54, v17;
	_ =	sdelay $0x1  }
0x165: {  	v3 =	vmul.f32 v53, v16;
	v2 =	vadd.f32 v59, v63;
	v0 =	vadd.f32 v1, v0;
	_ =	sdelay $0x1  }
0x166: {  	v15 =	vld [tilespmem:$0x1FF50];
	v1 =	vadd.f32 v61, v2;
	v2 =	vmul.f32 v57, v10;
	v0 =	vadd.f32 v3, v0;
	_ =	sdelay $0x1  }
0x167: {  	v0 =	vadd.f32 v2, v0;
	v2 =	vld [tilespmem:$0x1FF60];
	_ =	sdelay $0x2  }
0x168: {  	v4 =	vmul.f32 v51, v15;
	_ =	sdelay $0x1  }
0x169: {  	v1 =	vadd.f32 v4, v1;
	v2 =	vmul.f32 v56, v2;
	_ =	sdelay $0x1  }
0x16a: {  	(xrf2) =	vadd.scan.msk.f32 $0xffff, v1;
	v1 =	vmul.f32 v55, v11;
	v0 =	vadd.f32 v2, v0;
	_ =	sdelay $0x1  }
0x16b: {  	v0 =	vadd.f32 v1, v0;
	v1 =	vmul.f32 v51, v9;
	_ =	sdelay $0x1  }
0x16c: {  	v0 =	vadd.f32 v1, v0;
	_ =	sdelay $0x1  }
0x16d: {  	v2 =	vmax.f32 v58, v60  }
0x16e: {  	v2 =	vmul.f32 $1.442695020e+00, v2  }
0x16f: {  	(xrf2) =	vadd.scan.msk.f32 $0xffff, v0;
	v0 =	vpop (erf)  }
0x170: {  	(erf) = vpow2.f32 v2;
	v1 =	vmul.f32 v0, v32;
	_ =	sdelay $0x1  }
0x171: {  	v2, _, _ =	vpop (xrf2);
	[tilespmem:s17+$0x18480] =	vst v1;
	v1 =	vmul.f32 v0, v31  }
0x172: {  	v2 =	vbroadcast v2, $0xF  }
0x173: {  	[tilespmem:s17+$0x184A0] =	vst v1;
	v1 =	vmul.f32 v0, v37  }
0x174: {  	v3 =	vmul.f32 v0, v33;
	v32 =	vmul.f32 $9.999999770e-03, v2  }
0x175: {  	[tilespmem:s17+$0x184C0] =	vst v1;
	v1 =	vmul.f32 v0, v47  }
0x176: {  	[tilespmem:s17+$0x18490] =	vst v3;
	v3 =	vmul.f32 v0, v25;
	v2 =	vmax.f32 v2, v32  }
0x177: {  	v2 =	vmul.f32 $1.442695020e+00, v2  }
0x178: {  	v33 =	vpop (erf);
	[tilespmem:s17+$0x184B0] =	vst v3;
	v3 =	vmul.f32 v0, v52  }
0x179: {  	v5 =	vmul.f32 v33, v28;
	(erf) = vpow2.f32 v2;
	[tilespmem:s17+$0x184E0] =	vst v1;
	v1, _, _ =	vpop (xrf2)  }
0x17a: {  	v2 =	vmul.f32 v33, v36;
	[tilespmem:s17+$0x184D0] =	vst v3;
	v1 =	vbroadcast v1, $0xF  }
0x17b: {  	v3 =	vmul.f32 v0, v22;
	[tilespmem:s17+$0x19480] =	vst v5  }
0x17c: {  	[tilespmem:s17+$0x19490] =	vst v2;
	v2 =	vmul.f32 v33, v21;
	v37 =	vmul.f32 $9.999999770e-03, v1  }
0x17d: {  	[tilespmem:s17+$0x184F0] =	vst v3;
	v3 =	vmul.f32 v33, v23  }
0x17e: {  	[tilespmem:s17+$0x194B0] =	vst v2;
	v2 =	vmul.f32 v33, v45;
	v1 =	vmax.f32 v1, v37  }
0x17f: {  	[tilespmem:s17+$0x194A0] =	vst v3;
	v3 =	vmul.f32 v33, v29;
	v1 =	vmul.f32 $1.442695020e+00, v1  }
0x180: {  	[tilespmem:s17+$0x194D0] =	vst v2;
	v2 =	vmul.f32 v33, v20  }
0x181: {  	[tilespmem:s17+$0x194C0] =	vst v3;
	v3 =	vmul.f32 v33, v27  }
0x182: {  	[tilespmem:s17+$0x194F0] =	vst v2;
	(erf) = vpow2.f32 v1  }
0x183: {  	s3 =	sadd.s32 $0x10, s10;
	[tilespmem:s17+$0x194E0] =	vst v3;
	v1 =	vpop (erf)  }
0x184: {  	s17 =	sadd.s32 $0x10, s30;
	[tilespmem:s3+$0x0] =	vst v0;
	v0 =	vmul.f32 v1, v41  }
0x185: {  	[tilespmem:s17+$0x0] =	vst v33;
	v2 =	vmul.f32 v1, v42  }
0x186: {  	[tilespmem:s26+$0x18480] =	vst v0;
	v0 =	vmul.f32 v1, v40  }
0x187: {  	[tilespmem:s26+$0x18490] =	vst v2;
	v2 =	vmul.f32 v1, v34  }
0x188: {  	[tilespmem:s26+$0x184A0] =	vst v0;
	v0 =	vmul.f32 v1, v49  }
0x189: {  	[tilespmem:s26+$0x184B0] =	vst v2;
	v2 =	vmul.f32 v1, v48  }
0x18a: {  	[tilespmem:s26+$0x184C0] =	vst v0;
	v0 =	vmul.f32 v1, v43  }
0x18b: {  	[tilespmem:s26+$0x184D0] =	vst v2;
	v2 =	vmul.f32 v1, v30;
	v3 =	vpop (erf)  }
0x18c: {  	v38 =	vmul.f32 v3, v38;
	[tilespmem:s26+$0x184E0] =	vst v0  }
0x18d: {  	v0 =	vmul.f32 v3, v39;
	[tilespmem:s26+$0x184F0] =	vst v2  }
0x18e: {  	v2 =	vmul.f32 v3, v35;
	[tilespmem:s26+$0x19480] =	vst v38  }
0x18f: {  	[tilespmem:s26+$0x19490] =	vst v0;
	v0 =	vmul.f32 v3, v26  }
0x190: {  	[tilespmem:s26+$0x194A0] =	vst v2;
	v2 =	vmul.f32 v3, v50  }
0x191: {  	[tilespmem:s26+$0x194B0] =	vst v0;
	v0 =	vmul.f32 v3, v46  }
0x192: {  	[tilespmem:s26+$0x194C0] =	vst v2;
	v2 =	vmul.f32 v3, v44  }
0x193: {  	[tilespmem:s26+$0x194D0] =	vst v0;
	v0 =	vmul.f32 v3, v24  }
0x194: {  	[tilespmem:s26+$0x194E0] =	vst v2  }
0x195: {  	s3 =	sadd.s32 $0x10, s3;
	[tilespmem:s26+$0x194F0] =	vst v0  }
0x196: {  	s10 =	sadd.s32 $0x10, s17;
	[tilespmem:s3+$0x0] =	vst v1  }
0x197: {  	[tilespmem:s10+$0x0] =	vst v3  }
0x198: {  	v3 =	vld [tilespmem:$0x1FFE0];
	_ =	sdelay $0x4  }
0x199: {  	v0 =	vld [tilespmem:$0x14280]  }
0x19a: {  	v1 =	vld [tilespmem:$0x142A0];
	_ =	sdelay $0x1  }
0x19b: {  	v2 =	vld.idx.msk [tilespmem:v3+s22+$0x0], $0xffff  }
0x19c: {  	v3 =	vld.idx.msk [tilespmem:v3+s23+$0x0], $0xffff;
	_ =	sdelay $0x3  }
0x19d: {  	[tilespmem:v0+s24+$0x0] =	vst.idx.add.f32.msk $0xffff, v2  }
0x19e: {  	[tilespmem:v1+s24+$0x0] =	vst.idx.add.f32.msk $0xffff, v3  }
0x19f: {  	v3 =	vld [tilespmem:$0x1FFF0];
	_ =	sdelay $0x4  }
0x1a0: {  	v0 =	vld [tilespmem:$0x14290]  }
0x1a1: {  	v1 =	vld [tilespmem:$0x142B0];
	_ =	sdelay $0x1  }
0x1a2: {  	v2 =	vld.idx.msk [tilespmem:v3+s22+$0x0], $0xffff  }
0x1a3: {  	v3 =	vld.idx.msk [tilespmem:v3+s23+$0x0], $0xffff;
	_ =	sdelay $0x3  }
0x1a4: {  	p1 =	sne.s32 s16, $0x0;
	[tilespmem:v0+s24+$0x0] =	vst.idx.add.f32.msk $0xffff, v2  }
0x1a5: {  	s3 =	simm.s32 @p1 $0xA;
	[tilespmem:v1+s24+$0x0] =	vst.idx.add.f32.msk $0xffff, v3  }
0x1a6: {  	_ =	swait.ge @p1 [sflag:s3], $0x2000  }
0x1a7: {  	s11 =	simm.s32 @p1 $0x18480;
	s17 =	sshll.u32 s16, $0x7;
	[sflag:s3] =	ssyncset.done @p1 $0x0  }
0x1a8: {  	s10 =	simm.s32 @p1 $0x14280;
	[sflag:s3] =	ssyncadd.s32 @p1 $0xFFFFE000;
	s3 =	simm.s32 @p1 $0x40  }
0x1a9: {  	[spmem:s5] =	stream.indirect.scatter.add.f32 @p1 [tilespmem:s11], [sflag:$0x9], $0x80, s10, s3, $0xb8;
	[tilespmem:$0x1F600] =	vst v63  }
0x1aa: {  	s26 =	simm.s32 @!p1 $0x18480;
	s3 =	sor.u32 @p1 $0x40, s17  }
0x1ab: {  	s10 =	simm.s32 @!p1 $0x40;
	s11 =	simm.s32 @!p1 $0x14280;
	s3 =	simm.s32 @!p1 $0x40  }
0x1ac: {  	[spmem:s5] =	stream.indirect.scatter.add.f32 @!p1 [tilespmem:s26], [sflag:$0x9], $0x80, s11, s10, $0xb8;
	[tilespmem:$0x1F600] =	vst v63  }
0x1ad: {  	s3 =	sadd.s32 s12, s3  }
0x1ae: {  	s3 =	sshrl.u32 s3, $0x3  }
0x1af: {  	s3 =	sadd.s32 s1, s3  }
0x1b0: {  	s26 =	simm.s32 $0x0;
	s11 =	sadd.s32 $0x9C80, s3  }
0x1b1: {  	[tilespmem:s25], [sflag:$0x3] =	stream.linear.gather [hbm4b:s11+s26], $0x20, $0x38;
	[tilespmem:$0x1F600] =	vst v63  }
0x1b2: {  	s10 =	simm.s32 $0x143A0  }
0x1b3: {  	[tilespmem:s10], [sflag:$0x3] =	stream.linear.gather [hbm4b:s3+s26], $0x20, $0x38;
	[tilespmem:$0x1F600] =	vst v63  }
0x1b4: {  	_ =	swait.ge [sflag:s28], $0x20  }
0x1b5: {  	[sflag:s28] =	ssyncset.done $0x0  }
0x1b6: {  	[sflag:s28] =	ssyncadd.s32 $0xFFFFFFE0  }
0x1b7: {  	_ =	swait.ge [sflag:s28], $0x20  }
0x1b8: {  	[sflag:s28] =	ssyncset.done $0x0  }
0x1b9: {  	s11 =	simm.s32 $0x16480;
	[sflag:s28] =	ssyncadd.s32 $0xFFFFFFE0  }
0x1ba: {  	[tilespmem:s11], [sflag:$0x7] =	stream.indirect.gather [hbm4b:s8+s4], $0x80, s25, s4, $0xb8;
	[tilespmem:$0x1F600] =	vst v63  }
0x1bb: {  	s26 =	simm.s32 $0x14480  }
0x1bc: {  	[tilespmem:s26], [sflag:$0x5] =	stream.indirect.gather [hbm4b:s8+s4], $0x80, s10, s4, $0xb8;
	[tilespmem:$0x1F600] =	vst v63  }
0x1bd: {  	_ =	swait.ge [sflag:s20], $0x1000  }
0x1be: {  	[sflag:s20] =	ssyncset.done $0x0  }
0x1bf: {  	[sflag:s20] =	ssyncadd.s32 $0xFFFFF000  }
0x1c0: {  	_ =	swait.ge [sflag:s21], $0x1000  }
0x1c1: {  	v8 =	vld [tilespmem:$0x1FF10]  }
0x1c2: {  	[sflag:s21] =	ssyncset.done $0x0;
	v61 =	vld [tilespmem:$0x1FF20]  }
0x1c3: {  	s11 =	simm.s32 $0x0;
	v62 =	vld [tilespmem:$0x1FF30];
	[sflag:s21] =	ssyncadd.s32 $0xFFFFF000  }
0x1c4: {  	v38 =	vld [tilespmem:s11+$0x154A0]  }
0x1c5: {  	v0 =	vld [tilespmem:s11+$0x15480]  }
0x1c6: {  	v1 =	vld [tilespmem:s11+$0x15490]  }
0x1c7: {  	v49 =	vld [tilespmem:s11+$0x17480]  }
0x1c8: {  	v50 =	vld [tilespmem:s11+$0x17490]  }
0x1c9: {  	v48 =	vld [tilespmem:s11+$0x174A0]  }
0x1ca: {  	v63 =	vld [tilespmem:$0x1FF40]  }
0x1cb: {  	v39 =	vld [tilespmem:s11+$0x154B0]  }
0x1cc: {  	v46 =	vld [tilespmem:s11+$0x174B0]  }
0x1cd: {  	v43 =	vld [tilespmem:s11+$0x154C0];
	v2 =	vmul.f32 v49, v0;
	v3 =	vmul.f32 v50, v1  }
0x1ce: {  	v55 =	vld [tilespmem:s11+$0x174C0];
	v40 =	vmul.f32 v48, v38  }
0x1cf: {  	v53 =	vld [tilespmem:s11+$0x154D0];
	v41 =	vmul.f32 v2, v8;
	v6 =	vmul.f32 v3, v61  }
0x1d0: {  	v58 =	vld [tilespmem:s11+$0x174D0]  }
0x1d1: {  	v44 =	vld [tilespmem:s11+$0x154E0];
	v7 =	vmul.f32 v46, v39;
	v51 =	vmul.f32 v40, v62;
	v5 =	vadd.f32 v6, v41  }
0x1d2: {  	v57 =	vld [tilespmem:s11+$0x174E0]  }
0x1d3: {  	v59 =	vld [tilespmem:s11+$0x154F0];
	v21 =	vmul.f32 v55, v43;
	v52 =	vmul.f32 v7, v63;
	v5 =	vadd.f32 v51, v5  }
0x1d4: {  	v56 =	vld [tilespmem:s11+$0x174F0]  }
0x1d5: {  	v23 =	vmul.f32 v58, v53;
	v54 =	vmul.f32 v21, v19;
	v5 =	vadd.f32 v52, v5  }
0x1d6: {  	v2 =	vmul.f32 v2, v18;
	v3 =	vmul.f32 v3, v13  }
0x1d7: {  	v24 =	vmul.f32 v57, v44;
	v20 =	vmul.f32 v23, v12;
	v5 =	vadd.f32 v54, v5  }
0x1d8: {  	v2 =	vadd.f32 v3, v2;
	v3 =	vmul.f32 v40, v17  }
0x1d9: {  	v42 =	vld [tilespmem:$0x1FF60];
	v60 =	vmul.f32 v56, v59;
	v22 =	vmul.f32 v24, v14;
	v36 =	vadd.f32 v20, v5  }
0x1da: {  	v37 =	vmul.f32 v7, v16;
	v2 =	vadd.f32 v3, v2  }
0x1db: {  	s26 =	simm.s32 $0x80;
	v40 =	vmul.f32 v60, v15;
	v3 =	vadd.f32 v22, v36  }
0x1dc: {  	v25 =	vld [tilespmem:s26+$0x154B0];
	v41 =	vmul.f32 v21, v10;
	v2 =	vadd.f32 v37, v2  }
0x1dd: {  	v31 =	vld [tilespmem:s26+$0x154A0];
	v3 =	vadd.f32 v40, v3  }
0x1de: {  	v32 =	vld [tilespmem:s26+$0x15480];
	v4 =	vmul.f32 v23, v42;
	v2 =	vadd.f32 v41, v2  }
0x1df: {  	v33 =	vld [tilespmem:s26+$0x15490];
	(xrf2) =	vadd.scan.msk.f32 $0xffff, v3  }
0x1e0: {  	v28 =	vld [tilespmem:s26+$0x17480];
	v2 =	vadd.f32 v4, v2;
	v3 =	vmul.f32 v24, v11  }
0x1e1: {  	v47 =	vld [tilespmem:s26+$0x154E0]  }
0x1e2: {  	v36 =	vld [tilespmem:s26+$0x17490];
	v2 =	vadd.f32 v3, v2;
	v3 =	vmul.f32 v60, v9  }
0x1e3: {  	v21 =	vld [tilespmem:s26+$0x174B0]  }
0x1e4: {  	v23 =	vld [tilespmem:s26+$0x174A0];
	v2 =	vadd.f32 v3, v2  }
0x1e5: {  	v29 =	vld [tilespmem:s26+$0x174C0]  }
0x1e6: {  	v37 =	vld [tilespmem:s26+$0x154C0];
	(xrf2) =	vadd.scan.msk.f32 $0xffff, v2  }
0x1e7: {  	v27 =	vld [tilespmem:s26+$0x174E0];
	v3 =	vmul.f32 v36, v33  }
0x1e8: {  	v52 =	vld [tilespmem:s26+$0x154D0];
	v26 =	vmul.f32 v21, v25;
	v2 =	vmul.f32 v28, v32  }
0x1e9: {  	v20 =	vld [tilespmem:s26+$0x174F0];
	v5 =	vmul.f32 v23, v31;
	v54 =	vmul.f32 v3, v61;
	v45, _, _ =	vpop (xrf2)  }
0x1ea: {  	v22 =	vld [tilespmem:s26+$0x154F0];
	v51 =	vmul.f32 v2, v8;
	v4 =	vbroadcast v45, $0xF  }
0x1eb: {  	v34 =	vmul.f32 v26, v63;
	v35 =	vmul.f32 v29, v37;
	v45 =	vld [tilespmem:s26+$0x174D0]  }
0x1ec: {  	v60 =	vmul.f32 v5, v62;
	v6 =	vadd.f32 v54, v51;
	v24 =	vmul.f32 $9.999999770e-03, v4  }
0x1ed: {  	v40 =	vmul.f32 v35, v19;
	v3 =	vmul.f32 v3, v13  }
0x1ee: {  	v2 =	vmul.f32 v2, v18;
	v6 =	vadd.f32 v60, v6;
	v4 =	vmax.f32 v4, v24  }
0x1ef: {  	v51 =	vmul.f32 v20, v22;
	v4 =	vmul.f32 $1.442695020e+00, v4  }
0x1f0: {  	v54 =	vmul.f32 v27, v47;
	v6 =	vadd.f32 v34, v6;
	v41 =	vmul.f32 v45, v52;
	v42, _, _ =	vpop (xrf2)  }
0x1f1: {  	s30 =	simm.s32 $0x100;
	v2 =	vadd.f32 v3, v2;
	(erf) = vpow2.f32 v4;
	v4 =	vbroadcast v42, $0xF  }
0x1f2: {  	v30 =	vld [tilespmem:s30+$0x154F0];
	v3 =	vmul.f32 v5, v17;
	v6 =	vadd.f32 v40, v6;
	v24 =	vmul.f32 v41, v12  }
0x1f3: {  	v40 =	vmul.f32 v51, v15;
	v15 =	vld [tilespmem:$0x1FF60];
	v34 =	vmul.f32 $9.999999770e-03, v4  }
0x1f4: {  	v7 =	vmul.f32 v54, v14;
	v42 =	vld [tilespmem:s30+$0x15490];
	v60 =	vadd.f32 v24, v6  }
0x1f5: {  	v2 =	vadd.f32 v3, v2;
	v6 =	vmul.f32 v26, v16;
	v24 =	vld [tilespmem:s30+$0x174F0];
	v4 =	vmax.f32 v4, v34  }
0x1f6: {  	v26 =	vld [tilespmem:s30+$0x174B0];
	v3 =	vadd.f32 v7, v60;
	v4 =	vmul.f32 $1.442695020e+00, v4  }
0x1f7: {  	v34 =	vld [tilespmem:s30+$0x154B0];
	v60 =	vmul.f32 v35, v10;
	v2 =	vadd.f32 v6, v2  }
0x1f8: {  	v35 =	vld [tilespmem:s30+$0x174A0];
	v3 =	vadd.f32 v40, v3;
	(erf) = vpow2.f32 v4  }
0x1f9: {  	v40 =	vld [tilespmem:s30+$0x154A0];
	v2 =	vadd.f32 v60, v2;
	v60 =	vmul.f32 v41, v15  }
0x1fa: {  	v41 =	vld [tilespmem:s30+$0x15480];
	(xrf2) =	vadd.scan.msk.f32 $0xffff, v3;
	v3 =	vmul.f32 v54, v11;
	v4 =	vpop (erf)  }
0x1fb: {  	v2 =	vadd.f32 v60, v2;
	v0 =	vmul.f32 v4, v0;
	v54 =	vmul.f32 v4, v38;
	v38 =	vld [tilespmem:s30+$0x17480]  }
0x1fc: {  	v1 =	vmul.f32 v4, v1;
	v60 =	vmul.f32 v4, v39;
	v39 =	vld [tilespmem:s30+$0x17490]  }
0x1fd: {  	v5 =	vmul.f32 v4, v59;
	[tilespmem:s11+$0x1A480] =	vst v0;
	v0 =	vadd.f32 v3, v2;
	v2 =	vmul.f32 v51, v9  }
0x1fe: {  	v3 =	vmul.f32 v4, v43;
	[tilespmem:s11+$0x1A490] =	vst v1;
	v51 =	vmul.f32 v24, v30  }
0x1ff: {  	v1 =	vmul.f32 v4, v53;
	[tilespmem:s11+$0x1A4A0] =	vst v54;
	v53 =	vmul.f32 v26, v34;
	v0 =	vadd.f32 v2, v0  }
0x200: {  	v54 =	vmul.f32 v35, v40;
	v2 =	vmul.f32 v4, v44;
	[tilespmem:s11+$0x1A4C0] =	vst v3  }
0x201: {  	v43 =	vld [tilespmem:s30+$0x154E0];
	[tilespmem:s11+$0x1A4D0] =	vst v1;
	v3 =	vmul.f32 v38, v41;
	v1 =	vmul.f32 v39, v42;
	v6 =	vpop (erf);
	(xrf2) =	vadd.scan.msk.f32 $0xffff, v0  }
0x202: {  	[tilespmem:s11+$0x1A4B0] =	vst v60;
	v44 =	vld [tilespmem:s30+$0x174E0];
	v0 =	vmul.f32 v6, v49;
	v7 =	vmul.f32 v6, v50  }
0x203: {  	[tilespmem:s11+$0x1A4E0] =	vst v2;
	v49 =	vld [tilespmem:s30+$0x154C0];
	v2 =	vmul.f32 v3, v8;
	v60 =	vmul.f32 v6, v48  }
0x204: {  	[tilespmem:s11+$0x1A4F0] =	vst v5;
	v50 =	vld [tilespmem:s30+$0x174C0];
	v55 =	vmul.f32 v6, v55;
	v58 =	vmul.f32 v6, v58;
	v59, _, _ =	vpop (xrf2)  }
0x205: {  	v48 =	vld [tilespmem:s30+$0x154D0];
	v5 =	vbroadcast v59, $0xF;
	v59 =	vmul.f32 v6, v46;
	[tilespmem:s11+$0x1B480] =	vst v0  }
0x206: {  	v46 =	vld [tilespmem:s30+$0x174D0];
	v0 =	vmul.f32 v1, v61;
	[tilespmem:s11+$0x1B4A0] =	vst v60;
	v60 =	vmul.f32 v6, v57  }
0x207: {  	[tilespmem:s11+$0x1B490] =	vst v7;
	v61 =	vmul.f32 v6, v56;
	v7 =	vmul.f32 $9.999999770e-03, v5  }
0x208: {  	[tilespmem:s11+$0x1B4C0] =	vst v55;
	v55 =	vmul.f32 v44, v43;
	v0 =	vadd.f32 v0, v2;
	v2 =	vmul.f32 v54, v62  }
0x209: {  	[tilespmem:s11+$0x1B4D0] =	vst v58;
	v62 =	vmul.f32 v53, v63;
	v57 =	vmul.f32 v50, v49;
	v5 =	vmax.f32 v5, v7  }
0x20a: {  	[tilespmem:s11+$0x1B4F0] =	vst v61;
	v61 =	vmul.f32 v55, v14;
	v0 =	vadd.f32 v2, v0;
	v5 =	vmul.f32 $1.442695020e+00, v5  }
0x20b: {  	[tilespmem:s11+$0x1B4B0] =	vst v59;
	v56 =	vmul.f32 v46, v48;
	v2 =	vmul.f32 v57, v19;
	v63, _, _ =	vpop (xrf2)  }
0x20c: {  	s10 =	simm.s32 $0x1C480;
	[tilespmem:s11+$0x1B4E0] =	vst v60;
	v7 =	vadd.f32 v62, v0;
	v62 =	vmul.f32 v3, v18;
	v58 =	vbroadcast v63, $0xF  }
0x20d: {  	s31 =	simm.s32 $0x1C680;
	[tilespmem:s10+$0x0] =	vst v4;
	v0 =	vmul.f32 v1, v13;
	(erf) = vpow2.f32 v5  }
0x20e: {  	s11 =	simm.s32 $0x600;
	[tilespmem:s31+$0x0] =	vst v6;
	v59 =	vmul.f32 v56, v12;
	v63 =	vadd.f32 v2, v7;
	v60 =	vmul.f32 $9.999999770e-03, v58  }
.LBB2_9:
0x20f: {  	v5 =	vld [tilespmem:$0x1FF50];
	_ =	sdelay $0x2  }
0x210: {  	s3 =	sshra.s32 s11, $0x2;
	v1 =	vmul.f32 v54, v17;
	v0 =	vadd.f32 v0, v62;
	v2 =	vadd.f32 v59, v63  }
0x211: {  	v4 =	vmul.f32 v53, v16;
	v3 =	vld [tilespmem:s3+$0x154F0];
	v6 =	vmax.f32 v58, v60  }
0x212: {  	v7 =	vld [tilespmem:s3+$0x174F0];
	v0 =	vadd.f32 v1, v0;
	v1 =	vadd.f32 v61, v2;
	v5 =	vmul.f32 v51, v5  }
0x213: {  	v63 =	vmul.f32 v57, v10;
	v57 =	vld [tilespmem:s3+$0x174B0];
	v2 =	vmul.f32 $1.442695020e+00, v6  }
0x214: {  	v6 =	vld [tilespmem:s3+$0x154B0];
	v1 =	vadd.f32 v5, v1  }
0x215: {  	v0 =	vadd.f32 v4, v0;
	(erf) = vpow2.f32 v2;
	v2 =	vld [tilespmem:s3+$0x154A0];
	v4 =	vpop (erf)  }
0x216: {  	v5 =	vld [tilespmem:s3+$0x174A0];
	(xrf2) =	vadd.scan.msk.f32 $0xffff, v1;
	v1 =	vmul.f32 v4, v32  }
0x217: {  	v59 =	vmul.f32 v56, v15;
	v60 =	vmul.f32 v4, v33;
	v32 =	vmov v41;
	v41 =	vld [tilespmem:s3+$0x15480]  }
0x218: {  	v0 =	vadd.f32 v63, v0;
	v33 =	vmov v42;
	v42 =	vld [tilespmem:s3+$0x15490];
	[tilespmem:s26+$0x1A480] =	vst v1;
	v1 =	vmul.f32 v4, v31  }
0x219: {  	v61 =	vmul.f32 v55, v11;
	v62 =	vmul.f32 v4, v25;
	v55 =	vld [tilespmem:s3+$0x17480];
	[tilespmem:s26+$0x1A490] =	vst v60  }
0x21a: {  	v0 =	vadd.f32 v59, v0;
	v25 =	vmovc v34;
	v34 =	vmov v6;
	v6 =	vld [tilespmem:s3+$0x17490];
	[tilespmem:s26+$0x1A4A0] =	vst v1;
	v1 =	vmul.f32 v4, v37  }
0x21b: {  	[tilespmem:s26+$0x1A4B0] =	vst v62  }
0x21c: {  	v63 =	vmul.f32 v51, v9;
	v8 =	vmul.f32 v4, v52;
	v0 =	vadd.f32 v61, v0;
	[tilespmem:s26+$0x1A4C0] =	vst v1  }
0x21d: {  	v31 =	vmov v40;
	v40 =	vmov v2;
	v2 =	vld [tilespmem:s3+$0x154E0]  }
0x21e: {  	v0 =	vadd.f32 v63, v0;
	v1 =	vmul.f32 v4, v47;
	[tilespmem:s26+$0x1A4D0] =	vst v8;
	v8 =	vld [tilespmem:$0x1FF10]  }
0x21f: {  	v51 =	vmul.f32 v7, v3;
	v56 =	vmul.f32 v4, v22;
	v59 =	vld [tilespmem:$0x1FF20];
	v52 =	vpop (erf)  }
0x220: {  	v22 =	vmovc v30;
	v53 =	vmul.f32 v57, v34;
	(xrf2) =	vadd.scan.msk.f32 $0xffff, v0;
	v0 =	vmul.f32 v52, v28;
	v60 =	vld [tilespmem:s3+$0x174E0];
	[tilespmem:s26+$0x1A4E0] =	vst v1  }
0x221: {  	v30 =	vmovc v3;
	v37 =	vmov v49;
	v3 =	vmul.f32 v52, v36;
	v61 =	vmul.f32 v55, v41;
	v49 =	vld [tilespmem:s3+$0x154C0];
	[tilespmem:s26+$0x1A4F0] =	vst v56  }
0x222: {  	v54 =	vmul.f32 v5, v40;
	v1 =	vmul.f32 v6, v42;
	v62 =	vld [tilespmem:s3+$0x174C0];
	[tilespmem:s26+$0x1B480] =	vst v0  }
0x223: {  	v28 =	vmovc v38;
	v38 =	vmov v55;
	v55 =	vmul.f32 v61, v8;
	v8 =	vld [tilespmem:s3+$0x154D0];
	[tilespmem:s26+$0x1B490] =	vst v3;
	v3 =	vmul.f32 v52, v21  }
0x224: {  	v0 =	vmul.f32 v52, v23;
	v21 =	vmovc v26;
	v26 =	vmov v57;
	v57 =	vmul.f32 v1, v59;
	v59 =	vld [tilespmem:$0x1FF30]  }
0x225: {  	v58, _, _ =	vpop (xrf2);
	v23 =	vmov v35;
	v35 =	vmov v5;
	v5 =	vld [tilespmem:s3+$0x174D0];
	[tilespmem:s26+$0x1B4B0] =	vst v3;
	v3 =	vmul.f32 v52, v45  }
0x226: {  	v56 =	vbroadcast v58, $0xF;
	[tilespmem:s26+$0x1B4A0] =	vst v0  }
0x227: {  	v0 =	vmul.f32 v52, v29;
	[tilespmem:s26+$0x1B4D0] =	vst v3;
	v3 =	vmul.f32 v52, v20;
	v20 =	vld [tilespmem:$0x1FF40]  }
0x228: {  	v36 =	vmovc v39;
	v47 =	vmov v43;
	v43 =	vmov v2;
	v63 =	vmul.f32 $9.999999770e-03, v56  }
0x229: {  	v2 =	vadd.f32 v57, v55;
	v55 =	vmul.f32 v60, v43;
	[tilespmem:s26+$0x1B4C0] =	vst v0;
	v0 =	vmul.f32 v52, v27  }
0x22a: {  	v39 =	vmovc v6;
	v57 =	vmul.f32 v62, v49;
	v6 =	vmax.f32 v56, v63;
	v45 =	vmul.f32 v54, v59  }
0x22b: {  	p1 =	sne.s32 s11, $0x3E00;
	v29 =	vmovc v50;
	v50 =	vmov v62;
	v62 =	vmul.f32 v61, v18;
	v6 =	vmul.f32 $1.442695020e+00, v6  }
.Ltmp3:
0x22c: {  	[tilespmem:s26+$0x1B4E0] =	vst v0;
	v56 =	vmul.f32 v5, v8;
	v2 =	vadd.f32 v45, v2;
	v63 =	vmul.f32 v53, v20;
	(pc) =	sbr.rel @p1 .LBB2_9-.Ltmp3, $4  }
0x22d: {  	s10 =	sadd.s32 $0x10, s10;
	v27 =	vmov v44;
	v61 =	vmul.f32 v55, v14;
	[tilespmem:s26+$0x1B4F0] =	vst v3;
	v3 =	vmul.f32 v57, v19;
	v0, _, _ =	vpop (xrf2)  }
0x22e: {  	s31 =	sadd.s32 $0x10, s31;
	v44 =	vmovc v60;
	[tilespmem:s10+$0x0] =	vst v4;
	v59 =	vmul.f32 v56, v12;
	v58 =	vbroadcast v0, $0xF;
	v2 =	vadd.f32 v63, v2  }
0x22f: {  	(erf) = vpow2.f32 v6;
	[tilespmem:s31+$0x0] =	vst v52;
	v52 =	vmovc v48;
	v0 =	vmul.f32 v1, v13;
	v48 =	vmovc v8;
	v20 =	vmov v24  }
0x230: {  	s11 =	sadd.s32 $0x200, s11;
	s26 =	smov.u32 s30;
	s30 =	smov.u32 s3;
	v24 =	vmovc v7;
	v45 =	vmovc v46;
	v46 =	vmov v5;
	v60 =	vmul.f32 $9.999999770e-03, v58;
	v63 =	vadd.f32 v3, v2  }
0x231: {  	_ = 	snop  }
0x232: {  	v2 =	vadd.f32 v59, v63;
	v63 =	vld [tilespmem:$0x1FF50]  }
0x233: {  	v0 =	vadd.f32 v0, v62;
	v1 =	vmul.f32 v54, v17;
	_ =	sdelay $0x1  }
0x234: {  	v3 =	vmul.f32 v53, v16;
	v0 =	vadd.f32 v1, v0  }
0x235: {  	v1 =	vadd.f32 v61, v2  }
0x236: {  	v2 =	vmul.f32 v57, v10;
	v0 =	vadd.f32 v3, v0;
	v4 =	vmul.f32 v51, v63;
	_ =	sdelay $0x1  }
0x237: {  	v0 =	vadd.f32 v2, v0;
	v2 =	vmul.f32 v56, v15;
	v1 =	vadd.f32 v4, v1;
	_ =	sdelay $0x1  }
0x238: {  	v0 =	vadd.f32 v2, v0;
	(xrf2) =	vadd.scan.msk.f32 $0xffff, v1;
	v1 =	vmul.f32 v55, v11;
	_ =	sdelay $0x1  }
0x239: {  	v0 =	vadd.f32 v1, v0;
	v1 =	vmul.f32 v51, v9;
	_ =	sdelay $0x1  }
0x23a: {  	v0 =	vadd.f32 v1, v0;
	_ =	sdelay $0x1  }
0x23b: {  	v2 =	vmax.f32 v58, v60  }
0x23c: {  	v2 =	vmul.f32 $1.442695020e+00, v2  }
0x23d: {  	(xrf2) =	vadd.scan.msk.f32 $0xffff, v0;
	v0 =	vpop (erf)  }
0x23e: {  	(erf) = vpow2.f32 v2;
	v1 =	vmul.f32 v0, v32;
	_ =	sdelay $0x1  }
0x23f: {  	[tilespmem:s26+$0x1A480] =	vst v1;
	v1 =	vmul.f32 v0, v31  }
0x240: {  	v3 =	vmul.f32 v0, v33;
	v2, _, _ =	vpop (xrf2)  }
0x241: {  	v2 =	vbroadcast v2, $0xF;
	[tilespmem:s26+$0x1A4A0] =	vst v1;
	v1 =	vmul.f32 v0, v37  }
0x242: {  	[tilespmem:s26+$0x1A490] =	vst v3;
	v3 =	vmul.f32 v0, v25  }
0x243: {  	v62 =	vmul.f32 $9.999999770e-03, v2;
	[tilespmem:s26+$0x1A4C0] =	vst v1;
	v1 =	vmul.f32 v0, v47  }
0x244: {  	[tilespmem:s26+$0x1A4B0] =	vst v3;
	v3 =	vmul.f32 v0, v52  }
0x245: {  	v2 =	vmax.f32 v2, v62  }
0x246: {  	v32 =	vpop (erf);
	[tilespmem:s26+$0x1A4D0] =	vst v3;
	v2 =	vmul.f32 $1.442695020e+00, v2  }
0x247: {  	v5 =	vmul.f32 v32, v28;
	v3 =	vmul.f32 v0, v22;
	[tilespmem:s26+$0x1A4E0] =	vst v1;
	v1, _, _ =	vpop (xrf2)  }
0x248: {  	(erf) = vpow2.f32 v2;
	v1 =	vbroadcast v1, $0xF  }
0x249: {  	[tilespmem:s26+$0x1B480] =	vst v5;
	v2 =	vmul.f32 v32, v36  }
0x24a: {  	[tilespmem:s26+$0x1A4F0] =	vst v3;
	v3 =	vmul.f32 v32, v23;
	v33 =	vmul.f32 $9.999999770e-03, v1  }
0x24b: {  	[tilespmem:s26+$0x1B490] =	vst v2;
	v2 =	vmul.f32 v32, v21  }
0x24c: {  	[tilespmem:s26+$0x1B4A0] =	vst v3;
	v3 =	vmul.f32 v32, v29;
	v1 =	vmax.f32 v1, v33  }
0x24d: {  	[tilespmem:s26+$0x1B4B0] =	vst v2;
	v2 =	vmul.f32 v32, v45;
	v1 =	vmul.f32 $1.442695020e+00, v1  }
0x24e: {  	[tilespmem:s26+$0x1B4C0] =	vst v3;
	v3 =	vmul.f32 v32, v27  }
0x24f: {  	[tilespmem:s26+$0x1B4D0] =	vst v2;
	v2 =	vmul.f32 v32, v20  }
0x250: {  	[tilespmem:s26+$0x1B4E0] =	vst v3;
	(erf) = vpow2.f32 v1  }
0x251: {  	s3 =	sadd.s32 $0x10, s10;
	[tilespmem:s26+$0x1B4F0] =	vst v2;
	v1 =	vpop (erf)  }
0x252: {  	s26 =	sadd.s32 $0x10, s31;
	[tilespmem:s3+$0x0] =	vst v0;
	v0 =	vmul.f32 v1, v41  }
0x253: {  	[tilespmem:s26+$0x0] =	vst v32;
	v2 =	vmul.f32 v1, v42  }
0x254: {  	[tilespmem:s30+$0x1A480] =	vst v0;
	v0 =	vmul.f32 v1, v40  }
0x255: {  	[tilespmem:s30+$0x1A490] =	vst v2;
	v2 =	vmul.f32 v1, v34  }
0x256: {  	[tilespmem:s30+$0x1A4A0] =	vst v0;
	v0 =	vmul.f32 v1, v49  }
0x257: {  	[tilespmem:s30+$0x1A4B0] =	vst v2;
	v2 =	vmul.f32 v1, v48  }
0x258: {  	[tilespmem:s30+$0x1A4C0] =	vst v0;
	v0 =	vmul.f32 v1, v43  }
0x259: {  	[tilespmem:s30+$0x1A4D0] =	vst v2;
	v2 =	vmul.f32 v1, v30;
	v3 =	vpop (erf)  }
0x25a: {  	v36 =	vmul.f32 v3, v38;
	[tilespmem:s30+$0x1A4E0] =	vst v0  }
0x25b: {  	v0 =	vmul.f32 v3, v39;
	[tilespmem:s30+$0x1A4F0] =	vst v2  }
0x25c: {  	v2 =	vmul.f32 v3, v35;
	[tilespmem:s30+$0x1B480] =	vst v36  }
0x25d: {  	[tilespmem:s30+$0x1B490] =	vst v0;
	v0 =	vmul.f32 v3, v26  }
0x25e: {  	[tilespmem:s30+$0x1B4A0] =	vst v2;
	v2 =	vmul.f32 v3, v50  }
0x25f: {  	[tilespmem:s30+$0x1B4B0] =	vst v0;
	v0 =	vmul.f32 v3, v46  }
0x260: {  	[tilespmem:s30+$0x1B4C0] =	vst v2;
	v2 =	vmul.f32 v3, v44  }
0x261: {  	[tilespmem:s30+$0x1B4D0] =	vst v0;
	v0 =	vmul.f32 v3, v24  }
0x262: {  	[tilespmem:s30+$0x1B4E0] =	vst v2  }
0x263: {  	s3 =	sadd.s32 $0x10, s3;
	[tilespmem:s30+$0x1B4F0] =	vst v0  }
0x264: {  	s10 =	sadd.s32 $0x10, s26;
	[tilespmem:s3+$0x0] =	vst v1  }
0x265: {  	[tilespmem:s10+$0x0] =	vst v3  }
0x266: {  	v3 =	vld [tilespmem:$0x1FFE0];
	_ =	sdelay $0x4  }
0x267: {  	v0 =	vld [tilespmem:$0x14300]  }
0x268: {  	v1 =	vld [tilespmem:$0x14320]  }
0x269: {  	s31 =	simm.s32 $0x1C480  }
0x26a: {  	s26 =	simm.s32 $0x1C680;
	v2 =	vld.idx.msk [tilespmem:v3+s31+$0x0], $0xffff  }
0x26b: {  	v3 =	vld.idx.msk [tilespmem:v3+s26+$0x0], $0xffff;
	_ =	sdelay $0x3  }
0x26c: {  	[tilespmem:v0+s24+$0x0] =	vst.idx.add.f32.msk $0xffff, v2  }
0x26d: {  	[tilespmem:v1+s24+$0x0] =	vst.idx.add.f32.msk $0xffff, v3  }
0x26e: {  	v3 =	vld [tilespmem:$0x1FFF0];
	_ =	sdelay $0x4  }
0x26f: {  	v0 =	vld [tilespmem:$0x14310]  }
0x270: {  	v1 =	vld [tilespmem:$0x14330];
	_ =	sdelay $0x1  }
0x271: {  	v2 =	vld.idx.msk [tilespmem:v3+s31+$0x0], $0xffff  }
0x272: {  	v3 =	vld.idx.msk [tilespmem:v3+s26+$0x0], $0xffff;
	_ =	sdelay $0x3  }
0x273: {  	[tilespmem:v0+s24+$0x0] =	vst.idx.add.f32.msk $0xffff, v2  }
0x274: {  	s10 =	sadd.s32 s17, s12;
	[tilespmem:v1+s24+$0x0] =	vst.idx.add.f32.msk $0xffff, v3  }
0x275: {  	s3 =	sadd.s32 $0x60, s10;
	_ =	swait.ge [sflag:s9], $0x2000  }
0x276: {  	s3 =	sshrl.u32 s3, $0x3;
	[sflag:s9] =	ssyncset.done $0x0  }
0x277: {  	s11 =	simm.s32 $0x1A480;
	s3 =	sadd.s32 s1, s3;
	[sflag:s9] =	ssyncadd.s32 $0xFFFFE000  }
0x278: {  	[spmem:s5] =	stream.indirect.scatter.add.f32 [tilespmem:s11], [sflag:$0xA], $0x80, s13, s0, $0xb8;
	[tilespmem:$0x1F600] =	vst v63  }
0x279: {  	s10 =	sadd.s32 $0x9C80, s3;
	s11 =	simm.s32 $0x0  }
0x27a: {  	[tilespmem:s7], [sflag:$0x4] =	stream.linear.gather [hbm4b:s10+s11], $0x20, $0x38;
	[tilespmem:$0x1F600] =	vst v63  }
0x27b: {  	s10 =	simm.s32 $0x14420  }
0x27c: {  	[tilespmem:s10], [sflag:$0x4] =	stream.linear.gather [hbm4b:s3+s11], $0x20, $0x38;
	[tilespmem:$0x1F600] =	vst v63  }
0x27d: {  	_ =	swait.ge [sflag:s29], $0x20  }
0x27e: {  	[sflag:s29] =	ssyncset.done $0x0  }
0x27f: {  	[sflag:s29] =	ssyncadd.s32 $0xFFFFFFE0  }
0x280: {  	_ =	swait.ge [sflag:s29], $0x20  }
0x281: {  	[sflag:s29] =	ssyncset.done $0x0  }
0x282: {  	s11 =	simm.s32 $0x17480;
	[sflag:s29] =	ssyncadd.s32 $0xFFFFFFE0  }
0x283: {  	[tilespmem:s11], [sflag:$0x8] =	stream.indirect.gather [hbm4b:s8+s4], $0x80, s7, s4, $0xb8;
	[tilespmem:$0x1F600] =	vst v63  }
0x284: {  	s11 =	simm.s32 $0x15480  }
0x285: {  	[tilespmem:s11], [sflag:$0x6] =	stream.indirect.gather [hbm4b:s8+s4], $0x80, s10, s4, $0xb8;
	[tilespmem:$0x1F600] =	vst v63  }
0x286: {  	_ =	swait.ge [sflag:s18], $0x1000  }
0x287: {  	[sflag:s18] =	ssyncset.done $0x0  }
0x288: {  	[sflag:s18] =	ssyncadd.s32 $0xFFFFF000  }
0x289: {  	_ =	swait.ge [sflag:s19], $0x1000  }
0x28a: {  	v41 =	vmov v15;
	v15 =	vld [tilespmem:$0x1FF10]  }
0x28b: {  	[sflag:s19] =	ssyncset.done $0x0;
	v60 =	vld [tilespmem:$0x1FF20]  }
0x28c: {  	s3 =	simm.s32 $0x0;
	v61 =	vld [tilespmem:$0x1FF30];
	[sflag:s19] =	ssyncadd.s32 $0xFFFFF000  }
0x28d: {  	v38 =	vld [tilespmem:s3+$0x144A0]  }
0x28e: {  	v0 =	vld [tilespmem:s3+$0x14480]  }
0x28f: {  	v1 =	vld [tilespmem:s3+$0x14490]  }
0x290: {  	v49 =	vld [tilespmem:s3+$0x16480]  }
0x291: {  	v50 =	vld [tilespmem:s3+$0x16490]  }
0x292: {  	v48 =	vld [tilespmem:s3+$0x164A0]  }
0x293: {  	v62 =	vld [tilespmem:$0x1FF40]  }
0x294: {  	v39 =	vld [tilespmem:s3+$0x144B0]  }
0x295: {  	v46 =	vld [tilespmem:s3+$0x164B0]  }
0x296: {  	v43 =	vld [tilespmem:s3+$0x144C0];
	v2 =	vmul.f32 v49, v0;
	v3 =	vmul.f32 v50, v1  }
0x297: {  	v55 =	vld [tilespmem:s3+$0x164C0];
	v37 =	vmul.f32 v48, v38  }
0x298: {  	v53 =	vld [tilespmem:s3+$0x144D0];
	v40 =	vmul.f32 v2, v15;
	v6 =	vmul.f32 v3, v60  }
0x299: {  	v58 =	vld [tilespmem:s3+$0x164D0]  }
0x29a: {  	v44 =	vld [tilespmem:s3+$0x144E0];
	v7 =	vmul.f32 v46, v39;
	v47 =	vmul.f32 v37, v61;
	v5 =	vadd.f32 v6, v40  }
0x29b: {  	v57 =	vld [tilespmem:s3+$0x164E0]  }
0x29c: {  	v59 =	vld [tilespmem:s3+$0x144F0];
	v8 =	vmul.f32 v55, v43;
	v51 =	vmul.f32 v7, v62;
	v5 =	vadd.f32 v47, v5  }
0x29d: {  	v56 =	vld [tilespmem:s3+$0x164F0]  }
0x29e: {  	v23 =	vmul.f32 v58, v53;
	v52 =	vmul.f32 v8, v19;
	v5 =	vadd.f32 v51, v5  }
0x29f: {  	v2 =	vmul.f32 v2, v18;
	v3 =	vmul.f32 v3, v13  }
0x2a0: {  	v24 =	vmul.f32 v57, v44;
	v20 =	vmul.f32 v23, v12;
	v5 =	vadd.f32 v52, v5  }
0x2a1: {  	v2 =	vadd.f32 v3, v2;
	v3 =	vmul.f32 v37, v17  }
0x2a2: {  	v54 =	vmul.f32 v56, v59;
	v21 =	vmul.f32 v24, v14;
	v35 =	vadd.f32 v20, v5  }
0x2a3: {  	v36 =	vmul.f32 v7, v16;
	v2 =	vadd.f32 v3, v2  }
0x2a4: {  	s30 =	simm.s32 $0x80;
	v37 =	vmul.f32 v54, v63;
	v3 =	vadd.f32 v21, v35  }
0x2a5: {  	v22 =	vld [tilespmem:s30+$0x144F0];
	v40 =	vmul.f32 v8, v10;
	v2 =	vadd.f32 v36, v2  }
0x2a6: {  	v25 =	vld [tilespmem:s30+$0x144B0];
	v3 =	vadd.f32 v37, v3  }
0x2a7: {  	v31 =	vld [tilespmem:s30+$0x144A0];
	v42 =	vmul.f32 v23, v41;
	v2 =	vadd.f32 v40, v2  }
0x2a8: {  	v32 =	vld [tilespmem:s30+$0x14480];
	(xrf2) =	vadd.scan.msk.f32 $0xffff, v3  }
0x2a9: {  	v33 =	vld [tilespmem:s30+$0x14490];
	v2 =	vadd.f32 v42, v2;
	v3 =	vmul.f32 v24, v11  }
0x2aa: {  	v23 =	vld [tilespmem:s30+$0x164A0]  }
0x2ab: {  	v36 =	vld [tilespmem:s30+$0x16490];
	v2 =	vadd.f32 v3, v2;
	v3 =	vmul.f32 v54, v9  }
0x2ac: {  	v28 =	vld [tilespmem:s30+$0x16480]  }
0x2ad: {  	v29 =	vld [tilespmem:s30+$0x164C0];
	v2 =	vadd.f32 v3, v2  }
0x2ae: {  	v20 =	vld [tilespmem:s30+$0x164F0]  }
0x2af: {  	v21 =	vld [tilespmem:s30+$0x164B0];
	(xrf2) =	vadd.scan.msk.f32 $0xffff, v2  }
0x2b0: {  	v5 =	vmul.f32 v23, v31;
	v37 =	vld [tilespmem:s30+$0x144C0];
	v3 =	vmul.f32 v36, v33  }
0x2b1: {  	v2 =	vmul.f32 v28, v32  }
0x2b2: {  	v40 =	vmul.f32 v5, v61;
	v35 =	vmul.f32 v3, v60;
	v45, _, _ =	vpop (xrf2)  }
0x2b3: {  	v52 =	vld [tilespmem:s30+$0x144D0];
	v34 =	vmul.f32 v2, v15;
	v4 =	vbroadcast v45, $0xF  }
0x2b4: {  	v51 =	vmul.f32 v20, v22;
	v24 =	vmul.f32 v21, v25;
	v45 =	vld [tilespmem:s30+$0x164D0]  }
0x2b5: {  	v27 =	vld [tilespmem:s30+$0x164E0];
	v26 =	vmul.f32 v29, v37;
	v6 =	vadd.f32 v35, v34;
	v8 =	vmul.f32 $9.999999770e-03, v4  }
0x2b6: {  	v47 =	vld [tilespmem:s30+$0x144E0];
	v3 =	vmul.f32 v3, v13;
	v2 =	vmul.f32 v2, v18  }
0x2b7: {  	v42 =	vmul.f32 v24, v62;
	v6 =	vadd.f32 v40, v6;
	v4 =	vmax.f32 v4, v8  }
0x2b8: {  	v34 =	vmul.f32 v26, v19;
	v2 =	vadd.f32 v3, v2;
	v4 =	vmul.f32 $1.442695020e+00, v4  }
0x2b9: {  	v3 =	vmul.f32 v5, v17;
	v6 =	vadd.f32 v42, v6;
	v8 =	vmul.f32 v45, v52;
	v35, _, _ =	vpop (xrf2)  }
0x2ba: {  	(erf) = vpow2.f32 v4;
	v4 =	vbroadcast v35, $0xF  }
0x2bb: {  	v54 =	vmul.f32 v27, v47;
	v6 =	vadd.f32 v34, v6;
	v30 =	vmul.f32 v8, v12  }
0x2bc: {  	s10 =	simm.s32 $0x100;
	v40 =	vmul.f32 v24, v16;
	v2 =	vadd.f32 v3, v2;
	v34 =	vmul.f32 $9.999999770e-03, v4  }
0x2bd: {  	v7 =	vmul.f32 v54, v14;
	v24 =	vld [tilespmem:s10+$0x164F0];
	v42 =	vmul.f32 v51, v63;
	v5 =	vadd.f32 v30, v6  }
0x2be: {  	v63 =	vmul.f32 v26, v10;
	v26 =	vld [tilespmem:s10+$0x164B0];
	v2 =	vadd.f32 v40, v2;
	v4 =	vmax.f32 v4, v34  }
0x2bf: {  	v40 =	vld [tilespmem:s10+$0x144A0];
	v3 =	vadd.f32 v7, v5;
	v4 =	vmul.f32 $1.442695020e+00, v4  }
0x2c0: {  	v2 =	vadd.f32 v63, v2;
	v35 =	vld [tilespmem:s10+$0x164A0]  }
0x2c1: {  	v63 =	vmul.f32 v8, v41;
	v41 =	vld [tilespmem:s10+$0x14480];
	v3 =	vadd.f32 v42, v3;
	(erf) = vpow2.f32 v4  }
0x2c2: {  	v30 =	vld [tilespmem:s10+$0x144F0]  }
0x2c3: {  	v34 =	vld [tilespmem:s10+$0x144B0];
	(xrf2) =	vadd.scan.msk.f32 $0xffff, v3;
	v4 =	vpop (erf)  }
0x2c4: {  	v42 =	vld [tilespmem:s10+$0x14490];
	v3 =	vmul.f32 v54, v11;
	v0 =	vmul.f32 v4, v0  }
0x2c5: {  	v2 =	vadd.f32 v63, v2;
	v1 =	vmul.f32 v4, v1;
	v54 =	vmul.f32 v4, v38;
	v38 =	vld [tilespmem:s10+$0x16480]  }
0x2c6: {  	v63 =	vmul.f32 v4, v39;
	v39 =	vld [tilespmem:s10+$0x16490];
	v5 =	vmul.f32 v4, v59;
	[tilespmem:s3+$0x18480] =	vst v0  }
0x2c7: {  	v0 =	vadd.f32 v3, v2;
	v2 =	vmul.f32 v51, v9;
	v3 =	vmul.f32 v4, v43;
	[tilespmem:s3+$0x18490] =	vst v1  }
0x2c8: {  	v51 =	vmul.f32 v24, v30;
	v1 =	vmul.f32 v4, v53;
	[tilespmem:s3+$0x184A0] =	vst v54  }
0x2c9: {  	v53 =	vmul.f32 v26, v34;
	[tilespmem:s3+$0x184B0] =	vst v63;
	v54 =	vmul.f32 v35, v40;
	v0 =	vadd.f32 v2, v0  }
0x2ca: {  	v43 =	vld [tilespmem:s10+$0x144E0];
	v2 =	vmul.f32 v4, v44;
	[tilespmem:s3+$0x184C0] =	vst v3;
	v3 =	vmul.f32 v38, v41;
	v6 =	vpop (erf)  }
0x2cb: {  	v44 =	vld [tilespmem:s10+$0x164E0];
	[tilespmem:s3+$0x184D0] =	vst v1;
	v1 =	vmul.f32 v39, v42;
	(xrf2) =	vadd.scan.msk.f32 $0xffff, v0;
	v0 =	vmul.f32 v6, v49  }
0x2cc: {  	[tilespmem:s3+$0x184E0] =	vst v2;
	v63 =	vmul.f32 v6, v50;
	v2 =	vmul.f32 v3, v15  }
0x2cd: {  	v49 =	vld [tilespmem:s10+$0x144C0];
	v59 =	vmul.f32 v6, v48;
	v55 =	vmul.f32 v6, v55;
	v8, _, _ =	vpop (xrf2)  }
0x2ce: {  	[tilespmem:s3+$0x184F0] =	vst v5;
	v50 =	vld [tilespmem:s10+$0x164C0];
	v58 =	vmul.f32 v6, v58;
	v5 =	vbroadcast v8, $0xF  }
0x2cf: {  	v48 =	vld [tilespmem:s10+$0x144D0];
	v8 =	vmul.f32 v6, v46;
	[tilespmem:s3+$0x19480] =	vst v0;
	v0 =	vmul.f32 v1, v60  }
0x2d0: {  	v46 =	vld [tilespmem:s10+$0x164D0];
	v60 =	vmul.f32 v6, v57;
	[tilespmem:s3+$0x194C0] =	vst v55;
	v55 =	vmul.f32 v44, v43  }
0x2d1: {  	[tilespmem:s3+$0x19490] =	vst v63;
	v63 =	vmul.f32 $9.999999770e-03, v5;
	v0 =	vadd.f32 v0, v2;
	v2 =	vmul.f32 v54, v61  }
0x2d2: {  	[tilespmem:s3+$0x194B0] =	vst v8;
	v61 =	vmul.f32 v6, v56;
	v8 =	vmul.f32 v53, v62  }
0x2d3: {  	[tilespmem:s3+$0x194A0] =	vst v59;
	v62 =	vmul.f32 v3, v18;
	v57 =	vmul.f32 v50, v49  }
0x2d4: {  	v5 =	vmax.f32 v5, v63;
	v0 =	vadd.f32 v2, v0;
	[tilespmem:s3+$0x194F0] =	vst v61;
	v61 =	vmul.f32 v55, v14  }
0x2d5: {  	[tilespmem:s3+$0x194D0] =	vst v58;
	v5 =	vmul.f32 $1.442695020e+00, v5;
	v56 =	vmul.f32 v46, v48;
	v63, _, _ =	vpop (xrf2)  }
0x2d6: {  	[tilespmem:s3+$0x194E0] =	vst v60;
	v2 =	vmul.f32 v57, v19;
	v7 =	vadd.f32 v8, v0;
	v58 =	vbroadcast v63, $0xF  }
0x2d7: {  	[tilespmem:s31+$0x0] =	vst v4;
	v0 =	vmul.f32 v1, v13;
	(erf) = vpow2.f32 v5  }
0x2d8: {  	s11 =	simm.s32 $0x600;
	v15 =	vmovc v16;
	[tilespmem:s26+$0x0] =	vst v6;
	v59 =	vmul.f32 v56, v12;
	v63 =	vadd.f32 v2, v7;
	v60 =	vmul.f32 $9.999999770e-03, v58  }
.LBB2_11:
0x2d9: {  	v0 =	vadd.f32 v0, v62;
	v1 =	vmul.f32 v54, v17;
	v5 =	vld [tilespmem:$0x1FF50];
	_ =	sdelay $0x1  }
0x2da: {  	s3 =	sshra.s32 s11, $0x2;
	v4 =	vmul.f32 v53, v15;
	v0 =	vadd.f32 v1, v0  }
0x2db: {  	v2 =	vadd.f32 v59, v63;
	v3 =	vld [tilespmem:s3+$0x144F0]  }
0x2dc: {  	v8 =	vmul.f32 v57, v10;
	v7 =	vld [tilespmem:s3+$0x164F0];
	v0 =	vadd.f32 v4, v0  }
0x2dd: {  	v6 =	vmax.f32 v58, v60;
	v63 =	vld [tilespmem:s3+$0x144B0];
	v1 =	vadd.f32 v61, v2;
	v5 =	vmul.f32 v51, v5  }
0x2de: {  	v2 =	vmul.f32 $1.442695020e+00, v6;
	v0 =	vadd.f32 v8, v0;
	v8 =	vld [tilespmem:$0x1FF60]  }
0x2df: {  	v57 =	vld [tilespmem:s3+$0x164B0];
	v1 =	vadd.f32 v5, v1  }
0x2e0: {  	(erf) = vpow2.f32 v2;
	v2 =	vld [tilespmem:s3+$0x144A0];
	v4 =	vpop (erf)  }
0x2e1: {  	v5 =	vld [tilespmem:s3+$0x164A0];
	(xrf2) =	vadd.scan.msk.f32 $0xffff, v1;
	v1 =	vmul.f32 v4, v32  }
0x2e2: {  	v58 =	vmul.f32 v4, v33;
	v32 =	vmov v41;
	v41 =	vld [tilespmem:s3+$0x14480]  }
0x2e3: {  	v33 =	vmov v42;
	v42 =	vld [tilespmem:s3+$0x14490];
	v8 =	vmul.f32 v56, v8;
	[tilespmem:s30+$0x18480] =	vst v1;
	v1 =	vmul.f32 v4, v31  }
0x2e4: {  	v56 =	vmul.f32 v4, v25;
	v59 =	vld [tilespmem:s3+$0x16480];
	[tilespmem:s30+$0x18490] =	vst v58  }
0x2e5: {  	v0 =	vadd.f32 v8, v0;
	v8 =	vmul.f32 v55, v11;
	v6 =	vld [tilespmem:s3+$0x16490];
	[tilespmem:s30+$0x184A0] =	vst v1;
	v1 =	vmul.f32 v4, v37  }
0x2e6: {  	[tilespmem:s30+$0x184B0] =	vst v56  }
0x2e7: {  	v12 =	vmul.f32 v4, v52;
	v0 =	vadd.f32 v8, v0;
	v8 =	vmul.f32 v51, v9;
	[tilespmem:s30+$0x184C0] =	vst v1  }
0x2e8: {  	v31 =	vmov v40;
	v40 =	vmov v2;
	v2 =	vld [tilespmem:s3+$0x144E0]  }
0x2e9: {  	v1 =	vmul.f32 v4, v47;
	[tilespmem:s30+$0x184D0] =	vst v12;
	v12 =	vld [tilespmem:$0x1FF10];
	v0 =	vadd.f32 v8, v0  }
0x2ea: {  	v52 =	vpop (erf);
	v8 =	vmul.f32 v4, v22  }
0x2eb: {  	v37 =	vmovc v49;
	v51 =	vmul.f32 v7, v3;
	v60 =	vld [tilespmem:s3+$0x164E0];
	[tilespmem:s30+$0x184E0] =	vst v1;
	(xrf2) =	vadd.scan.msk.f32 $0xffff, v0;
	v0 =	vmul.f32 v52, v28  }
0x2ec: {  	v22 =	vmovc v30;
	v61 =	vmul.f32 v59, v41;
	v30 =	vmov v3;
	v3 =	vmul.f32 v52, v36;
	v49 =	vld [tilespmem:s3+$0x144C0];
	[tilespmem:s30+$0x184F0] =	vst v8  }
0x2ed: {  	v8 =	vld [tilespmem:s3+$0x164C0];
	[tilespmem:s30+$0x19480] =	vst v0;
	v0 =	vmul.f32 v52, v23  }
0x2ee: {  	v55 =	vmul.f32 v61, v12;
	v12 =	vmov v11;
	v11 =	vmov v9;
	v9 =	vld [tilespmem:s3+$0x144D0];
	[tilespmem:s30+$0x19490] =	vst v3  }
0x2ef: {  	v54 =	vmul.f32 v5, v40;
	v23 =	vmovc v35;
	v35 =	vmov v5;
	v5 =	vld [tilespmem:s3+$0x164D0];
	[tilespmem:s30+$0x194A0] =	vst v0;
	v0 =	vmul.f32 v52, v29  }
0x2f0: {  	v28 =	vmov v38;
	v38 =	vmov v59;
	v59 =	vld [tilespmem:$0x1FF20]  }
0x2f1: {  	[tilespmem:s30+$0x194C0] =	vst v0;
	v0 =	vmul.f32 v52, v27  }
0x2f2: {  	v3 =	vmul.f32 v52, v21  }
0x2f3: {  	v1 =	vmul.f32 v6, v42;
	[tilespmem:s30+$0x194E0] =	vst v0;
	v0 =	vld [tilespmem:$0x1FFA0]  }
0x2f4: {  	v25 =	vmov v34;
	v34 =	vmov v63;
	[tilespmem:s30+$0x194B0] =	vst v3;
	v3 =	vmul.f32 v52, v45  }
0x2f5: {  	v53 =	vmul.f32 v57, v34;
	v62 =	vmul.f32 v1, v59;
	v59 =	vld [tilespmem:$0x1FF30]  }
0x2f6: {  	v21 =	vmovc v26;
	v26 =	vmov v57;
	v57 =	vmul.f32 v8, v49;
	[tilespmem:s30+$0x194D0] =	vst v3;
	v3 =	vmul.f32 v52, v20  }
0x2f7: {  	v58, _, _ =	vpop (xrf2);
	v20 =	vld [tilespmem:$0x1FF40]  }
0x2f8: {  	[tilespmem:s30+$0x194F0] =	vst v3;
	v3 =	vmul.f32 v57, v0;
	v0, _, _ =	vpop (xrf2)  }
0x2f9: {  	v56 =	vbroadcast v58, $0xF;
	v58 =	vbroadcast v0, $0xF;
	v0 =	vld [tilespmem:$0x1FFB0]  }
0x2fa: {  	v47 =	vmovc v43;
	v43 =	vmov v2;
	v2 =	vadd.f32 v62, v55;
	v45 =	vmul.f32 v54, v59;
	_ =	sdelay $0x1  }
0x2fb: {  	v2 =	vadd.f32 v45, v2;
	v62 =	vmul.f32 v53, v20;
	_ =	sdelay $0x1  }
0x2fc: {  	v2 =	vadd.f32 v62, v2;
	v62 =	vmul.f32 v61, v0;
	v0 =	vld [tilespmem:$0x1FF70]  }
0x2fd: {  	v63 =	vmul.f32 $9.999999770e-03, v56;
	_ =	sdelay $0x1  }
0x2fe: {  	v36 =	vmov v39;
	v39 =	vmov v6;
	v6 =	vmax.f32 v56, v63;
	v63 =	vld [tilespmem:$0x1FF90];
	_ =	sdelay $0x1  }
0x2ff: {  	p1 =	sne.s32 s11, $0x3E00;
	v0 =	vmul.f32 v1, v0;
	v1 =	vld [tilespmem:$0x1FF80]  }
.Ltmp4:
0x300: {  	s31 =	sadd.s32 $0x10, s31;
	v6 =	vmul.f32 $1.442695020e+00, v6;
	v56 =	vmul.f32 v5, v9;
	(pc) =	sbr.rel @p1 .LBB2_11-.Ltmp4, $4  }
0x301: {  	s26 =	sadd.s32 $0x10, s26;
	v29 =	vmov v50;
	v27 =	vmov v44;
	v55 =	vmul.f32 v60, v43;
	[tilespmem:s31+$0x0] =	vst v4  }
0x302: {  	v44 =	vmovc v60;
	v50 =	vmovc v8;
	(erf) = vpow2.f32 v6;
	v59 =	vmul.f32 v56, v63;
	[tilespmem:s26+$0x0] =	vst v52;
	v52 =	vmov v48  }
0x303: {  	v48 =	vmovc v9;
	v9 =	vmovc v11;
	v11 =	vmov v12;
	v20 =	vmov v24;
	v24 =	vmov v7  }
0x304: {  	s11 =	sadd.s32 $0x200, s11;
	s30 =	smov.u32 s10;
	s10 =	smov.u32 s3;
	v45 =	vmovc v46;
	v46 =	vmovc v5;
	v63 =	vadd.f32 v3, v2;
	v60 =	vmul.f32 $9.999999770e-03, v58;
	v61 =	vmul.f32 v55, v1  }
0x305: {  	v14 =	vld [tilespmem:$0x1FF50]  }
0x306: {  	v0 =	vadd.f32 v0, v62;
	v1 =	vmul.f32 v54, v17  }
0x307: {  	v54 =	vld [tilespmem:$0x1FF60];
	v2 =	vadd.f32 v59, v63  }
0x308: {  	v3 =	vmul.f32 v53, v15;
	v0 =	vadd.f32 v1, v0  }
0x309: {  	v1 =	vadd.f32 v61, v2  }
0x30a: {  	v2 =	vmul.f32 v57, v10;
	v0 =	vadd.f32 v3, v0;
	v4 =	vmul.f32 v51, v14;
	_ =	sdelay $0x1  }
0x30b: {  	v0 =	vadd.f32 v2, v0;
	v2 =	vmul.f32 v56, v54;
	v1 =	vadd.f32 v4, v1;
	_ =	sdelay $0x1  }
0x30c: {  	v0 =	vadd.f32 v2, v0;
	(xrf2) =	vadd.scan.msk.f32 $0xffff, v1;
	v1 =	vmul.f32 v55, v11;
	_ =	sdelay $0x1  }
0x30d: {  	v0 =	vadd.f32 v1, v0;
	v1 =	vmul.f32 v51, v9;
	_ =	sdelay $0x1  }
0x30e: {  	v0 =	vadd.f32 v1, v0;
	_ =	sdelay $0x1  }
0x30f: {  	v2 =	vmax.f32 v58, v60  }
0x310: {  	v2 =	vmul.f32 $1.442695020e+00, v2  }
0x311: {  	(xrf2) =	vadd.scan.msk.f32 $0xffff, v0;
	v0 =	vpop (erf)  }
0x312: {  	(erf) = vpow2.f32 v2;
	v1 =	vmul.f32 v0, v32;
	_ =	sdelay $0x1  }
0x313: {  	[tilespmem:s30+$0x18480] =	vst v1;
	v1 =	vmul.f32 v0, v31  }
0x314: {  	v3 =	vmul.f32 v0, v33;
	v2, _, _ =	vpop (xrf2)  }
0x315: {  	v2 =	vbroadcast v2, $0xF;
	[tilespmem:s30+$0x184A0] =	vst v1;
	v1 =	vmul.f32 v0, v37  }
0x316: {  	[tilespmem:s30+$0x18490] =	vst v3;
	v3 =	vmul.f32 v0, v25  }
0x317: {  	v63 =	vmul.f32 $9.999999770e-03, v2;
	[tilespmem:s30+$0x184C0] =	vst v1;
	v1 =	vmul.f32 v0, v47  }
0x318: {  	[tilespmem:s30+$0x184B0] =	vst v3;
	v3 =	vmul.f32 v0, v52  }
0x319: {  	v2 =	vmax.f32 v2, v63  }
0x31a: {  	v32 =	vpop (erf);
	[tilespmem:s30+$0x184D0] =	vst v3;
	v2 =	vmul.f32 $1.442695020e+00, v2  }
0x31b: {  	v5 =	vmul.f32 v32, v28;
	v3 =	vmul.f32 v0, v22;
	[tilespmem:s30+$0x184E0] =	vst v1;
	v1, _, _ =	vpop (xrf2)  }
0x31c: {  	(erf) = vpow2.f32 v2;
	v1 =	vbroadcast v1, $0xF  }
0x31d: {  	[tilespmem:s30+$0x19480] =	vst v5;
	v2 =	vmul.f32 v32, v36  }
0x31e: {  	[tilespmem:s30+$0x184F0] =	vst v3;
	v3 =	vmul.f32 v32, v23;
	v33 =	vmul.f32 $9.999999770e-03, v1  }
0x31f: {  	[tilespmem:s30+$0x19490] =	vst v2;
	v2 =	vmul.f32 v32, v21  }
0x320: {  	[tilespmem:s30+$0x194A0] =	vst v3;
	v3 =	vmul.f32 v32, v29;
	v1 =	vmax.f32 v1, v33  }
0x321: {  	[tilespmem:s30+$0x194B0] =	vst v2;
	v2 =	vmul.f32 v32, v45;
	v1 =	vmul.f32 $1.442695020e+00, v1  }
0x322: {  	[tilespmem:s30+$0x194C0] =	vst v3;
	v3 =	vmul.f32 v32, v27  }
0x323: {  	[tilespmem:s30+$0x194D0] =	vst v2;
	v2 =	vmul.f32 v32, v20  }
0x324: {  	[tilespmem:s30+$0x194E0] =	vst v3;
	(erf) = vpow2.f32 v1  }
0x325: {  	s3 =	sadd.s32 $0x10, s31;
	[tilespmem:s30+$0x194F0] =	vst v2;
	v1 =	vpop (erf)  }
0x326: {  	s11 =	sadd.s32 $0x10, s26;
	[tilespmem:s3+$0x0] =	vst v0;
	v0 =	vmul.f32 v1, v41  }
0x327: {  	[tilespmem:s11+$0x0] =	vst v32;
	v2 =	vmul.f32 v1, v42  }
0x328: {  	[tilespmem:s10+$0x18480] =	vst v0;
	v0 =	vmul.f32 v1, v40  }
0x329: {  	[tilespmem:s10+$0x18490] =	vst v2;
	v2 =	vmul.f32 v1, v34  }
0x32a: {  	[tilespmem:s10+$0x184A0] =	vst v0;
	v0 =	vmul.f32 v1, v49  }
0x32b: {  	[tilespmem:s10+$0x184B0] =	vst v2;
	v2 =	vmul.f32 v1, v48  }
0x32c: {  	[tilespmem:s10+$0x184C0] =	vst v0;
	v0 =	vmul.f32 v1, v43  }
0x32d: {  	[tilespmem:s10+$0x184D0] =	vst v2;
	v2 =	vmul.f32 v1, v30;
	v3 =	vpop (erf)  }
0x32e: {  	v36 =	vmul.f32 v3, v38;
	[tilespmem:s10+$0x184E0] =	vst v0  }
0x32f: {  	v0 =	vmul.f32 v3, v39;
	[tilespmem:s10+$0x184F0] =	vst v2  }
0x330: {  	v2 =	vmul.f32 v3, v35;
	[tilespmem:s10+$0x19480] =	vst v36  }
0x331: {  	[tilespmem:s10+$0x19490] =	vst v0;
	v0 =	vmul.f32 v3, v26  }
0x332: {  	[tilespmem:s10+$0x194A0] =	vst v2;
	v2 =	vmul.f32 v3, v50  }
0x333: {  	[tilespmem:s10+$0x194B0] =	vst v0;
	v0 =	vmul.f32 v3, v46  }
0x334: {  	[tilespmem:s10+$0x194C0] =	vst v2;
	v2 =	vmul.f32 v3, v44  }
0x335: {  	[tilespmem:s10+$0x194D0] =	vst v0;
	v0 =	vmul.f32 v3, v24  }
0x336: {  	[tilespmem:s10+$0x194E0] =	vst v2  }
0x337: {  	s3 =	sadd.s32 $0x10, s3;
	[tilespmem:s10+$0x194F0] =	vst v0  }
0x338: {  	s10 =	sadd.s32 $0x10, s11;
	[tilespmem:s3+$0x0] =	vst v1  }
0x339: {  	[tilespmem:s10+$0x0] =	vst v3  }
0x33a: {  	v3 =	vld [tilespmem:$0x1FFE0];
	_ =	sdelay $0x4  }
0x33b: {  	v0 =	vld [tilespmem:$0x14380]  }
0x33c: {  	v1 =	vld [tilespmem:$0x143A0]  }
0x33d: {  	s31 =	simm.s32 $0x1C480  }
0x33e: {  	s26 =	simm.s32 $0x1C680;
	v2 =	vld.idx.msk [tilespmem:v3+s31+$0x0], $0xffff  }
0x33f: {  	v3 =	vld.idx.msk [tilespmem:v3+s26+$0x0], $0xffff;
	_ =	sdelay $0x3  }
0x340: {  	[tilespmem:v0+s24+$0x0] =	vst.idx.add.f32.msk $0xffff, v2  }
0x341: {  	[tilespmem:v1+s24+$0x0] =	vst.idx.add.f32.msk $0xffff, v3  }
0x342: {  	v3 =	vld [tilespmem:$0x1FFF0];
	_ =	sdelay $0x4  }
0x343: {  	v0 =	vld [tilespmem:$0x14390]  }
0x344: {  	v1 =	vld [tilespmem:$0x143B0];
	_ =	sdelay $0x1  }
0x345: {  	v2 =	vld.idx.msk [tilespmem:v3+s31+$0x0], $0xffff  }
0x346: {  	v3 =	vld.idx.msk [tilespmem:v3+s26+$0x0], $0xffff;
	_ =	sdelay $0x3  }
0x347: {  	[tilespmem:v0+s24+$0x0] =	vst.idx.add.f32.msk $0xffff, v2  }
0x348: {  	[tilespmem:v1+s24+$0x0] =	vst.idx.add.f32.msk $0xffff, v3  }
0x349: {  	_ =	swait.ge [sflag:s14], $0x2000  }
0x34a: {  	[sflag:s14] =	ssyncset.done $0x0;
	s10 =	rddreg [dreg:$0x19]  }
0x34b: {  	s11 =	simm.s32 $0x18480;
	[sflag:s14] =	ssyncadd.s32 $0xFFFFE000;
	s3 =	sadd.s32 s17, s10  }
0x34c: {  	[spmem:s5] =	stream.indirect.scatter.add.f32 [tilespmem:s11], [sflag:$0x9], $0x80, s25, s0, $0xb8;
	[tilespmem:$0x1F600] =	vst v63  }
0x34d: {  	s3 =	sshrl.u32 s3, $0x3  }
0x34e: {  	s3 =	sadd.s32 s1, s3  }
0x34f: {  	s11 =	simm.s32 $0x0;
	s10 =	sadd.s32 $0x9C80, s3  }
0x350: {  	[tilespmem:s2], [sflag:$0x1] =	stream.linear.gather [hbm4b:s10+s11], $0x20, $0x38;
	[tilespmem:$0x1F600] =	vst v63  }
0x351: {  	s10 =	simm.s32 $0x142A0  }
0x352: {  	[tilespmem:s10], [sflag:$0x1] =	stream.linear.gather [hbm4b:s3+s11], $0x20, $0x38;
	[tilespmem:$0x1F600] =	vst v63  }
0x353: {  	_ =	swait.ge [sflag:s6], $0x20  }
0x354: {  	[sflag:s6] =	ssyncset.done $0x0  }
0x355: {  	[sflag:s6] =	ssyncadd.s32 $0xFFFFFFE0  }
0x356: {  	_ =	swait.ge [sflag:s6], $0x20  }
0x357: {  	[sflag:s6] =	ssyncset.done $0x0  }
0x358: {  	s11 =	simm.s32 $0x16480;
	[sflag:s6] =	ssyncadd.s32 $0xFFFFFFE0  }
0x359: {  	[tilespmem:s11], [sflag:$0x7] =	stream.indirect.gather [hbm4b:s8+s4], $0x80, s2, s4, $0xb8;
	[tilespmem:$0x1F600] =	vst v63  }
0x35a: {  	s11 =	simm.s32 $0x14480  }
0x35b: {  	[tilespmem:s11], [sflag:$0x5] =	stream.indirect.gather [hbm4b:s8+s4], $0x80, s10, s4, $0xb8;
	[tilespmem:$0x1F600] =	vst v63  }
0x35c: {  	_ =	swait.ge [sflag:s20], $0x1000  }
0x35d: {  	[sflag:s20] =	ssyncset.done $0x0  }
0x35e: {  	[sflag:s20] =	ssyncadd.s32 $0xFFFFF000  }
0x35f: {  	_ =	swait.ge [sflag:s21], $0x1000  }
0x360: {  	v46 =	vld [tilespmem:$0x1FF10]  }
0x361: {  	v55 =	vld [tilespmem:$0x1FF20]  }
0x362: {  	[sflag:s21] =	ssyncset.done $0x0;
	v56 =	vld [tilespmem:$0x1FF30]  }
0x363: {  	s3 =	simm.s32 $0x0;
	v59 =	vld [tilespmem:$0x1FF40];
	[sflag:s21] =	ssyncadd.s32 $0xFFFFF000  }
0x364: {  	v38 =	vld [tilespmem:s3+$0x154A0]  }
0x365: {  	v0 =	vld [tilespmem:s3+$0x15480]  }
0x366: {  	v7 =	vld [tilespmem:s3+$0x174B0]  }
0x367: {  	v1 =	vld [tilespmem:s3+$0x15490]  }
0x368: {  	v49 =	vld [tilespmem:s3+$0x17480]  }
0x369: {  	v50 =	vld [tilespmem:s3+$0x17490]  }
0x36a: {  	v48 =	vld [tilespmem:s3+$0x174A0]  }
0x36b: {  	v39 =	vld [tilespmem:s3+$0x154B0];
	[tilespmem:$0x1FED0] =	vst v7  }
0x36c: {  	v8 =	vld [tilespmem:s3+$0x174C0]  }
0x36d: {  	v60 =	vld [tilespmem:$0x1FFA0]  }
0x36e: {  	v62 =	vld [tilespmem:$0x1FF90]  }
0x36f: {  	v63 =	vld [tilespmem:$0x1FFB0]  }
0x370: {  	v61 =	vld [tilespmem:$0x1FF70]  }
0x371: {  	v43 =	vld [tilespmem:s3+$0x154C0];
	[tilespmem:$0x1FEE0] =	vst v8  }
0x372: {  	v2 =	vmul.f32 v49, v0;
	v3 =	vmul.f32 v50, v1;
	v53 =	vld [tilespmem:s3+$0x154D0]  }
0x373: {  	v37 =	vmul.f32 v48, v38;
	v13 =	vld [tilespmem:s3+$0x154F0]  }
0x374: {  	v41 =	vmul.f32 v2, v46;
	v6 =	vmul.f32 v3, v55;
	v18 =	vld [tilespmem:s3+$0x174F0]  }
0x375: {  	v58 =	vld [tilespmem:s3+$0x174D0]  }
0x376: {  	v7 =	vmul.f32 v7, v39;
	v45 =	vmul.f32 v37, v56;
	v5 =	vadd.f32 v6, v41;
	v44 =	vld [tilespmem:s3+$0x154E0]  }
0x377: {  	v57 =	vld [tilespmem:s3+$0x174E0]  }
0x378: {  	v47 =	vmul.f32 v7, v59;
	v8 =	vmul.f32 v8, v43;
	v5 =	vadd.f32 v45, v5  }
0x379: {  	v16 =	vmov v10;
	[tilespmem:$0x1FEF0] =	vst v18;
	v52 =	vmul.f32 v18, v13;
	v18 =	vld [tilespmem:$0x1FF80]  }
0x37a: {  	v10 =	vmovc v9;
	v5 =	vadd.f32 v47, v5;
	v51 =	vmul.f32 v8, v60;
	v9 =	vmul.f32 v58, v53  }
0x37b: {  	v2 =	vmul.f32 v2, v63;
	v3 =	vmul.f32 v3, v61  }
0x37c: {  	v5 =	vadd.f32 v51, v5;
	v23 =	vmul.f32 v57, v44;
	v20 =	vmul.f32 v9, v62  }
0x37d: {  	v2 =	vadd.f32 v3, v2;
	v3 =	vmul.f32 v37, v17  }
0x37e: {  	v35 =	vadd.f32 v20, v5;
	v21 =	vmul.f32 v23, v18  }
0x37f: {  	v36 =	vmul.f32 v7, v15;
	v2 =	vadd.f32 v3, v2  }
0x380: {  	v37 =	vmul.f32 v52, v14;
	v3 =	vadd.f32 v21, v35  }
0x381: {  	v40 =	vmul.f32 v8, v16;
	v2 =	vadd.f32 v36, v2  }
0x382: {  	v3 =	vadd.f32 v37, v3  }
0x383: {  	s30 =	simm.s32 $0x80;
	v2 =	vadd.f32 v40, v2;
	v42 =	vmul.f32 v9, v54  }
0x384: {  	v31 =	vld [tilespmem:s30+$0x154A0];
	(xrf2) =	vadd.scan.msk.f32 $0xffff, v3  }
0x385: {  	v32 =	vld [tilespmem:s30+$0x15480];
	v2 =	vadd.f32 v42, v2;
	v3 =	vmul.f32 v23, v11  }
0x386: {  	v33 =	vld [tilespmem:s30+$0x15490]  }
0x387: {  	v36 =	vld [tilespmem:s30+$0x17490];
	v2 =	vadd.f32 v3, v2;
	v3 =	vmul.f32 v52, v10  }
0x388: {  	v28 =	vld [tilespmem:s30+$0x17480]  }
0x389: {  	v23 =	vld [tilespmem:s30+$0x174A0];
	v2 =	vadd.f32 v3, v2  }
0x38a: {  	v25 =	vld [tilespmem:s30+$0x154B0]  }
0x38b: {  	v21 =	vld [tilespmem:s30+$0x174B0];
	(xrf2) =	vadd.scan.msk.f32 $0xffff, v2  }
0x38c: {  	v29 =	vld [tilespmem:s30+$0x174C0];
	v3 =	vmul.f32 v36, v33  }
0x38d: {  	v37 =	vld [tilespmem:s30+$0x154C0];
	v2 =	vmul.f32 v28, v32  }
0x38e: {  	v5 =	vmul.f32 v23, v31;
	v35 =	vmul.f32 v3, v55;
	v45, _, _ =	vpop (xrf2)  }
0x38f: {  	v52 =	vld [tilespmem:s30+$0x154D0];
	v34 =	vmul.f32 v2, v46;
	v4 =	vbroadcast v45, $0xF  }
0x390: {  	v9 =	vmul.f32 v21, v25;
	v45 =	vld [tilespmem:s30+$0x174D0]  }
0x391: {  	v47 =	vld [tilespmem:s30+$0x154E0];
	v40 =	vmul.f32 v5, v56;
	v6 =	vadd.f32 v35, v34;
	v8 =	vmul.f32 $9.999999770e-03, v4  }
0x392: {  	v27 =	vld [tilespmem:s30+$0x174E0];
	v26 =	vmul.f32 v29, v37;
	v42 =	vmul.f32 v9, v59  }
0x393: {  	v22 =	vld [tilespmem:s30+$0x154F0];
	v3 =	vmul.f32 v3, v61;
	v6 =	vadd.f32 v40, v6;
	v4 =	vmax.f32 v4, v8  }
0x394: {  	v20 =	vld [tilespmem:s30+$0x174F0];
	v2 =	vmul.f32 v2, v63;
	v4 =	vmul.f32 $1.442695020e+00, v4  }
0x395: {  	v34 =	vmul.f32 v26, v60;
	v6 =	vadd.f32 v42, v6;
	v8 =	vmul.f32 v45, v52;
	v35, _, _ =	vpop (xrf2)  }
0x396: {  	(erf) = vpow2.f32 v4;
	v4 =	vbroadcast v35, $0xF  }
0x397: {  	v41 =	vmovc v54;
	v54 =	vmul.f32 v27, v47;
	v6 =	vadd.f32 v34, v6;
	v24 =	vmul.f32 v8, v62  }
0x398: {  	v2 =	vadd.f32 v3, v2;
	v3 =	vmul.f32 v5, v17;
	v34 =	vmul.f32 $9.999999770e-03, v4  }
0x399: {  	v7 =	vmul.f32 v54, v18;
	v51 =	vmul.f32 v20, v22;
	v40 =	vadd.f32 v24, v6  }
0x39a: {  	v2 =	vadd.f32 v3, v2;
	v42 =	vmul.f32 v9, v15;
	v4 =	vmax.f32 v4, v34  }
0x39b: {  	v9 =	vmul.f32 v51, v14;
	v3 =	vadd.f32 v7, v40;
	v4 =	vmul.f32 $1.442695020e+00, v4;
	_ =	sdelay $0x1  }
0x39c: {  	v3 =	vadd.f32 v9, v3;
	_ =	sdelay $0x1  }
0x39d: {  	v5 =	vmul.f32 v26, v16;
	v2 =	vadd.f32 v42, v2;
	(erf) = vpow2.f32 v4;
	(xrf2) =	vadd.scan.msk.f32 $0xffff, v3;
	v4 =	vpop (erf)  }
0x39e: {  	v0 =	vmul.f32 v4, v0  }
0x39f: {  	v2 =	vadd.f32 v5, v2;
	v5 =	vmul.f32 v8, v41;
	v1 =	vmul.f32 v4, v1  }
0x3a0: {  	v3 =	vmul.f32 v54, v11;
	v54 =	vmul.f32 v4, v38;
	[tilespmem:s3+$0x1A480] =	vst v0  }
0x3a1: {  	s10 =	simm.s32 $0x100;
	v2 =	vadd.f32 v5, v2;
	v6 =	vmul.f32 v4, v39;
	[tilespmem:s3+$0x1A490] =	vst v1  }
0x3a2: {  	v42 =	vld [tilespmem:s10+$0x15490];
	v5 =	vmul.f32 v4, v13;
	[tilespmem:s3+$0x1A4A0] =	vst v54  }
0x3a3: {  	v35 =	vld [tilespmem:s10+$0x174A0];
	v0 =	vadd.f32 v3, v2;
	v2 =	vmul.f32 v51, v10;
	v3 =	vmul.f32 v4, v43;
	[tilespmem:s3+$0x1A4B0] =	vst v6  }
0x3a4: {  	v14 =	vmov v16;
	v16 =	vmov v41;
	v41 =	vld [tilespmem:s10+$0x15480];
	v1 =	vmul.f32 v4, v53;
	[tilespmem:s3+$0x1A4F0] =	vst v5  }
0x3a5: {  	v40 =	vld [tilespmem:s10+$0x154A0];
	v0 =	vadd.f32 v2, v0;
	v2 =	vmul.f32 v4, v44;
	[tilespmem:s3+$0x1A4C0] =	vst v3  }
0x3a6: {  	v38 =	vld [tilespmem:s10+$0x17480];
	[tilespmem:s3+$0x1A4D0] =	vst v1  }
0x3a7: {  	v39 =	vld [tilespmem:s10+$0x17490];
	[tilespmem:s3+$0x1A4E0] =	vst v2;
	v8, _, _ =	vpop (xrf2)  }
0x3a8: {  	v5 =	vbroadcast v8, $0xF;
	v8 =	vld [tilespmem:$0x1FED0]  }
0x3a9: {  	v6 =	vpop (erf)  }
0x3aa: {  	(xrf2) =	vadd.scan.msk.f32 $0xffff, v0;
	v0 =	vmul.f32 v6, v49  }
0x3ab: {  	v3 =	vmul.f32 v38, v41;
	v7 =	vmul.f32 v6, v50  }
0x3ac: {  	v1 =	vmul.f32 v39, v42;
	v9 =	vmul.f32 v6, v48;
	[tilespmem:s3+$0x1B480] =	vst v0  }
0x3ad: {  	v15 =	vmovc v11;
	v11 =	vmov v10;
	v54 =	vmul.f32 v35, v40;
	v10 =	vld [tilespmem:$0x1FEE0];
	[tilespmem:s3+$0x1B490] =	vst v7;
	v8 =	vmul.f32 v6, v8  }
0x3ae: {  	v30 =	vld [tilespmem:s10+$0x154F0];
	v2 =	vmul.f32 v3, v46;
	v0 =	vmul.f32 v1, v55;
	[tilespmem:s3+$0x1B4A0] =	vst v9  }
0x3af: {  	v26 =	vld [tilespmem:s10+$0x174B0];
	[tilespmem:s3+$0x1B4B0] =	vst v8  }
0x3b0: {  	v17 =	vmov v56;
	v0 =	vadd.f32 v0, v2;
	v2 =	vmul.f32 v54, v56;
	v56 =	vld [tilespmem:$0x1FEF0]  }
0x3b1: {  	v34 =	vld [tilespmem:s10+$0x154B0]  }
0x3b2: {  	v24 =	vld [tilespmem:s10+$0x174F0];
	v13 =	vmov v55;
	v55 =	vmul.f32 v6, v10  }
0x3b3: {  	v49 =	vld [tilespmem:s10+$0x154C0];
	v58 =	vmul.f32 v6, v58;
	v7 =	vmul.f32 $9.999999770e-03, v5  }
0x3b4: {  	v50 =	vld [tilespmem:s10+$0x174C0];
	v9 =	vmul.f32 v6, v57;
	[tilespmem:s3+$0x1B4C0] =	vst v55  }
0x3b5: {  	v43 =	vld [tilespmem:s10+$0x154E0];
	v5 =	vmax.f32 v5, v7;
	[tilespmem:s3+$0x1B4D0] =	vst v58;
	v7 =	vmul.f32 v6, v56  }
0x3b6: {  	v53 =	vmul.f32 v26, v34;
	v48 =	vld [tilespmem:s10+$0x154D0];
	[tilespmem:s3+$0x1B4E0] =	vst v9  }
0x3b7: {  	v19 =	vmov v46;
	v46 =	vld [tilespmem:s10+$0x174D0];
	[tilespmem:s3+$0x1B4F0] =	vst v7  }
0x3b8: {  	v44 =	vld [tilespmem:s10+$0x174E0];
	v0 =	vadd.f32 v2, v0;
	v8 =	vmul.f32 v53, v59;
	[tilespmem:s31+$0x0] =	vst v4  }
0x3b9: {  	v57 =	vmul.f32 v50, v49;
	[tilespmem:s26+$0x0] =	vst v6  }
0x3ba: {  	v51 =	vmul.f32 v24, v30;
	v7 =	vadd.f32 v8, v0;
	v0 =	vmul.f32 v1, v61;
	v1 =	vld [tilespmem:$0x1FF80]  }
0x3bb: {  	v5 =	vmul.f32 $1.442695020e+00, v5;
	v2 =	vmul.f32 v57, v60;
	v60, _, _ =	vpop (xrf2)  }
0x3bc: {  	v58 =	vbroadcast v60, $0xF;
	v56 =	vmul.f32 v46, v48  }
0x3bd: {  	(erf) = vpow2.f32 v5;
	v55 =	vmul.f32 v44, v43  }
0x3be: {  	v18 =	vmov v59;
	v60 =	vmul.f32 $9.999999770e-03, v58;
	v59 =	vmul.f32 v56, v62  }
0x3bf: {  	s11 =	simm.s32 $0x600;
	v62 =	vmul.f32 v3, v63;
	v63 =	vadd.f32 v2, v7;
	v61 =	vmul.f32 v55, v1  }
.LBB2_13:
0x3c0: {  	v1 =	vld [tilespmem:$0x1FFC0]  }
0x3c1: {  	v4 =	vld [tilespmem:$0x1FFD0]  }
0x3c2: {  	v5 =	vld [tilespmem:$0x1FF50];
	_ =	sdelay $0x3  }
0x3c3: {  	s3 =	sshra.s32 s11, $0x2;
	v0 =	vadd.f32 v0, v62;
	v2 =	vadd.f32 v59, v63;
	v1 =	vmul.f32 v54, v1  }
0x3c4: {  	v3 =	vld [tilespmem:s3+$0x154F0];
	v6 =	vmax.f32 v58, v60;
	v4 =	vmul.f32 v53, v4;
	v5 =	vmul.f32 v51, v5  }
0x3c5: {  	v7 =	vld [tilespmem:s3+$0x174F0];
	v0 =	vadd.f32 v1, v0;
	v1 =	vadd.f32 v61, v2;
	v2 =	vmul.f32 $1.442695020e+00, v6  }
0x3c6: {  	v8 =	vmul.f32 v57, v14;
	v63 =	vld [tilespmem:s3+$0x154B0]  }
0x3c7: {  	v9 =	vld [tilespmem:s3+$0x174B0];
	v0 =	vadd.f32 v4, v0;
	v1 =	vadd.f32 v5, v1;
	(erf) = vpow2.f32 v2  }
0x3c8: {  	v2 =	vld [tilespmem:s3+$0x154A0];
	v4 =	vpop (erf)  }
0x3c9: {  	v5 =	vld [tilespmem:s3+$0x174A0];
	v0 =	vadd.f32 v8, v0;
	v8 =	vmul.f32 v56, v16;
	(xrf2) =	vadd.scan.msk.f32 $0xffff, v1;
	v1 =	vmul.f32 v4, v32  }
0x3ca: {  	v58 =	vmul.f32 v4, v33;
	v33 =	vmov v42;
	v42 =	vld [tilespmem:s3+$0x15490];
	v32 =	vmov v41  }
0x3cb: {  	v41 =	vld [tilespmem:s3+$0x15480];
	v0 =	vadd.f32 v8, v0;
	v8 =	vmul.f32 v55, v15;
	[tilespmem:s30+$0x1A480] =	vst v1;
	v1 =	vmul.f32 v4, v31  }
0x3cc: {  	v61 =	vmul.f32 v4, v25;
	v59 =	vld [tilespmem:s3+$0x17480];
	[tilespmem:s30+$0x1A490] =	vst v58  }
0x3cd: {  	v6 =	vld [tilespmem:s3+$0x17490];
	v0 =	vadd.f32 v8, v0;
	v8 =	vmul.f32 v51, v11;
	[tilespmem:s30+$0x1A4A0] =	vst v1;
	v1 =	vmul.f32 v4, v37  }
0x3ce: {  	v10 =	vmul.f32 v4, v52;
	[tilespmem:s30+$0x1A4B0] =	vst v61  }
0x3cf: {  	v0 =	vadd.f32 v8, v0;
	[tilespmem:s30+$0x1A4C0] =	vst v1;
	v1 =	vmul.f32 v4, v47  }
0x3d0: {  	v31 =	vmov v40;
	v40 =	vmov v2;
	v8 =	vmul.f32 v4, v22;
	v2 =	vld [tilespmem:s3+$0x154E0];
	[tilespmem:s30+$0x1A4D0] =	vst v10;
	v52 =	vpop (erf)  }
0x3d1: {  	v51 =	vmul.f32 v7, v3;
	v60 =	vld [tilespmem:s3+$0x174E0];
	(xrf2) =	vadd.scan.msk.f32 $0xffff, v0;
	v0 =	vmul.f32 v52, v28;
	[tilespmem:s30+$0x1A4E0] =	vst v1  }
0x3d2: {  	v37 =	vmovc v49;
	v22 =	vmov v30;
	v30 =	vmov v3;
	v3 =	vmul.f32 v52, v36;
	v49 =	vld [tilespmem:s3+$0x154C0];
	[tilespmem:s30+$0x1A4F0] =	vst v8  }
0x3d3: {  	v8 =	vld [tilespmem:s3+$0x174C0];
	[tilespmem:s30+$0x1B480] =	vst v0;
	v0 =	vmul.f32 v52, v23  }
0x3d4: {  	v10 =	vld [tilespmem:s3+$0x154D0];
	[tilespmem:s30+$0x1B490] =	vst v3  }
0x3d5: {  	v54 =	vmul.f32 v5, v40;
	v23 =	vmovc v35;
	v35 =	vmov v5;
	v5 =	vld [tilespmem:s3+$0x174D0];
	[tilespmem:s30+$0x1B4A0] =	vst v0;
	v0 =	vmul.f32 v52, v29;
	_ =	sdelay $0x1  }
0x3d6: {  	[tilespmem:s30+$0x1B4C0] =	vst v0;
	v0 =	vmul.f32 v52, v27  }
0x3d7: {  	v3 =	vmul.f32 v52, v21  }
0x3d8: {  	[tilespmem:s30+$0x1B4E0] =	vst v0;
	v0 =	vld [tilespmem:$0x1FFA0]  }
0x3d9: {  	[tilespmem:s30+$0x1B4B0] =	vst v3;
	v3 =	vmul.f32 v52, v45;
	_ =	sdelay $0x1  }
0x3da: {  	v57 =	vmul.f32 v8, v49;
	[tilespmem:s30+$0x1B4D0] =	vst v3;
	v3 =	vmul.f32 v52, v20  }
0x3db: {  	v62, _, _ =	vpop (xrf2)  }
0x3dc: {  	[tilespmem:s30+$0x1B4F0] =	vst v3;
	v3 =	vmul.f32 v57, v0;
	v0, _, _ =	vpop (xrf2)  }
0x3dd: {  	v58 =	vbroadcast v0, $0xF;
	v0 =	vld [tilespmem:$0x1FFB0]  }
0x3de: {  	v25 =	vmov v34;
	v34 =	vmov v63;
	v63 =	vbroadcast v62, $0xF;
	_ =	sdelay $0x1  }
0x3df: {  	v61 =	vmul.f32 v59, v41;
	v62 =	vmul.f32 $9.999999770e-03, v63  }
0x3e0: {  	v36 =	vmov v39  }
0x3e1: {  	v1 =	vmul.f32 v6, v42;
	v39 =	vmovc v6;
	v6 =	vmax.f32 v63, v62;
	v62 =	vmul.f32 v61, v0;
	v0 =	vld [tilespmem:$0x1FF70]  }
0x3e2: {  	v53 =	vmul.f32 v9, v34  }
0x3e3: {  	v55 =	vmul.f32 v61, v19;
	v21 =	vmovc v26;
	v26 =	vmov v9;
	v9 =	vmul.f32 v1, v13;
	_ =	sdelay $0x1  }
0x3e4: {  	v47 =	vmovc v43;
	v43 =	vmov v2;
	v2 =	vadd.f32 v9, v55;
	v9 =	vmul.f32 v54, v17;
	v63 =	vld [tilespmem:$0x1FF90]  }
0x3e5: {  	p1 =	sne.s32 s11, $0x3E00;
	v0 =	vmul.f32 v1, v0;
	v1 =	vld [tilespmem:$0x1FF80]  }
.Ltmp5:
0x3e6: {  	v55 =	vmul.f32 v60, v43;
	v2 =	vadd.f32 v9, v2;
	v9 =	vmul.f32 v53, v18;
	(pc) =	sbr.rel @p1 .LBB2_13-.Ltmp5, $4  }
0x3e7: {  	s31 =	sadd.s32 $0x10, s31;
	v28 =	vmovc v38;
	v38 =	vmovc v59;
	v29 =	vmov v50;
	v6 =	vmul.f32 $1.442695020e+00, v6;
	v56 =	vmul.f32 v5, v10  }
0x3e8: {  	s26 =	sadd.s32 $0x10, s26;
	v45 =	vmovc v46;
	v27 =	vmovc v44;
	v44 =	vmov v60;
	v20 =	vmov v24;
	v2 =	vadd.f32 v9, v2;
	[tilespmem:s31+$0x0] =	vst v4  }
0x3e9: {  	v24 =	vmovc v7;
	v50 =	vmovc v8;
	v46 =	vmov v5;
	(erf) = vpow2.f32 v6;
	[tilespmem:s26+$0x0] =	vst v52;
	v59 =	vmul.f32 v56, v63  }
0x3ea: {  	s11 =	sadd.s32 $0x200, s11;
	s30 =	smov.u32 s10;
	s10 =	smov.u32 s3;
	v52 =	vmovc v48;
	v48 =	vmovc v10;
	v63 =	vadd.f32 v3, v2;
	v60 =	vmul.f32 $9.999999770e-03, v58;
	v61 =	vmul.f32 v55, v1  }
0x3eb: {  	v1 =	vld [tilespmem:$0x1FFC0];
	_ =	sdelay $0x1  }
0x3ec: {  	v3 =	vld [tilespmem:$0x1FFD0]  }
0x3ed: {  	v4 =	vld [tilespmem:$0x1FF50];
	_ =	sdelay $0x1  }
0x3ee: {  	v0 =	vadd.f32 v0, v62;
	v62 =	vmov v1;
	v1 =	vmul.f32 v54, v1  }
0x3ef: {  	v2 =	vadd.f32 v59, v63  }
0x3f0: {  	v63 =	vmov v3;
	v3 =	vmul.f32 v53, v3;
	v0 =	vadd.f32 v1, v0  }
0x3f1: {  	v5 =	vadd.f32 v61, v2;
	v53 =	vmov v4;
	v4 =	vmul.f32 v51, v4  }
0x3f2: {  	v6 =	vmul.f32 v57, v14;
	v0 =	vadd.f32 v3, v0  }
0x3f3: {  	v1 =	vadd.f32 v4, v5  }
0x3f4: {  	v7 =	vmul.f32 v56, v16;
	v0 =	vadd.f32 v6, v0  }
0x3f5: {  	(xrf2) =	vadd.scan.msk.f32 $0xffff, v1  }
0x3f6: {  	v56 =	vmul.f32 v55, v15;
	v0 =	vadd.f32 v7, v0;
	_ =	sdelay $0x1  }
0x3f7: {  	v57 =	vmul.f32 v51, v11;
	v0 =	vadd.f32 v56, v0;
	_ =	sdelay $0x1  }
0x3f8: {  	v59 =	vmax.f32 v58, v60;
	v0 =	vadd.f32 v57, v0  }
0x3f9: {  	v2 =	vmul.f32 $1.442695020e+00, v59;
	_ =	sdelay $0x1  }
0x3fa: {  	(erf) = vpow2.f32 v2;
	(xrf2) =	vadd.scan.msk.f32 $0xffff, v0  }
0x3fb: {  	v0 =	vpop (erf)  }
0x3fc: {  	v6, _, _ =	vpop (xrf2);
	v60 =	vmul.f32 v0, v32  }
0x3fd: {  	v2 =	vbroadcast v6, $0xF;
	v7 =	vmul.f32 v0, v33  }
0x3fe: {  	v31 =	vmul.f32 v0, v31;
	[tilespmem:s30+$0x1A480] =	vst v60  }
0x3ff: {  	v32 =	vmul.f32 v0, v25;
	v33 =	vmul.f32 $9.999999770e-03, v2;
	[tilespmem:s30+$0x1A490] =	vst v7  }
0x400: {  	v51 =	vmul.f32 v0, v37;
	[tilespmem:s30+$0x1A4A0] =	vst v31  }
0x401: {  	v52 =	vmul.f32 v0, v52;
	[tilespmem:s30+$0x1A4B0] =	vst v32;
	v2 =	vmax.f32 v2, v33  }
0x402: {  	v55 =	vmul.f32 v0, v47;
	[tilespmem:s30+$0x1A4C0] =	vst v51;
	v2 =	vmul.f32 $1.442695020e+00, v2  }
0x403: {  	v56 =	vmul.f32 v0, v22;
	v57 =	vpop (erf);
	[tilespmem:s30+$0x1A4D0] =	vst v52  }
0x404: {  	v5 =	vmul.f32 v57, v28;
	[tilespmem:s30+$0x1A4E0] =	vst v55;
	(erf) = vpow2.f32 v2;
	v58, _, _ =	vpop (xrf2)  }
0x405: {  	v59 =	vmul.f32 v57, v36;
	[tilespmem:s30+$0x1A4F0] =	vst v56;
	v1 =	vbroadcast v58, $0xF  }
0x406: {  	v22 =	vmul.f32 v57, v21;
	v25 =	vmul.f32 v57, v29;
	[tilespmem:s30+$0x1B480] =	vst v5  }
0x407: {  	v60 =	vmul.f32 v57, v23;
	[tilespmem:s30+$0x1B490] =	vst v59;
	v23 =	vmul.f32 $9.999999770e-03, v1  }
0x408: {  	v28 =	vmul.f32 v57, v45;
	[tilespmem:s30+$0x1B4B0] =	vst v22  }
0x409: {  	v29 =	vmul.f32 v57, v27;
	[tilespmem:s30+$0x1B4C0] =	vst v25;
	v1 =	vmax.f32 v1, v23  }
0x40a: {  	[tilespmem:s30+$0x1B4D0] =	vst v28;
	v1 =	vmul.f32 $1.442695020e+00, v1  }
0x40b: {  	v31 =	vmul.f32 v57, v20;
	[tilespmem:s30+$0x1B4E0] =	vst v29  }
0x40c: {  	[tilespmem:s30+$0x1B4A0] =	vst v60;
	(erf) = vpow2.f32 v1  }
0x40d: {  	s3 =	sadd.s32 $0x10, s31;
	[tilespmem:s30+$0x1B4F0] =	vst v31;
	v32 =	vpop (erf)  }
0x40e: {  	s11 =	sadd.s32 $0x10, s26;
	[tilespmem:s3+$0x0] =	vst v0;
	v33 =	vmul.f32 v32, v41  }
0x40f: {  	[tilespmem:s11+$0x0] =	vst v57;
	v36 =	vmul.f32 v32, v42  }
0x410: {  	v37 =	vmul.f32 v32, v40;
	[tilespmem:s10+$0x1A480] =	vst v33  }
0x411: {  	v40 =	vmul.f32 v32, v34;
	[tilespmem:s10+$0x1A490] =	vst v36  }
0x412: {  	v41 =	vmul.f32 v32, v49;
	[tilespmem:s10+$0x1A4A0] =	vst v37  }
0x413: {  	v42 =	vmul.f32 v32, v48;
	[tilespmem:s10+$0x1A4B0] =	vst v40  }
0x414: {  	v45 =	vmul.f32 v32, v43;
	[tilespmem:s10+$0x1A4C0] =	vst v41  }
0x415: {  	v47 =	vmul.f32 v32, v30;
	[tilespmem:s10+$0x1A4D0] =	vst v42;
	v48 =	vpop (erf)  }
0x416: {  	[tilespmem:s10+$0x1A4E0] =	vst v45;
	v49 =	vmul.f32 v48, v38  }
0x417: {  	[tilespmem:s10+$0x1A4F0] =	vst v47;
	v51 =	vmul.f32 v48, v39  }
0x418: {  	v52 =	vmul.f32 v48, v35;
	[tilespmem:s10+$0x1B480] =	vst v49  }
0x419: {  	v55 =	vmul.f32 v48, v26;
	[tilespmem:s10+$0x1B490] =	vst v51  }
0x41a: {  	v56 =	vmul.f32 v48, v50;
	[tilespmem:s10+$0x1B4A0] =	vst v52  }
0x41b: {  	v57 =	vmul.f32 v48, v46;
	[tilespmem:s10+$0x1B4B0] =	vst v55  }
0x41c: {  	v58 =	vmul.f32 v48, v44;
	[tilespmem:s10+$0x1B4C0] =	vst v56  }
0x41d: {  	v59 =	vmul.f32 v48, v24;
	[tilespmem:s10+$0x1B4D0] =	vst v57  }
0x41e: {  	[tilespmem:s10+$0x1B4E0] =	vst v58  }
0x41f: {  	s3 =	sadd.s32 $0x10, s3;
	[tilespmem:s10+$0x1B4F0] =	vst v59  }
0x420: {  	s30 =	sadd.s32 $0x10, s11;
	[tilespmem:s3+$0x0] =	vst v32  }
0x421: {  	[tilespmem:s30+$0x0] =	vst v48  }
0x422: {  	v3 =	vld [tilespmem:$0x1FFE0];
	_ =	sdelay $0x4  }
0x423: {  	v0 =	vld [tilespmem:$0x14400]  }
0x424: {  	v1 =	vld [tilespmem:$0x14420];
	_ =	sdelay $0x1  }
0x425: {  	v2 =	vld.idx.msk [tilespmem:v3+s22+$0x0], $0xffff  }
0x426: {  	v3 =	vld.idx.msk [tilespmem:v3+s23+$0x0], $0xffff  }
0x427: {  	v60 =	vld [tilespmem:$0x1FFF0];
	_ =	sdelay $0x2  }
0x428: {  	[tilespmem:v0+s24+$0x0] =	vst.idx.add.f32.msk $0xffff, v2  }
0x429: {  	[tilespmem:v1+s24+$0x0] =	vst.idx.add.f32.msk $0xffff, v3  }
0x42a: {  	v0 =	vld [tilespmem:$0x14410]  }
0x42b: {  	v1 =	vld [tilespmem:$0x14430];
	_ =	sdelay $0x1  }
0x42c: {  	v2 =	vld.idx.msk [tilespmem:v60+s22+$0x0], $0xffff  }
0x42d: {  	v3 =	vld.idx.msk [tilespmem:v60+s23+$0x0], $0xffff;
	_ =	sdelay $0x3  }
0x42e: {  	p1 =	seq.s32 s16, $0x4D;
	[tilespmem:v0+s24+$0x0] =	vst.idx.add.f32.msk $0xffff, v2  }
.Ltmp6:
0x42f: {  	[tilespmem:v1+s24+$0x0] =	vst.idx.add.f32.msk $0xffff, v3;
	(pc) =	sbr.rel @p1 .LBB2_16-.Ltmp6, $4  }
0x430: {  	_ =	swait.ge [sflag:s9], $0x2000  }
0x431: {  	[sflag:s9] =	ssyncset.done $0x0  }
0x432: {  	s31 =	simm.s32 $0x1A480;
	[sflag:s9] =	ssyncadd.s32 $0xFFFFE000  }
0x433: {  	v9 =	vmov v11;
	v61 =	vmov v14;
	v54 =	vmov v16;
	[spmem:s5] =	stream.indirect.scatter.add.f32 [tilespmem:s31], [sflag:$0xA], $0x80, s7, s0, $0xb8;
	[tilespmem:$0x1F600] =	vst v63  }
0x434: {  	s3 =	rddreg [dreg:$0x1a]  }
0x435: {  	s3 =	sadd.s32 s17, s3  }
0x436: {  	s3 =	sshrl.u32 s3, $0x3  }
.Ltmp7:
0x437: {  	v19 =	vld [tilespmem:$0x1FFA0];
	s3 =	sadd.s32 s1, s3;
	(pc) =	sbr.rel .LBB2_6-.Ltmp7, $4  }
0x438: {  	s11 =	simm.s32 $0x0;
	v11 =	vmov v12;
	v12 =	vld [tilespmem:$0x1FF90];
	s10 =	sadd.s32 $0x9C80, s3  }
0x439: {  	v14 =	vld [tilespmem:$0x1FF80];
	[tilespmem:s13], [sflag:$0x2] =	stream.linear.gather [hbm4b:s10+s11], $0x20, $0x38  }
0x43a: {  	s16 =	sadd.s32 $0x1, s16;
	v18 =	vld [tilespmem:$0x1FFB0];
	s17 =	simm.s32 $0x14320  }
0x43b: {  	v15 =	vmovc v54;
	v10 =	vmov v61;
	v16 =	vmov v63;
	v17 =	vmov v62;
	v13 =	vld [tilespmem:$0x1FF70];
	[tilespmem:s17], [sflag:$0x2] =	stream.linear.gather [hbm4b:s3+s11], $0x20, $0x38  }
.LBB2_16:
0x43c: {  	_ =	swait.ge [sflag:s18], $0x1000  }
0x43d: {  	[sflag:s18] =	ssyncset.done $0x0  }
0x43e: {  	[sflag:s18] =	ssyncadd.s32 $0xFFFFF000  }
0x43f: {  	_ =	swait.ge [sflag:s19], $0x1000  }
0x440: {  	v60 =	vld [tilespmem:$0x1FFA0]  }
0x441: {  	[sflag:s19] =	ssyncset.done $0x0;
	v59 =	vld [tilespmem:$0x1FF90]  }
0x442: {  	s26 =	simm.s32 $0x0;
	v14 =	vld [tilespmem:$0x1FF70];
	[sflag:s19] =	ssyncadd.s32 $0xFFFFF000  }
0x443: {  	v38 =	vld [tilespmem:s26+$0x144A0]  }
0x444: {  	v0 =	vld [tilespmem:s26+$0x14480]  }
0x445: {  	v1 =	vld [tilespmem:s26+$0x14490]  }
0x446: {  	v49 =	vld [tilespmem:s26+$0x16480]  }
0x447: {  	v6 =	vmov v13;
	v13 =	vld [tilespmem:s26+$0x164C0]  }
0x448: {  	v50 =	vld [tilespmem:s26+$0x16490]  }
0x449: {  	v48 =	vld [tilespmem:s26+$0x164A0]  }
0x44a: {  	v39 =	vld [tilespmem:s26+$0x144B0]  }
0x44b: {  	v10 =	vmov v19;
	v19 =	vld [tilespmem:s26+$0x164B0]  }
0x44c: {  	v11 =	vld [tilespmem:s26+$0x144C0];
	[tilespmem:$0x1FEB0] =	vst v13  }
0x44d: {  	v15 =	vld [tilespmem:s26+$0x144D0]  }
0x44e: {  	v8 =	vmov v17;
	v2 =	vmul.f32 v49, v0;
	v3 =	vmul.f32 v50, v1;
	v17 =	vld [tilespmem:s26+$0x164D0]  }
0x44f: {  	v4 =	vmul.f32 v48, v38;
	v16 =	vld [tilespmem:s26+$0x144F0]  }
0x450: {  	v7 =	vmovc v18;
	v46 =	vmov v10;
	v18 =	vld [tilespmem:s26+$0x164F0];
	v5 =	vmul.f32 v2, v10;
	v10 =	vmul.f32 v3, v6  }
0x451: {  	v22 =	vmul.f32 v19, v39;
	v44 =	vld [tilespmem:s26+$0x144E0]  }
0x452: {  	v56 =	vmovc v8;
	v5 =	vadd.f32 v10, v5;
	v10 =	vmul.f32 v4, v8;
	v8 =	vmul.f32 v13, v11;
	v13 =	vld [tilespmem:$0x1FFB0]  }
0x453: {  	v57 =	vld [tilespmem:s26+$0x164E0]  }
0x454: {  	v58 =	vmov v7;
	v7 =	vmul.f32 v22, v7;
	v5 =	vadd.f32 v10, v5  }
0x455: {  	[tilespmem:$0x1FEC0] =	vst v18;
	v23 =	vmul.f32 v18, v16;
	v18 =	vld [tilespmem:$0x1FF80]  }
0x456: {  	v43 =	vmovc v9;
	v9 =	vmul.f32 v17, v15;
	v41 =	vmul.f32 v8, v60;
	v5 =	vadd.f32 v7, v5  }
0x457: {  	v3 =	vmul.f32 v3, v14;
	v2 =	vmul.f32 v2, v13  }
0x458: {  	v10 =	vmul.f32 v57, v44;
	v20 =	vmul.f32 v9, v59;
	v5 =	vadd.f32 v41, v5  }
0x459: {  	v2 =	vadd.f32 v3, v2;
	v3 =	vmul.f32 v4, v62  }
0x45a: {  	v21 =	vmul.f32 v10, v18;
	v42 =	vadd.f32 v20, v5  }
0x45b: {  	v45 =	vmul.f32 v22, v63;
	v2 =	vadd.f32 v3, v2  }
0x45c: {  	v47 =	vmul.f32 v23, v53;
	v3 =	vadd.f32 v21, v42  }
0x45d: {  	v51 =	vmul.f32 v8, v61;
	v2 =	vadd.f32 v45, v2  }
0x45e: {  	s16 =	simm.s32 $0x80;
	v3 =	vadd.f32 v47, v3  }
0x45f: {  	v25 =	vld [tilespmem:s16+$0x144B0];
	v52 =	vmul.f32 v9, v54;
	v2 =	vadd.f32 v51, v2  }
0x460: {  	v31 =	vld [tilespmem:s16+$0x144A0];
	(xrf2) =	vadd.scan.msk.f32 $0xffff, v3  }
0x461: {  	v32 =	vld [tilespmem:s16+$0x14480];
	v3 =	vmul.f32 v10, v12;
	v2 =	vadd.f32 v52, v2  }
0x462: {  	v33 =	vld [tilespmem:s16+$0x14490]  }
0x463: {  	v28 =	vld [tilespmem:s16+$0x16480];
	v2 =	vadd.f32 v3, v2;
	v3 =	vmul.f32 v23, v43  }
0x464: {  	v36 =	vld [tilespmem:s16+$0x16490]  }
0x465: {  	v27 =	vld [tilespmem:s16+$0x164E0];
	v2 =	vadd.f32 v3, v2  }
0x466: {  	v37 =	vld [tilespmem:s16+$0x144C0]  }
0x467: {  	v23 =	vld [tilespmem:s16+$0x164A0];
	(xrf2) =	vadd.scan.msk.f32 $0xffff, v2  }
0x468: {  	v21 =	vld [tilespmem:s16+$0x164B0]  }
0x469: {  	v29 =	vld [tilespmem:s16+$0x164C0];
	v3 =	vmul.f32 v36, v33  }
0x46a: {  	v55 =	vmov v6;
	v45 =	vld [tilespmem:s16+$0x164D0];
	v2 =	vmul.f32 v28, v32;
	v34, _, _ =	vpop (xrf2)  }
0x46b: {  	v47 =	vld [tilespmem:s16+$0x144E0];
	v40 =	vmul.f32 v3, v55;
	v4 =	vbroadcast v34, $0xF  }
0x46c: {  	v52 =	vld [tilespmem:s16+$0x144D0];
	v5 =	vmul.f32 v23, v31;
	v35 =	vmul.f32 v2, v46  }
0x46d: {  	v9 =	vmul.f32 v21, v25;
	v8 =	vmul.f32 $9.999999770e-03, v4  }
0x46e: {  	v41 =	vmul.f32 v5, v56;
	v6 =	vadd.f32 v40, v35  }
0x46f: {  	v22 =	vld [tilespmem:s16+$0x144F0];
	v26 =	vmul.f32 v29, v37;
	v42 =	vmul.f32 v9, v58;
	v4 =	vmax.f32 v4, v8  }
0x470: {  	v20 =	vld [tilespmem:s16+$0x164F0];
	v51 =	vmul.f32 v27, v47;
	v6 =	vadd.f32 v41, v6;
	v4 =	vmul.f32 $1.442695020e+00, v4  }
0x471: {  	v34 =	vmul.f32 v26, v60;
	v8 =	vmul.f32 v45, v52;
	v35, _, _ =	vpop (xrf2)  }
0x472: {  	v6 =	vadd.f32 v42, v6;
	(erf) = vpow2.f32 v4;
	v4 =	vbroadcast v35, $0xF  }
0x473: {  	v3 =	vmul.f32 v3, v14;
	v2 =	vmul.f32 v2, v13  }
0x474: {  	v24 =	vmul.f32 v8, v59;
	v6 =	vadd.f32 v34, v6;
	v34 =	vmul.f32 $9.999999770e-03, v4  }
0x475: {  	s17 =	simm.s32 $0x100;
	v10 =	vmul.f32 v20, v22;
	v2 =	vadd.f32 v3, v2;
	v3 =	vmul.f32 v5, v62  }
0x476: {  	v30 =	vld [tilespmem:s17+$0x144F0];
	v40 =	vmul.f32 v51, v18;
	v41 =	vadd.f32 v24, v6;
	v4 =	vmax.f32 v4, v34  }
0x477: {  	v2 =	vadd.f32 v3, v2;
	v24 =	vld [tilespmem:s17+$0x164F0];
	v4 =	vmul.f32 $1.442695020e+00, v4  }
0x478: {  	v42 =	vmul.f32 v9, v63;
	v9 =	vmul.f32 v10, v53;
	v3 =	vadd.f32 v40, v41;
	v34 =	vld [tilespmem:s17+$0x144B0];
	[tilespmem:$0x1FE80] =	vst v61  }
0x479: {  	v53 =	vmul.f32 v26, v61;
	v26 =	vld [tilespmem:s17+$0x164B0]  }
0x47a: {  	v3 =	vadd.f32 v9, v3;
	v40 =	vld [tilespmem:s17+$0x144A0]  }
0x47b: {  	v2 =	vadd.f32 v42, v2;
	v35 =	vld [tilespmem:s17+$0x164A0];
	(erf) = vpow2.f32 v4;
	v4 =	vpop (erf)  }
0x47c: {  	v41 =	vld [tilespmem:s17+$0x14480];
	(xrf2) =	vadd.scan.msk.f32 $0xffff, v3;
	v0 =	vmul.f32 v4, v0  }
0x47d: {  	v54 =	vmul.f32 v8, v54;
	v2 =	vadd.f32 v53, v2;
	v42 =	vld [tilespmem:s17+$0x14490];
	[tilespmem:$0x1FE90] =	vst v12  }
0x47e: {  	v1 =	vmul.f32 v4, v1;
	v61 =	vmul.f32 v4, v38;
	v38 =	vld [tilespmem:s17+$0x16480];
	[tilespmem:s26+$0x18480] =	vst v0  }
0x47f: {  	v2 =	vadd.f32 v54, v2;
	v3 =	vmul.f32 v51, v12;
	v62 =	vmul.f32 v4, v39;
	v39 =	vld [tilespmem:s17+$0x16490];
	[tilespmem:$0x1FEA0] =	vst v43  }
0x480: {  	[tilespmem:s26+$0x18490] =	vst v1  }
0x481: {  	v0 =	vadd.f32 v3, v2;
	v2 =	vmul.f32 v10, v43;
	v3 =	vmul.f32 v4, v11;
	[tilespmem:s26+$0x184A0] =	vst v61  }
0x482: {  	v63 =	vmul.f32 v4, v16;
	[tilespmem:s26+$0x184B0] =	vst v62  }
0x483: {  	v1 =	vmul.f32 v4, v15;
	v0 =	vadd.f32 v2, v0;
	[tilespmem:s26+$0x184C0] =	vst v3  }
0x484: {  	v2 =	vmul.f32 v4, v44;
	[tilespmem:s26+$0x184F0] =	vst v63;
	v6 =	vpop (erf)  }
0x485: {  	(xrf2) =	vadd.scan.msk.f32 $0xffff, v0;
	[tilespmem:s26+$0x184D0] =	vst v1;
	v0 =	vmul.f32 v6, v49  }
0x486: {  	[tilespmem:s26+$0x184E0] =	vst v2;
	v61 =	vmul.f32 v6, v50;
	v8, _, _ =	vpop (xrf2)  }
0x487: {  	v9 =	vmul.f32 v6, v48;
	v62 =	vbroadcast v8, $0xF;
	[tilespmem:s26+$0x19480] =	vst v0  }
0x488: {  	v8 =	vmul.f32 v6, v19;
	v10 =	vld [tilespmem:$0x1FEB0];
	[tilespmem:s26+$0x19490] =	vst v61  }
0x489: {  	v63 =	vmul.f32 $9.999999770e-03, v62;
	[tilespmem:s26+$0x194A0] =	vst v9  }
0x48a: {  	[tilespmem:s26+$0x194B0] =	vst v8  }
0x48b: {  	v3 =	vmul.f32 v38, v41;
	v5 =	vmax.f32 v62, v63;
	v62 =	vld [tilespmem:$0x1FEC0]  }
0x48c: {  	v54 =	vmul.f32 v35, v40;
	v1 =	vmul.f32 v39, v42  }
0x48d: {  	v2 =	vmul.f32 v3, v46;
	v61 =	vmul.f32 v6, v17  }
0x48e: {  	v0 =	vmul.f32 v1, v55;
	v9 =	vmul.f32 v6, v57  }
0x48f: {  	v53 =	vmul.f32 v26, v34;
	[tilespmem:s26+$0x194D0] =	vst v61;
	v10 =	vmul.f32 v6, v10  }
0x490: {  	v43 =	vld [tilespmem:s17+$0x144E0];
	v0 =	vadd.f32 v0, v2;
	v2 =	vmul.f32 v54, v56;
	[tilespmem:s26+$0x194E0] =	vst v9;
	v7 =	vmul.f32 v6, v62  }
0x491: {  	v44 =	vld [tilespmem:s17+$0x164E0];
	[tilespmem:s26+$0x194C0] =	vst v10  }
0x492: {  	s10 =	simm.s32 $0x1C480;
	v49 =	vld [tilespmem:s17+$0x144C0];
	v8 =	vmul.f32 v53, v58;
	v0 =	vadd.f32 v2, v0;
	[tilespmem:s26+$0x194F0] =	vst v7  }
0x493: {  	v50 =	vld [tilespmem:s17+$0x164C0];
	[tilespmem:s10+$0x0] =	vst v4  }
0x494: {  	v7 =	vadd.f32 v8, v0;
	v0 =	vld [tilespmem:$0x1FF70]  }
0x495: {  	v48 =	vld [tilespmem:s17+$0x144D0]  }
0x496: {  	v11 =	vmov v46;
	v46 =	vld [tilespmem:s17+$0x164D0]  }
0x497: {  	s26 =	simm.s32 $0x1C680  }
0x498: {  	v51 =	vmul.f32 v24, v30;
	[tilespmem:s26+$0x0] =	vst v6  }
0x499: {  	v14 =	vmovc v13;
	v62 =	vmul.f32 v3, v13;
	v13 =	vmov v0;
	v0 =	vmul.f32 v1, v0;
	v1 =	vld [tilespmem:$0x1FF80]  }
0x49a: {  	v15 =	vmov v55;
	v55 =	vmul.f32 v44, v43;
	v57 =	vmul.f32 v50, v49  }
0x49b: {  	v18 =	vmov v56;
	v56 =	vmul.f32 v46, v48;
	v5 =	vmul.f32 $1.442695020e+00, v5;
	v63, _, _ =	vpop (xrf2)  }
0x49c: {  	v17 =	vmov v58;
	v2 =	vmul.f32 v57, v60;
	v58 =	vbroadcast v63, $0xF  }
0x49d: {  	v19 =	vmov v59;
	v59 =	vmul.f32 v56, v59;
	(erf) = vpow2.f32 v5  }
0x49e: {  	s11 =	simm.s32 $0x600;
	v16 =	vmovc v60;
	v60 =	vmul.f32 $9.999999770e-03, v58;
	v63 =	vadd.f32 v2, v7;
	s30 =	rddreg [dreg:$0x1b];
	v12 =	vmovc v1;
	v61 =	vmul.f32 v55, v1  }
.LBB2_17:
0x49f: {  	v1 =	vld [tilespmem:$0x1FFC0];
	_ =	sdelay $0x1  }
0x4a0: {  	v4 =	vld [tilespmem:$0x1FFD0];
	_ =	sdelay $0x1  }
0x4a1: {  	v8 =	vld [tilespmem:$0x1FE80]  }
0x4a2: {  	v0 =	vadd.f32 v0, v62;
	v1 =	vmul.f32 v54, v1;
	_ =	sdelay $0x1  }
0x4a3: {  	v4 =	vmul.f32 v53, v4;
	v0 =	vadd.f32 v1, v0;
	_ =	sdelay $0x1  }
0x4a4: {  	v8 =	vmul.f32 v57, v8;
	v0 =	vadd.f32 v4, v0;
	_ =	sdelay $0x1  }
0x4a5: {  	v0 =	vadd.f32 v8, v0;
	v8 =	vld [tilespmem:$0x1FF60]  }
0x4a6: {  	v5 =	vld [tilespmem:$0x1FF50];
	_ =	sdelay $0x2  }
0x4a7: {  	v2 =	vadd.f32 v59, v63  }
0x4a8: {  	s3 =	sshra.s32 s11, $0x2;
	v8 =	vmul.f32 v56, v8  }
0x4a9: {  	v3 =	vld [tilespmem:s3+$0x144F0];
	v5 =	vmul.f32 v51, v5;
	v1 =	vadd.f32 v61, v2  }
0x4aa: {  	v0 =	vadd.f32 v8, v0;
	v8 =	vld [tilespmem:$0x1FE90]  }
0x4ab: {  	v6 =	vmax.f32 v58, v60;
	v7 =	vld [tilespmem:s3+$0x164F0];
	v1 =	vadd.f32 v5, v1  }
0x4ac: {  	v63 =	vld [tilespmem:s3+$0x144B0];
	v2 =	vmul.f32 $1.442695020e+00, v6  }
0x4ad: {  	v9 =	vld [tilespmem:s3+$0x164B0];
	(xrf2) =	vadd.scan.msk.f32 $0xffff, v1  }
0x4ae: {  	(erf) = vpow2.f32 v2;
	v2 =	vld [tilespmem:s3+$0x144A0]  }
0x4af: {  	v4 =	vpop (erf);
	v5 =	vld [tilespmem:s3+$0x164A0];
	v8 =	vmul.f32 v55, v8  }
0x4b0: {  	v10 =	vmul.f32 v4, v33;
	v33 =	vmov v42;
	v42 =	vld [tilespmem:s3+$0x14490];
	v1 =	vmul.f32 v4, v32  }
0x4b1: {  	v0 =	vadd.f32 v8, v0;
	v8 =	vld [tilespmem:$0x1FEA0]  }
0x4b2: {  	v32 =	vmov v41;
	v41 =	vld [tilespmem:s3+$0x14480];
	[tilespmem:s16+$0x18480] =	vst v1  }
0x4b3: {  	v1 =	vmul.f32 v4, v31;
	v58 =	vld [tilespmem:s3+$0x16480];
	[tilespmem:s16+$0x18490] =	vst v10  }
0x4b4: {  	v10 =	vmul.f32 v4, v25;
	v6 =	vld [tilespmem:s3+$0x16490]  }
0x4b5: {  	v52 =	vmul.f32 v4, v52;
	v25 =	vmovc v34;
	v34 =	vmov v63;
	[tilespmem:s16+$0x184A0] =	vst v1;
	v1 =	vmul.f32 v4, v37  }
0x4b6: {  	v31 =	vmovc v40;
	v40 =	vmov v2;
	v53 =	vmul.f32 v9, v34;
	[tilespmem:s16+$0x184B0] =	vst v10;
	v8 =	vmul.f32 v51, v8  }
0x4b7: {  	v54 =	vmul.f32 v5, v40;
	[tilespmem:s16+$0x184C0] =	vst v1;
	v1 =	vmul.f32 v4, v47;
	v59, _, _ =	vpop (xrf2)  }
0x4b8: {  	v2 =	vld [tilespmem:s3+$0x144E0];
	[tilespmem:s16+$0x184D0] =	vst v52;
	v60 =	vmul.f32 v58, v41;
	v62 =	vbroadcast v59, $0xF;
	v0 =	vadd.f32 v8, v0  }
0x4b9: {  	v10 =	vpop (erf);
	v52 =	vld [tilespmem:s3+$0x164E0];
	[tilespmem:s16+$0x184E0] =	vst v1;
	v1 =	vmul.f32 v6, v42;
	v8 =	vmul.f32 v4, v22  }
0x4ba: {  	v37 =	vmovc v49;
	v63 =	vmul.f32 $9.999999770e-03, v62;
	(xrf2) =	vadd.scan.msk.f32 $0xffff, v0;
	v0 =	vmul.f32 v10, v28  }
0x4bb: {  	v49 =	vld [tilespmem:s3+$0x144C0];
	v51 =	vmul.f32 v7, v3;
	v22 =	vmovc v30;
	v30 =	vmov v3;
	v3 =	vmul.f32 v10, v36;
	[tilespmem:s16+$0x184F0] =	vst v8  }
0x4bc: {  	v55 =	vmul.f32 v60, v11;
	v8 =	vld [tilespmem:s3+$0x164C0];
	[tilespmem:s16+$0x19480] =	vst v0;
	v0 =	vmul.f32 v10, v23  }
0x4bd: {  	v36 =	vmovc v39;
	v39 =	vmov v6;
	v6 =	vmax.f32 v62, v63;
	v62 =	vmul.f32 v60, v14;
	v61 =	vld [tilespmem:s3+$0x144D0];
	[tilespmem:s16+$0x19490] =	vst v3  }
0x4be: {  	v47 =	vmovc v43;
	v6 =	vmul.f32 $1.442695020e+00, v6;
	v23 =	vmovc v35;
	v35 =	vmov v5;
	v5 =	vld [tilespmem:s3+$0x164D0];
	[tilespmem:s16+$0x194A0] =	vst v0;
	v0 =	vmul.f32 v10, v29  }
0x4bf: {  	v43 =	vmovc v2;
	v3 =	vmul.f32 v10, v21;
	v21 =	vmovc v26;
	v26 =	vmov v9;
	v9 =	vmul.f32 v1, v15  }
0x4c0: {  	v28 =	vmovc v38;
	v38 =	vmovc v58;
	(erf) = vpow2.f32 v6;
	v29 =	vmov v50;
	[tilespmem:s16+$0x194C0] =	vst v0;
	v0 =	vmul.f32 v10, v27  }
0x4c1: {  	[tilespmem:s16+$0x194B0] =	vst v3;
	v3 =	vmul.f32 v10, v45;
	v2 =	vadd.f32 v9, v55;
	v9 =	vmul.f32 v54, v18  }
0x4c2: {  	p1 =	sne.s32 s11, $0x3E00;
	v55 =	vmul.f32 v52, v43;
	v45 =	vmovc v46;
	v57 =	vmul.f32 v8, v49;
	v27 =	vmovc v44;
	v44 =	vmov v52  }
.Ltmp8:
0x4c3: {  	[tilespmem:s16+$0x194D0] =	vst v3;
	v3 =	vmul.f32 v10, v20;
	v2 =	vadd.f32 v9, v2;
	v9 =	vmul.f32 v53, v17;
	(pc) =	sbr.rel @p1 .LBB2_17-.Ltmp8, $4  }
0x4c4: {  	v50 =	vmov v8;
	v52 =	vmov v48;
	[tilespmem:s16+$0x194E0] =	vst v0;
	v56 =	vmul.f32 v5, v61;
	v0, _, _ =	vpop (xrf2)  }
0x4c5: {  	s10 =	sadd.s32 $0x10, s10;
	v20 =	vmovc v24;
	[tilespmem:s16+$0x194F0] =	vst v3;
	v2 =	vadd.f32 v9, v2;
	v3 =	vmul.f32 v57, v16;
	v58 =	vbroadcast v0, $0xF  }
0x4c6: {  	s26 =	sadd.s32 $0x10, s26;
	v24 =	vmovc v7;
	v48 =	vmov v61;
	v61 =	vmul.f32 v55, v12;
	[tilespmem:s10+$0x0] =	vst v4;
	v59 =	vmul.f32 v56, v19  }
0x4c7: {  	s11 =	sadd.s32 $0x200, s11;
	s16 =	smov.u32 s17;
	s17 =	smov.u32 s3;
	v46 =	vmovc v5;
	[tilespmem:s26+$0x0] =	vst v10;
	v0 =	vmul.f32 v1, v13;
	v63 =	vadd.f32 v3, v2;
	v60 =	vmul.f32 $9.999999770e-03, v58  }
0x4c8: {  	v1 =	vld [tilespmem:$0x1FFC0];
	_ =	sdelay $0x4  }
0x4c9: {  	v3 =	vld [tilespmem:$0x1FFD0];
	v0 =	vadd.f32 v0, v62;
	v2 =	vadd.f32 v59, v63;
	v1 =	vmul.f32 v54, v1  }
0x4ca: {  	v4 =	vld [tilespmem:$0x1FF50]  }
0x4cb: {  	v0 =	vadd.f32 v1, v0;
	v1 =	vadd.f32 v61, v2;
	v2 =	vld [tilespmem:$0x1FE80];
	_ =	sdelay $0x2  }
0x4cc: {  	v3 =	vmul.f32 v53, v3;
	_ =	sdelay $0x1  }
0x4cd: {  	v4 =	vmul.f32 v51, v4;
	v0 =	vadd.f32 v3, v0;
	v2 =	vmul.f32 v57, v2;
	_ =	sdelay $0x1  }
0x4ce: {  	v1 =	vadd.f32 v4, v1;
	v0 =	vadd.f32 v2, v0;
	v2 =	vld [tilespmem:$0x1FF60];
	_ =	sdelay $0x1  }
0x4cf: {  	(xrf2) =	vadd.scan.msk.f32 $0xffff, v1;
	v1 =	vld [tilespmem:$0x1FE90];
	_ =	sdelay $0x2  }
0x4d0: {  	v2 =	vmul.f32 v56, v2;
	_ =	sdelay $0x1  }
0x4d1: {  	v1 =	vmul.f32 v55, v1;
	v0 =	vadd.f32 v2, v0;
	_ =	sdelay $0x1  }
0x4d2: {  	v0 =	vadd.f32 v1, v0;
	v1 =	vld [tilespmem:$0x1FEA0];
	_ =	sdelay $0x4  }
0x4d3: {  	v1 =	vmul.f32 v51, v1;
	_ =	sdelay $0x1  }
0x4d4: {  	v0 =	vadd.f32 v1, v0  }
0x4d5: {  	v2 =	vmax.f32 v58, v60  }
0x4d6: {  	v2 =	vmul.f32 $1.442695020e+00, v2;
	_ =	sdelay $0x1  }
0x4d7: {  	(erf) = vpow2.f32 v2;
	(xrf2) =	vadd.scan.msk.f32 $0xffff, v0;
	v0 =	vpop (erf)  }
0x4d8: {  	v1 =	vmul.f32 v0, v32;
	_ =	sdelay $0x1  }
0x4d9: {  	v2, _, _ =	vpop (xrf2);
	[tilespmem:s16+$0x18480] =	vst v1;
	v1 =	vmul.f32 v0, v31  }
0x4da: {  	v2 =	vbroadcast v2, $0xF  }
0x4db: {  	[tilespmem:s16+$0x184A0] =	vst v1;
	v1 =	vmul.f32 v0, v37  }
0x4dc: {  	v60 =	vmul.f32 $9.999999770e-03, v2;
	v3 =	vmul.f32 v0, v33  }
0x4dd: {  	[tilespmem:s16+$0x184C0] =	vst v1;
	v1 =	vmul.f32 v0, v47  }
0x4de: {  	v2 =	vmax.f32 v2, v60;
	[tilespmem:s16+$0x18490] =	vst v3;
	v3 =	vmul.f32 v0, v25  }
0x4df: {  	v2 =	vmul.f32 $1.442695020e+00, v2;
	v61 =	vpop (erf)  }
0x4e0: {  	v5 =	vmul.f32 v61, v28;
	[tilespmem:s16+$0x184B0] =	vst v3  }
0x4e1: {  	(erf) = vpow2.f32 v2;
	v3 =	vmul.f32 v0, v52;
	[tilespmem:s16+$0x184E0] =	vst v1;
	v1, _, _ =	vpop (xrf2)  }
0x4e2: {  	v2 =	vmul.f32 v61, v36;
	[tilespmem:s16+$0x19480] =	vst v5;
	v1 =	vbroadcast v1, $0xF  }
0x4e3: {  	[tilespmem:s16+$0x184D0] =	vst v3;
	v3 =	vmul.f32 v0, v22  }
0x4e4: {  	[tilespmem:s16+$0x19490] =	vst v2;
	v2 =	vmul.f32 v61, v21;
	v62 =	vmul.f32 $9.999999770e-03, v1  }
0x4e5: {  	[tilespmem:s16+$0x184F0] =	vst v3;
	v3 =	vmul.f32 v61, v23  }
0x4e6: {  	[tilespmem:s16+$0x194B0] =	vst v2;
	v2 =	vmul.f32 v61, v45;
	v1 =	vmax.f32 v1, v62  }
0x4e7: {  	[tilespmem:s16+$0x194A0] =	vst v3;
	v3 =	vmul.f32 v61, v29;
	v1 =	vmul.f32 $1.442695020e+00, v1  }
0x4e8: {  	[tilespmem:s16+$0x194D0] =	vst v2;
	v2 =	vmul.f32 v61, v20  }
0x4e9: {  	[tilespmem:s16+$0x194C0] =	vst v3;
	v3 =	vmul.f32 v61, v27  }
0x4ea: {  	[tilespmem:s16+$0x194F0] =	vst v2;
	(erf) = vpow2.f32 v1  }
0x4eb: {  	s3 =	sadd.s32 $0x10, s10;
	[tilespmem:s16+$0x194E0] =	vst v3;
	v1 =	vpop (erf)  }
0x4ec: {  	s11 =	sadd.s32 $0x10, s26;
	[tilespmem:s3+$0x0] =	vst v0;
	v0 =	vmul.f32 v1, v41  }
0x4ed: {  	[tilespmem:s11+$0x0] =	vst v61;
	v2 =	vmul.f32 v1, v42  }
0x4ee: {  	[tilespmem:s17+$0x18480] =	vst v0;
	v0 =	vmul.f32 v1, v40  }
0x4ef: {  	[tilespmem:s17+$0x18490] =	vst v2;
	v2 =	vmul.f32 v1, v34  }
0x4f0: {  	[tilespmem:s17+$0x184A0] =	vst v0;
	v0 =	vmul.f32 v1, v49  }
0x4f1: {  	[tilespmem:s17+$0x184B0] =	vst v2;
	v2 =	vmul.f32 v1, v48  }
0x4f2: {  	[tilespmem:s17+$0x184C0] =	vst v0;
	v0 =	vmul.f32 v1, v43  }
0x4f3: {  	[tilespmem:s17+$0x184D0] =	vst v2;
	v2 =	vmul.f32 v1, v30;
	v3 =	vpop (erf)  }
0x4f4: {  	v63 =	vmul.f32 v3, v38;
	[tilespmem:s17+$0x184E0] =	vst v0  }
0x4f5: {  	v0 =	vmul.f32 v3, v39;
	[tilespmem:s17+$0x184F0] =	vst v2  }
0x4f6: {  	v2 =	vmul.f32 v3, v35;
	[tilespmem:s17+$0x19480] =	vst v63  }
0x4f7: {  	[tilespmem:s17+$0x19490] =	vst v0;
	v0 =	vmul.f32 v3, v26  }
0x4f8: {  	[tilespmem:s17+$0x194A0] =	vst v2;
	v2 =	vmul.f32 v3, v50  }
0x4f9: {  	[tilespmem:s17+$0x194B0] =	vst v0;
	v0 =	vmul.f32 v3, v46  }
0x4fa: {  	[tilespmem:s17+$0x194C0] =	vst v2;
	v2 =	vmul.f32 v3, v44  }
0x4fb: {  	[tilespmem:s17+$0x194D0] =	vst v0;
	v0 =	vmul.f32 v3, v24  }
0x4fc: {  	[tilespmem:s17+$0x194E0] =	vst v2  }
0x4fd: {  	s3 =	sadd.s32 $0x10, s3;
	[tilespmem:s17+$0x194F0] =	vst v0  }
0x4fe: {  	s16 =	sadd.s32 $0x10, s11;
	[tilespmem:s3+$0x0] =	vst v1  }
0x4ff: {  	[tilespmem:s16+$0x0] =	vst v3  }
0x500: {  	v3 =	vld [tilespmem:$0x1FFE0];
	_ =	sdelay $0x4  }
0x501: {  	v0 =	vld [tilespmem:$0x14280]  }
0x502: {  	v1 =	vld [tilespmem:$0x142A0];
	_ =	sdelay $0x1  }
0x503: {  	v2 =	vld.idx.msk [tilespmem:v3+s22+$0x0], $0xffff  }
0x504: {  	v3 =	vld.idx.msk [tilespmem:v3+s23+$0x0], $0xffff;
	_ =	sdelay $0x3  }
0x505: {  	[tilespmem:v0+s24+$0x0] =	vst.idx.add.f32.msk $0xffff, v2  }
0x506: {  	[tilespmem:v1+s24+$0x0] =	vst.idx.add.f32.msk $0xffff, v3  }
0x507: {  	v3 =	vld [tilespmem:$0x1FFF0];
	_ =	sdelay $0x4  }
0x508: {  	v0 =	vld [tilespmem:$0x14290]  }
0x509: {  	v1 =	vld [tilespmem:$0x142B0];
	_ =	sdelay $0x1  }
0x50a: {  	v2 =	vld.idx.msk [tilespmem:v3+s22+$0x0], $0xffff  }
0x50b: {  	v3 =	vld.idx.msk [tilespmem:v3+s23+$0x0], $0xffff;
	_ =	sdelay $0x3  }
0x50c: {  	[tilespmem:v0+s24+$0x0] =	vst.idx.add.f32.msk $0xffff, v2  }
0x50d: {  	[tilespmem:v1+s24+$0x0] =	vst.idx.add.f32.msk $0xffff, v3  }
0x50e: {  	_ =	swait.ge [sflag:s14], $0x2000  }
0x50f: {  	[sflag:s14] =	ssyncset.done $0x0  }
0x510: {  	s17 =	simm.s32 $0x18480;
	[sflag:s14] =	ssyncadd.s32 $0xFFFFE000  }
0x511: {  	[spmem:s5] =	stream.indirect.scatter.add.f32 [tilespmem:s17], [sflag:$0x9], $0x80, s2, s0, $0xb8;
	[tilespmem:$0x1F600] =	vst v63  }
0x512: {  	_ =	swait.ge [sflag:s9], $0x2000  }
0x513: {  	[sflag:s9] =	ssyncset.done $0x0  }
0x514: {  	v1 =	vlaneseq.u32;
	[sflag:s9] =	ssyncadd.s32 $0xFFFFE000  }
0x515: {  	v0 =	vor.u32 $0x10, v1;
	[tilespmem:$0x1F480] =	vst v1  }
0x516: {  	[tilespmem:$0x1F490] =	vst v0;
	v0 =	vor.u32 $0x20, v1  }
0x517: {  	[tilespmem:$0x1F4A0] =	vst v0;
	v0 =	vor.u32 $0x30, v1  }
0x518: {  	[tilespmem:$0x1F4B0] =	vst v0;
	v0 =	vor.u32 $0x40, v1  }
0x519: {  	s31 =	simm.s32 $0x50;
	s11 =	simm.s32 $0x1F480;
	s26 =	rddreg [dreg:$0x5];
	[tilespmem:$0x1F4C0] =	vst v0  }
0x51a: {  	[spmem:s26] =	stream.indirect.scatter.add.f32 [tilespmem:s24], [sflag:$0xB], $0x80, s11, s31, $0xb8;
	[tilespmem:$0x1F600] =	vst v63  }
0x51b: {  	s26 =	simm.s32 $0xB  }
0x51c: {  	_ =	swait.ge [sflag:s26], $0x2800  }
0x51d: {  	[sflag:s26] =	ssyncset.done $0x0  }
0x51e: {  	[sflag:s26] =	ssyncadd.s32 $0xFFFFD800  }
0x51f: {  	s10 =	stileid.u32;
	[bflag:$0x0] =	sbarrier.arrive $0xFFFF  }
0x520: {  	s3 =	sshll.u32 s10, $0x6;
	s16 =	rddreg [dreg:$0x7]  }
0x521: {  	s3 =	sor.u32 $0x1C0B, s3;
	s17 =	rddreg [dreg:$0x14];
	s11 =	sshrl.u32 s16, $0x3  }
0x522: {  	[hbm:s17], [sflag:s3] =	dma.local [spmem:s11], $0x2800  }
0x523: {  	_ =	swait.ge [sflag:s26], $0x2800  }
0x524: {  	[sflag:s26] =	ssyncset.done $0x0;
	s11 =	rddreg [dreg:$0x12]  }
0x525: {  	s17 =	rddreg [dreg:$0x15];
	[sflag:s26] =	ssyncadd.s32 $0xFFFFD800;
	s10 =	sshrl.u32 @!p0 s11, $0x3  }
0x526: {  	[hbm:s17], [sflag:s3] =	dma.local @!p0 [spmem:s10], $0x80  }
0x527: {  	s3 =	simm.s32 @!p0 $0xB  }
0x528: {  	_ =	swait.ge @!p0 [sflag:s3], $0x80  }
0x529: {  	s30 =	sadd.s32 $0x1, s30;
	s31 =	rddreg [dreg:$0x16]  }
0x52a: {  	p1 =	sne.s32 s30, s31  }
.Ltmp9:
0x52b: {  	_ = 	snop;
	(pc) =	sbr.rel @p1 .LBB2_1-.Ltmp9, $3  }
0x52c: {  	_ =	sdelay $0x1  }
0x52d: {  	[sflag:s3] =	ssyncset.done @!p0 $0x0  }
0x52e: {  	v0 =	vimm.f32 $0.0e+00;
	s17 =	simm.s32 $0x14320;
	[sflag:s3] =	ssyncadd.s32 @!p0 $0xFFFFFF80  }
0x52f: {  	_ =	sfence.sel $0x180000  }
0x530: {  	[bflag:$0x0] =	sbarrier.arrive $0xFFFF  }
0x531: {  	_ =	strace $0x90000047  }
0x532: {  	s0 =	stileid.u32;
	[bflag:$0x2] =	sbarrier.arrive $0xFFFF  }
0x533: {  	p0 =	sne.s32 s0, $0x0;
	s0 =	rddreg [dreg:$0x6]  }
0x534: {  	s0 =	sadd.s32 @!p0 $0x100000, s0  }
0x535: {  	[sflag:s0] =	ssyncadd.tile.s32 @!p0 $0x1;
	_ =	shalt  }
.Lfunc_end2:
_tile_overlayer_lowered:
.L_overlay_start_2:
0x536: {  	(tag) =	ssettag $0x2  }
0x537: {  	s0 =	rddreg [dreg:$0x0];
	s2 =	stileid.u32  }
0x538: {  	s1 =	rddreg [dreg:$0x1];
	p0 =	sne.s32 s2, $0x0  }
0x539: {  	s3 =	rddreg [dreg:$0x2];
	[bflag:$0x3] =	sbarrier.arrive $0xFFFF;
	s2 =	simm.s32 @!p0 $0x1C0B  }
0x53a: {  	[timem:s3], [sflag:s2] =	dma.local @!p0 [hbm:s0], s1  }
0x53b: {  	s0 =	simm.s32 @!p0 $0xB  }
0x53c: {  	_ =	swait.ge @!p0 [sflag:s0], s1  }
0x53d: {  	s1 =	ssub.s32 @!p0 $0x0, s1;
	[sflag:s0] =	ssyncset.done @!p0 $0x0  }
0x53e: {  	[sflag:s0] =	ssyncadd.s32 @!p0 s1  }
0x53f: {  	[bflag:$0x3] =	sbarrier.arrive $0xFFFF  }
0x540: {  	_ =	shalt  }

// kernel: kernel.7.cloned.1.call-start
scs
__scs_entry_jumppad:
0x0: {  	(pc) =	sbr.rel $0x88, $3  }
0x1: {  	(tag) =	ssettag $0x0;
	lr =	simm.s32 $0x1  }
0x2: {  	[smem:$0x3F9C] =	sst lr;
	_ =	strace $0xD0000000  }
0x3: {  	_ = 	snop  }
0x4: {  	_ = 	snop  }
0x5: {  	_ = 	snop  }
0x6: {  	_ = 	snop  }
0x7: {  	_ = 	snop  }
__scs_overlays_trampoline_lowered:
0x8: {  	[smem:$0x3FAB] =	sst s0  }
0x9: {  	[smem:$0x3FAC] =	sst s1  }
0xa: {  	[smem:$0x3FAD] =	sst s2  }
0xb: {  	[smem:$0x3FAE] =	sst s3  }
0xc: {  	[smem:$0x3FAF] =	sst s4  }
0xd: {  	[smem:$0x3FB0] =	sst s5  }
0xe: {  	[smem:$0x3FB1] =	sst s6  }
0xf: {  	[smem:$0x3FB2] =	sst s7  }
0x10: {  	[smem:$0x3FB3] =	sst s8  }
0x11: {  	[smem:$0x3FB4] =	sst s9;
	s0 =	simm.s32 @!p0 $0x0  }
0x12: {  	s1 =	sld [smem:$0x3F9A];
	s0 =	simm.s32 @p0 $0x1  }
0x13: {  	[smem:$0x3FB5] =	sst s0;
	s0 =	simm.s32 @!p1 $0x0  }
0x14: {  	s2 =	sld [smem:$0x3F99];
	s0 =	simm.s32 @p1 $0x1  }
0x15: {  	[smem:$0x3FB6] =	sst s0;
	s0 =	simm.s32 @!p2 $0x0  }
0x16: {  	s3 =	sld [smem:$0x3FDB];
	s0 =	simm.s32 @p2 $0x1  }
0x17: {  	s4 =	simm.s32 $0x1BF5;
	[smem:$0x3FB8] =	sst s0  }
0x18: {  	s0 =	sld [smem:$0x3F9B];
	_ =	swait.ge [sflag:s4], $0x0  }
0x19: {  	s7 =	sld [smem:$0x3F9C]  }
0x1a: {  	s8 =	sadd.s32 $0xFFFFE003, lr  }
0x1b: {  	s9 =	sadd.s32 $0xFFFFFEF7, lr;
	s5 =	simm.s32 $0xFFFFFFFF;
	p2 =	slt.u32 s8, $0xFFFFF086  }
0x1c: {  	p1 =	slt.u32 s9, $0xF7A;
	s5 =	simm.s32 @!p2 $0x0  }
0x1d: {  	s5 =	simm.s32 @p1 $0x1;
	p0 =	seq.s32 s7, s2  }
0x1e: {  	s7 =	smul.u32 @!p0 $0xF7A, s2;
	p2 =	seq.s32 @!p0 s5, $0x0  }
0x1f: {  	s9 =	smul.u32 $0xF7A, s1;
	s8 =	simm.s32 @!p0 $0x1BF5;
	p2 =	por !p2, p0  }
0x20: {  	[sflag:s8] =	ssyncset.s32 @!p0 $0xFFFFF086;
	s6 =	sadd.s32 @!p0 s3, s7;
	s7 =	simm.s32 @!p0 $0x108  }
0x21: {  	s3 =	sadd.s32 s3, s9;
	s6 =	sadd.s32 @!p0 $0x88, s6;
	s7 =	simm.s32 @p2 $0x1082  }
0x22: {  	[simem:s7], [sflag:s8] =	dma.local @!p0 [hbm:s6], $0xF7A  }
0x23: {  	s9 =	sor.u32 $0xD0000000, s2;
	s6 =	simm.s32 $0x108;
	_ =	swait.ge @!p0 [sflag:s8], $0x0  }
0x24: {  	s3 =	sadd.s32 $0x88, s3;
	s6 =	simm.s32 @!p1 $0x1082;
	[sflag:s4] =	ssyncset.s32 $0xFFFFF086  }
0x25: {  	[simem:s6], [sflag:s4] =	dma.local [hbm:s3], $0xF7A  }
0x26: {  	[smem:$0x3F9C] =	sst s1;
	(tag) =	ssettag s2;
	_ =	strace s9  }
0x27: {  	s1 =	sld [smem:$0x3FAC]  }
0x28: {  	s2 =	sld [smem:$0x3FAD]  }
0x29: {  	s4 =	sld [smem:$0x3FAF]  }
0x2a: {  	p0 =	seq.s32 s5, $0x0;
	s5 =	sld [smem:$0x3FB0]  }
0x2b: {  	s6 =	sld [smem:$0x3FB1]  }
0x2c: {  	s7 =	sld [smem:$0x3FB2]  }
0x2d: {  	s3 =	simm.s32 $0x108;
	s8 =	sld [smem:$0x3FB3]  }
0x2e: {  	s3 =	simm.s32 @!p0 $0x1082;
	s9 =	sld [smem:$0x3FB4]  }
0x2f: {  	lr =	sadd.s32 s0, s3;
	s0 =	sld [smem:$0x3FAB]  }
0x30: {  	s3 =	sld [smem:$0x3FAE]  }
0x31: {  	[smem:$0x3FB7] =	sst s10  }
0x32: {  	s10 =	sld [smem:$0x3FB5];
	_ =	sdelay $0x3  }
0x33: {  	p0 =	seq.s32 s10, $0x1;
	s10 =	sld [smem:$0x3FB7];
	_ =	sdelay $0x3  }
0x34: {  	[smem:$0x3FB7] =	sst s10  }
0x35: {  	s10 =	sld [smem:$0x3FB6];
	_ =	sdelay $0x3  }
0x36: {  	p1 =	seq.s32 s10, $0x1;
	s10 =	sld [smem:$0x3FB7];
	_ =	sdelay $0x3  }
0x37: {  	[smem:$0x3FB7] =	sst s10  }
0x38: {  	s10 =	sld [smem:$0x3FB8]  }
0x39: {  	_ = 	snop;
	(pc) =	sbr.ind lr, $3  }
0x3a: {  	_ = 	snop  }
0x3b: {  	_ = 	snop  }
0x3c: {  	p2 =	seq.s32 s10, $0x1;
	s10 =	sld [smem:$0x3FB7]  }
0x3d: {  	_ =	shalt  }
0x3e: {  	_ =	shalt  }
0x3f: {  	_ =	shalt  }
0x40: {  	_ =	shalt  }
0x41: {  	_ =	shalt  }
0x42: {  	_ =	shalt  }
0x43: {  	_ =	shalt  }
0x44: {  	_ =	shalt  }
0x45: {  	_ =	shalt  }
0x46: {  	_ =	shalt  }
0x47: {  	_ =	shalt  }
0x48: {  	_ =	shalt  }
0x49: {  	_ =	shalt  }
0x4a: {  	_ =	shalt  }
0x4b: {  	_ =	shalt  }
0x4c: {  	_ =	shalt  }
0x4d: {  	_ =	shalt  }
0x4e: {  	_ =	shalt  }
0x4f: {  	_ =	shalt  }
0x50: {  	_ =	shalt  }
0x51: {  	_ =	shalt  }
0x52: {  	_ =	shalt  }
0x53: {  	_ =	shalt  }
0x54: {  	_ =	shalt  }
0x55: {  	_ =	shalt  }
0x56: {  	_ =	shalt  }
0x57: {  	_ =	shalt  }
0x58: {  	_ =	shalt  }
0x59: {  	_ =	shalt  }
0x5a: {  	_ =	shalt  }
0x5b: {  	_ =	shalt  }
0x5c: {  	_ =	shalt  }
0x5d: {  	_ =	shalt  }
0x5e: {  	_ =	shalt  }
0x5f: {  	_ =	shalt  }
0x60: {  	_ =	shalt  }
0x61: {  	_ =	shalt  }
0x62: {  	_ =	shalt  }
0x63: {  	_ =	shalt  }
0x64: {  	_ =	shalt  }
0x65: {  	_ =	shalt  }
0x66: {  	_ =	shalt  }
0x67: {  	_ =	shalt  }
0x68: {  	_ =	shalt  }
0x69: {  	_ =	shalt  }
0x6a: {  	_ =	shalt  }
0x6b: {  	_ =	shalt  }
0x6c: {  	_ =	shalt  }
0x6d: {  	_ =	shalt  }
0x6e: {  	_ =	shalt  }
0x6f: {  	_ =	shalt  }
0x70: {  	_ =	shalt  }
0x71: {  	_ =	shalt  }
0x72: {  	_ =	shalt  }
0x73: {  	_ =	shalt  }
0x74: {  	_ =	shalt  }
0x75: {  	_ =	shalt  }
0x76: {  	_ =	shalt  }
0x77: {  	_ =	shalt  }
0x78: {  	_ =	shalt  }
0x79: {  	_ =	shalt  }
0x7a: {  	_ =	shalt  }
0x7b: {  	_ =	shalt  }
0x7c: {  	_ =	shalt  }
0x7d: {  	_ =	shalt  }
0x7e: {  	_ =	shalt  }
0x7f: {  	_ =	shalt  }
0x80: {  	_ =	shalt  }
0x81: {  	_ =	shalt  }
0x82: {  	_ =	shalt  }
0x83: {  	_ =	shalt  }
0x84: {  	_ =	shalt  }
0x85: {  	_ =	shalt  }
0x86: {  	_ =	shalt  }
0x87: {  	_ =	shalt  }
.Lfunc_end0:
.L_simem_size_0:
called_computation.1_lowered:
.L_overlay_start_0:
0x88: {  	s2 =	sld [smem:$0x3FD9]  }
0x89: {  	s3 =	sld [smem:$0x3FFE];
	_ =	sdelay $0x1  }
0x8a: {  	s1 =	srdreg.scid  }
0x8b: {  	s0 =	sand.u32 $0x1, s1  }
0x8c: {  	s17 =	sshll.u32 s0, $0xA;
	s2 =	sadd.s32 s3, s2  }
0x8d: {  	s2 =	sadd.s32 s2, s17  }
0x8e: {  	[smem:$0x3FC3] =	sst s2  }
0x8f: {  	_ = 	snop  }
0x90: {  	s2 =	sld [smem:$0x3FC6];
	(tm) =	ssettm $0x1  }
0x91: {  	s18 =	sld [smem:$0x3FFB];
	_ =	sdelay $0x3  }
0x92: {  	_ =	strace s18  }
0x93: {  	s3 =	sld [smem:$0x3FFC];
	_ =	sdelay $0x3  }
0x94: {  	_ =	strace s3  }
0x95: {  	s3 =	sld [smem:$0x3FFD];
	_ =	sdelay $0x3  }
0x96: {  	_ =	strace s3  }
0x97: {  	_ =	strace $0x8FFFFFFF  }
0x98: {  	s19 =	sld [smem:$0x3FDB];
	_ =	sdelay $0x1  }
0x99: {  	s4 =	simm.s32 $_scs_section_size  }
0x9a: {  	s5 =	simm.s32 $_size__tile_overlayer_lowered;
	s6 =	simm.s32 $_tile_overlayer_lowered  }
0x9b: {  	s22 =	simm.s32 $0x1BFF;
	s21 =	sshll.u32 s6, $0x1;
	s3 =	sadd.s32 s4, s19  }
0x9c: {  	s7 =	simm.s32 $0x0;
	s20 =	sshll.u32 s5, $0x1;
	s5 =	sadd.s32 s21, s3  }
0x9d: {  	[timem:s7], [sflag:s22] =	dma.local [hbm:s5], s20  }
0x9e: {  	_ =	swait.ge [sflag:s22], s20  }
0x9f: {  	s4 =	ssub.s32 $0x0, s20;
	[sflag:s22] =	ssyncset.done $0x0  }
0xa0: {  	[sflag:s22] =	ssyncadd.s32 s4;
	_ =	sdelay $0x1  }
0xa1: {  	s23 =	simm.s32 $0x1B8B  }
0xa2: {  	_ =	swait.ge [sflag:s23], $0x1  }
0xa3: {  	[sflag:s23] =	ssyncset.done $0x0  }
0xa4: {  	s25 =	simm.s32 $0x1B8E;
	s24 =	sld [smem:$0x3FFE];
	[sflag:s23] =	ssyncadd.s32 $0xFFFFFFFF  }
0xa5: {  	s26 =	simm.s32 $execute0_lowered;
	[smem:$0x3FD2] =	sst s25  }
0xa6: {  	s5 =	sshll.u32 s26, $0x1;
	_ =	strace $0x80000049;
	[dreg:$0x1] =	wrdreg $0xFFFFFFFF  }
0xa7: {  	s28 =	simm.s32 $_size_execute0_lowered;
	s3 =	sadd.s32 s3, s5;
	[dreg:$0x0] =	wrdreg $0x0  }
0xa8: {  	s5 =	sshll.u32 s28, $0x1;
	[dreg:$0x2] =	wrdreg s3  }
0xa9: {  	[dreg:$0x3] =	wrdreg s5  }
0xaa: {  	[dreg:$0x4] =	wrdreg $0xC0  }
0xab: {  	_ =	task [dreg:s7], $0x5FFFF  }
0xac: {  	[dreg:$0x1] =	wrdreg $0xFFFFFFFF  }
0xad: {  	[dreg:$0x0] =	wrdreg $0x60  }
0xae: {  	[dreg:$0x2] =	wrdreg s24  }
0xaf: {  	[dreg:$0x3] =	wrdreg s2  }
0xb0: {  	[dreg:$0x4] =	wrdreg $0x9  }
0xb1: {  	_ =	task.clear_ibuf [dreg:s7], $0x5FFFF;
	_ =	strace $0x90000049  }
0xb2: {  	s29 =	simm.s32 $0x9;
	_ =	strace $0x8000004B  }
0xb3: {  	_ =	swait.ge [sflag:s29], $0x1  }
0xb4: {  	[sflag:s29] =	ssyncadd.s32 $0xFFFFFFFF  }
0xb5: {  	_ =	strace $0x9000004B  }
0xb6: {  	_ =	sfence  }
0xb7: {  	s30 =	sld [smem:$0x0];
	_ =	sdelay $0x2  }
0xb8: {  	s31 =	sshll.u32 s1, $0xD;
	s1 =	sshrl.u32 s1, $0x2  }
0xb9: {  	s3 =	sand.u32 $0x4000, s31;
	s1 =	sadd.s32 s1, s30  }
0xba: {  	s0 =	sor.u32 s3, s0;
	s1 =	sshll.u32 s1, $0x11  }
0xbb: {  	s0 =	sor.u32 s1, s0  }
0xbc: {  	s0 =	sadd.s32 $0x8F2B, s0  }
0xbd: {  	[sflag:s0] =	ssyncadd.remote.s32 $0x1  }
0xbe: {  	_ =	sfence.sel $0xFFFF  }
0xbf: {  	[dreg:$0x0] =	wrdreg $0xFFFFFFFF;
	(pc) =	sbr.abs _section_cstart, $3  }
0xc0: {  	[dreg:$0x1] =	wrdreg $0xFFFFFFFF  }
0xc1: {  	_ =	task.clear_ibuf [dreg:s7], $0x2FFFF;
	_ =	strace $0x9FFFFFFF  }
0xc2: {  	(tm) =	ssettm $0x7FFFFFFF  }
0xc3: {  	_ =	shalt  }
tec
execute0_lowered:
.L_overlay_start_1:
0x0: {  	(tag) =	ssettag $0x1  }
0x1: {  	s8 =	rddreg [dreg:$0x0]  }
0x2: {  	s1 =	rddreg [dreg:$0x1]  }
0x3: {  	s0 =	rddreg [dreg:$0x2];
	s2 =	simm.s32 $0x0;
	s4 =	srdreg.scid  }
0x4: {  	s12 =	simm.s32 $0x1;
	s13 =	simm.s32 $0x5000;
	s14 =	simm.s32 $0xA000  }
0x5: {  	s15 =	simm.s32 $0x14100;
	s16 =	simm.s32 $0x14200;
	s17 =	simm.s32 $0xF100  }
0x6: {  	s18 =	simm.s32 $0x0;
	[smem:$0x7FF] =	sst s2;
	s3 =	sadd.s32 $0x28800, s8  }
0x7: {  	s5 =	sadd.s32 $0x78800, s8;
	s6 =	sadd.s32 $0x800, s8;
	s7 =	sand.u32 $0x1, s4  }
0x8: {  	s4 =	stileid.u32;
	_ =	strace $0x8000004A;
	s9 =	ssub.s32 $0x2, s7  }
0x9: {  	s10 =	sshll.u32 s7, $0x4;
	s7 =	sadd.s32 $0x79200, s8;
	s11 =	sshrl.u32 s9, $0x1  }
0xa: {  	s8 =	sadd.s32 $0x79800, s8;
	s10 =	sor.u32 s4, s10;
	s11 =	ssub.s32 s9, s11  }
0xb: {  	v0 =	vimm.s32 $0x0;
	s9 =	smul.u32 $0x140, s10;
	s10 =	smax.u32 s11, $0x1;
	s11 =	simm.s32 $0x14400  }
.LBB2_1:
0xc: {  	[tilespmem:s11], [sflag:$0x1] =	stream.linear.gather [hbm4b:s1+s2], $0x80, $0x38;
	[tilespmem:$0x14480] =	vst v63  }
0xd: {  	_ =	swait.ge [sflag:s12], $0x80  }
0xe: {  	[sflag:s12] =	ssyncset.done $0x0  }
0xf: {  	[sflag:s12] =	ssyncadd.s32 $0xFFFFFF80  }
0x10: {  	v1 =	vld [tilespmem:$0x14400]  }
0x11: {  	v2 =	vld [tilespmem:$0x14410]  }
0x12: {  	v3 =	vld [tilespmem:$0x14420]  }
0x13: {  	v4 =	vld [tilespmem:$0x14430]  }
0x14: {  	v5 =	vld [tilespmem:$0x14440]  }
0x15: {  	v6 =	vld [tilespmem:$0x14450]  }
0x16: {  	v7 =	vld [tilespmem:$0x14460]  }
0x17: {  	p1 =	por $0x1, $0x1;
	s19 =	simm.s32 $0x0;
	v8 =	vld [tilespmem:$0x14470]  }
.LBB2_2:
0x18: {  	s20 =	sadd.s32 s9, s19  }
0x19: {  	s19 =	sshll.u32 s20, $0x4  }
0x1a: {  	s22 =	simm.s32 $0x0;
	s21 =	sadd.s32 s3, s19  }
0x1b: {  	[tilespmem:s22], [sflag:$0x1] =	stream.linear.gather [hbm4b:s21+s22], $0x5000, $0x38;
	[tilespmem:$0x14480] =	vst v63  }
0x1c: {  	s23 =	sadd.s32 $0x2800, s20;
	_ =	swait.ge [sflag:s12], $0x5000  }
0x1d: {  	s29 =	sshll.u32 s23, $0x4;
	[sflag:s12] =	ssyncset.done $0x0  }
0x1e: {  	s21 =	sadd.s32 s3, s29;
	[sflag:s12] =	ssyncadd.s32 $0xFFFFB000  }
0x1f: {  	[tilespmem:s13], [sflag:$0x1] =	stream.linear.gather [hbm4b:s21+s22], $0x5000, $0x38;
	[tilespmem:$0x14480] =	vst v63  }
0x20: {  	_ =	swait.ge [sflag:s12], $0x5000  }
0x21: {  	[sflag:s12] =	ssyncset.done $0x0  }
0x22: {  	s30 =	sadd.s32 s6, s19;
	[sflag:s12] =	ssyncadd.s32 $0xFFFFB000  }
0x23: {  	[tilespmem:s14], [sflag:$0x1] =	stream.linear.gather [hbm4b:s30+s22], $0x5000, $0x38;
	[tilespmem:$0x14480] =	vst v63  }
0x24: {  	_ =	swait.ge [sflag:s12], $0x5000  }
0x25: {  	s20 =	sshrl.u32 s20, $0x3;
	[sflag:s12] =	ssyncset.done $0x0  }
0x26: {  	s24 =	sadd.s32 s7, s20;
	s21 =	simm.s32 $0xF000;
	[sflag:s12] =	ssyncadd.s32 $0xFFFFB000  }
0x27: {  	[tilespmem:s21], [sflag:$0x1] =	stream.linear.gather [hbm4b:s24+s22], $0xA0, $0x38;
	[tilespmem:$0x14480] =	vst v63  }
0x28: {  	_ =	swait.ge [sflag:s12], $0xA0  }
0x29: {  	[sflag:s12] =	ssyncset.done $0x0  }
0x2a: {  	s20 =	sadd.s32 s5, s20;
	[sflag:s12] =	ssyncadd.s32 $0xFFFFFF60  }
0x2b: {  	[tilespmem:s15], [sflag:$0x1] =	stream.linear.gather [hbm4b:s20+s22], $0xA0, $0x38;
	[tilespmem:$0x14480] =	vst v63  }
0x2c: {  	_ =	swait.ge [sflag:s12], $0xA0  }
0x2d: {  	s31 =	sshrl.u32 s23, $0x3;
	[sflag:s12] =	ssyncset.done $0x0  }
0x2e: {  	s20 =	sadd.s32 s5, s31;
	[sflag:s12] =	ssyncadd.s32 $0xFFFFFF60  }
0x2f: {  	[tilespmem:s16], [sflag:$0x1] =	stream.linear.gather [hbm4b:s20+s22], $0xA0, $0x38;
	[tilespmem:$0x14480] =	vst v63  }
0x30: {  	_ =	swait.ge [sflag:s12], $0xA0  }
0x31: {  	[sflag:s12] =	ssyncset.done $0x0  }
0x32: {  	[sflag:s12] =	ssyncadd.s32 $0xFFFFFF60  }
0x33: {  	v9 =	vld [tilespmem:$0x14100]  }
0x34: {  	v10 =	vld [tilespmem:$0x14200]  }
0x35: {  	v11 =	vld [tilespmem:$0x14110]  }
0x36: {  	v12 =	vld [tilespmem:$0x14210]  }
0x37: {  	v13 =	vld [tilespmem:$0x14120]  }
0x38: {  	v14 =	vld [tilespmem:$0x14220]  }
0x39: {  	v15 =	vld [tilespmem:$0x14130]  }
0x3a: {  	v16 =	vld [tilespmem:$0x14230]  }
0x3b: {  	v17 =	vld [tilespmem:$0x14140]  }
0x3c: {  	v18 =	vld [tilespmem:$0x14240]  }
0x3d: {  	v19 =	vld [tilespmem:$0x14150]  }
0x3e: {  	v20 =	vld [tilespmem:$0x14250]  }
0x3f: {  	v21 =	vld [tilespmem:$0x14160]  }
0x40: {  	v22 =	vld [tilespmem:$0x14260]  }
0x41: {  	v23 =	vld [tilespmem:$0x14170]  }
0x42: {  	v9 =	vadd.f32 v10, v9;
	v10 =	vld [tilespmem:$0x14270]  }
0x43: {  	v11 =	vadd.f32 v12, v11;
	v12 =	vld [tilespmem:$0x14180]  }
0x44: {  	[tilespmem:$0x14300] =	vst v9;
	v9 =	vadd.f32 v14, v13;
	v14 =	vld [tilespmem:$0x14190]  }
0x45: {  	[tilespmem:$0x14310] =	vst v11;
	v11 =	vadd.f32 v16, v15;
	v15 =	vld [tilespmem:$0x14290]  }
0x46: {  	v13 =	vld [tilespmem:$0x14280];
	[tilespmem:$0x14320] =	vst v9;
	v9 =	vadd.f32 v18, v17  }
0x47: {  	[tilespmem:$0x14330] =	vst v11;
	v11 =	vadd.f32 v20, v19  }
0x48: {  	v10 =	vadd.f32 v10, v23;
	[tilespmem:$0x14340] =	vst v9  }
0x49: {  	v9 =	vadd.f32 v22, v21;
	[tilespmem:$0x14350] =	vst v11  }
0x4a: {  	[tilespmem:$0x14370] =	vst v10;
	v10 =	vadd.f32 v15, v14  }
0x4b: {  	[tilespmem:$0x14360] =	vst v9;
	v9 =	vadd.f32 v13, v12  }
0x4c: {  	[tilespmem:$0x14390] =	vst v10  }
0x4d: {  	s23 =	simm.s32 $0x0;
	[tilespmem:$0x14380] =	vst v9  }
0x4e: {  	v27 =	vld [tilespmem:s23+$0xA000]  }
0x4f: {  	v28 =	vld [tilespmem:s23+$0xA010]  }
0x50: {  	v31 =	vld [tilespmem:s23+$0xA020];
	_ =	sdelay $0x2  }
0x51: {  	v30 =	vld [tilespmem:s23+$0xA030]  }
0x52: {  	v9 =	vmul.f32 v27, v27;
	v10 =	vmul.f32 v28, v28  }
0x53: {  	v32 =	vld [tilespmem:s23+$0xA040];
	v11 =	vmul.f32 v31, v31  }
0x54: {  	v9 =	vmul.f32 v9, v1;
	v10 =	vmul.f32 v10, v2  }
0x55: {  	v29 =	vld [tilespmem:s23+$0xA050]  }
0x56: {  	v9 =	vadd.f32 v10, v9;
	v10 =	vmul.f32 v11, v3;
	v11 =	vmul.f32 v30, v30  }
0x57: {  	v25 =	vld [tilespmem:s23+$0xA060]  }
0x58: {  	v9 =	vadd.f32 v10, v9;
	v10 =	vmul.f32 v11, v4;
	v11 =	vmul.f32 v32, v32  }
0x59: {  	v26 =	vld [tilespmem:s23+$0xA070]  }
0x5a: {  	v12 =	vmul.f32 v29, v29;
	v9 =	vadd.f32 v10, v9;
	v10 =	vmul.f32 v11, v5;
	_ =	sdelay $0x1  }
0x5b: {  	v11 =	vmul.f32 v25, v25;
	v9 =	vadd.f32 v10, v9;
	v10 =	vmul.f32 v12, v6  }
0x5c: {  	s22 =	simm.s32 $0x80  }
0x5d: {  	v23 =	vld [tilespmem:s22+$0xA000];
	v12 =	vmul.f32 v26, v26;
	v11 =	vmul.f32 v11, v7;
	v9 =	vadd.f32 v10, v9  }
0x5e: {  	v24 =	vld [tilespmem:s22+$0xA010]  }
0x5f: {  	v21 =	vld [tilespmem:s22+$0xA020];
	v10 =	vmul.f32 v12, v8;
	v9 =	vadd.f32 v11, v9;
	_ =	sdelay $0x1  }
0x60: {  	v20 =	vld [tilespmem:s22+$0xA030];
	v9 =	vadd.f32 v10, v9  }
0x61: {  	v14 =	vld [tilespmem:s22+$0xA060]  }
0x62: {  	v22 =	vld [tilespmem:s22+$0xA040];
	v10 =	vmul.f32 v24, v24;
	(xrf2) =	vadd.scan.msk.f32 $0xffff, v9;
	v9 =	vmul.f32 v23, v23  }
0x63: {  	v19 =	vld [tilespmem:s22+$0xA050];
	v11 =	vmul.f32 v21, v21  }
0x64: {  	v33 =	vld [tilespmem:s23+$0x0];
	v10 =	vmul.f32 v10, v2;
	v9 =	vmul.f32 v9, v1  }
0x65: {  	v34 =	vld [tilespmem:s23+$0x5000]  }
0x66: {  	v35 =	vld [tilespmem:s23+$0x10];
	v9 =	vadd.f32 v10, v9;
	v10 =	vmul.f32 v11, v3;
	v11 =	vmul.f32 v20, v20  }
0x67: {  	v36 =	vld [tilespmem:s23+$0x5010]  }
0x68: {  	v37 =	vld [tilespmem:s23+$0x20];
	v9 =	vadd.f32 v10, v9;
	v10 =	vmul.f32 v11, v4;
	v11 =	vmul.f32 v22, v22  }
0x69: {  	v38 =	vld [tilespmem:s23+$0x5020]  }
0x6a: {  	v39 =	vld [tilespmem:s23+$0x30]  }
0x6b: {  	v40 =	vld [tilespmem:s23+$0x5030]  }
0x6c: {  	v12 =	vld [tilespmem:s22+$0xA070];
	v9 =	vadd.f32 v10, v9;
	v10 =	vmul.f32 v11, v5;
	v11, _, _ =	vpop (xrf2)  }
0x6d: {  	v41 =	vld [tilespmem:s23+$0x40];
	v13 =	vmul.f32 v19, v19;
	v15 =	vbroadcast v11, $0xF  }
0x6e: {  	s24 =	simm.s32 $0x14300;
	v42 =	vld [tilespmem:s23+$0x5040]  }
0x6f: {  	v46 =	vld.msk [tilespmem:s24+$0x0 ss:$0x0], $0xffff;
	v9 =	vadd.f32 v10, v9;
	v10 =	vmul.f32 v13, v6;
	v13 =	vmul.f32 $9.999999770e-03, v15  }
0x70: {  	v56 =	vld [tilespmem:s23+$0x60];
	v11 =	vmul.f32 v14, v14  }
0x71: {  	s20 =	simm.s32 $0x100;
	v62 =	vld [tilespmem:s23+$0x5060];
	v16 =	vmul.f32 v12, v12;
	v9 =	vadd.f32 v10, v9;
	v10 =	vmax.f32 v15, v13  }
0x72: {  	v17 =	vmul.f32 v11, v7;
	v11 =	vld [tilespmem:s20+$0xA000];
	v10 =	vmul.f32 $1.442695020e+00, v10  }
0x73: {  	v13 =	vmul.f32 v16, v8;
	v16 =	vld [tilespmem:s20+$0xA010]  }
0x74: {  	v9 =	vadd.f32 v17, v9;
	v17 =	vld [tilespmem:s20+$0xA020];
	(erf) = vpow2.f32 v10  }
0x75: {  	v15 =	vld [tilespmem:s20+$0xA060]  }
0x76: {  	v18 =	vadd.f32 v13, v9;
	v13 =	vld [tilespmem:s20+$0xA070]  }
0x77: {  	v9 =	vld [tilespmem:s20+$0xA030]  }
0x78: {  	v34 =	vadd.f32 v34, v33;
	v43 =	vmul.f32 v11, v11;
	v10 =	vld [tilespmem:s20+$0xA050]  }
0x79: {  	v35 =	vadd.f32 v36, v35;
	(xrf2) =	vadd.scan.msk.f32 $0xffff, v18;
	v18 =	vld [tilespmem:s20+$0xA040];
	v44 =	vmul.f32 v16, v16;
	v45 =	vmul.f32 v17, v17  }
0x7a: {  	v59 =	vld [tilespmem:s23+$0x50];
	v49 =	vadd.f32 v38, v37;
	v43 =	vmul.f32 v43, v1;
	v48 =	vmul.f32 v15, v15  }
0x7b: {  	v54 =	vld [tilespmem:s23+$0x5050];
	v39 =	vadd.f32 v40, v39;
	v44 =	vmul.f32 v44, v2;
	v52 =	vmul.f32 v45, v3  }
0x7c: {  	v50 =	vld [tilespmem:s23+$0x70];
	v40 =	vadd.f32 v62, v56;
	v53 =	vmul.f32 v9, v9;
	v55 =	vmul.f32 v13, v13  }
0x7d: {  	v63 =	vld [tilespmem:s23+$0x5070];
	v45 =	vadd.f32 v42, v41;
	v47 =	vmul.f32 v10, v10;
	v51 =	vadd.f32 v44, v43;
	v42 =	vpop (erf)  }
0x7e: {  	v48 =	vmul.f32 v48, v7;
	v61 =	vmul.f32 v18, v18;
	v46 =	vadd.f32 v42, v46  }
0x7f: {  	v60 =	vmul.f32 v53, v4;
	v58 =	vmul.f32 v47, v6;
	v36 =	vadd.f32 v52, v51  }
0x80: {  	v38 =	vmul.f32 v61, v5;
	v52 =	vadd.f32 v54, v59;
	v59 =	vld [tilespmem:s21+$0x0];
	(erf) = vrcp.f32 v46  }
0x81: {  	v37 =	vadd.f32 v60, v36;
	v36 =	vmul.f32 v55, v8;
	v60 =	vmul.f32 v42, v27  }
0x82: {  	v41 =	vadd.f32 v63, v50;
	v61 =	vmul.f32 v42, v28;
	v62 =	vmul.f32 v42, v31  }
0x83: {  	v53 =	vmul.f32 v42, v30;
	v54 =	vmul.f32 v42, v32;
	v51, _, _ =	vpop (xrf2);
	v57 =	vadd.f32 v38, v37  }
0x84: {  	v55 =	vmul.f32 v42, v29;
	v37 =	vbroadcast v51, $0xF;
	v46 =	vadd.f32 v60, v34  }
0x85: {  	v47 =	vadd.f32 v61, v35;
	vm0 =	veq.s32 v59, $0x1;
	v33 =	vadd.f32 v58, v57  }
0x86: {  	v34 =	vld [tilespmem:s22+$0x5000];
	v44 =	vadd.f32 v62, v49;
	v43 =	vadd.f32 v39, v53;
	v63 =	vsel vm0, $0x1, v0  }
0x87: {  	v35 =	vld [tilespmem:s22+$0x10];
	v38 =	vadd.f32 v48, v33;
	v48 =	vmul.f32 v42, v25;
	v42 =	vmul.f32 v42, v26  }
0x88: {  	p0 =	por p1, p1;
	s25 =	simm.s32 $0x600;
	v45 =	vadd.f32 v45, v54;
	v39 =	vadd.f32 v52, v55;
	v49 =	vbroadcast v63, $0x0;
	v33 =	vld [tilespmem:s22+$0x0]  }
.LBB2_3:
0x89: {  	p1 =	sne.s32 s25, $0x13E00;
	v50 =	vmul.f32 $9.999999770e-03, v37;
	v51 =	vld [tilespmem:s22+$0x5010];
	v40 =	vadd.f32 v40, v48;
	v41 =	vadd.f32 v41, v42;
	v42 =	vpop (erf)  }
0x8a: {  	v48 =	vld [tilespmem:s22+$0x20];
	v49 =	vand.u32 $0x1, v49;
	v46 =	vmul.f32 v42, v46;
	v47 =	vmul.f32 v42, v47  }
0x8b: {  	v44 =	vmul.f32 v42, v44;
	v43 =	vmul.f32 v43, v42;
	v52 =	vld [tilespmem:s22+$0x5020];
	vm0 =	veq.s32 v49, $0x1  }
0x8c: {  	v45 =	vmul.f32 v45, v42;
	v49 =	vld [tilespmem:s22+$0x30];
	v46 =	vsel vm0, v46, v27;
	v47 =	vsel vm0, v47, v28  }
0x8d: {  	v44 =	vsel vm0, v44, v31;
	v53 =	vld [tilespmem:s22+$0x5030];
	v46 =	vadd.f32 v46, v27;
	v28 =	vadd.f32 v47, v28;
	v27 =	vmovc v23  }
0x8e: {  	v43 =	vsel vm0, v43, v30;
	v31 =	vadd.f32 v44, v31;
	v44 =	vsel vm0, v45, v32;
	v23 =	vmovc v11;
	v47 =	vld [tilespmem:s22+$0x40]  }
0x8f: {  	s26 =	sshra.s32 s25, $0x2;
	v30 =	vadd.f32 v43, v30;
	v43 =	vmul.f32 v39, v42;
	v32 =	vadd.f32 v44, v32;
	v45 =	vld [tilespmem:s22+$0x5040];
	[tilespmem:s23+$0xF110] =	vst v28  }
0x90: {  	v37 =	vmax.f32 v37, v50;
	v39 =	vmul.f32 v40, v42;
	v40 =	vmul.f32 v41, v42;
	v11 =	vld [tilespmem:s26+$0xA000];
	[tilespmem:s23+$0xF100] =	vst v46  }
0x91: {  	v36 =	vadd.f32 v36, v38;
	v37 =	vmul.f32 $1.442695020e+00, v37;
	v41 =	vld [tilespmem:s26+$0xA010];
	[tilespmem:s23+$0xF120] =	vst v31;
	v31 =	vsel vm0, v43, v29;
	v28 =	vmovc v24  }
0x92: {  	v43 =	vsel vm0, v39, v25;
	v38 =	vld [tilespmem:s26+$0xA020];
	[tilespmem:s23+$0xF130] =	vst v30;
	v29 =	vadd.f32 v31, v29;
	v30 =	vsel vm0, v40, v26  }
0x93: {  	v24 =	vmovc v16;
	v42 =	vadd.f32 v43, v25;
	v39 =	vld [tilespmem:s26+$0xA070];
	(erf) = vpow2.f32 v37;
	[tilespmem:s23+$0xF140] =	vst v32;
	v37 =	vadd.f32 v30, v26  }
0x94: {  	v25 =	vmovc v14;
	v26 =	vmovc v12;
	v12 =	vmov v13;
	v40 =	vld [tilespmem:s26+$0xA060];
	[tilespmem:s23+$0xF150] =	vst v29;
	v31 =	vmov v21;
	v21 =	vmov v17  }
0x95: {  	v14 =	vmovc v15;
	(xrf2) =	vadd.scan.msk.f32 $0xffff, v36;
	[tilespmem:s23+$0xF160] =	vst v42;
	v30 =	vmov v20;
	v20 =	vmov v9;
	v9 =	vld [tilespmem:s26+$0xA030]  }
0x96: {  	s24 =	sadd.s32 $0x1, s24;
	v32 =	vmovc v22;
	v42 =	vmul.f32 v11, v11;
	v36 =	vld [tilespmem:s26+$0xA040];
	v44 =	vmul.f32 v41, v41;
	[tilespmem:s23+$0xF170] =	vst v37;
	v16 =	vmov v41;
	s23 =	smov.u32 s22;
	s22 =	smov.u32 s20  }
0x97: {  	v22 =	vmovc v18;
	v29 =	vmovc v19;
	v19 =	vmov v10;
	s20 =	smov.u32 s26;
	v37 =	vmul.f32 v38, v38;
	v41 =	vld.msk [tilespmem:s24+$0x0 ss:$0x0], $0xffff;
	v17 =	vmov v38  }
0x98: {  	v34 =	vadd.f32 v34, v33;
	v50 =	vmul.f32 v42, v1;
	v10 =	vld [tilespmem:s20+$0xA050];
	v38 =	vmul.f32 v44, v2;
	v13 =	vmovc v39  }
0x99: {  	v35 =	vadd.f32 v51, v35;
	v43 =	vadd.f32 v52, v48;
	v33 =	vld [tilespmem:s23+$0x50];
	v15 =	vmov v40  }
0x9a: {  	v37 =	vmul.f32 v37, v3;
	v38 =	vadd.f32 v38, v50;
	v42 =	vmul.f32 v9, v9;
	v44 =	vld [tilespmem:s23+$0x5050]  }
0x9b: {  	v49 =	vadd.f32 v53, v49;
	v45 =	vadd.f32 v45, v47;
	v39 =	vmul.f32 v39, v13;
	v46 =	vld [tilespmem:s23+$0x60];
	v18 =	vmovc v36  }
0x9c: {  	v37 =	vadd.f32 v37, v38;
	v38 =	vmul.f32 v42, v4;
	v36 =	vmul.f32 v36, v18;
	v42 =	vld [tilespmem:s23+$0x5060];
	v47 =	vpop (erf)  }
0x9d: {  	v52 =	vmul.f32 v40, v15;
	v48 =	vmul.f32 v10, v10;
	v41 =	vadd.f32 v47, v41;
	v50 =	vld [tilespmem:s23+$0x70]  }
0x9e: {  	v37 =	vadd.f32 v38, v37;
	v38 =	vmul.f32 v36, v5;
	v36 =	vmul.f32 v39, v8;
	v39 =	vld [tilespmem:s23+$0x5070]  }
0x9f: {  	s21 =	sadd.s32 $0x1, s21;
	v51 =	vmul.f32 v52, v7;
	v40, _, _ =	vpop (xrf2);
	v52 =	vadd.f32 v44, v33;
	(erf) = vrcp.f32 v41  }
0xa0: {  	v33 =	vadd.f32 v38, v37;
	v38 =	vmul.f32 v48, v6;
	v37 =	vbroadcast v40, $0xF;
	v44 =	vld [tilespmem:s21+$0x0]  }
0xa1: {  	v53 =	vmul.f32 v47, v27;
	v54 =	vmul.f32 v47, v28;
	v40 =	vadd.f32 v42, v46  }
0xa2: {  	v55 =	vmul.f32 v47, v31;
	v56 =	vmul.f32 v47, v30;
	v33 =	vadd.f32 v38, v33  }
.Ltmp0:
0xa3: {  	v57 =	vmul.f32 v47, v32;
	v58 =	vmul.f32 v47, v29;
	v41 =	vadd.f32 v39, v50;
	(pc) =	sbr.rel @p1 .LBB2_3-.Ltmp0, $4  }
0xa4: {  	v48 =	vmul.f32 v47, v25;
	v42 =	vmul.f32 v47, v26;
	v38 =	vadd.f32 v51, v33  }
0xa5: {  	v46 =	vadd.f32 v53, v34;
	v47 =	vadd.f32 v54, v35;
	v33 =	vld [tilespmem:s22+$0x0];
	vm0 =	veq.s32 v44, $0x1  }
0xa6: {  	v44 =	vadd.f32 v55, v43;
	v43 =	vadd.f32 v49, v56;
	v34 =	vld [tilespmem:s22+$0x5000];
	v39 =	vsel vm0, $0x1, v0  }
0xa7: {  	s25 =	sadd.s32 $0x200, s25;
	v45 =	vadd.f32 v45, v57;
	v35 =	vld [tilespmem:s22+$0x10];
	v49 =	vbroadcast v39, $0x0;
	v39 =	vadd.f32 v52, v58  }
0xa8: {  	v50 =	vld [tilespmem:s22+$0x5010];
	v51 =	vmul.f32 $9.999999770e-03, v37;
	v40 =	vadd.f32 v40, v48;
	v61 =	vpop (erf)  }
0xa9: {  	v52 =	vld [tilespmem:s22+$0x20];
	v41 =	vadd.f32 v41, v42;
	v49 =	vand.u32 $0x1, v49;
	v47 =	vmul.f32 v61, v47  }
0xaa: {  	v53 =	vld [tilespmem:s22+$0x5020];
	v46 =	vmul.f32 v61, v46;
	v62 =	vmul.f32 v61, v44;
	vm0 =	veq.s32 v49, $0x1  }
0xab: {  	v54 =	vld [tilespmem:s22+$0x5040];
	v43 =	vmul.f32 v43, v61;
	v45 =	vmul.f32 v45, v61;
	v47 =	vsel vm0, v47, v28  }
0xac: {  	v44 =	vld [tilespmem:s22+$0x30];
	v55 =	vmul.f32 v39, v61;
	v46 =	vsel vm0, v46, v27;
	v28 =	vadd.f32 v47, v28  }
0xad: {  	v49 =	vld [tilespmem:s22+$0x5030];
	v37 =	vmax.f32 v37, v51;
	v42 =	vsel vm0, v62, v31;
	v27 =	vadd.f32 v46, v27  }
0xae: {  	v57 =	vmul.f32 v41, v61;
	v63 =	vsel vm0, v43, v30;
	v47 =	vld [tilespmem:s22+$0x40];
	v31 =	vadd.f32 v42, v31;
	[tilespmem:s23+$0xF110] =	vst v28  }
0xaf: {  	v45 =	vsel vm0, v45, v32;
	v37 =	vmul.f32 $1.442695020e+00, v37;
	v30 =	vadd.f32 v63, v30;
	[tilespmem:s23+$0xF100] =	vst v27  }
0xb0: {  	v56 =	vmul.f32 v40, v61;
	v32 =	vadd.f32 v45, v32;
	v59 =	vsel vm0, v57, v26;
	[tilespmem:s23+$0xF120] =	vst v31  }
0xb1: {  	(erf) = vpow2.f32 v37;
	v26 =	vadd.f32 v59, v26;
	v28 =	vsel vm0, v55, v29;
	[tilespmem:s23+$0xF130] =	vst v30  }
0xb2: {  	v58 =	vadd.f32 v36, v38;
	v27 =	vsel vm0, v56, v25;
	[tilespmem:s23+$0xF140] =	vst v32;
	v28 =	vadd.f32 v28, v29  }
0xb3: {  	v25 =	vadd.f32 v27, v25;
	[tilespmem:s23+$0xF170] =	vst v26  }
0xb4: {  	(xrf2) =	vadd.scan.msk.f32 $0xffff, v58;
	[tilespmem:s23+$0xF150] =	vst v28  }
0xb5: {  	s30 =	sadd.s32 $0x1, s24;
	[tilespmem:s23+$0xF160] =	vst v25  }
0xb6: {  	v25 =	vld.msk [tilespmem:s30+$0x0 ss:$0x0], $0xffff;
	_ =	sdelay $0x1  }
0xb7: {  	v26 =	vld [tilespmem:s22+$0x50]  }
0xb8: {  	v60 =	vld [tilespmem:s22+$0x5050]  }
0xb9: {  	v28 =	vld [tilespmem:s22+$0x60];
	v61 =	vpop (erf)  }
0xba: {  	v62 =	vld [tilespmem:s22+$0x5060];
	v25 =	vadd.f32 v61, v25  }
0xbb: {  	v31 =	vld [tilespmem:s22+$0x70]  }
0xbc: {  	s21 =	sadd.s32 $0x1, s21;
	v63 =	vadd.f32 v34, v33;
	v45 =	vadd.f32 v50, v35;
	v46 =	vld [tilespmem:s22+$0x5070];
	(erf) = vrcp.f32 v25  }
0xbd: {  	v48 =	vadd.f32 v53, v52;
	v50 =	vadd.f32 v49, v44;
	v52 =	vld [tilespmem:s21+$0x0];
	v51, _, _ =	vpop (xrf2)  }
0xbe: {  	v53 =	vadd.f32 v54, v47;
	v36 =	vbroadcast v51, $0xF;
	v54 =	vmul.f32 v61, v23  }
0xbf: {  	v26 =	vadd.f32 v60, v26;
	v55 =	vmul.f32 v61, v24;
	v56 =	vmul.f32 v61, v21  }
0xc0: {  	v28 =	vadd.f32 v62, v28;
	v57 =	vmul.f32 v61, v20;
	v58 =	vmul.f32 v61, v22  }
0xc1: {  	v59 =	vmul.f32 v61, v19;
	v31 =	vadd.f32 v46, v31;
	v60 =	vmul.f32 v61, v14  }
0xc2: {  	v43 =	vld [tilespmem:s20+$0x0];
	v29 =	vmul.f32 v61, v12;
	vm12 =	veq.s32 v52, $0x1;
	v32 =	vadd.f32 v54, v63  }
0xc3: {  	v37 =	vld [tilespmem:s20+$0x5000];
	v61 =	vsel vm12, $0x1, v0;
	v27 =	vadd.f32 v55, v45;
	v25 =	vadd.f32 v56, v48  }
0xc4: {  	v39 =	vld [tilespmem:s20+$0x10];
	v30 =	vadd.f32 v50, v57;
	v33 =	vbroadcast v61, $0x0;
	v62 =	vadd.f32 v53, v58  }
0xc5: {  	v38 =	vld [tilespmem:s20+$0x5010];
	v26 =	vadd.f32 v26, v59;
	v63 =	vmul.f32 $9.999999770e-03, v36;
	v28 =	vadd.f32 v28, v60;
	v45 =	vpop (erf)  }
0xc6: {  	v47 =	vld [tilespmem:s20+$0x5020];
	v29 =	vadd.f32 v31, v29;
	v33 =	vand.u32 $0x1, v33;
	v27 =	vmul.f32 v45, v27  }
0xc7: {  	v49 =	vld [tilespmem:s20+$0x5030];
	v55 =	vmax.f32 v36, v63;
	vm13 =	veq.s32 v33, $0x1;
	v32 =	vmul.f32 v45, v32  }
0xc8: {  	v46 =	vld [tilespmem:s20+$0x20];
	v57 =	vmul.f32 $1.442695020e+00, v55;
	v25 =	vmul.f32 v45, v25;
	v27 =	vsel vm13, v27, v24  }
0xc9: {  	v52 =	vld [tilespmem:s20+$0x5040];
	v30 =	vmul.f32 v30, v45;
	v32 =	vsel vm13, v32, v23;
	v24 =	vadd.f32 v27, v24  }
0xca: {  	v48 =	vld [tilespmem:s20+$0x30];
	v35 =	vmul.f32 v62, v45;
	v25 =	vsel vm13, v25, v21;
	v23 =	vadd.f32 v32, v23  }
0xcb: {  	v50 =	vld [tilespmem:s20+$0x40];
	v54 =	vmul.f32 v26, v45;
	v51 =	vsel vm13, v30, v20;
	v21 =	vadd.f32 v25, v21;
	[tilespmem:s22+$0xF110] =	vst v24  }
0xcc: {  	v56 =	vmul.f32 v28, v45;
	v53 =	vsel vm13, v35, v22;
	v20 =	vadd.f32 v51, v20;
	[tilespmem:s22+$0xF100] =	vst v23  }
0xcd: {  	v58 =	vmul.f32 v29, v45;
	v59 =	vsel vm13, v54, v19;
	v22 =	vadd.f32 v53, v22;
	[tilespmem:s22+$0xF120] =	vst v21  }
0xce: {  	(erf) = vpow2.f32 v57;
	v60 =	vsel vm13, v56, v14;
	v19 =	vadd.f32 v59, v19;
	[tilespmem:s22+$0xF130] =	vst v20  }
0xcf: {  	v61 =	vsel vm13, v58, v12;
	v14 =	vadd.f32 v60, v14;
	[tilespmem:s22+$0xF140] =	vst v22  }
0xd0: {  	v12 =	vadd.f32 v61, v12;
	[tilespmem:s22+$0xF150] =	vst v19  }
0xd1: {  	[tilespmem:s22+$0xF160] =	vst v14  }
0xd2: {  	s31 =	sadd.s32 $0x1, s30;
	[tilespmem:s22+$0xF170] =	vst v12  }
0xd3: {  	v12 =	vld.msk [tilespmem:s31+$0x0 ss:$0x0], $0xffff;
	_ =	sdelay $0x2  }
0xd4: {  	v14 =	vld [tilespmem:s20+$0x50]  }
0xd5: {  	v19 =	vld [tilespmem:s20+$0x5050];
	v63 =	vpop (erf)  }
0xd6: {  	v62 =	vld [tilespmem:s20+$0x60];
	v12 =	vadd.f32 v63, v12  }
0xd7: {  	v22 =	vld [tilespmem:s20+$0x5060]  }
0xd8: {  	s21 =	sadd.s32 $0x1, s21;
	v36 =	vld [tilespmem:s20+$0x70];
	(erf) = vrcp.f32 v12  }
0xd9: {  	v44 =	vld [tilespmem:s21+$0x0]  }
0xda: {  	v46 =	vadd.f32 v47, v46;
	v47 =	vadd.f32 v49, v48;
	v40 =	vld [tilespmem:s20+$0x5070];
	v48 =	vmul.f32 v63, v11  }
0xdb: {  	v27 =	vadd.f32 v52, v50;
	v49 =	vmul.f32 v63, v16;
	v50 =	vmul.f32 v63, v17  }
0xdc: {  	v43 =	vadd.f32 v37, v43;
	v51 =	vmul.f32 v63, v9;
	v52 =	vmul.f32 v63, v18  }
0xdd: {  	v45 =	vadd.f32 v38, v39;
	v53 =	vmul.f32 v63, v10;
	v54 =	vmul.f32 v63, v15  }
0xde: {  	v14 =	vadd.f32 v19, v14;
	v20 =	vadd.f32 v22, v62;
	vm14 =	veq.s32 v44, $0x1  }
0xdf: {  	v23 =	vadd.f32 v40, v36;
	v19 =	vadd.f32 v49, v45;
	v25 =	vsel vm14, $0x1, v0  }
0xe0: {  	v55 =	vadd.f32 v50, v46;
	v22 =	vadd.f32 v47, v51;
	v25 =	vbroadcast v25, $0x0  }
0xe1: {  	v21 =	vmul.f32 v63, v13;
	v27 =	vadd.f32 v27, v52;
	v12 =	vadd.f32 v48, v43;
	v56 =	vpop (erf)  }
0xe2: {  	v14 =	vadd.f32 v14, v53;
	v25 =	vand.u32 $0x1, v25;
	v19 =	vmul.f32 v56, v19  }
0xe3: {  	v20 =	vadd.f32 v20, v54;
	vm15 =	veq.s32 v25, $0x1;
	v12 =	vmul.f32 v56, v12  }
0xe4: {  	v21 =	vadd.f32 v23, v21;
	v57 =	vmul.f32 v56, v55;
	v19 =	vsel vm15, v19, v16  }
0xe5: {  	v22 =	vmul.f32 v22, v56;
	v12 =	vsel vm15, v12, v11;
	v16 =	vadd.f32 v19, v16  }
0xe6: {  	v58 =	vmul.f32 v27, v56;
	v59 =	vsel vm15, v57, v17;
	v11 =	vadd.f32 v12, v11  }
0xe7: {  	v14 =	vmul.f32 v14, v56;
	v60 =	vsel vm15, v22, v9;
	v12 =	vadd.f32 v59, v17;
	[tilespmem:s20+$0xF110] =	vst v16  }
0xe8: {  	v61 =	vsel vm15, v58, v18;
	v9 =	vadd.f32 v60, v9;
	[tilespmem:s20+$0xF100] =	vst v11;
	v11 =	vmul.f32 v20, v56  }
0xe9: {  	v62 =	vmul.f32 v21, v56;
	v63 =	vsel vm15, v14, v10;
	v16 =	vadd.f32 v61, v18;
	[tilespmem:s20+$0xF120] =	vst v12  }
0xea: {  	[tilespmem:s20+$0xF130] =	vst v9;
	v9 =	vadd.f32 v63, v10;
	v10 =	vsel vm15, v11, v15  }
0xeb: {  	v11 =	vsel vm15, v62, v13;
	[tilespmem:s20+$0xF140] =	vst v16;
	v10 =	vadd.f32 v10, v15  }
0xec: {  	[tilespmem:s20+$0xF150] =	vst v9;
	v11 =	vadd.f32 v11, v13  }
0xed: {  	[tilespmem:s20+$0xF160] =	vst v10  }
.Ltmp1:
0xee: {  	s19 =	sadd.s32 s8, s19;
	[tilespmem:s20+$0xF170] =	vst v11;
	(pc) =	sbr.rel @p0 .LBB2_2-.Ltmp1, $4  }
0xef: {  	[hbm4b:s19+s2] =	stream.linear.scatter [tilespmem:s17], [sflag:$0x1], $0x5000, $0x38;
	[tilespmem:$0x14480] =	vst v63  }
0xf0: {  	_ =	swait.ge [sflag:s12], $0x5000  }
0xf1: {  	[sflag:s12] =	ssyncset.done $0x0  }
0xf2: {  	p1 =	por $0x0, $0x0;
	s19 =	simm.s32 $0xA0;
	[sflag:s12] =	ssyncadd.s32 $0xFFFFB000  }
0xf3: {  	s18 =	sadd.s32 $0x1, s18  }
0xf4: {  	p0 =	sne.s32 s18, s10  }
.Ltmp2:
0xf5: {  	_ = 	snop;
	(pc) =	sbr.rel @p0 .LBB2_1-.Ltmp2, $1  }
0xf6: {  	_ =	sdelay $0x3  }
0xf7: {  	_ =	sfence.sel $0x180000  }
0xf8: {  	[bflag:$0x0] =	sbarrier.arrive $0xFFFF  }
0xf9: {  	p0 =	sne.s32 s4, $0x0;
	_ =	strace $0x9000004A  }
0xfa: {  	s0 =	sadd.s32 @!p0 $0x100000, s0;
	[bflag:$0x2] =	sbarrier.arrive $0xFFFF  }
0xfb: {  	[sflag:s0] =	ssyncadd.tile.s32 @!p0 $0x1;
	_ =	shalt  }
.Lfunc_end2:
_tile_overlayer_lowered:
.L_overlay_start_2:
0xfc: {  	(tag) =	ssettag $0x2  }
0xfd: {  	s0 =	rddreg [dreg:$0x0];
	s2 =	stileid.u32  }
0xfe: {  	s1 =	rddreg [dreg:$0x1];
	p0 =	sne.s32 s2, $0x0  }
0xff: {  	s3 =	rddreg [dreg:$0x2];
	[bflag:$0x3] =	sbarrier.arrive $0xFFFF;
	s2 =	simm.s32 @!p0 $0x1C01  }
0x100: {  	[timem:s3], [sflag:s2] =	dma.local @!p0 [hbm:s0], s1  }
0x101: {  	s0 =	simm.s32 @!p0 $0x1  }
0x102: {  	_ =	swait.ge @!p0 [sflag:s0], s1  }
0x103: {  	s1 =	ssub.s32 @!p0 $0x0, s1;
	[sflag:s0] =	ssyncset.done @!p0 $0x0  }
0x104: {  	[sflag:s0] =	ssyncadd.s32 @!p0 s1  }
0x105: {  	[bflag:$0x3] =	sbarrier.arrive $0xFFFF  }
0x106: {  	_ =	shalt  }

</sc_bundles>
